<compile_context>
chip_gen: v7x
topology: tpu7x:2x2x1
jax: 0.10.2.dev20260603
libtpu: 0.0.44.dev20260713+nightly
codegen_flags: <defaults>
</compile_context>

<pallas_src>
import functools

import jax
import jax.numpy as jnp
from jax import lax
from jax.experimental import pallas as pl
from jax.experimental.pallas import tpu as pltpu
from jax.experimental.pallas import tpu_sc as plsc

EMB = 64
HID = 128
EPS = 1e-12

_NC = 2
_NS = 16
_NW = _NC * _NS

_IDXW = 128
_K = 5


def _tc_project(table_t, w_half):
  V = table_t.shape[1]
  T = 8192 if V > 8192 else V
  grid = (pl.cdiv(V, T),)

  def body(t_ref, w_ref, o_ref):
    o_ref[...] = lax.dot_general(
        t_ref[...], w_ref[...], (((0,), (1,)), ((), ())),
        preferred_element_type=jnp.float32)

  return pl.pallas_call(
      body,
      grid=grid,
      in_specs=[
          pl.BlockSpec((EMB, T), lambda i: (0, i)),
          pl.BlockSpec((HID, EMB), lambda i: (0, 0)),
      ],
      out_specs=pl.BlockSpec((T, HID), lambda i: (i, 0)),
      out_shape=jax.ShapeDtypeStruct((V, HID), jnp.float32),
  )(table_t, w_half)


def _sc_gather_add(ids2d, cats2d, idproj, catproj):
  NR = ids2d.shape[0]
  rpw = NR // _NW

  mesh = plsc.VectorSubcoreMesh(core_axis_name="c", subcore_axis_name="s")

  @functools.partial(
      pl.kernel,
      mesh=mesh,
      compiler_params=pltpu.CompilerParams(use_tc_tiling_on_sc=False),
      out_type=jax.ShapeDtypeStruct((NR, _IDXW, HID), jnp.float32),
      scratch_types=[
          pltpu.VMEM((_K, _IDXW), jnp.int32),
          pltpu.VMEM((_K, _IDXW), jnp.int32),
          pltpu.VMEM((_K, _IDXW, HID), jnp.float32),
          pltpu.SemaphoreType.DMA,
          pltpu.SemaphoreType.DMA,
          pltpu.SemaphoreType.DMA,
      ],
  )
  def k(ids_hbm, cats_hbm, idp_hbm, catp_hbm, out,
        idx_i, idx_c, rows, sem_g, sem_a, sem_w):
    wid = lax.axis_index("s") * _NC + lax.axis_index("c")
    base = wid * rpw

    def body(g, carry):
      rb = base + g * _K
      pltpu.sync_copy(ids_hbm.at[pl.ds(rb, _K)], idx_i)
      pltpu.sync_copy(cats_hbm.at[pl.ds(rb, _K)], idx_c)
      gcp = [pltpu.async_copy(idp_hbm.at[idx_i.at[j]], rows.at[j], sem_g)
             for j in range(_K)]
      acp = [None] * _K
      wcp = [None] * _K
      for j in range(_K):
        gcp[j].wait()
        acp[j] = pltpu.async_copy(catp_hbm.at[idx_c.at[j]], rows.at[j],
                                  sem_a, add=True)
      for j in range(_K):
        acp[j].wait()
        wcp[j] = pltpu.async_copy(rows.at[j], out.at[rb + j], sem_w)
      for j in range(_K):
        wcp[j].wait()
      return carry

    lax.fori_loop(0, rpw // _K, body, 0)

  return k(ids2d, cats2d, idproj, catproj)


def _tc_ln_phase(h, b, gamma, beta, prev, s, N):
  Ns = h.shape[0]
  T = 8192
  steps = Ns // T
  base = s * steps

  def body(*refs):
    if s > 0:
      _, h_ref, b_ref, g_ref, bt_ref, o_ref = refs
    else:
      h_ref, b_ref, g_ref, bt_ref, o_ref = refs
    x = h_ref[...] + b_ref[...]
    mu = jnp.mean(x, axis=-1, keepdims=True)
    d = x - mu
    var = jnp.mean(d * d, axis=-1, keepdims=True)
    o_ref[...] = d * lax.rsqrt(var + EPS) * g_ref[...] + bt_ref[...]

  in_specs = [
      pl.BlockSpec((T, HID), lambda i: (i, 0)),
      pl.BlockSpec((1, HID), lambda i: (0, 0)),
      pl.BlockSpec((1, HID), lambda i: (0, 0)),
      pl.BlockSpec((1, HID), lambda i: (0, 0)),
  ]
  args = [h, b, gamma, beta]
  aliases = {}
  if s > 0:
    in_specs = [pl.BlockSpec((8, HID), lambda i: (0, 0))] + in_specs
    args = [prev] + args
    aliases = {0: 0}

  return pl.pallas_call(
      body,
      grid=(steps,),
      in_specs=in_specs,
      out_specs=pl.BlockSpec((T, HID), lambda i: (base + i, 0)),
      out_shape=jax.ShapeDtypeStruct((N, HID), jnp.float32),
      input_output_aliases=aliases,
  )(*args)


def kernel(input_ids, category_ids, id_table, cat_table, W, b, gamma, beta):
  B, L = input_ids.shape
  N = B * L
  NR = N // _IDXW

  ids2d = input_ids.reshape(NR, _IDXW).astype(jnp.int32)
  cats2d = category_ids.reshape(NR, _IDXW).astype(jnp.int32)

  idproj = _tc_project(id_table.T, W[:, :EMB])
  catproj = _tc_project(cat_table.T, W[:, EMB:])

  S = 4
  NRs = NR // S
  b2 = b.reshape(1, HID)
  g2 = gamma.reshape(1, HID)
  bt2 = beta.reshape(1, HID)
  out = None
  for s in range(S):
    h_s = _sc_gather_add(
        lax.slice_in_dim(ids2d, s * NRs, (s + 1) * NRs),
        lax.slice_in_dim(cats2d, s * NRs, (s + 1) * NRs),
        idproj, catproj)
    out = _tc_ln_phase(h_s.reshape(NRs * _IDXW, HID), b2, g2, bt2,
                       out, s, N)
  return out.reshape(B, L, HID)

# --- scband reference (transcript-rebuilt; emitter-appended) ---
"""Pipeline reference for scband-encoder-embeddings-8065948582456 (READ-ONLY COPY).

The authoritative reference and input builder live on the scoring server;
editing this copy changes nothing except your own understanding.
"""

import jax, jax.numpy as jnp
import numpy as np

VOCAB = 1000000
CAT = 1000
EMB = 64
HID = 128
EPS = 1e-12


def setup_inputs(seed: int = 0) -> dict:
    key = jax.random.key(seed)
    k1, k2, k3, k4, k5 = jax.random.split(key, 5)
    input_ids = jax.random.randint(k1, (4096, 200), 0, VOCAB)
    category_ids = jax.random.randint(k2, (4096, 200), 0, CAT)
    id_table = jax.random.normal(k3, (VOCAB, EMB), dtype=jnp.float32) * 0.02
    id_table = id_table.at[0].set(0.0)  # padding_idx=0
    cat_table = jax.random.normal(k4, (CAT, EMB), dtype=jnp.float32) * 0.02
    cat_table = cat_table.at[0].set(0.0)  # padding_idx=0
    W = jax.random.normal(k5, (HID, 2 * EMB), dtype=jnp.float32) * (1.0 / np.sqrt(2 * EMB))
    b = jnp.zeros((HID,), dtype=jnp.float32)
    gamma = jnp.ones((HID,), dtype=jnp.float32)
    beta = jnp.zeros((HID,), dtype=jnp.float32)
    return {
        "input_ids": input_ids,
        "category_ids": category_ids,
        "id_table": id_table,
        "cat_table": cat_table,
        "W": W,
        "b": b,
        "gamma": gamma,
        "beta": beta,
    }


def reference(input_ids, category_ids, id_table, cat_table, W, b, gamma, beta):
    inputs_embeds = jnp.take(id_table, input_ids, axis=0)          # [B, L, EMB]
    category_embeddings = jnp.take(cat_table, category_ids, axis=0)  # [B, L, EMB]
    embeddings = jnp.concatenate([inputs_embeds, category_embeddings], axis=-1)  # [B, L, 2*EMB]
    h = embeddings @ W.T + b                                        # [B, L, HID]
    mu = jnp.mean(h, axis=-1, keepdims=True)
    var = jnp.mean((h - mu) ** 2, axis=-1, keepdims=True)
    out = (h - mu) / jnp.sqrt(var + EPS) * gamma + beta
    # dropout is identity in eval mode
    return out

if __name__ == "__main__":
    import jax
    _d = setup_inputs()
    print(jax.jit(kernel)(*tuple(_d.values())))

</pallas_src>

<mosaic_0001>
#map = affine_map<(d0, d1) -> (0, 0)>
#map1 = affine_map<(d0, d1) -> (0, 0, 0)>
module attributes {stable_mosaic.version = 14 : i64} {
  func.func @k(%arg0: i32, %arg1: i32, %arg2: memref<1600x128xi32, #tpu.memory_space<hbm>>, %arg3: memref<1600x128xi32, #tpu.memory_space<hbm>>, %arg4: memref<1000000x128xf32, #tpu.memory_space<hbm>>, %arg5: memref<1000x128xf32, #tpu.memory_space<hbm>>, %arg6: memref<1600x128x128xf32, #tpu.memory_space<hbm>>, %arg7: memref<5x128xi32, #tpu.memory_space<vmem>>, %arg8: memref<5x128xi32, #tpu.memory_space<vmem>>, %arg9: memref<5x128x128xf32, #tpu.memory_space<vmem>>, %arg10: memref<!tpu.dma_semaphore, #tpu.memory_space<semaphore_mem>>, %arg11: memref<!tpu.dma_semaphore, #tpu.memory_space<semaphore_mem>>, %arg12: memref<!tpu.dma_semaphore, #tpu.memory_space<semaphore_mem>>) attributes {dimension_semantics = [#tpu.dimension_semantics<core_parallel>, #tpu.dimension_semantics<subcore_parallel>], iteration_bounds = array<i64: 2, 16>, scalar_prefetch = 0 : i64, scratch_operands = 6 : i64, tpu.core_type = #tpu.core_type<sc_vector_subcore>, window_params = [{transform_indices = #map}, {transform_indices = #map}, {transform_indices = #map}, {transform_indices = #map}, {transform_indices = #map1}]} {
    %mul3A = arith.constant 2 : i32
    %mul3A_0 = arith.muli %arg1, %mul3A : i32
    %add3A = arith.addi %mul3A_0, %arg0 : i32
    %mul3A_1 = arith.constant 50 : i32
    %mul3A_2 = arith.muli %add3A, %mul3A_1 : i32
    %scan3A = arith.constant 0 : i32
    %scan3A_3 = arith.constant 0 : i32
    %scan3A_4 = arith.constant 10 : i32
    %scan3A_5 = arith.addi %scan3A_3, %scan3A_4 : i32
    %scan3A_6 = arith.constant 1 : i32
    scf.for %scan3A_8 = %scan3A_3 to %scan3A_5 step %scan3A_6  : i32 {
      %mul3A_9 = arith.constant 5 : i32
      %mul3A_10 = arith.muli %scan3A_8, %mul3A_9 : i32
      %add3A_11 = arith.addi %mul3A_2, %mul3A_10 : i32
      "tpu.region"() ({
        %run_scoped3A = tpu.sem_alloc : memref<!tpu.dma_semaphore, #tpu.memory_space<semaphore_mem>>
        %dma_start3A_430 = arith.constant 0 : i32
        %dma_start3A_431 = tpu.memref_slice %arg2[%add3A_11, %dma_start3A_430] : memref<1600x128xi32, #tpu.memory_space<hbm>> -> memref<5x128xi32, #tpu.memory_space<hbm>>
        %dma_start3A_432 = arith.constant 0 : i32
        %dma_start3A_433 = tpu.memref_slice %arg2[%add3A_11, %dma_start3A_432] : memref<1600x128xi32, #tpu.memory_space<hbm>> -> memref<5x128xi32, #tpu.memory_space<hbm>>
        tpu.enqueue_dma source(%dma_start3A_433 : memref<5x128xi32, #tpu.memory_space<hbm>>) target(%arg7 : memref<5x128xi32, #tpu.memory_space<vmem>>) target_semaphore(%run_scoped3A : memref<!tpu.dma_semaphore, #tpu.memory_space<semaphore_mem>>)
        %dma_wait3A_434 = arith.constant 0 : i32
        %dma_wait3A_435 = tpu.memref_slice %arg2[%add3A_11, %dma_wait3A_434] : memref<1600x128xi32, #tpu.memory_space<hbm>> -> memref<5x128xi32, #tpu.memory_space<hbm>>
        %dma_wait3A_436 = arith.constant 0 : i32
        %dma_wait3A_437 = tpu.memref_slice %arg2[%add3A_11, %dma_wait3A_436] : memref<1600x128xi32, #tpu.memory_space<hbm>> -> memref<5x128xi32, #tpu.memory_space<hbm>>
        tpu.wait_dma2 semaphore(%run_scoped3A : memref<!tpu.dma_semaphore, #tpu.memory_space<semaphore_mem>>) src(%dma_wait3A_437 : memref<5x128xi32, #tpu.memory_space<hbm>>) dst(%arg7 : memref<5x128xi32, #tpu.memory_space<vmem>>)
        tpu.yield
      }) : () -> ()
      "tpu.region"() ({
        %run_scoped3A = tpu.sem_alloc : memref<!tpu.dma_semaphore, #tpu.memory_space<semaphore_mem>>
        %dma_start3A_430 = arith.constant 0 : i32
        %dma_start3A_431 = tpu.memref_slice %arg3[%add3A_11, %dma_start3A_430] : memref<1600x128xi32, #tpu.memory_space<hbm>> -> memref<5x128xi32, #tpu.memory_space<hbm>>
        %dma_start3A_432 = arith.constant 0 : i32
        %dma_start3A_433 = tpu.memref_slice %arg3[%add3A_11, %dma_start3A_432] : memref<1600x128xi32, #tpu.memory_space<hbm>> -> memref<5x128xi32, #tpu.memory_space<hbm>>
        tpu.enqueue_dma source(%dma_start3A_433 : memref<5x128xi32, #tpu.memory_space<hbm>>) target(%arg8 : memref<5x128xi32, #tpu.memory_space<vmem>>) target_semaphore(%run_scoped3A : memref<!tpu.dma_semaphore, #tpu.memory_space<semaphore_mem>>)
        %dma_wait3A_434 = arith.constant 0 : i32
        %dma_wait3A_435 = tpu.memref_slice %arg3[%add3A_11, %dma_wait3A_434] : memref<1600x128xi32, #tpu.memory_space<hbm>> -> memref<5x128xi32, #tpu.memory_space<hbm>>
        %dma_wait3A_436 = arith.constant 0 : i32
        %dma_wait3A_437 = tpu.memref_slice %arg3[%add3A_11, %dma_wait3A_436] : memref<1600x128xi32, #tpu.memory_space<hbm>> -> memref<5x128xi32, #tpu.memory_space<hbm>>
        tpu.wait_dma2 semaphore(%run_scoped3A : memref<!tpu.dma_semaphore, #tpu.memory_space<semaphore_mem>>) src(%dma_wait3A_437 : memref<5x128xi32, #tpu.memory_space<hbm>>) dst(%arg8 : memref<5x128xi32, #tpu.memory_space<vmem>>)
        tpu.yield
      }) : () -> ()
      %dma_start3A = arith.constant 0 : i32
      %dma_start3A_12 = arith.constant 0 : i32
      %dma_start3A_13 = arith.constant 0 : i32
      %dma_start3A_14 = arith.constant 0 : i32
      %dma_start3A_15 = tpu.memref_slice %arg9[%dma_start3A_12, %dma_start3A_13, %dma_start3A_14] : memref<5x128x128xf32, #tpu.memory_space<vmem>> -> memref<1x128x128xf32, #tpu.memory_space<vmem>>
      %dma_start3A_16 = tpu.memref_squeeze %dma_start3A_15 : memref<1x128x128xf32, #tpu.memory_space<vmem>> -> memref<128x128xf32, #tpu.memory_space<vmem>>
      %dma_start3A_17 = arith.constant 0 : i32
      %dma_start3A_18 = tpu.memref_slice %arg7[%dma_start3A, %dma_start3A_17] : memref<5x128xi32, #tpu.memory_space<vmem>> -> memref<1x128xi32, #tpu.memory_space<vmem>>
      %dma_start3A_19 = tpu.memref_squeeze %dma_start3A_18 : memref<1x128xi32, #tpu.memory_space<vmem>> -> memref<128xi32, #tpu.memory_space<vmem>>
      %dma_start3A_20 = arith.constant 0 : i32
      %dma_start3A_21 = arith.constant 0 : i32
      %dma_start3A_22 = tpu.memref_slice %arg4[%dma_start3A_20, %dma_start3A_21] : memref<1000000x128xf32, #tpu.memory_space<hbm>> -> memref<1000000x128xf32, #tpu.memory_space<hbm>>
      tpu.enqueue_indirect_dma source(%dma_start3A_22 : memref<1000000x128xf32, #tpu.memory_space<hbm>>) target(%dma_start3A_16 : memref<128x128xf32, #tpu.memory_space<vmem>>) offsets(%dma_start3A_19 : memref<128xi32, #tpu.memory_space<vmem>>) semaphore(%arg10 : memref<!tpu.dma_semaphore, #tpu.memory_space<semaphore_mem>>)
      %dma_start3A_23 = arith.constant 1 : i32
      %dma_start3A_24 = arith.constant 1 : i32
      %dma_start3A_25 = arith.constant 0 : i32
      %dma_start3A_26 = arith.constant 0 : i32
      %dma_start3A_27 = tpu.memref_slice %arg9[%dma_start3A_24, %dma_start3A_25, %dma_start3A_26] : memref<5x128x128xf32, #tpu.memory_space<vmem>> -> memref<1x128x128xf32, #tpu.memory_space<vmem>>
      %dma_start3A_28 = tpu.memref_squeeze %dma_start3A_27 : memref<1x128x128xf32, #tpu.memory_space<vmem>> -> memref<128x128xf32, #tpu.memory_space<vmem>>
      %dma_start3A_29 = arith.constant 0 : i32
      %dma_start3A_30 = tpu.memref_slice %arg7[%dma_start3A_23, %dma_start3A_29] : memref<5x128xi32, #tpu.memory_space<vmem>> -> memref<1x128xi32, #tpu.memory_space<vmem>>
      %dma_start3A_31 = tpu.memref_squeeze %dma_start3A_30 : memref<1x128xi32, #tpu.memory_space<vmem>> -> memref<128xi32, #tpu.memory_space<vmem>>
      %dma_start3A_32 = arith.constant 0 : i32
      %dma_start3A_33 = arith.constant 0 : i32
      %dma_start3A_34 = tpu.memref_slice %arg4[%dma_start3A_32, %dma_start3A_33] : memref<1000000x128xf32, #tpu.memory_space<hbm>> -> memref<1000000x128xf32, #tpu.memory_space<hbm>>
      tpu.enqueue_indirect_dma source(%dma_start3A_34 : memref<1000000x128xf32, #tpu.memory_space<hbm>>) target(%dma_start3A_28 : memref<128x128xf32, #tpu.memory_space<vmem>>) offsets(%dma_start3A_31 : memref<128xi32, #tpu.memory_space<vmem>>) semaphore(%arg10 : memref<!tpu.dma_semaphore, #tpu.memory_space<semaphore_mem>>)
      %dma_start3A_35 = arith.constant 2 : i32
      %dma_start3A_36 = arith.constant 2 : i32
      %dma_start3A_37 = arith.constant 0 : i32
      %dma_start3A_38 = arith.constant 0 : i32
      %dma_start3A_39 = tpu.memref_slice %arg9[%dma_start3A_36, %dma_start3A_37, %dma_start3A_38] : memref<5x128x128xf32, #tpu.memory_space<vmem>> -> memref<1x128x128xf32, #tpu.memory_space<vmem>>
      %dma_start3A_40 = tpu.memref_squeeze %dma_start3A_39 : memref<1x128x128xf32, #tpu.memory_space<vmem>> -> memref<128x128xf32, #tpu.memory_space<vmem>>
      %dma_start3A_41 = arith.constant 0 : i32
      %dma_start3A_42 = tpu.memref_slice %arg7[%dma_start3A_35, %dma_start3A_41] : memref<5x128xi32, #tpu.memory_space<vmem>> -> memref<1x128xi32, #tpu.memory_space<vmem>>
      %dma_start3A_43 = tpu.memref_squeeze %dma_start3A_42 : memref<1x128xi32, #tpu.memory_space<vmem>> -> memref<128xi32, #tpu.memory_space<vmem>>
      %dma_start3A_44 = arith.constant 0 : i32
      %dma_start3A_45 = arith.constant 0 : i32
      %dma_start3A_46 = tpu.memref_slice %arg4[%dma_start3A_44, %dma_start3A_45] : memref<1000000x128xf32, #tpu.memory_space<hbm>> -> memref<1000000x128xf32, #tpu.memory_space<hbm>>
      tpu.enqueue_indirect_dma source(%dma_start3A_46 : memref<1000000x128xf32, #tpu.memory_space<hbm>>) target(%dma_start3A_40 : memref<128x128xf32, #tpu.memory_space<vmem>>) offsets(%dma_start3A_43 : memref<128xi32, #tpu.memory_space<vmem>>) semaphore(%arg10 : memref<!tpu.dma_semaphore, #tpu.memory_space<semaphore_mem>>)
      %dma_start3A_47 = arith.constant 3 : i32
      %dma_start3A_48 = arith.constant 3 : i32
      %dma_start3A_49 = arith.constant 0 : i32
      %dma_start3A_50 = arith.constant 0 : i32
      %dma_start3A_51 = tpu.memref_slice %arg9[%dma_start3A_48, %dma_start3A_49, %dma_start3A_50] : memref<5x128x128xf32, #tpu.memory_space<vmem>> -> memref<1x128x128xf32, #tpu.memory_space<vmem>>
      %dma_start3A_52 = tpu.memref_squeeze %dma_start3A_51 : memref<1x128x128xf32, #tpu.memory_space<vmem>> -> memref<128x128xf32, #tpu.memory_space<vmem>>
      %dma_start3A_53 = arith.constant 0 : i32
      %dma_start3A_54 = tpu.memref_slice %arg7[%dma_start3A_47, %dma_start3A_53] : memref<5x128xi32, #tpu.memory_space<vmem>> -> memref<1x128xi32, #tpu.memory_space<vmem>>
      %dma_start3A_55 = tpu.memref_squeeze %dma_start3A_54 : memref<1x128xi32, #tpu.memory_space<vmem>> -> memref<128xi32, #tpu.memory_space<vmem>>
      %dma_start3A_56 = arith.constant 0 : i32
      %dma_start3A_57 = arith.constant 0 : i32
      %dma_start3A_58 = tpu.memref_slice %arg4[%dma_start3A_56, %dma_start3A_57] : memref<1000000x128xf32, #tpu.memory_space<hbm>> -> memref<1000000x128xf32, #tpu.memory_space<hbm>>
      tpu.enqueue_indirect_dma source(%dma_start3A_58 : memref<1000000x128xf32, #tpu.memory_space<hbm>>) target(%dma_start3A_52 : memref<128x128xf32, #tpu.memory_space<vmem>>) offsets(%dma_start3A_55 : memref<128xi32, #tpu.memory_space<vmem>>) semaphore(%arg10 : memref<!tpu.dma_semaphore, #tpu.memory_space<semaphore_mem>>)
      %dma_start3A_59 = arith.constant 4 : i32
      %dma_start3A_60 = arith.constant 4 : i32
      %dma_start3A_61 = arith.constant 0 : i32
      %dma_start3A_62 = arith.constant 0 : i32
      %dma_start3A_63 = tpu.memref_slice %arg9[%dma_start3A_60, %dma_start3A_61, %dma_start3A_62] : memref<5x128x128xf32, #tpu.memory_space<vmem>> -> memref<1x128x128xf32, #tpu.memory_space<vmem>>
      %dma_start3A_64 = tpu.memref_squeeze %dma_start3A_63 : memref<1x128x128xf32, #tpu.memory_space<vmem>> -> memref<128x128xf32, #tpu.memory_space<vmem>>
      %dma_start3A_65 = arith.constant 0 : i32
      %dma_start3A_66 = tpu.memref_slice %arg7[%dma_start3A_59, %dma_start3A_65] : memref<5x128xi32, #tpu.memory_space<vmem>> -> memref<1x128xi32, #tpu.memory_space<vmem>>
      %dma_start3A_67 = tpu.memref_squeeze %dma_start3A_66 : memref<1x128xi32, #tpu.memory_space<vmem>> -> memref<128xi32, #tpu.memory_space<vmem>>
      %dma_start3A_68 = arith.constant 0 : i32
      %dma_start3A_69 = arith.constant 0 : i32
      %dma_start3A_70 = tpu.memref_slice %arg4[%dma_start3A_68, %dma_start3A_69] : memref<1000000x128xf32, #tpu.memory_space<hbm>> -> memref<1000000x128xf32, #tpu.memory_space<hbm>>
      tpu.enqueue_indirect_dma source(%dma_start3A_70 : memref<1000000x128xf32, #tpu.memory_space<hbm>>) target(%dma_start3A_64 : memref<128x128xf32, #tpu.memory_space<vmem>>) offsets(%dma_start3A_67 : memref<128xi32, #tpu.memory_space<vmem>>) semaphore(%arg10 : memref<!tpu.dma_semaphore, #tpu.memory_space<semaphore_mem>>)
      %dma_wait3A = arith.constant 0 : i32
      %dma_wait3A_71 = arith.constant 0 : i32
      %dma_wait3A_72 = arith.constant 0 : i32
      %dma_wait3A_73 = arith.constant 0 : i32
      %dma_wait3A_74 = tpu.memref_slice %arg9[%dma_wait3A_71, %dma_wait3A_72, %dma_wait3A_73] : memref<5x128x128xf32, #tpu.memory_space<vmem>> -> memref<1x128x128xf32, #tpu.memory_space<vmem>>
      %dma_wait3A_75 = tpu.memref_squeeze %dma_wait3A_74 : memref<1x128x128xf32, #tpu.memory_space<vmem>> -> memref<128x128xf32, #tpu.memory_space<vmem>>
      %dma_wait3A_76 = arith.constant 0 : i32
      %dma_wait3A_77 = tpu.memref_slice %arg7[%dma_wait3A, %dma_wait3A_76] : memref<5x128xi32, #tpu.memory_space<vmem>> -> memref<1x128xi32, #tpu.memory_space<vmem>>
      %dma_wait3A_78 = tpu.memref_squeeze %dma_wait3A_77 : memref<1x128xi32, #tpu.memory_space<vmem>> -> memref<128xi32, #tpu.memory_space<vmem>>
      %dma_wait3A_79 = arith.constant 0 : i32
      %dma_wait3A_80 = arith.constant 0 : i32
      %dma_wait3A_81 = tpu.memref_slice %arg4[%dma_wait3A_79, %dma_wait3A_80] : memref<1000000x128xf32, #tpu.memory_space<hbm>> -> memref<1000000x128xf32, #tpu.memory_space<hbm>>
      tpu.wait_indirect_dma semaphore(%arg10 : memref<!tpu.dma_semaphore, #tpu.memory_space<semaphore_mem>>) src(%dma_wait3A_81 : memref<1000000x128xf32, #tpu.memory_space<hbm>>) dst(%dma_wait3A_75 : memref<128x128xf32, #tpu.memory_space<vmem>>)
      %dma_start3A_82 = arith.constant 0 : i32
      %dma_start3A_83 = arith.constant 0 : i32
      %dma_start3A_84 = arith.constant 0 : i32
      %dma_start3A_85 = arith.constant 0 : i32
      %dma_start3A_86 = tpu.memref_slice %arg9[%dma_start3A_83, %dma_start3A_84, %dma_start3A_85] : memref<5x128x128xf32, #tpu.memory_space<vmem>> -> memref<1x128x128xf32, #tpu.memory_space<vmem>>
      %dma_start3A_87 = tpu.memref_squeeze %dma_start3A_86 : memref<1x128x128xf32, #tpu.memory_space<vmem>> -> memref<128x128xf32, #tpu.memory_space<vmem>>
      %dma_start3A_88 = arith.constant 0 : i32
      %dma_start3A_89 = tpu.memref_slice %arg8[%dma_start3A_82, %dma_start3A_88] : memref<5x128xi32, #tpu.memory_space<vmem>> -> memref<1x128xi32, #tpu.memory_space<vmem>>
      %dma_start3A_90 = tpu.memref_squeeze %dma_start3A_89 : memref<1x128xi32, #tpu.memory_space<vmem>> -> memref<128xi32, #tpu.memory_space<vmem>>
      %dma_start3A_91 = arith.constant 0 : i32
      %dma_start3A_92 = arith.constant 0 : i32
      %dma_start3A_93 = tpu.memref_slice %arg5[%dma_start3A_91, %dma_start3A_92] : memref<1000x128xf32, #tpu.memory_space<hbm>> -> memref<1000x128xf32, #tpu.memory_space<hbm>>
      tpu.enqueue_indirect_dma source(%dma_start3A_93 : memref<1000x128xf32, #tpu.memory_space<hbm>>) target(%dma_start3A_87 : memref<128x128xf32, #tpu.memory_space<vmem>>) offsets(%dma_start3A_90 : memref<128xi32, #tpu.memory_space<vmem>>) semaphore(%arg11 : memref<!tpu.dma_semaphore, #tpu.memory_space<semaphore_mem>>) {add = true}
      %dma_wait3A_94 = arith.constant 1 : i32
      %dma_wait3A_95 = arith.constant 1 : i32
      %dma_wait3A_96 = arith.constant 0 : i32
      %dma_wait3A_97 = arith.constant 0 : i32
      %dma_wait3A_98 = tpu.memref_slice %arg9[%dma_wait3A_95, %dma_wait3A_96, %dma_wait3A_97] : memref<5x128x128xf32, #tpu.memory_space<vmem>> -> memref<1x128x128xf32, #tpu.memory_space<vmem>>
      %dma_wait3A_99 = tpu.memref_squeeze %dma_wait3A_98 : memref<1x128x128xf32, #tpu.memory_space<vmem>> -> memref<128x128xf32, #tpu.memory_space<vmem>>
      %dma_wait3A_100 = arith.constant 0 : i32
      %dma_wait3A_101 = tpu.memref_slice %arg7[%dma_wait3A_94, %dma_wait3A_100] : memref<5x128xi32, #tpu.memory_space<vmem>> -> memref<1x128xi32, #tpu.memory_space<vmem>>
      %dma_wait3A_102 = tpu.memref_squeeze %dma_wait3A_101 : memref<1x128xi32, #tpu.memory_space<vmem>> -> memref<128xi32, #tpu.memory_space<vmem>>
      %dma_wait3A_103 = arith.constant 0 : i32
      %dma_wait3A_104 = arith.constant 0 : i32
      %dma_wait3A_105 = tpu.memref_slice %arg4[%dma_wait3A_103, %dma_wait3A_104] : memref<1000000x128xf32, #tpu.memory_space<hbm>> -> memref<1000000x128xf32, #tpu.memory_space<hbm>>
      tpu.wait_indirect_dma semaphore(%arg10 : memref<!tpu.dma_semaphore, #tpu.memory_space<semaphore_mem>>) src(%dma_wait3A_105 : memref<1000000x128xf32, #tpu.memory_space<hbm>>) dst(%dma_wait3A_99 : memref<128x128xf32, #tpu.memory_space<vmem>>)
      %dma_start3A_106 = arith.constant 1 : i32
      %dma_start3A_107 = arith.constant 1 : i32
      %dma_start3A_108 = arith.constant 0 : i32
      %dma_start3A_109 = arith.constant 0 : i32
      %dma_start3A_110 = tpu.memref_slice %arg9[%dma_start3A_107, %dma_start3A_108, %dma_start3A_109] : memref<5x128x128xf32, #tpu.memory_space<vmem>> -> memref<1x128x128xf32, #tpu.memory_space<vmem>>
      %dma_start3A_111 = tpu.memref_squeeze %dma_start3A_110 : memref<1x128x128xf32, #tpu.memory_space<vmem>> -> memref<128x128xf32, #tpu.memory_space<vmem>>
      %dma_start3A_112 = arith.constant 0 : i32
      %dma_start3A_113 = tpu.memref_slice %arg8[%dma_start3A_106, %dma_start3A_112] : memref<5x128xi32, #tpu.memory_space<vmem>> -> memref<1x128xi32, #tpu.memory_space<vmem>>
      %dma_start3A_114 = tpu.memref_squeeze %dma_start3A_113 : memref<1x128xi32, #tpu.memory_space<vmem>> -> memref<128xi32, #tpu.memory_space<vmem>>
      %dma_start3A_115 = arith.constant 0 : i32
      %dma_start3A_116 = arith.constant 0 : i32
      %dma_start3A_117 = tpu.memref_slice %arg5[%dma_start3A_115, %dma_start3A_116] : memref<1000x128xf32, #tpu.memory_space<hbm>> -> memref<1000x128xf32, #tpu.memory_space<hbm>>
      tpu.enqueue_indirect_dma source(%dma_start3A_117 : memref<1000x128xf32, #tpu.memory_space<hbm>>) target(%dma_start3A_111 : memref<128x128xf32, #tpu.memory_space<vmem>>) offsets(%dma_start3A_114 : memref<128xi32, #tpu.memory_space<vmem>>) semaphore(%arg11 : memref<!tpu.dma_semaphore, #tpu.memory_space<semaphore_mem>>) {add = true}
      %dma_wait3A_118 = arith.constant 2 : i32
      %dma_wait3A_119 = arith.constant 2 : i32
      %dma_wait3A_120 = arith.constant 0 : i32
      %dma_wait3A_121 = arith.constant 0 : i32
      %dma_wait3A_122 = tpu.memref_slice %arg9[%dma_wait3A_119, %dma_wait3A_120, %dma_wait3A_121] : memref<5x128x128xf32, #tpu.memory_space<vmem>> -> memref<1x128x128xf32, #tpu.memory_space<vmem>>
      %dma_wait3A_123 = tpu.memref_squeeze %dma_wait3A_122 : memref<1x128x128xf32, #tpu.memory_space<vmem>> -> memref<128x128xf32, #tpu.memory_space<vmem>>
      %dma_wait3A_124 = arith.constant 0 : i32
      %dma_wait3A_125 = tpu.memref_slice %arg7[%dma_wait3A_118, %dma_wait3A_124] : memref<5x128xi32, #tpu.memory_space<vmem>> -> memref<1x128xi32, #tpu.memory_space<vmem>>
      %dma_wait3A_126 = tpu.memref_squeeze %dma_wait3A_125 : memref<1x128xi32, #tpu.memory_space<vmem>> -> memref<128xi32, #tpu.memory_space<vmem>>
      %dma_wait3A_127 = arith.constant 0 : i32
      %dma_wait3A_128 = arith.constant 0 : i32
      %dma_wait3A_129 = tpu.memref_slice %arg4[%dma_wait3A_127, %dma_wait3A_128] : memref<1000000x128xf32, #tpu.memory_space<hbm>> -> memref<1000000x128xf32, #tpu.memory_space<hbm>>
      tpu.wait_indirect_dma semaphore(%arg10 : memref<!tpu.dma_semaphore, #tpu.memory_space<semaphore_mem>>) src(%dma_wait3A_129 : memref<1000000x128xf32, #tpu.memory_space<hbm>>) dst(%dma_wait3A_123 : memref<128x128xf32, #tpu.memory_space<vmem>>)
      %dma_start3A_130 = arith.constant 2 : i32
      %dma_start3A_131 = arith.constant 2 : i32
      %dma_start3A_132 = arith.constant 0 : i32
      %dma_start3A_133 = arith.constant 0 : i32
      %dma_start3A_134 = tpu.memref_slice %arg9[%dma_start3A_131, %dma_start3A_132, %dma_start3A_133] : memref<5x128x128xf32, #tpu.memory_space<vmem>> -> memref<1x128x128xf32, #tpu.memory_space<vmem>>
      %dma_start3A_135 = tpu.memref_squeeze %dma_start3A_134 : memref<1x128x128xf32, #tpu.memory_space<vmem>> -> memref<128x128xf32, #tpu.memory_space<vmem>>
      %dma_start3A_136 = arith.constant 0 : i32
      %dma_start3A_137 = tpu.memref_slice %arg8[%dma_start3A_130, %dma_start3A_136] : memref<5x128xi32, #tpu.memory_space<vmem>> -> memref<1x128xi32, #tpu.memory_space<vmem>>
      %dma_start3A_138 = tpu.memref_squeeze %dma_start3A_137 : memref<1x128xi32, #tpu.memory_space<vmem>> -> memref<128xi32, #tpu.memory_space<vmem>>
      %dma_start3A_139 = arith.constant 0 : i32
      %dma_start3A_140 = arith.constant 0 : i32
      %dma_start3A_141 = tpu.memref_slice %arg5[%dma_start3A_139, %dma_start3A_140] : memref<1000x128xf32, #tpu.memory_space<hbm>> -> memref<1000x128xf32, #tpu.memory_space<hbm>>
      tpu.enqueue_indirect_dma source(%dma_start3A_141 : memref<1000x128xf32, #tpu.memory_space<hbm>>) target(%dma_start3A_135 : memref<128x128xf32, #tpu.memory_space<vmem>>) offsets(%dma_start3A_138 : memref<128xi32, #tpu.memory_space<vmem>>) semaphore(%arg11 : memref<!tpu.dma_semaphore, #tpu.memory_space<semaphore_mem>>) {add = true}
      %dma_wait3A_142 = arith.constant 3 : i32
      %dma_wait3A_143 = arith.constant 3 : i32
      %dma_wait3A_144 = arith.constant 0 : i32
      %dma_wait3A_145 = arith.constant 0 : i32
      %dma_wait3A_146 = tpu.memref_slice %arg9[%dma_wait3A_143, %dma_wait3A_144, %dma_wait3A_145] : memref<5x128x128xf32, #tpu.memory_space<vmem>> -> memref<1x128x128xf32, #tpu.memory_space<vmem>>
      %dma_wait3A_147 = tpu.memref_squeeze %dma_wait3A_146 : memref<1x128x128xf32, #tpu.memory_space<vmem>> -> memref<128x128xf32, #tpu.memory_space<vmem>>
      %dma_wait3A_148 = arith.constant 0 : i32
      %dma_wait3A_149 = tpu.memref_slice %arg7[%dma_wait3A_142, %dma_wait3A_148] : memref<5x128xi32, #tpu.memory_space<vmem>> -> memref<1x128xi32, #tpu.memory_space<vmem>>
      %dma_wait3A_150 = tpu.memref_squeeze %dma_wait3A_149 : memref<1x128xi32, #tpu.memory_space<vmem>> -> memref<128xi32, #tpu.memory_space<vmem>>
      %dma_wait3A_151 = arith.constant 0 : i32
      %dma_wait3A_152 = arith.constant 0 : i32
      %dma_wait3A_153 = tpu.memref_slice %arg4[%dma_wait3A_151, %dma_wait3A_152] : memref<1000000x128xf32, #tpu.memory_space<hbm>> -> memref<1000000x128xf32, #tpu.memory_space<hbm>>
      tpu.wait_indirect_dma semaphore(%arg10 : memref<!tpu.dma_semaphore, #tpu.memory_space<semaphore_mem>>) src(%dma_wait3A_153 : memref<1000000x128xf32, #tpu.memory_space<hbm>>) dst(%dma_wait3A_147 : memref<128x128xf32, #tpu.memory_space<vmem>>)
      %dma_start3A_154 = arith.constant 3 : i32
      %dma_start3A_155 = arith.constant 3 : i32
      %dma_start3A_156 = arith.constant 0 : i32
      %dma_start3A_157 = arith.constant 0 : i32
      %dma_start3A_158 = tpu.memref_slice %arg9[%dma_start3A_155, %dma_start3A_156, %dma_start3A_157] : memref<5x128x128xf32, #tpu.memory_space<vmem>> -> memref<1x128x128xf32, #tpu.memory_space<vmem>>
      %dma_start3A_159 = tpu.memref_squeeze %dma_start3A_158 : memref<1x128x128xf32, #tpu.memory_space<vmem>> -> memref<128x128xf32, #tpu.memory_space<vmem>>
      %dma_start3A_160 = arith.constant 0 : i32
      %dma_start3A_161 = tpu.memref_slice %arg8[%dma_start3A_154, %dma_start3A_160] : memref<5x128xi32, #tpu.memory_space<vmem>> -> memref<1x128xi32, #tpu.memory_space<vmem>>
      %dma_start3A_162 = tpu.memref_squeeze %dma_start3A_161 : memref<1x128xi32, #tpu.memory_space<vmem>> -> memref<128xi32, #tpu.memory_space<vmem>>
      %dma_start3A_163 = arith.constant 0 : i32
      %dma_start3A_164 = arith.constant 0 : i32
      %dma_start3A_165 = tpu.memref_slice %arg5[%dma_start3A_163, %dma_start3A_164] : memref<1000x128xf32, #tpu.memory_space<hbm>> -> memref<1000x128xf32, #tpu.memory_space<hbm>>
      tpu.enqueue_indirect_dma source(%dma_start3A_165 : memref<1000x128xf32, #tpu.memory_space<hbm>>) target(%dma_start3A_159 : memref<128x128xf32, #tpu.memory_space<vmem>>) offsets(%dma_start3A_162 : memref<128xi32, #tpu.memory_space<vmem>>) semaphore(%arg11 : memref<!tpu.dma_semaphore, #tpu.memory_space<semaphore_mem>>) {add = true}
      %dma_wait3A_166 = arith.constant 4 : i32
      %dma_wait3A_167 = arith.constant 4 : i32
      %dma_wait3A_168 = arith.constant 0 : i32
      %dma_wait3A_169 = arith.constant 0 : i32
      %dma_wait3A_170 = tpu.memref_slice %arg9[%dma_wait3A_167, %dma_wait3A_168, %dma_wait3A_169] : memref<5x128x128xf32, #tpu.memory_space<vmem>> -> memref<1x128x128xf32, #tpu.memory_space<vmem>>
      %dma_wait3A_171 = tpu.memref_squeeze %dma_wait3A_170 : memref<1x128x128xf32, #tpu.memory_space<vmem>> -> memref<128x128xf32, #tpu.memory_space<vmem>>
      %dma_wait3A_172 = arith.constant 0 : i32
      %dma_wait3A_173 = tpu.memref_slice %arg7[%dma_wait3A_166, %dma_wait3A_172] : memref<5x128xi32, #tpu.memory_space<vmem>> -> memref<1x128xi32, #tpu.memory_space<vmem>>
      %dma_wait3A_174 = tpu.memref_squeeze %dma_wait3A_173 : memref<1x128xi32, #tpu.memory_space<vmem>> -> memref<128xi32, #tpu.memory_space<vmem>>
      %dma_wait3A_175 = arith.constant 0 : i32
      %dma_wait3A_176 = arith.constant 0 : i32
      %dma_wait3A_177 = tpu.memref_slice %arg4[%dma_wait3A_175, %dma_wait3A_176] : memref<1000000x128xf32, #tpu.memory_space<hbm>> -> memref<1000000x128xf32, #tpu.memory_space<hbm>>
      tpu.wait_indirect_dma semaphore(%arg10 : memref<!tpu.dma_semaphore, #tpu.memory_space<semaphore_mem>>) src(%dma_wait3A_177 : memref<1000000x128xf32, #tpu.memory_space<hbm>>) dst(%dma_wait3A_171 : memref<128x128xf32, #tpu.memory_space<vmem>>)
      %dma_start3A_178 = arith.constant 4 : i32
      %dma_start3A_179 = arith.constant 4 : i32
      %dma_start3A_180 = arith.constant 0 : i32
      %dma_start3A_181 = arith.constant 0 : i32
      %dma_start3A_182 = tpu.memref_slice %arg9[%dma_start3A_179, %dma_start3A_180, %dma_start3A_181] : memref<5x128x128xf32, #tpu.memory_space<vmem>> -> memref<1x128x128xf32, #tpu.memory_space<vmem>>
      %dma_start3A_183 = tpu.memref_squeeze %dma_start3A_182 : memref<1x128x128xf32, #tpu.memory_space<vmem>> -> memref<128x128xf32, #tpu.memory_space<vmem>>
      %dma_start3A_184 = arith.constant 0 : i32
      %dma_start3A_185 = tpu.memref_slice %arg8[%dma_start3A_178, %dma_start3A_184] : memref<5x128xi32, #tpu.memory_space<vmem>> -> memref<1x128xi32, #tpu.memory_space<vmem>>
      %dma_start3A_186 = tpu.memref_squeeze %dma_start3A_185 : memref<1x128xi32, #tpu.memory_space<vmem>> -> memref<128xi32, #tpu.memory_space<vmem>>
      %dma_start3A_187 = arith.constant 0 : i32
      %dma_start3A_188 = arith.constant 0 : i32
      %dma_start3A_189 = tpu.memref_slice %arg5[%dma_start3A_187, %dma_start3A_188] : memref<1000x128xf32, #tpu.memory_space<hbm>> -> memref<1000x128xf32, #tpu.memory_space<hbm>>
      tpu.enqueue_indirect_dma source(%dma_start3A_189 : memref<1000x128xf32, #tpu.memory_space<hbm>>) target(%dma_start3A_183 : memref<128x128xf32, #tpu.memory_space<vmem>>) offsets(%dma_start3A_186 : memref<128xi32, #tpu.memory_space<vmem>>) semaphore(%arg11 : memref<!tpu.dma_semaphore, #tpu.memory_space<semaphore_mem>>) {add = true}
      %dma_wait3A_190 = arith.constant 0 : i32
      %dma_wait3A_191 = arith.constant 0 : i32
      %dma_wait3A_192 = arith.constant 0 : i32
      %dma_wait3A_193 = arith.constant 0 : i32
      %dma_wait3A_194 = tpu.memref_slice %arg9[%dma_wait3A_191, %dma_wait3A_192, %dma_wait3A_193] : memref<5x128x128xf32, #tpu.memory_space<vmem>> -> memref<1x128x128xf32, #tpu.memory_space<vmem>>
      %dma_wait3A_195 = tpu.memref_squeeze %dma_wait3A_194 : memref<1x128x128xf32, #tpu.memory_space<vmem>> -> memref<128x128xf32, #tpu.memory_space<vmem>>
      %dma_wait3A_196 = arith.constant 0 : i32
      %dma_wait3A_197 = tpu.memref_slice %arg8[%dma_wait3A_190, %dma_wait3A_196] : memref<5x128xi32, #tpu.memory_space<vmem>> -> memref<1x128xi32, #tpu.memory_space<vmem>>
      %dma_wait3A_198 = tpu.memref_squeeze %dma_wait3A_197 : memref<1x128xi32, #tpu.memory_space<vmem>> -> memref<128xi32, #tpu.memory_space<vmem>>
      %dma_wait3A_199 = arith.constant 0 : i32
      %dma_wait3A_200 = arith.constant 0 : i32
      %dma_wait3A_201 = tpu.memref_slice %arg5[%dma_wait3A_199, %dma_wait3A_200] : memref<1000x128xf32, #tpu.memory_space<hbm>> -> memref<1000x128xf32, #tpu.memory_space<hbm>>
      tpu.wait_indirect_dma semaphore(%arg11 : memref<!tpu.dma_semaphore, #tpu.memory_space<semaphore_mem>>) src(%dma_wait3A_201 : memref<1000x128xf32, #tpu.memory_space<hbm>>) dst(%dma_wait3A_195 : memref<128x128xf32, #tpu.memory_space<vmem>>)
      %add3A_202 = arith.constant 0 : i32
      %add3A_203 = arith.addi %add3A_11, %add3A_202 : i32
      %dma_start3A_204 = arith.constant 0 : i32
      %dma_start3A_205 = arith.constant 0 : i32
      %dma_start3A_206 = arith.constant 0 : i32
      %dma_start3A_207 = tpu.memref_slice %arg9[%dma_start3A_204, %dma_start3A_205, %dma_start3A_206] : memref<5x128x128xf32, #tpu.memory_space<vmem>> -> memref<1x128x128xf32, #tpu.memory_space<vmem>>
      %dma_start3A_208 = tpu.memref_squeeze %dma_start3A_207 : memref<1x128x128xf32, #tpu.memory_space<vmem>> -> memref<128x128xf32, #tpu.memory_space<vmem>>
      %dma_start3A_209 = arith.constant 0 : i32
      %dma_start3A_210 = arith.constant 0 : i32
      %dma_start3A_211 = tpu.memref_slice %arg6[%add3A_203, %dma_start3A_209, %dma_start3A_210] : memref<1600x128x128xf32, #tpu.memory_space<hbm>> -> memref<1x128x128xf32, #tpu.memory_space<hbm>>
      %dma_start3A_212 = tpu.memref_squeeze %dma_start3A_211 : memref<1x128x128xf32, #tpu.memory_space<hbm>> -> memref<128x128xf32, #tpu.memory_space<hbm>>
      %dma_start3A_213 = arith.constant 0 : i32
      %dma_start3A_214 = arith.constant 0 : i32
      %dma_start3A_215 = tpu.memref_slice %arg6[%add3A_203, %dma_start3A_213, %dma_start3A_214] : memref<1600x128x128xf32, #tpu.memory_space<hbm>> -> memref<1x128x128xf32, #tpu.memory_space<hbm>>
      %dma_start3A_216 = tpu.memref_squeeze %dma_start3A_215 : memref<1x128x128xf32, #tpu.memory_space<hbm>> -> memref<128x128xf32, #tpu.memory_space<hbm>>
      %dma_start3A_217 = arith.constant 0 : i32
      %dma_start3A_218 = arith.constant 0 : i32
      %dma_start3A_219 = tpu.memref_slice %arg9[%dma_start3A_204, %dma_start3A_217, %dma_start3A_218] : memref<5x128x128xf32, #tpu.memory_space<vmem>> -> memref<1x128x128xf32, #tpu.memory_space<vmem>>
      %dma_start3A_220 = tpu.memref_squeeze %dma_start3A_219 : memref<1x128x128xf32, #tpu.memory_space<vmem>> -> memref<128x128xf32, #tpu.memory_space<vmem>>
      tpu.enqueue_dma source(%dma_start3A_220 : memref<128x128xf32, #tpu.memory_space<vmem>>) target(%dma_start3A_216 : memref<128x128xf32, #tpu.memory_space<hbm>>) target_semaphore(%arg12 : memref<!tpu.dma_semaphore, #tpu.memory_space<semaphore_mem>>)
      %dma_wait3A_221 = arith.constant 1 : i32
      %dma_wait3A_222 = arith.constant 1 : i32
      %dma_wait3A_223 = arith.constant 0 : i32
      %dma_wait3A_224 = arith.constant 0 : i32
      %dma_wait3A_225 = tpu.memref_slice %arg9[%dma_wait3A_222, %dma_wait3A_223, %dma_wait3A_224] : memref<5x128x128xf32, #tpu.memory_space<vmem>> -> memref<1x128x128xf32, #tpu.memory_space<vmem>>
      %dma_wait3A_226 = tpu.memref_squeeze %dma_wait3A_225 : memref<1x128x128xf32, #tpu.memory_space<vmem>> -> memref<128x128xf32, #tpu.memory_space<vmem>>
      %dma_wait3A_227 = arith.constant 0 : i32
      %dma_wait3A_228 = tpu.memref_slice %arg8[%dma_wait3A_221, %dma_wait3A_227] : memref<5x128xi32, #tpu.memory_space<vmem>> -> memref<1x128xi32, #tpu.memory_space<vmem>>
      %dma_wait3A_229 = tpu.memref_squeeze %dma_wait3A_228 : memref<1x128xi32, #tpu.memory_space<vmem>> -> memref<128xi32, #tpu.memory_space<vmem>>
      %dma_wait3A_230 = arith.constant 0 : i32
      %dma_wait3A_231 = arith.constant 0 : i32
      %dma_wait3A_232 = tpu.memref_slice %arg5[%dma_wait3A_230, %dma_wait3A_231] : memref<1000x128xf32, #tpu.memory_space<hbm>> -> memref<1000x128xf32, #tpu.memory_space<hbm>>
      tpu.wait_indirect_dma semaphore(%arg11 : memref<!tpu.dma_semaphore, #tpu.memory_space<semaphore_mem>>) src(%dma_wait3A_232 : memref<1000x128xf32, #tpu.memory_space<hbm>>) dst(%dma_wait3A_226 : memref<128x128xf32, #tpu.memory_space<vmem>>)
      %add3A_233 = arith.constant 1 : i32
      %add3A_234 = arith.addi %add3A_11, %add3A_233 : i32
      %dma_start3A_235 = arith.constant 1 : i32
      %dma_start3A_236 = arith.constant 0 : i32
      %dma_start3A_237 = arith.constant 0 : i32
      %dma_start3A_238 = tpu.memref_slice %arg9[%dma_start3A_235, %dma_start3A_236, %dma_start3A_237] : memref<5x128x128xf32, #tpu.memory_space<vmem>> -> memref<1x128x128xf32, #tpu.memory_space<vmem>>
      %dma_start3A_239 = tpu.memref_squeeze %dma_start3A_238 : memref<1x128x128xf32, #tpu.memory_space<vmem>> -> memref<128x128xf32, #tpu.memory_space<vmem>>
      %dma_start3A_240 = arith.constant 0 : i32
      %dma_start3A_241 = arith.constant 0 : i32
      %dma_start3A_242 = tpu.memref_slice %arg6[%add3A_234, %dma_start3A_240, %dma_start3A_241] : memref<1600x128x128xf32, #tpu.memory_space<hbm>> -> memref<1x128x128xf32, #tpu.memory_space<hbm>>
      %dma_start3A_243 = tpu.memref_squeeze %dma_start3A_242 : memref<1x128x128xf32, #tpu.memory_space<hbm>> -> memref<128x128xf32, #tpu.memory_space<hbm>>
      %dma_start3A_244 = arith.constant 0 : i32
      %dma_start3A_245 = arith.constant 0 : i32
      %dma_start3A_246 = tpu.memref_slice %arg6[%add3A_234, %dma_start3A_244, %dma_start3A_245] : memref<1600x128x128xf32, #tpu.memory_space<hbm>> -> memref<1x128x128xf32, #tpu.memory_space<hbm>>
      %dma_start3A_247 = tpu.memref_squeeze %dma_start3A_246 : memref<1x128x128xf32, #tpu.memory_space<hbm>> -> memref<128x128xf32, #tpu.memory_space<hbm>>
      %dma_start3A_248 = arith.constant 0 : i32
      %dma_start3A_249 = arith.constant 0 : i32
      %dma_start3A_250 = tpu.memref_slice %arg9[%dma_start3A_235, %dma_start3A_248, %dma_start3A_249] : memref<5x128x128xf32, #tpu.memory_space<vmem>> -> memref<1x128x128xf32, #tpu.memory_space<vmem>>
      %dma_start3A_251 = tpu.memref_squeeze %dma_start3A_250 : memref<1x128x128xf32, #tpu.memory_space<vmem>> -> memref<128x128xf32, #tpu.memory_space<vmem>>
      tpu.enqueue_dma source(%dma_start3A_251 : memref<128x128xf32, #tpu.memory_space<vmem>>) target(%dma_start3A_247 : memref<128x128xf32, #tpu.memory_space<hbm>>) target_semaphore(%arg12 : memref<!tpu.dma_semaphore, #tpu.memory_space<semaphore_mem>>)
      %dma_wait3A_252 = arith.constant 2 : i32
      %dma_wait3A_253 = arith.constant 2 : i32
      %dma_wait3A_254 = arith.constant 0 : i32
      %dma_wait3A_255 = arith.constant 0 : i32
      %dma_wait3A_256 = tpu.memref_slice %arg9[%dma_wait3A_253, %dma_wait3A_254, %dma_wait3A_255] : memref<5x128x128xf32, #tpu.memory_space<vmem>> -> memref<1x128x128xf32, #tpu.memory_space<vmem>>
      %dma_wait3A_257 = tpu.memref_squeeze %dma_wait3A_256 : memref<1x128x128xf32, #tpu.memory_space<vmem>> -> memref<128x128xf32, #tpu.memory_space<vmem>>
      %dma_wait3A_258 = arith.constant 0 : i32
      %dma_wait3A_259 = tpu.memref_slice %arg8[%dma_wait3A_252, %dma_wait3A_258] : memref<5x128xi32, #tpu.memory_space<vmem>> -> memref<1x128xi32, #tpu.memory_space<vmem>>
      %dma_wait3A_260 = tpu.memref_squeeze %dma_wait3A_259 : memref<1x128xi32, #tpu.memory_space<vmem>> -> memref<128xi32, #tpu.memory_space<vmem>>
      %dma_wait3A_261 = arith.constant 0 : i32
      %dma_wait3A_262 = arith.constant 0 : i32
      %dma_wait3A_263 = tpu.memref_slice %arg5[%dma_wait3A_261, %dma_wait3A_262] : memref<1000x128xf32, #tpu.memory_space<hbm>> -> memref<1000x128xf32, #tpu.memory_space<hbm>>
      tpu.wait_indirect_dma semaphore(%arg11 : memref<!tpu.dma_semaphore, #tpu.memory_space<semaphore_mem>>) src(%dma_wait3A_263 : memref<1000x128xf32, #tpu.memory_space<hbm>>) dst(%dma_wait3A_257 : memref<128x128xf32, #tpu.memory_space<vmem>>)
      %add3A_264 = arith.constant 2 : i32
      %add3A_265 = arith.addi %add3A_11, %add3A_264 : i32
      %dma_start3A_266 = arith.constant 2 : i32
      %dma_start3A_267 = arith.constant 0 : i32
      %dma_start3A_268 = arith.constant 0 : i32
      %dma_start3A_269 = tpu.memref_slice %arg9[%dma_start3A_266, %dma_start3A_267, %dma_start3A_268] : memref<5x128x128xf32, #tpu.memory_space<vmem>> -> memref<1x128x128xf32, #tpu.memory_space<vmem>>
      %dma_start3A_270 = tpu.memref_squeeze %dma_start3A_269 : memref<1x128x128xf32, #tpu.memory_space<vmem>> -> memref<128x128xf32, #tpu.memory_space<vmem>>
      %dma_start3A_271 = arith.constant 0 : i32
      %dma_start3A_272 = arith.constant 0 : i32
      %dma_start3A_273 = tpu.memref_slice %arg6[%add3A_265, %dma_start3A_271, %dma_start3A_272] : memref<1600x128x128xf32, #tpu.memory_space<hbm>> -> memref<1x128x128xf32, #tpu.memory_space<hbm>>
      %dma_start3A_274 = tpu.memref_squeeze %dma_start3A_273 : memref<1x128x128xf32, #tpu.memory_space<hbm>> -> memref<128x128xf32, #tpu.memory_space<hbm>>
      %dma_start3A_275 = arith.constant 0 : i32
      %dma_start3A_276 = arith.constant 0 : i32
      %dma_start3A_277 = tpu.memref_slice %arg6[%add3A_265, %dma_start3A_275, %dma_start3A_276] : memref<1600x128x128xf32, #tpu.memory_space<hbm>> -> memref<1x128x128xf32, #tpu.memory_space<hbm>>
      %dma_start3A_278 = tpu.memref_squeeze %dma_start3A_277 : memref<1x128x128xf32, #tpu.memory_space<hbm>> -> memref<128x128xf32, #tpu.memory_space<hbm>>
      %dma_start3A_279 = arith.constant 0 : i32
      %dma_start3A_280 = arith.constant 0 : i32
      %dma_start3A_281 = tpu.memref_slice %arg9[%dma_start3A_266, %dma_start3A_279, %dma_start3A_280] : memref<5x128x128xf32, #tpu.memory_space<vmem>> -> memref<1x128x128xf32, #tpu.memory_space<vmem>>
      %dma_start3A_282 = tpu.memref_squeeze %dma_start3A_281 : memref<1x128x128xf32, #tpu.memory_space<vmem>> -> memref<128x128xf32, #tpu.memory_space<vmem>>
      tpu.enqueue_dma source(%dma_start3A_282 : memref<128x128xf32, #tpu.memory_space<vmem>>) target(%dma_start3A_278 : memref<128x128xf32, #tpu.memory_space<hbm>>) target_semaphore(%arg12 : memref<!tpu.dma_semaphore, #tpu.memory_space<semaphore_mem>>)
      %dma_wait3A_283 = arith.constant 3 : i32
      %dma_wait3A_284 = arith.constant 3 : i32
      %dma_wait3A_285 = arith.constant 0 : i32
      %dma_wait3A_286 = arith.constant 0 : i32
      %dma_wait3A_287 = tpu.memref_slice %arg9[%dma_wait3A_284, %dma_wait3A_285, %dma_wait3A_286] : memref<5x128x128xf32, #tpu.memory_space<vmem>> -> memref<1x128x128xf32, #tpu.memory_space<vmem>>
      %dma_wait3A_288 = tpu.memref_squeeze %dma_wait3A_287 : memref<1x128x128xf32, #tpu.memory_space<vmem>> -> memref<128x128xf32, #tpu.memory_space<vmem>>
      %dma_wait3A_289 = arith.constant 0 : i32
      %dma_wait3A_290 = tpu.memref_slice %arg8[%dma_wait3A_283, %dma_wait3A_289] : memref<5x128xi32, #tpu.memory_space<vmem>> -> memref<1x128xi32, #tpu.memory_space<vmem>>
      %dma_wait3A_291 = tpu.memref_squeeze %dma_wait3A_290 : memref<1x128xi32, #tpu.memory_space<vmem>> -> memref<128xi32, #tpu.memory_space<vmem>>
      %dma_wait3A_292 = arith.constant 0 : i32
      %dma_wait3A_293 = arith.constant 0 : i32
      %dma_wait3A_294 = tpu.memref_slice %arg5[%dma_wait3A_292, %dma_wait3A_293] : memref<1000x128xf32, #tpu.memory_space<hbm>> -> memref<1000x128xf32, #tpu.memory_space<hbm>>
      tpu.wait_indirect_dma semaphore(%arg11 : memref<!tpu.dma_semaphore, #tpu.memory_space<semaphore_mem>>) src(%dma_wait3A_294 : memref<1000x128xf32, #tpu.memory_space<hbm>>) dst(%dma_wait3A_288 : memref<128x128xf32, #tpu.memory_space<vmem>>)
      %add3A_295 = arith.constant 3 : i32
      %add3A_296 = arith.addi %add3A_11, %add3A_295 : i32
      %dma_start3A_297 = arith.constant 3 : i32
      %dma_start3A_298 = arith.constant 0 : i32
      %dma_start3A_299 = arith.constant 0 : i32
      %dma_start3A_300 = tpu.memref_slice %arg9[%dma_start3A_297, %dma_start3A_298, %dma_start3A_299] : memref<5x128x128xf32, #tpu.memory_space<vmem>> -> memref<1x128x128xf32, #tpu.memory_space<vmem>>
      %dma_start3A_301 = tpu.memref_squeeze %dma_start3A_300 : memref<1x128x128xf32, #tpu.memory_space<vmem>> -> memref<128x128xf32, #tpu.memory_space<vmem>>
      %dma_start3A_302 = arith.constant 0 : i32
      %dma_start3A_303 = arith.constant 0 : i32
      %dma_start3A_304 = tpu.memref_slice %arg6[%add3A_296, %dma_start3A_302, %dma_start3A_303] : memref<1600x128x128xf32, #tpu.memory_space<hbm>> -> memref<1x128x128xf32, #tpu.memory_space<hbm>>
      %dma_start3A_305 = tpu.memref_squeeze %dma_start3A_304 : memref<1x128x128xf32, #tpu.memory_space<hbm>> -> memref<128x128xf32, #tpu.memory_space<hbm>>
      %dma_start3A_306 = arith.constant 0 : i32
      %dma_start3A_307 = arith.constant 0 : i32
      %dma_start3A_308 = tpu.memref_slice %arg6[%add3A_296, %dma_start3A_306, %dma_start3A_307] : memref<1600x128x128xf32, #tpu.memory_space<hbm>> -> memref<1x128x128xf32, #tpu.memory_space<hbm>>
      %dma_start3A_309 = tpu.memref_squeeze %dma_start3A_308 : memref<1x128x128xf32, #tpu.memory_space<hbm>> -> memref<128x128xf32, #tpu.memory_space<hbm>>
      %dma_start3A_310 = arith.constant 0 : i32
      %dma_start3A_311 = arith.constant 0 : i32
      %dma_start3A_312 = tpu.memref_slice %arg9[%dma_start3A_297, %dma_start3A_310, %dma_start3A_311] : memref<5x128x128xf32, #tpu.memory_space<vmem>> -> memref<1x128x128xf32, #tpu.memory_space<vmem>>
      %dma_start3A_313 = tpu.memref_squeeze %dma_start3A_312 : memref<1x128x128xf32, #tpu.memory_space<vmem>> -> memref<128x128xf32, #tpu.memory_space<vmem>>
      tpu.enqueue_dma source(%dma_start3A_313 : memref<128x128xf32, #tpu.memory_space<vmem>>) target(%dma_start3A_309 : memref<128x128xf32, #tpu.memory_space<hbm>>) target_semaphore(%arg12 : memref<!tpu.dma_semaphore, #tpu.memory_space<semaphore_mem>>)
      %dma_wait3A_314 = arith.constant 4 : i32
      %dma_wait3A_315 = arith.constant 4 : i32
      %dma_wait3A_316 = arith.constant 0 : i32
      %dma_wait3A_317 = arith.constant 0 : i32
      %dma_wait3A_318 = tpu.memref_slice %arg9[%dma_wait3A_315, %dma_wait3A_316, %dma_wait3A_317] : memref<5x128x128xf32, #tpu.memory_space<vmem>> -> memref<1x128x128xf32, #tpu.memory_space<vmem>>
      %dma_wait3A_319 = tpu.memref_squeeze %dma_wait3A_318 : memref<1x128x128xf32, #tpu.memory_space<vmem>> -> memref<128x128xf32, #tpu.memory_space<vmem>>
      %dma_wait3A_320 = arith.constant 0 : i32
      %dma_wait3A_321 = tpu.memref_slice %arg8[%dma_wait3A_314, %dma_wait3A_320] : memref<5x128xi32, #tpu.memory_space<vmem>> -> memref<1x128xi32, #tpu.memory_space<vmem>>
      %dma_wait3A_322 = tpu.memref_squeeze %dma_wait3A_321 : memref<1x128xi32, #tpu.memory_space<vmem>> -> memref<128xi32, #tpu.memory_space<vmem>>
      %dma_wait3A_323 = arith.constant 0 : i32
      %dma_wait3A_324 = arith.constant 0 : i32
      %dma_wait3A_325 = tpu.memref_slice %arg5[%dma_wait3A_323, %dma_wait3A_324] : memref<1000x128xf32, #tpu.memory_space<hbm>> -> memref<1000x128xf32, #tpu.memory_space<hbm>>
      tpu.wait_indirect_dma semaphore(%arg11 : memref<!tpu.dma_semaphore, #tpu.memory_space<semaphore_mem>>) src(%dma_wait3A_325 : memref<1000x128xf32, #tpu.memory_space<hbm>>) dst(%dma_wait3A_319 : memref<128x128xf32, #tpu.memory_space<vmem>>)
      %add3A_326 = arith.constant 4 : i32
      %add3A_327 = arith.addi %add3A_11, %add3A_326 : i32
      %dma_start3A_328 = arith.constant 4 : i32
      %dma_start3A_329 = arith.constant 0 : i32
      %dma_start3A_330 = arith.constant 0 : i32
      %dma_start3A_331 = tpu.memref_slice %arg9[%dma_start3A_328, %dma_start3A_329, %dma_start3A_330] : memref<5x128x128xf32, #tpu.memory_space<vmem>> -> memref<1x128x128xf32, #tpu.memory_space<vmem>>
      %dma_start3A_332 = tpu.memref_squeeze %dma_start3A_331 : memref<1x128x128xf32, #tpu.memory_space<vmem>> -> memref<128x128xf32, #tpu.memory_space<vmem>>
      %dma_start3A_333 = arith.constant 0 : i32
      %dma_start3A_334 = arith.constant 0 : i32
      %dma_start3A_335 = tpu.memref_slice %arg6[%add3A_327, %dma_start3A_333, %dma_start3A_334] : memref<1600x128x128xf32, #tpu.memory_space<hbm>> -> memref<1x128x128xf32, #tpu.memory_space<hbm>>
      %dma_start3A_336 = tpu.memref_squeeze %dma_start3A_335 : memref<1x128x128xf32, #tpu.memory_space<hbm>> -> memref<128x128xf32, #tpu.memory_space<hbm>>
      %dma_start3A_337 = arith.constant 0 : i32
      %dma_start3A_338 = arith.constant 0 : i32
      %dma_start3A_339 = tpu.memref_slice %arg6[%add3A_327, %dma_start3A_337, %dma_start3A_338] : memref<1600x128x128xf32, #tpu.memory_space<hbm>> -> memref<1x128x128xf32, #tpu.memory_space<hbm>>
      %dma_start3A_340 = tpu.memref_squeeze %dma_start3A_339 : memref<1x128x128xf32, #tpu.memory_space<hbm>> -> memref<128x128xf32, #tpu.memory_space<hbm>>
      %dma_start3A_341 = arith.constant 0 : i32
      %dma_start3A_342 = arith.constant 0 : i32
      %dma_start3A_343 = tpu.memref_slice %arg9[%dma_start3A_328, %dma_start3A_341, %dma_start3A_342] : memref<5x128x128xf32, #tpu.memory_space<vmem>> -> memref<1x128x128xf32, #tpu.memory_space<vmem>>
      %dma_start3A_344 = tpu.memref_squeeze %dma_start3A_343 : memref<1x128x128xf32, #tpu.memory_space<vmem>> -> memref<128x128xf32, #tpu.memory_space<vmem>>
      tpu.enqueue_dma source(%dma_start3A_344 : memref<128x128xf32, #tpu.memory_space<vmem>>) target(%dma_start3A_340 : memref<128x128xf32, #tpu.memory_space<hbm>>) target_semaphore(%arg12 : memref<!tpu.dma_semaphore, #tpu.memory_space<semaphore_mem>>)
      %dma_wait3A_345 = arith.constant 0 : i32
      %dma_wait3A_346 = arith.constant 0 : i32
      %dma_wait3A_347 = arith.constant 0 : i32
      %dma_wait3A_348 = tpu.memref_slice %arg9[%dma_wait3A_345, %dma_wait3A_346, %dma_wait3A_347] : memref<5x128x128xf32, #tpu.memory_space<vmem>> -> memref<1x128x128xf32, #tpu.memory_space<vmem>>
      %dma_wait3A_349 = tpu.memref_squeeze %dma_wait3A_348 : memref<1x128x128xf32, #tpu.memory_space<vmem>> -> memref<128x128xf32, #tpu.memory_space<vmem>>
      %dma_wait3A_350 = arith.constant 0 : i32
      %dma_wait3A_351 = arith.constant 0 : i32
      %dma_wait3A_352 = tpu.memref_slice %arg6[%add3A_203, %dma_wait3A_350, %dma_wait3A_351] : memref<1600x128x128xf32, #tpu.memory_space<hbm>> -> memref<1x128x128xf32, #tpu.memory_space<hbm>>
      %dma_wait3A_353 = tpu.memref_squeeze %dma_wait3A_352 : memref<1x128x128xf32, #tpu.memory_space<hbm>> -> memref<128x128xf32, #tpu.memory_space<hbm>>
      %dma_wait3A_354 = arith.constant 0 : i32
      %dma_wait3A_355 = arith.constant 0 : i32
      %dma_wait3A_356 = tpu.memref_slice %arg6[%add3A_203, %dma_wait3A_354, %dma_wait3A_355] : memref<1600x128x128xf32, #tpu.memory_space<hbm>> -> memref<1x128x128xf32, #tpu.memory_space<hbm>>
      %dma_wait3A_357 = tpu.memref_squeeze %dma_wait3A_356 : memref<1x128x128xf32, #tpu.memory_space<hbm>> -> memref<128x128xf32, #tpu.memory_space<hbm>>
      %dma_wait3A_358 = arith.constant 0 : i32
      %dma_wait3A_359 = arith.constant 0 : i32
      %dma_wait3A_360 = tpu.memref_slice %arg9[%dma_wait3A_345, %dma_wait3A_358, %dma_wait3A_359] : memref<5x128x128xf32, #tpu.memory_space<vmem>> -> memref<1x128x128xf32, #tpu.memory_space<vmem>>
      %dma_wait3A_361 = tpu.memref_squeeze %dma_wait3A_360 : memref<1x128x128xf32, #tpu.memory_space<vmem>> -> memref<128x128xf32, #tpu.memory_space<vmem>>
      tpu.wait_dma2 semaphore(%arg12 : memref<!tpu.dma_semaphore, #tpu.memory_space<semaphore_mem>>) src(%dma_wait3A_361 : memref<128x128xf32, #tpu.memory_space<vmem>>) dst(%dma_wait3A_357 : memref<128x128xf32, #tpu.memory_space<hbm>>)
      %dma_wait3A_362 = arith.constant 1 : i32
      %dma_wait3A_363 = arith.constant 0 : i32
      %dma_wait3A_364 = arith.constant 0 : i32
      %dma_wait3A_365 = tpu.memref_slice %arg9[%dma_wait3A_362, %dma_wait3A_363, %dma_wait3A_364] : memref<5x128x128xf32, #tpu.memory_space<vmem>> -> memref<1x128x128xf32, #tpu.memory_space<vmem>>
      %dma_wait3A_366 = tpu.memref_squeeze %dma_wait3A_365 : memref<1x128x128xf32, #tpu.memory_space<vmem>> -> memref<128x128xf32, #tpu.memory_space<vmem>>
      %dma_wait3A_367 = arith.constant 0 : i32
      %dma_wait3A_368 = arith.constant 0 : i32
      %dma_wait3A_369 = tpu.memref_slice %arg6[%add3A_234, %dma_wait3A_367, %dma_wait3A_368] : memref<1600x128x128xf32, #tpu.memory_space<hbm>> -> memref<1x128x128xf32, #tpu.memory_space<hbm>>
      %dma_wait3A_370 = tpu.memref_squeeze %dma_wait3A_369 : memref<1x128x128xf32, #tpu.memory_space<hbm>> -> memref<128x128xf32, #tpu.memory_space<hbm>>
      %dma_wait3A_371 = arith.constant 0 : i32
      %dma_wait3A_372 = arith.constant 0 : i32
      %dma_wait3A_373 = tpu.memref_slice %arg6[%add3A_234, %dma_wait3A_371, %dma_wait3A_372] : memref<1600x128x128xf32, #tpu.memory_space<hbm>> -> memref<1x128x128xf32, #tpu.memory_space<hbm>>
      %dma_wait3A_374 = tpu.memref_squeeze %dma_wait3A_373 : memref<1x128x128xf32, #tpu.memory_space<hbm>> -> memref<128x128xf32, #tpu.memory_space<hbm>>
      %dma_wait3A_375 = arith.constant 0 : i32
      %dma_wait3A_376 = arith.constant 0 : i32
      %dma_wait3A_377 = tpu.memref_slice %arg9[%dma_wait3A_362, %dma_wait3A_375, %dma_wait3A_376] : memref<5x128x128xf32, #tpu.memory_space<vmem>> -> memref<1x128x128xf32, #tpu.memory_space<vmem>>
      %dma_wait3A_378 = tpu.memref_squeeze %dma_wait3A_377 : memref<1x128x128xf32, #tpu.memory_space<vmem>> -> memref<128x128xf32, #tpu.memory_space<vmem>>
      tpu.wait_dma2 semaphore(%arg12 : memref<!tpu.dma_semaphore, #tpu.memory_space<semaphore_mem>>) src(%dma_wait3A_378 : memref<128x128xf32, #tpu.memory_space<vmem>>) dst(%dma_wait3A_374 : memref<128x128xf32, #tpu.memory_space<hbm>>)
      %dma_wait3A_379 = arith.constant 2 : i32
      %dma_wait3A_380 = arith.constant 0 : i32
      %dma_wait3A_381 = arith.constant 0 : i32
      %dma_wait3A_382 = tpu.memref_slice %arg9[%dma_wait3A_379, %dma_wait3A_380, %dma_wait3A_381] : memref<5x128x128xf32, #tpu.memory_space<vmem>> -> memref<1x128x128xf32, #tpu.memory_space<vmem>>
      %dma_wait3A_383 = tpu.memref_squeeze %dma_wait3A_382 : memref<1x128x128xf32, #tpu.memory_space<vmem>> -> memref<128x128xf32, #tpu.memory_space<vmem>>
      %dma_wait3A_384 = arith.constant 0 : i32
      %dma_wait3A_385 = arith.constant 0 : i32
      %dma_wait3A_386 = tpu.memref_slice %arg6[%add3A_265, %dma_wait3A_384, %dma_wait3A_385] : memref<1600x128x128xf32, #tpu.memory_space<hbm>> -> memref<1x128x128xf32, #tpu.memory_space<hbm>>
      %dma_wait3A_387 = tpu.memref_squeeze %dma_wait3A_386 : memref<1x128x128xf32, #tpu.memory_space<hbm>> -> memref<128x128xf32, #tpu.memory_space<hbm>>
      %dma_wait3A_388 = arith.constant 0 : i32
      %dma_wait3A_389 = arith.constant 0 : i32
      %dma_wait3A_390 = tpu.memref_slice %arg6[%add3A_265, %dma_wait3A_388, %dma_wait3A_389] : memref<1600x128x128xf32, #tpu.memory_space<hbm>> -> memref<1x128x128xf32, #tpu.memory_space<hbm>>
      %dma_wait3A_391 = tpu.memref_squeeze %dma_wait3A_390 : memref<1x128x128xf32, #tpu.memory_space<hbm>> -> memref<128x128xf32, #tpu.memory_space<hbm>>
      %dma_wait3A_392 = arith.constant 0 : i32
      %dma_wait3A_393 = arith.constant 0 : i32
      %dma_wait3A_394 = tpu.memref_slice %arg9[%dma_wait3A_379, %dma_wait3A_392, %dma_wait3A_393] : memref<5x128x128xf32, #tpu.memory_space<vmem>> -> memref<1x128x128xf32, #tpu.memory_space<vmem>>
      %dma_wait3A_395 = tpu.memref_squeeze %dma_wait3A_394 : memref<1x128x128xf32, #tpu.memory_space<vmem>> -> memref<128x128xf32, #tpu.memory_space<vmem>>
      tpu.wait_dma2 semaphore(%arg12 : memref<!tpu.dma_semaphore, #tpu.memory_space<semaphore_mem>>) src(%dma_wait3A_395 : memref<128x128xf32, #tpu.memory_space<vmem>>) dst(%dma_wait3A_391 : memref<128x128xf32, #tpu.memory_space<hbm>>)
      %dma_wait3A_396 = arith.constant 3 : i32
      %dma_wait3A_397 = arith.constant 0 : i32
      %dma_wait3A_398 = arith.constant 0 : i32
      %dma_wait3A_399 = tpu.memref_slice %arg9[%dma_wait3A_396, %dma_wait3A_397, %dma_wait3A_398] : memref<5x128x128xf32, #tpu.memory_space<vmem>> -> memref<1x128x128xf32, #tpu.memory_space<vmem>>
      %dma_wait3A_400 = tpu.memref_squeeze %dma_wait3A_399 : memref<1x128x128xf32, #tpu.memory_space<vmem>> -> memref<128x128xf32, #tpu.memory_space<vmem>>
      %dma_wait3A_401 = arith.constant 0 : i32
      %dma_wait3A_402 = arith.constant 0 : i32
      %dma_wait3A_403 = tpu.memref_slice %arg6[%add3A_296, %dma_wait3A_401, %dma_wait3A_402] : memref<1600x128x128xf32, #tpu.memory_space<hbm>> -> memref<1x128x128xf32, #tpu.memory_space<hbm>>
      %dma_wait3A_404 = tpu.memref_squeeze %dma_wait3A_403 : memref<1x128x128xf32, #tpu.memory_space<hbm>> -> memref<128x128xf32, #tpu.memory_space<hbm>>
      %dma_wait3A_405 = arith.constant 0 : i32
      %dma_wait3A_406 = arith.constant 0 : i32
      %dma_wait3A_407 = tpu.memref_slice %arg6[%add3A_296, %dma_wait3A_405, %dma_wait3A_406] : memref<1600x128x128xf32, #tpu.memory_space<hbm>> -> memref<1x128x128xf32, #tpu.memory_space<hbm>>
      %dma_wait3A_408 = tpu.memref_squeeze %dma_wait3A_407 : memref<1x128x128xf32, #tpu.memory_space<hbm>> -> memref<128x128xf32, #tpu.memory_space<hbm>>
      %dma_wait3A_409 = arith.constant 0 : i32
      %dma_wait3A_410 = arith.constant 0 : i32
      %dma_wait3A_411 = tpu.memref_slice %arg9[%dma_wait3A_396, %dma_wait3A_409, %dma_wait3A_410] : memref<5x128x128xf32, #tpu.memory_space<vmem>> -> memref<1x128x128xf32, #tpu.memory_space<vmem>>
      %dma_wait3A_412 = tpu.memref_squeeze %dma_wait3A_411 : memref<1x128x128xf32, #tpu.memory_space<vmem>> -> memref<128x128xf32, #tpu.memory_space<vmem>>
      tpu.wait_dma2 semaphore(%arg12 : memref<!tpu.dma_semaphore, #tpu.memory_space<semaphore_mem>>) src(%dma_wait3A_412 : memref<128x128xf32, #tpu.memory_space<vmem>>) dst(%dma_wait3A_408 : memref<128x128xf32, #tpu.memory_space<hbm>>)
      %dma_wait3A_413 = arith.constant 4 : i32
      %dma_wait3A_414 = arith.constant 0 : i32
      %dma_wait3A_415 = arith.constant 0 : i32
      %dma_wait3A_416 = tpu.memref_slice %arg9[%dma_wait3A_413, %dma_wait3A_414, %dma_wait3A_415] : memref<5x128x128xf32, #tpu.memory_space<vmem>> -> memref<1x128x128xf32, #tpu.memory_space<vmem>>
      %dma_wait3A_417 = tpu.memref_squeeze %dma_wait3A_416 : memref<1x128x128xf32, #tpu.memory_space<vmem>> -> memref<128x128xf32, #tpu.memory_space<vmem>>
      %dma_wait3A_418 = arith.constant 0 : i32
      %dma_wait3A_419 = arith.constant 0 : i32
      %dma_wait3A_420 = tpu.memref_slice %arg6[%add3A_327, %dma_wait3A_418, %dma_wait3A_419] : memref<1600x128x128xf32, #tpu.memory_space<hbm>> -> memref<1x128x128xf32, #tpu.memory_space<hbm>>
      %dma_wait3A_421 = tpu.memref_squeeze %dma_wait3A_420 : memref<1x128x128xf32, #tpu.memory_space<hbm>> -> memref<128x128xf32, #tpu.memory_space<hbm>>
      %dma_wait3A_422 = arith.constant 0 : i32
      %dma_wait3A_423 = arith.constant 0 : i32
      %dma_wait3A_424 = tpu.memref_slice %arg6[%add3A_327, %dma_wait3A_422, %dma_wait3A_423] : memref<1600x128x128xf32, #tpu.memory_space<hbm>> -> memref<1x128x128xf32, #tpu.memory_space<hbm>>
      %dma_wait3A_425 = tpu.memref_squeeze %dma_wait3A_424 : memref<1x128x128xf32, #tpu.memory_space<hbm>> -> memref<128x128xf32, #tpu.memory_space<hbm>>
      %dma_wait3A_426 = arith.constant 0 : i32
      %dma_wait3A_427 = arith.constant 0 : i32
      %dma_wait3A_428 = tpu.memref_slice %arg9[%dma_wait3A_413, %dma_wait3A_426, %dma_wait3A_427] : memref<5x128x128xf32, #tpu.memory_space<vmem>> -> memref<1x128x128xf32, #tpu.memory_space<vmem>>
      %dma_wait3A_429 = tpu.memref_squeeze %dma_wait3A_428 : memref<1x128x128xf32, #tpu.memory_space<vmem>> -> memref<128x128xf32, #tpu.memory_space<vmem>>
      tpu.wait_dma2 semaphore(%arg12 : memref<!tpu.dma_semaphore, #tpu.memory_space<semaphore_mem>>) src(%dma_wait3A_429 : memref<128x128xf32, #tpu.memory_space<vmem>>) dst(%dma_wait3A_425 : memref<128x128xf32, #tpu.memory_space<hbm>>)
    }
    %scan3A_7 = arith.constant 10 : i32
    return
  }
}

#map = affine_map<(d0, d1) -> (0, 0)>
#map1 = affine_map<(d0, d1) -> (0, 0, 0)>
module attributes {stable_mosaic.version = 14 : i64} {
  func.func @k(%arg0: i32, %arg1: i32, %arg2: memref<1600x128xi32, #tpu.memory_space<hbm>>, %arg3: memref<1600x128xi32, #tpu.memory_space<hbm>>, %arg4: memref<1000000x128xf32, #tpu.memory_space<hbm>>, %arg5: memref<1000x128xf32, #tpu.memory_space<hbm>>, %arg6: memref<1600x128x128xf32, #tpu.memory_space<hbm>>, %arg7: memref<5x128xi32, #tpu.memory_space<vmem>>, %arg8: memref<5x128xi32, #tpu.memory_space<vmem>>, %arg9: memref<5x128x128xf32, #tpu.memory_space<vmem>>, %arg10: memref<!tpu.dma_semaphore, #tpu.memory_space<semaphore_mem>>, %arg11: memref<!tpu.dma_semaphore, #tpu.memory_space<semaphore_mem>>, %arg12: memref<!tpu.dma_semaphore, #tpu.memory_space<semaphore_mem>>) attributes {dimension_semantics = [#tpu.dimension_semantics<core_parallel>, #tpu.dimension_semantics<subcore_parallel>], iteration_bounds = array<i64: 2, 16>, scalar_prefetch = 0 : i64, scratch_operands = 6 : i64, tpu.core_type = #tpu.core_type<sc_vector_subcore>, window_params = [{transform_indices = #map}, {transform_indices = #map}, {transform_indices = #map}, {transform_indices = #map}, {transform_indices = #map1}]} {
    %mul3A = arith.constant 2 : i32
    %mul3A_0 = arith.muli %arg1, %mul3A : i32
    %add3A = arith.addi %mul3A_0, %arg0 : i32
    %mul3A_1 = arith.constant 50 : i32
    %mul3A_2 = arith.muli %add3A, %mul3A_1 : i32
    %scan3A = arith.constant 0 : i32
    %scan3A_3 = arith.constant 0 : i32
    %scan3A_4 = arith.constant 10 : i32
    %scan3A_5 = arith.addi %scan3A_3, %scan3A_4 : i32
    %scan3A_6 = arith.constant 1 : i32
    scf.for %scan3A_8 = %scan3A_3 to %scan3A_5 step %scan3A_6  : i32 {
      %mul3A_9 = arith.constant 5 : i32
      %mul3A_10 = arith.muli %scan3A_8, %mul3A_9 : i32
      %add3A_11 = arith.addi %mul3A_2, %mul3A_10 : i32
      "tpu.region"() ({
        %run_scoped3A = tpu.sem_alloc : memref<!tpu.dma_semaphore, #tpu.memory_space<semaphore_mem>>
        %dma_start3A_430 = arith.constant 0 : i32
        %dma_start3A_431 = tpu.memref_slice %arg2[%add3A_11, %dma_start3A_430] : memref<1600x128xi32, #tpu.memory_space<hbm>> -> memref<5x128xi32, #tpu.memory_space<hbm>>
        %dma_start3A_432 = arith.constant 0 : i32
        %dma_start3A_433 = tpu.memref_slice %arg2[%add3A_11, %dma_start3A_432] : memref<1600x128xi32, #tpu.memory_space<hbm>> -> memref<5x128xi32, #tpu.memory_space<hbm>>
        tpu.enqueue_dma source(%dma_start3A_433 : memref<5x128xi32, #tpu.memory_space<hbm>>) target(%arg7 : memref<5x128xi32, #tpu.memory_space<vmem>>) target_semaphore(%run_scoped3A : memref<!tpu.dma_semaphore, #tpu.memory_space<semaphore_mem>>)
        %dma_wait3A_434 = arith.constant 0 : i32
        %dma_wait3A_435 = tpu.memref_slice %arg2[%add3A_11, %dma_wait3A_434] : memref<1600x128xi32, #tpu.memory_space<hbm>> -> memref<5x128xi32, #tpu.memory_space<hbm>>
        %dma_wait3A_436 = arith.constant 0 : i32
        %dma_wait3A_437 = tpu.memref_slice %arg2[%add3A_11, %dma_wait3A_436] : memref<1600x128xi32, #tpu.memory_space<hbm>> -> memref<5x128xi32, #tpu.memory_space<hbm>>
        tpu.wait_dma2 semaphore(%run_scoped3A : memref<!tpu.dma_semaphore, #tpu.memory_space<semaphore_mem>>) src(%dma_wait3A_437 : memref<5x128xi32, #tpu.memory_space<hbm>>) dst(%arg7 : memref<5x128xi32, #tpu.memory_space<vmem>>)
        tpu.yield
      }) : () -> ()
      "tpu.region"() ({
        %run_scoped3A = tpu.sem_alloc : memref<!tpu.dma_semaphore, #tpu.memory_space<semaphore_mem>>
        %dma_start3A_430 = arith.constant 0 : i32
        %dma_start3A_431 = tpu.memref_slice %arg3[%add3A_11, %dma_start3A_430] : memref<1600x128xi32, #tpu.memory_space<hbm>> -> memref<5x128xi32, #tpu.memory_space<hbm>>
        %dma_start3A_432 = arith.constant 0 : i32
        %dma_start3A_433 = tpu.memref_slice %arg3[%add3A_11, %dma_start3A_432] : memref<1600x128xi32, #tpu.memory_space<hbm>> -> memref<5x128xi32, #tpu.memory_space<hbm>>
        tpu.enqueue_dma source(%dma_start3A_433 : memref<5x128xi32, #tpu.memory_space<hbm>>) target(%arg8 : memref<5x128xi32, #tpu.memory_space<vmem>>) target_semaphore(%run_scoped3A : memref<!tpu.dma_semaphore, #tpu.memory_space<semaphore_mem>>)
        %dma_wait3A_434 = arith.constant 0 : i32
        %dma_wait3A_435 = tpu.memref_slice %arg3[%add3A_11, %dma_wait3A_434] : memref<1600x128xi32, #tpu.memory_space<hbm>> -> memref<5x128xi32, #tpu.memory_space<hbm>>
        %dma_wait3A_436 = arith.constant 0 : i32
        %dma_wait3A_437 = tpu.memref_slice %arg3[%add3A_11, %dma_wait3A_436] : memref<1600x128xi32, #tpu.memory_space<hbm>> -> memref<5x128xi32, #tpu.memory_space<hbm>>
        tpu.wait_dma2 semaphore(%run_scoped3A : memref<!tpu.dma_semaphore, #tpu.memory_space<semaphore_mem>>) src(%dma_wait3A_437 : memref<5x128xi32, #tpu.memory_space<hbm>>) dst(%arg8 : memref<5x128xi32, #tpu.memory_space<vmem>>)
        tpu.yield
      }) : () -> ()
      %dma_start3A = arith.constant 0 : i32
      %dma_start3A_12 = arith.constant 0 : i32
      %dma_start3A_13 = arith.constant 0 : i32
      %dma_start3A_14 = arith.constant 0 : i32
      %dma_start3A_15 = tpu.memref_slice %arg9[%dma_start3A_12, %dma_start3A_13, %dma_start3A_14] : memref<5x128x128xf32, #tpu.memory_space<vmem>> -> memref<1x128x128xf32, #tpu.memory_space<vmem>>
      %dma_start3A_16 = tpu.memref_squeeze %dma_start3A_15 : memref<1x128x128xf32, #tpu.memory_space<vmem>> -> memref<128x128xf32, #tpu.memory_space<vmem>>
      %dma_start3A_17 = arith.constant 0 : i32
      %dma_start3A_18 = tpu.memref_slice %arg7[%dma_start3A, %dma_start3A_17] : memref<5x128xi32, #tpu.memory_space<vmem>> -> memref<1x128xi32, #tpu.memory_space<vmem>>
      %dma_start3A_19 = tpu.memref_squeeze %dma_start3A_18 : memref<1x128xi32, #tpu.memory_space<vmem>> -> memref<128xi32, #tpu.memory_space<vmem>>
      %dma_start3A_20 = arith.constant 0 : i32
      %dma_start3A_21 = arith.constant 0 : i32
      %dma_start3A_22 = tpu.memref_slice %arg4[%dma_start3A_20, %dma_start3A_21] : memref<1000000x128xf32, #tpu.memory_space<hbm>> -> memref<1000000x128xf32, #tpu.memory_space<hbm>>
      tpu.enqueue_indirect_dma source(%dma_start3A_22 : memref<1000000x128xf32, #tpu.memory_space<hbm>>) target(%dma_start3A_16 : memref<128x128xf32, #tpu.memory_space<vmem>>) offsets(%dma_start3A_19 : memref<128xi32, #tpu.memory_space<vmem>>) semaphore(%arg10 : memref<!tpu.dma_semaphore, #tpu.memory_space<semaphore_mem>>)
      %dma_start3A_23 = arith.constant 1 : i32
      %dma_start3A_24 = arith.constant 1 : i32
      %dma_start3A_25 = arith.constant 0 : i32
      %dma_start3A_26 = arith.constant 0 : i32
      %dma_start3A_27 = tpu.memref_slice %arg9[%dma_start3A_24, %dma_start3A_25, %dma_start3A_26] : memref<5x128x128xf32, #tpu.memory_space<vmem>> -> memref<1x128x128xf32, #tpu.memory_space<vmem>>
      %dma_start3A_28 = tpu.memref_squeeze %dma_start3A_27 : memref<1x128x128xf32, #tpu.memory_space<vmem>> -> memref<128x128xf32, #tpu.memory_space<vmem>>
      %dma_start3A_29 = arith.constant 0 : i32
      %dma_start3A_30 = tpu.memref_slice %arg7[%dma_start3A_23, %dma_start3A_29] : memref<5x128xi32, #tpu.memory_space<vmem>> -> memref<1x128xi32, #tpu.memory_space<vmem>>
      %dma_start3A_31 = tpu.memref_squeeze %dma_start3A_30 : memref<1x128xi32, #tpu.memory_space<vmem>> -> memref<128xi32, #tpu.memory_space<vmem>>
      %dma_start3A_32 = arith.constant 0 : i32
      %dma_start3A_33 = arith.constant 0 : i32
      %dma_start3A_34 = tpu.memref_slice %arg4[%dma_start3A_32, %dma_start3A_33] : memref<1000000x128xf32, #tpu.memory_space<hbm>> -> memref<1000000x128xf32, #tpu.memory_space<hbm>>
      tpu.enqueue_indirect_dma source(%dma_start3A_34 : memref<1000000x128xf32, #tpu.memory_space<hbm>>) target(%dma_start3A_28 : memref<128x128xf32, #tpu.memory_space<vmem>>) offsets(%dma_start3A_31 : memref<128xi32, #tpu.memory_space<vmem>>) semaphore(%arg10 : memref<!tpu.dma_semaphore, #tpu.memory_space<semaphore_mem>>)
      %dma_start3A_35 = arith.constant 2 : i32
      %dma_start3A_36 = arith.constant 2 : i32
      %dma_start3A_37 = arith.constant 0 : i32
      %dma_start3A_38 = arith.constant 0 : i32
      %dma_start3A_39 = tpu.memref_slice %arg9[%dma_start3A_36, %dma_start3A_37, %dma_start3A_38] : memref<5x128x128xf32, #tpu.memory_space<vmem>> -> memref<1x128x128xf32, #tpu.memory_space<vmem>>
      %dma_start3A_40 = tpu.memref_squeeze %dma_start3A_39 : memref<1x128x128xf32, #tpu.memory_space<vmem>> -> memref<128x128xf32, #tpu.memory_space<vmem>>
      %dma_start3A_41 = arith.constant 0 : i32
      %dma_start3A_42 = tpu.memref_slice %arg7[%dma_start3A_35, %dma_start3A_41] : memref<5x128xi32, #tpu.memory_space<vmem>> -> memref<1x128xi32, #tpu.memory_space<vmem>>
      %dma_start3A_43 = tpu.memref_squeeze %dma_start3A_42 : memref<1x128xi32, #tpu.memory_space<vmem>> -> memref<128xi32, #tpu.memory_space<vmem>>
      %dma_start3A_44 = arith.constant 0 : i32
      %dma_start3A_45 = arith.constant 0 : i32
      %dma_start3A_46 = tpu.memref_slice %arg4[%dma_start3A_44, %dma_start3A_45] : memref<1000000x128xf32, #tpu.memory_space<hbm>> -> memref<1000000x128xf32, #tpu.memory_space<hbm>>
      tpu.enqueue_indirect_dma source(%dma_start3A_46 : memref<1000000x128xf32, #tpu.memory_space<hbm>>) target(%dma_start3A_40 : memref<128x128xf32, #tpu.memory_space<vmem>>) offsets(%dma_start3A_43 : memref<128xi32, #tpu.memory_space<vmem>>) semaphore(%arg10 : memref<!tpu.dma_semaphore, #tpu.memory_space<semaphore_mem>>)
      %dma_start3A_47 = arith.constant 3 : i32
      %dma_start3A_48 = arith.constant 3 : i32
      %dma_start3A_49 = arith.constant 0 : i32
      %dma_start3A_50 = arith.constant 0 : i32
      %dma_start3A_51 = tpu.memref_slice %arg9[%dma_start3A_48, %dma_start3A_49, %dma_start3A_50] : memref<5x128x128xf32, #tpu.memory_space<vmem>> -> memref<1x128x128xf32, #tpu.memory_space<vmem>>
      %dma_start3A_52 = tpu.memref_squeeze %dma_start3A_51 : memref<1x128x128xf32, #tpu.memory_space<vmem>> -> memref<128x128xf32, #tpu.memory_space<vmem>>
      %dma_start3A_53 = arith.constant 0 : i32
      %dma_start3A_54 = tpu.memref_slice %arg7[%dma_start3A_47, %dma_start3A_53] : memref<5x128xi32, #tpu.memory_space<vmem>> -> memref<1x128xi32, #tpu.memory_space<vmem>>
      %dma_start3A_55 = tpu.memref_squeeze %dma_start3A_54 : memref<1x128xi32, #tpu.memory_space<vmem>> -> memref<128xi32, #tpu.memory_space<vmem>>
      %dma_start3A_56 = arith.constant 0 : i32
      %dma_start3A_57 = arith.constant 0 : i32
      %dma_start3A_58 = tpu.memref_slice %arg4[%dma_start3A_56, %dma_start3A_57] : memref<1000000x128xf32, #tpu.memory_space<hbm>> -> memref<1000000x128xf32, #tpu.memory_space<hbm>>
      tpu.enqueue_indirect_dma source(%dma_start3A_58 : memref<1000000x128xf32, #tpu.memory_space<hbm>>) target(%dma_start3A_52 : memref<128x128xf32, #tpu.memory_space<vmem>>) offsets(%dma_start3A_55 : memref<128xi32, #tpu.memory_space<vmem>>) semaphore(%arg10 : memref<!tpu.dma_semaphore, #tpu.memory_space<semaphore_mem>>)
      %dma_start3A_59 = arith.constant 4 : i32
      %dma_start3A_60 = arith.constant 4 : i32
      %dma_start3A_61 = arith.constant 0 : i32
      %dma_start3A_62 = arith.constant 0 : i32
      %dma_start3A_63 = tpu.memref_slice %arg9[%dma_start3A_60, %dma_start3A_61, %dma_start3A_62] : memref<5x128x128xf32, #tpu.memory_space<vmem>> -> memref<1x128x128xf32, #tpu.memory_space<vmem>>
      %dma_start3A_64 = tpu.memref_squeeze %dma_start3A_63 : memref<1x128x128xf32, #tpu.memory_space<vmem>> -> memref<128x128xf32, #tpu.memory_space<vmem>>
      %dma_start3A_65 = arith.constant 0 : i32
      %dma_start3A_66 = tpu.memref_slice %arg7[%dma_start3A_59, %dma_start3A_65] : memref<5x128xi32, #tpu.memory_space<vmem>> -> memref<1x128xi32, #tpu.memory_space<vmem>>
      %dma_start3A_67 = tpu.memref_squeeze %dma_start3A_66 : memref<1x128xi32, #tpu.memory_space<vmem>> -> memref<128xi32, #tpu.memory_space<vmem>>
      %dma_start3A_68 = arith.constant 0 : i32
      %dma_start3A_69 = arith.constant 0 : i32
      %dma_start3A_70 = tpu.memref_slice %arg4[%dma_start3A_68, %dma_start3A_69] : memref<1000000x128xf32, #tpu.memory_space<hbm>> -> memref<1000000x128xf32, #tpu.memory_space<hbm>>
      tpu.enqueue_indirect_dma source(%dma_start3A_70 : memref<1000000x128xf32, #tpu.memory_space<hbm>>) target(%dma_start3A_64 : memref<128x128xf32, #tpu.memory_space<vmem>>) offsets(%dma_start3A_67 : memref<128xi32, #tpu.memory_space<vmem>>) semaphore(%arg10 : memref<!tpu.dma_semaphore, #tpu.memory_space<semaphore_mem>>)
      %dma_wait3A = arith.constant 0 : i32
      %dma_wait3A_71 = arith.constant 0 : i32
      %dma_wait3A_72 = arith.constant 0 : i32
      %dma_wait3A_73 = arith.constant 0 : i32
      %dma_wait3A_74 = tpu.memref_slice %arg9[%dma_wait3A_71, %dma_wait3A_72, %dma_wait3A_73] : memref<5x128x128xf32, #tpu.memory_space<vmem>> -> memref<1x128x128xf32, #tpu.memory_space<vmem>>
      %dma_wait3A_75 = tpu.memref_squeeze %dma_wait3A_74 : memref<1x128x128xf32, #tpu.memory_space<vmem>> -> memref<128x128xf32, #tpu.memory_space<vmem>>
      %dma_wait3A_76 = arith.constant 0 : i32
      %dma_wait3A_77 = tpu.memref_slice %arg7[%dma_wait3A, %dma_wait3A_76] : memref<5x128xi32, #tpu.memory_space<vmem>> -> memref<1x128xi32, #tpu.memory_space<vmem>>
      %dma_wait3A_78 = tpu.memref_squeeze %dma_wait3A_77 : memref<1x128xi32, #tpu.memory_space<vmem>> -> memref<128xi32, #tpu.memory_space<vmem>>
      %dma_wait3A_79 = arith.constant 0 : i32
      %dma_wait3A_80 = arith.constant 0 : i32
      %dma_wait3A_81 = tpu.memref_slice %arg4[%dma_wait3A_79, %dma_wait3A_80] : memref<1000000x128xf32, #tpu.memory_space<hbm>> -> memref<1000000x128xf32, #tpu.memory_space<hbm>>
      tpu.wait_indirect_dma semaphore(%arg10 : memref<!tpu.dma_semaphore, #tpu.memory_space<semaphore_mem>>) src(%dma_wait3A_81 : memref<1000000x128xf32, #tpu.memory_space<hbm>>) dst(%dma_wait3A_75 : memref<128x128xf32, #tpu.memory_space<vmem>>)
      %dma_start3A_82 = arith.constant 0 : i32
      %dma_start3A_83 = arith.constant 0 : i32
      %dma_start3A_84 = arith.constant 0 : i32
      %dma_start3A_85 = arith.constant 0 : i32
      %dma_start3A_86 = tpu.memref_slice %arg9[%dma_start3A_83, %dma_start3A_84, %dma_start3A_85] : memref<5x128x128xf32, #tpu.memory_space<vmem>> -> memref<1x128x128xf32, #tpu.memory_space<vmem>>
      %dma_start3A_87 = tpu.memref_squeeze %dma_start3A_86 : memref<1x128x128xf32, #tpu.memory_space<vmem>> -> memref<128x128xf32, #tpu.memory_space<vmem>>
      %dma_start3A_88 = arith.constant 0 : i32
      %dma_start3A_89 = tpu.memref_slice %arg8[%dma_start3A_82, %dma_start3A_88] : memref<5x128xi32, #tpu.memory_space<vmem>> -> memref<1x128xi32, #tpu.memory_space<vmem>>
      %dma_start3A_90 = tpu.memref_squeeze %dma_start3A_89 : memref<1x128xi32, #tpu.memory_space<vmem>> -> memref<128xi32, #tpu.memory_space<vmem>>
      %dma_start3A_91 = arith.constant 0 : i32
      %dma_start3A_92 = arith.constant 0 : i32
      %dma_start3A_93 = tpu.memref_slice %arg5[%dma_start3A_91, %dma_start3A_92] : memref<1000x128xf32, #tpu.memory_space<hbm>> -> memref<1000x128xf32, #tpu.memory_space<hbm>>
      tpu.enqueue_indirect_dma source(%dma_start3A_93 : memref<1000x128xf32, #tpu.memory_space<hbm>>) target(%dma_start3A_87 : memref<128x128xf32, #tpu.memory_space<vmem>>) offsets(%dma_start3A_90 : memref<128xi32, #tpu.memory_space<vmem>>) semaphore(%arg11 : memref<!tpu.dma_semaphore, #tpu.memory_space<semaphore_mem>>) {add = true}
      %dma_wait3A_94 = arith.constant 1 : i32
      %dma_wait3A_95 = arith.constant 1 : i32
      %dma_wait3A_96 = arith.constant 0 : i32
      %dma_wait3A_97 = arith.constant 0 : i32
      %dma_wait3A_98 = tpu.memref_slice %arg9[%dma_wait3A_95, %dma_wait3A_96, %dma_wait3A_97] : memref<5x128x128xf32, #tpu.memory_space<vmem>> -> memref<1x128x128xf32, #tpu.memory_space<vmem>>
      %dma_wait3A_99 = tpu.memref_squeeze %dma_wait3A_98 : memref<1x128x128xf32, #tpu.memory_space<vmem>> -> memref<128x128xf32, #tpu.memory_space<vmem>>
      %dma_wait3A_100 = arith.constant 0 : i32
      %dma_wait3A_101 = tpu.memref_slice %arg7[%dma_wait3A_94, %dma_wait3A_100] : memref<5x128xi32, #tpu.memory_space<vmem>> -> memref<1x128xi32, #tpu.memory_space<vmem>>
      %dma_wait3A_102 = tpu.memref_squeeze %dma_wait3A_101 : memref<1x128xi32, #tpu.memory_space<vmem>> -> memref<128xi32, #tpu.memory_space<vmem>>
      %dma_wait3A_103 = arith.constant 0 : i32
      %dma_wait3A_104 = arith.constant 0 : i32
      %dma_wait3A_105 = tpu.memref_slice %arg4[%dma_wait3A_103, %dma_wait3A_104] : memref<1000000x128xf32, #tpu.memory_space<hbm>> -> memref<1000000x128xf32, #tpu.memory_space<hbm>>
      tpu.wait_indirect_dma semaphore(%arg10 : memref<!tpu.dma_semaphore, #tpu.memory_space<semaphore_mem>>) src(%dma_wait3A_105 : memref<1000000x128xf32, #tpu.memory_space<hbm>>) dst(%dma_wait3A_99 : memref<128x128xf32, #tpu.memory_space<vmem>>)
      %dma_start3A_106 = arith.constant 1 : i32
      %dma_start3A_107 = arith.constant 1 : i32
      %dma_start3A_108 = arith.constant 0 : i32
      %dma_start3A_109 = arith.constant 0 : i32
      %dma_start3A_110 = tpu.memref_slice %arg9[%dma_start3A_107, %dma_start3A_108, %dma_start3A_109] : memref<5x128x128xf32, #tpu.memory_space<vmem>> -> memref<1x128x128xf32, #tpu.memory_space<vmem>>
      %dma_start3A_111 = tpu.memref_squeeze %dma_start3A_110 : memref<1x128x128xf32, #tpu.memory_space<vmem>> -> memref<128x128xf32, #tpu.memory_space<vmem>>
      %dma_start3A_112 = arith.constant 0 : i32
      %dma_start3A_113 = tpu.memref_slice %arg8[%dma_start3A_106, %dma_start3A_112] : memref<5x128xi32, #tpu.memory_space<vmem>> -> memref<1x128xi32, #tpu.memory_space<vmem>>
      %dma_start3A_114 = tpu.memref_squeeze %dma_start3A_113 : memref<1x128xi32, #tpu.memory_space<vmem>> -> memref<128xi32, #tpu.memory_space<vmem>>
      %dma_start3A_115 = arith.constant 0 : i32
      %dma_start3A_116 = arith.constant 0 : i32
      %dma_start3A_117 = tpu.memref_slice %arg5[%dma_start3A_115, %dma_start3A_116] : memref<1000x128xf32, #tpu.memory_space<hbm>> -> memref<1000x128xf32, #tpu.memory_space<hbm>>
      tpu.enqueue_indirect_dma source(%dma_start3A_117 : memref<1000x128xf32, #tpu.memory_space<hbm>>) target(%dma_start3A_111 : memref<128x128xf32, #tpu.memory_space<vmem>>) offsets(%dma_start3A_114 : memref<128xi32, #tpu.memory_space<vmem>>) semaphore(%arg11 : memref<!tpu.dma_semaphore, #tpu.memory_space<semaphore_mem>>) {add = true}
      %dma_wait3A_118 = arith.constant 2 : i32
      %dma_wait3A_119 = arith.constant 2 : i32
      %dma_wait3A_120 = arith.constant 0 : i32
      %dma_wait3A_121 = arith.constant 0 : i32
      %dma_wait3A_122 = tpu.memref_slice %arg9[%dma_wait3A_119, %dma_wait3A_120, %dma_wait3A_121] : memref<5x128x128xf32, #tpu.memory_space<vmem>> -> memref<1x128x128xf32, #tpu.memory_space<vmem>>
      %dma_wait3A_123 = tpu.memref_squeeze %dma_wait3A_122 : memref<1x128x128xf32, #tpu.memory_space<vmem>> -> memref<128x128xf32, #tpu.memory_space<vmem>>
      %dma_wait3A_124 = arith.constant 0 : i32
      %dma_wait3A_125 = tpu.memref_slice %arg7[%dma_wait3A_118, %dma_wait3A_124] : memref<5x128xi32, #tpu.memory_space<vmem>> -> memref<1x128xi32, #tpu.memory_space<vmem>>
      %dma_wait3A_126 = tpu.memref_squeeze %dma_wait3A_125 : memref<1x128xi32, #tpu.memory_space<vmem>> -> memref<128xi32, #tpu.memory_space<vmem>>
      %dma_wait3A_127 = arith.constant 0 : i32
      %dma_wait3A_128 = arith.constant 0 : i32
      %dma_wait3A_129 = tpu.memref_slice %arg4[%dma_wait3A_127, %dma_wait3A_128] : memref<1000000x128xf32, #tpu.memory_space<hbm>> -> memref<1000000x128xf32, #tpu.memory_space<hbm>>
      tpu.wait_indirect_dma semaphore(%arg10 : memref<!tpu.dma_semaphore, #tpu.memory_space<semaphore_mem>>) src(%dma_wait3A_129 : memref<1000000x128xf32, #tpu.memory_space<hbm>>) dst(%dma_wait3A_123 : memref<128x128xf32, #tpu.memory_space<vmem>>)
      %dma_start3A_130 = arith.constant 2 : i32
      %dma_start3A_131 = arith.constant 2 : i32
      %dma_start3A_132 = arith.constant 0 : i32
      %dma_start3A_133 = arith.constant 0 : i32
      %dma_start3A_134 = tpu.memref_slice %arg9[%dma_start3A_131, %dma_start3A_132, %dma_start3A_133] : memref<5x128x128xf32, #tpu.memory_space<vmem>> -> memref<1x128x128xf32, #tpu.memory_space<vmem>>
      %dma_start3A_135 = tpu.memref_squeeze %dma_start3A_134 : memref<1x128x128xf32, #tpu.memory_space<vmem>> -> memref<128x128xf32, #tpu.memory_space<vmem>>
      %dma_start3A_136 = arith.constant 0 : i32
      %dma_start3A_137 = tpu.memref_slice %arg8[%dma_start3A_130, %dma_start3A_136] : memref<5x128xi32, #tpu.memory_space<vmem>> -> memref<1x128xi32, #tpu.memory_space<vmem>>
      %dma_start3A_138 = tpu.memref_squeeze %dma_start3A_137 : memref<1x128xi32, #tpu.memory_space<vmem>> -> memref<128xi32, #tpu.memory_space<vmem>>
      %dma_start3A_139 = arith.constant 0 : i32
      %dma_start3A_140 = arith.constant 0 : i32
      %dma_start3A_141 = tpu.memref_slice %arg5[%dma_start3A_139, %dma_start3A_140] : memref<1000x128xf32, #tpu.memory_space<hbm>> -> memref<1000x128xf32, #tpu.memory_space<hbm>>
      tpu.enqueue_indirect_dma source(%dma_start3A_141 : memref<1000x128xf32, #tpu.memory_space<hbm>>) target(%dma_start3A_135 : memref<128x128xf32, #tpu.memory_space<vmem>>) offsets(%dma_start3A_138 : memref<128xi32, #tpu.memory_space<vmem>>) semaphore(%arg11 : memref<!tpu.dma_semaphore, #tpu.memory_space<semaphore_mem>>) {add = true}
      %dma_wait3A_142 = arith.constant 3 : i32
      %dma_wait3A_143 = arith.constant 3 : i32
      %dma_wait3A_144 = arith.constant 0 : i32
      %dma_wait3A_145 = arith.constant 0 : i32
      %dma_wait3A_146 = tpu.memref_slice %arg9[%dma_wait3A_143, %dma_wait3A_144, %dma_wait3A_145] : memref<5x128x128xf32, #tpu.memory_space<vmem>> -> memref<1x128x128xf32, #tpu.memory_space<vmem>>
      %dma_wait3A_147 = tpu.memref_squeeze %dma_wait3A_146 : memref<1x128x128xf32, #tpu.memory_space<vmem>> -> memref<128x128xf32, #tpu.memory_space<vmem>>
      %dma_wait3A_148 = arith.constant 0 : i32
      %dma_wait3A_149 = tpu.memref_slice %arg7[%dma_wait3A_142, %dma_wait3A_148] : memref<5x128xi32, #tpu.memory_space<vmem>> -> memref<1x128xi32, #tpu.memory_space<vmem>>
      %dma_wait3A_150 = tpu.memref_squeeze %dma_wait3A_149 : memref<1x128xi32, #tpu.memory_space<vmem>> -> memref<128xi32, #tpu.memory_space<vmem>>
      %dma_wait3A_151 = arith.constant 0 : i32
      %dma_wait3A_152 = arith.constant 0 : i32
      %dma_wait3A_153 = tpu.memref_slice %arg4[%dma_wait3A_151, %dma_wait3A_152] : memref<1000000x128xf32, #tpu.memory_space<hbm>> -> memref<1000000x128xf32, #tpu.memory_space<hbm>>
      tpu.wait_indirect_dma semaphore(%arg10 : memref<!tpu.dma_semaphore, #tpu.memory_space<semaphore_mem>>) src(%dma_wait3A_153 : memref<1000000x128xf32, #tpu.memory_space<hbm>>) dst(%dma_wait3A_147 : memref<128x128xf32, #tpu.memory_space<vmem>>)
      %dma_start3A_154 = arith.constant 3 : i32
      %dma_start3A_155 = arith.constant 3 : i32
      %dma_start3A_156 = arith.constant 0 : i32
      %dma_start3A_157 = arith.constant 0 : i32
      %dma_start3A_158 = tpu.memref_slice %arg9[%dma_start3A_155, %dma_start3A_156, %dma_start3A_157] : memref<5x128x128xf32, #tpu.memory_space<vmem>> -> memref<1x128x128xf32, #tpu.memory_space<vmem>>
      %dma_start3A_159 = tpu.memref_squeeze %dma_start3A_158 : memref<1x128x128xf32, #tpu.memory_space<vmem>> -> memref<128x128xf32, #tpu.memory_space<vmem>>
      %dma_start3A_160 = arith.constant 0 : i32
      %dma_start3A_161 = tpu.memref_slice %arg8[%dma_start3A_154, %dma_start3A_160] : memref<5x128xi32, #tpu.memory_space<vmem>> -> memref<1x128xi32, #tpu.memory_space<vmem>>
      %dma_start3A_162 = tpu.memref_squeeze %dma_start3A_161 : memref<1x128xi32, #tpu.memory_space<vmem>> -> memref<128xi32, #tpu.memory_space<vmem>>
      %dma_start3A_163 = arith.constant 0 : i32
      %dma_start3A_164 = arith.constant 0 : i32
      %dma_start3A_165 = tpu.memref_slice %arg5[%dma_start3A_163, %dma_start3A_164] : memref<1000x128xf32, #tpu.memory_space<hbm>> -> memref<1000x128xf32, #tpu.memory_space<hbm>>
      tpu.enqueue_indirect_dma source(%dma_start3A_165 : memref<1000x128xf32, #tpu.memory_space<hbm>>) target(%dma_start3A_159 : memref<128x128xf32, #tpu.memory_space<vmem>>) offsets(%dma_start3A_162 : memref<128xi32, #tpu.memory_space<vmem>>) semaphore(%arg11 : memref<!tpu.dma_semaphore, #tpu.memory_space<semaphore_mem>>) {add = true}
      %dma_wait3A_166 = arith.constant 4 : i32
      %dma_wait3A_167 = arith.constant 4 : i32
      %dma_wait3A_168 = arith.constant 0 : i32
      %dma_wait3A_169 = arith.constant 0 : i32
      %dma_wait3A_170 = tpu.memref_slice %arg9[%dma_wait3A_167, %dma_wait3A_168, %dma_wait3A_169] : memref<5x128x128xf32, #tpu.memory_space<vmem>> -> memref<1x128x128xf32, #tpu.memory_space<vmem>>
      %dma_wait3A_171 = tpu.memref_squeeze %dma_wait3A_170 : memref<1x128x128xf32, #tpu.memory_space<vmem>> -> memref<128x128xf32, #tpu.memory_space<vmem>>
      %dma_wait3A_172 = arith.constant 0 : i32
      %dma_wait3A_173 = tpu.memref_slice %arg7[%dma_wait3A_166, %dma_wait3A_172] : memref<5x128xi32, #tpu.memory_space<vmem>> -> memref<1x128xi32, #tpu.memory_space<vmem>>
      %dma_wait3A_174 = tpu.memref_squeeze %dma_wait3A_173 : memref<1x128xi32, #tpu.memory_space<vmem>> -> memref<128xi32, #tpu.memory_space<vmem>>
      %dma_wait3A_175 = arith.constant 0 : i32
      %dma_wait3A_176 = arith.constant 0 : i32
      %dma_wait3A_177 = tpu.memref_slice %arg4[%dma_wait3A_175, %dma_wait3A_176] : memref<1000000x128xf32, #tpu.memory_space<hbm>> -> memref<1000000x128xf32, #tpu.memory_space<hbm>>
      tpu.wait_indirect_dma semaphore(%arg10 : memref<!tpu.dma_semaphore, #tpu.memory_space<semaphore_mem>>) src(%dma_wait3A_177 : memref<1000000x128xf32, #tpu.memory_space<hbm>>) dst(%dma_wait3A_171 : memref<128x128xf32, #tpu.memory_space<vmem>>)
      %dma_start3A_178 = arith.constant 4 : i32
      %dma_start3A_179 = arith.constant 4 : i32
      %dma_start3A_180 = arith.constant 0 : i32
      %dma_start3A_181 = arith.constant 0 : i32
      %dma_start3A_182 = tpu.memref_slice %arg9[%dma_start3A_179, %dma_start3A_180, %dma_start3A_181] : memref<5x128x128xf32, #tpu.memory_space<vmem>> -> memref<1x128x128xf32, #tpu.memory_space<vmem>>
      %dma_start3A_183 = tpu.memref_squeeze %dma_start3A_182 : memref<1x128x128xf32, #tpu.memory_space<vmem>> -> memref<128x128xf32, #tpu.memory_space<vmem>>
      %dma_start3A_184 = arith.constant 0 : i32
      %dma_start3A_185 = tpu.memref_slice %arg8[%dma_start3A_178, %dma_start3A_184] : memref<5x128xi32, #tpu.memory_space<vmem>> -> memref<1x128xi32, #tpu.memory_space<vmem>>
      %dma_start3A_186 = tpu.memref_squeeze %dma_start3A_185 : memref<1x128xi32, #tpu.memory_space<vmem>> -> memref<128xi32, #tpu.memory_space<vmem>>
      %dma_start3A_187 = arith.constant 0 : i32
      %dma_start3A_188 = arith.constant 0 : i32
      %dma_start3A_189 = tpu.memref_slice %arg5[%dma_start3A_187, %dma_start3A_188] : memref<1000x128xf32, #tpu.memory_space<hbm>> -> memref<1000x128xf32, #tpu.memory_space<hbm>>
      tpu.enqueue_indirect_dma source(%dma_start3A_189 : memref<1000x128xf32, #tpu.memory_space<hbm>>) target(%dma_start3A_183 : memref<128x128xf32, #tpu.memory_space<vmem>>) offsets(%dma_start3A_186 : memref<128xi32, #tpu.memory_space<vmem>>) semaphore(%arg11 : memref<!tpu.dma_semaphore, #tpu.memory_space<semaphore_mem>>) {add = true}
      %dma_wait3A_190 = arith.constant 0 : i32
      %dma_wait3A_191 = arith.constant 0 : i32
      %dma_wait3A_192 = arith.constant 0 : i32
      %dma_wait3A_193 = arith.constant 0 : i32
      %dma_wait3A_194 = tpu.memref_slice %arg9[%dma_wait3A_191, %dma_wait3A_192, %dma_wait3A_193] : memref<5x128x128xf32, #tpu.memory_space<vmem>> -> memref<1x128x128xf32, #tpu.memory_space<vmem>>
      %dma_wait3A_195 = tpu.memref_squeeze %dma_wait3A_194 : memref<1x128x128xf32, #tpu.memory_space<vmem>> -> memref<128x128xf32, #tpu.memory_space<vmem>>
      %dma_wait3A_196 = arith.constant 0 : i32
      %dma_wait3A_197 = tpu.memref_slice %arg8[%dma_wait3A_190, %dma_wait3A_196] : memref<5x128xi32, #tpu.memory_space<vmem>> -> memref<1x128xi32, #tpu.memory_space<vmem>>
      %dma_wait3A_198 = tpu.memref_squeeze %dma_wait3A_197 : memref<1x128xi32, #tpu.memory_space<vmem>> -> memref<128xi32, #tpu.memory_space<vmem>>
      %dma_wait3A_199 = arith.constant 0 : i32
      %dma_wait3A_200 = arith.constant 0 : i32
      %dma_wait3A_201 = tpu.memref_slice %arg5[%dma_wait3A_199, %dma_wait3A_200] : memref<1000x128xf32, #tpu.memory_space<hbm>> -> memref<1000x128xf32, #tpu.memory_space<hbm>>
      tpu.wait_indirect_dma semaphore(%arg11 : memref<!tpu.dma_semaphore, #tpu.memory_space<semaphore_mem>>) src(%dma_wait3A_201 : memref<1000x128xf32, #tpu.memory_space<hbm>>) dst(%dma_wait3A_195 : memref<128x128xf32, #tpu.memory_space<vmem>>)
      %add3A_202 = arith.constant 0 : i32
      %add3A_203 = arith.addi %add3A_11, %add3A_202 : i32
      %dma_start3A_204 = arith.constant 0 : i32
      %dma_start3A_205 = arith.constant 0 : i32
      %dma_start3A_206 = arith.constant 0 : i32
      %dma_start3A_207 = tpu.memref_slice %arg9[%dma_start3A_204, %dma_start3A_205, %dma_start3A_206] : memref<5x128x128xf32, #tpu.memory_space<vmem>> -> memref<1x128x128xf32, #tpu.memory_space<vmem>>
      %dma_start3A_208 = tpu.memref_squeeze %dma_start3A_207 : memref<1x128x128xf32, #tpu.memory_space<vmem>> -> memref<128x128xf32, #tpu.memory_space<vmem>>
      %dma_start3A_209 = arith.constant 0 : i32
      %dma_start3A_210 = arith.constant 0 : i32
      %dma_start3A_211 = tpu.memref_slice %arg6[%add3A_203, %dma_start3A_209, %dma_start3A_210] : memref<1600x128x128xf32, #tpu.memory_space<hbm>> -> memref<1x128x128xf32, #tpu.memory_space<hbm>>
      %dma_start3A_212 = tpu.memref_squeeze %dma_start3A_211 : memref<1x128x128xf32, #tpu.memory_space<hbm>> -> memref<128x128xf32, #tpu.memory_space<hbm>>
      %dma_start3A_213 = arith.constant 0 : i32
      %dma_start3A_214 = arith.constant 0 : i32
      %dma_start3A_215 = tpu.memref_slice %arg6[%add3A_203, %dma_start3A_213, %dma_start3A_214] : memref<1600x128x128xf32, #tpu.memory_space<hbm>> -> memref<1x128x128xf32, #tpu.memory_space<hbm>>
      %dma_start3A_216 = tpu.memref_squeeze %dma_start3A_215 : memref<1x128x128xf32, #tpu.memory_space<hbm>> -> memref<128x128xf32, #tpu.memory_space<hbm>>
      %dma_start3A_217 = arith.constant 0 : i32
      %dma_start3A_218 = arith.constant 0 : i32
      %dma_start3A_219 = tpu.memref_slice %arg9[%dma_start3A_204, %dma_start3A_217, %dma_start3A_218] : memref<5x128x128xf32, #tpu.memory_space<vmem>> -> memref<1x128x128xf32, #tpu.memory_space<vmem>>
      %dma_start3A_220 = tpu.memref_squeeze %dma_start3A_219 : memref<1x128x128xf32, #tpu.memory_space<vmem>> -> memref<128x128xf32, #tpu.memory_space<vmem>>
      tpu.enqueue_dma source(%dma_start3A_220 : memref<128x128xf32, #tpu.memory_space<vmem>>) target(%dma_start3A_216 : memref<128x128xf32, #tpu.memory_space<hbm>>) target_semaphore(%arg12 : memref<!tpu.dma_semaphore, #tpu.memory_space<semaphore_mem>>)
      %dma_wait3A_221 = arith.constant 1 : i32
      %dma_wait3A_222 = arith.constant 1 : i32
      %dma_wait3A_223 = arith.constant 0 : i32
      %dma_wait3A_224 = arith.constant 0 : i32
      %dma_wait3A_225 = tpu.memref_slice %arg9[%dma_wait3A_222, %dma_wait3A_223, %dma_wait3A_224] : memref<5x128x128xf32, #tpu.memory_space<vmem>> -> memref<1x128x128xf32, #tpu.memory_space<vmem>>
      %dma_wait3A_226 = tpu.memref_squeeze %dma_wait3A_225 : memref<1x128x128xf32, #tpu.memory_space<vmem>> -> memref<128x128xf32, #tpu.memory_space<vmem>>
      %dma_wait3A_227 = arith.constant 0 : i32
      %dma_wait3A_228 = tpu.memref_slice %arg8[%dma_wait3A_221, %dma_wait3A_227] : memref<5x128xi32, #tpu.memory_space<vmem>> -> memref<1x128xi32, #tpu.memory_space<vmem>>
      %dma_wait3A_229 = tpu.memref_squeeze %dma_wait3A_228 : memref<1x128xi32, #tpu.memory_space<vmem>> -> memref<128xi32, #tpu.memory_space<vmem>>
      %dma_wait3A_230 = arith.constant 0 : i32
      %dma_wait3A_231 = arith.constant 0 : i32
      %dma_wait3A_232 = tpu.memref_slice %arg5[%dma_wait3A_230, %dma_wait3A_231] : memref<1000x128xf32, #tpu.memory_space<hbm>> -> memref<1000x128xf32, #tpu.memory_space<hbm>>
      tpu.wait_indirect_dma semaphore(%arg11 : memref<!tpu.dma_semaphore, #tpu.memory_space<semaphore_mem>>) src(%dma_wait3A_232 : memref<1000x128xf32, #tpu.memory_space<hbm>>) dst(%dma_wait3A_226 : memref<128x128xf32, #tpu.memory_space<vmem>>)
      %add3A_233 = arith.constant 1 : i32
      %add3A_234 = arith.addi %add3A_11, %add3A_233 : i32
      %dma_start3A_235 = arith.constant 1 : i32
      %dma_start3A_236 = arith.constant 0 : i32
      %dma_start3A_237 = arith.constant 0 : i32
      %dma_start3A_238 = tpu.memref_slice %arg9[%dma_start3A_235, %dma_start3A_236, %dma_start3A_237] : memref<5x128x128xf32, #tpu.memory_space<vmem>> -> memref<1x128x128xf32, #tpu.memory_space<vmem>>
      %dma_start3A_239 = tpu.memref_squeeze %dma_start3A_238 : memref<1x128x128xf32, #tpu.memory_space<vmem>> -> memref<128x128xf32, #tpu.memory_space<vmem>>
      %dma_start3A_240 = arith.constant 0 : i32
      %dma_start3A_241 = arith.constant 0 : i32
      %dma_start3A_242 = tpu.memref_slice %arg6[%add3A_234, %dma_start3A_240, %dma_start3A_241] : memref<1600x128x128xf32, #tpu.memory_space<hbm>> -> memref<1x128x128xf32, #tpu.memory_space<hbm>>
      %dma_start3A_243 = tpu.memref_squeeze %dma_start3A_242 : memref<1x128x128xf32, #tpu.memory_space<hbm>> -> memref<128x128xf32, #tpu.memory_space<hbm>>
      %dma_start3A_244 = arith.constant 0 : i32
      %dma_start3A_245 = arith.constant 0 : i32
      %dma_start3A_246 = tpu.memref_slice %arg6[%add3A_234, %dma_start3A_244, %dma_start3A_245] : memref<1600x128x128xf32, #tpu.memory_space<hbm>> -> memref<1x128x128xf32, #tpu.memory_space<hbm>>
      %dma_start3A_247 = tpu.memref_squeeze %dma_start3A_246 : memref<1x128x128xf32, #tpu.memory_space<hbm>> -> memref<128x128xf32, #tpu.memory_space<hbm>>
      %dma_start3A_248 = arith.constant 0 : i32
      %dma_start3A_249 = arith.constant 0 : i32
      %dma_start3A_250 = tpu.memref_slice %arg9[%dma_start3A_235, %dma_start3A_248, %dma_start3A_249] : memref<5x128x128xf32, #tpu.memory_space<vmem>> -> memref<1x128x128xf32, #tpu.memory_space<vmem>>
      %dma_start3A_251 = tpu.memref_squeeze %dma_start3A_250 : memref<1x128x128xf32, #tpu.memory_space<vmem>> -> memref<128x128xf32, #tpu.memory_space<vmem>>
      tpu.enqueue_dma source(%dma_start3A_251 : memref<128x128xf32, #tpu.memory_space<vmem>>) target(%dma_start3A_247 : memref<128x128xf32, #tpu.memory_space<hbm>>) target_semaphore(%arg12 : memref<!tpu.dma_semaphore, #tpu.memory_space<semaphore_mem>>)
      %dma_wait3A_252 = arith.constant 2 : i32
      %dma_wait3A_253 = arith.constant 2 : i32
      %dma_wait3A_254 = arith.constant 0 : i32
      %dma_wait3A_255 = arith.constant 0 : i32
      %dma_wait3A_256 = tpu.memref_slice %arg9[%dma_wait3A_253, %dma_wait3A_254, %dma_wait3A_255] : memref<5x128x128xf32, #tpu.memory_space<vmem>> -> memref<1x128x128xf32, #tpu.memory_space<vmem>>
      %dma_wait3A_257 = tpu.memref_squeeze %dma_wait3A_256 : memref<1x128x128xf32, #tpu.memory_space<vmem>> -> memref<128x128xf32, #tpu.memory_space<vmem>>
      %dma_wait3A_258 = arith.constant 0 : i32
      %dma_wait3A_259 = tpu.memref_slice %arg8[%dma_wait3A_252, %dma_wait3A_258] : memref<5x128xi32, #tpu.memory_space<vmem>> -> memref<1x128xi32, #tpu.memory_space<vmem>>
      %dma_wait3A_260 = tpu.memref_squeeze %dma_wait3A_259 : memref<1x128xi32, #tpu.memory_space<vmem>> -> memref<128xi32, #tpu.memory_space<vmem>>
      %dma_wait3A_261 = arith.constant 0 : i32
      %dma_wait3A_262 = arith.constant 0 : i32
      %dma_wait3A_263 = tpu.memref_slice %arg5[%dma_wait3A_261, %dma_wait3A_262] : memref<1000x128xf32, #tpu.memory_space<hbm>> -> memref<1000x128xf32, #tpu.memory_space<hbm>>
      tpu.wait_indirect_dma semaphore(%arg11 : memref<!tpu.dma_semaphore, #tpu.memory_space<semaphore_mem>>) src(%dma_wait3A_263 : memref<1000x128xf32, #tpu.memory_space<hbm>>) dst(%dma_wait3A_257 : memref<128x128xf32, #tpu.memory_space<vmem>>)
      %add3A_264 = arith.constant 2 : i32
      %add3A_265 = arith.addi %add3A_11, %add3A_264 : i32
      %dma_start3A_266 = arith.constant 2 : i32
      %dma_start3A_267 = arith.constant 0 : i32
      %dma_start3A_268 = arith.constant 0 : i32
      %dma_start3A_269 = tpu.memref_slice %arg9[%dma_start3A_266, %dma_start3A_267, %dma_start3A_268] : memref<5x128x128xf32, #tpu.memory_space<vmem>> -> memref<1x128x128xf32, #tpu.memory_space<vmem>>
      %dma_start3A_270 = tpu.memref_squeeze %dma_start3A_269 : memref<1x128x128xf32, #tpu.memory_space<vmem>> -> memref<128x128xf32, #tpu.memory_space<vmem>>
      %dma_start3A_271 = arith.constant 0 : i32
      %dma_start3A_272 = arith.constant 0 : i32
      %dma_start3A_273 = tpu.memref_slice %arg6[%add3A_265, %dma_start3A_271, %dma_start3A_272] : memref<1600x128x128xf32, #tpu.memory_space<hbm>> -> memref<1x128x128xf32, #tpu.memory_space<hbm>>
      %dma_start3A_274 = tpu.memref_squeeze %dma_start3A_273 : memref<1x128x128xf32, #tpu.memory_space<hbm>> -> memref<128x128xf32, #tpu.memory_space<hbm>>
      %dma_start3A_275 = arith.constant 0 : i32
      %dma_start3A_276 = arith.constant 0 : i32
      %dma_start3A_277 = tpu.memref_slice %arg6[%add3A_265, %dma_start3A_275, %dma_start3A_276] : memref<1600x128x128xf32, #tpu.memory_space<hbm>> -> memref<1x128x128xf32, #tpu.memory_space<hbm>>
      %dma_start3A_278 = tpu.memref_squeeze %dma_start3A_277 : memref<1x128x128xf32, #tpu.memory_space<hbm>> -> memref<128x128xf32, #tpu.memory_space<hbm>>
      %dma_start3A_279 = arith.constant 0 : i32
      %dma_start3A_280 = arith.constant 0 : i32
      %dma_start3A_281 = tpu.memref_slice %arg9[%dma_start3A_266, %dma_start3A_279, %dma_start3A_280] : memref<5x128x128xf32, #tpu.memory_space<vmem>> -> memref<1x128x128xf32, #tpu.memory_space<vmem>>
      %dma_start3A_282 = tpu.memref_squeeze %dma_start3A_281 : memref<1x128x128xf32, #tpu.memory_space<vmem>> -> memref<128x128xf32, #tpu.memory_space<vmem>>
      tpu.enqueue_dma source(%dma_start3A_282 : memref<128x128xf32, #tpu.memory_space<vmem>>) target(%dma_start3A_278 : memref<128x128xf32, #tpu.memory_space<hbm>>) target_semaphore(%arg12 : memref<!tpu.dma_semaphore, #tpu.memory_space<semaphore_mem>>)
      %dma_wait3A_283 = arith.constant 3 : i32
      %dma_wait3A_284 = arith.constant 3 : i32
      %dma_wait3A_285 = arith.constant 0 : i32
      %dma_wait3A_286 = arith.constant 0 : i32
      %dma_wait3A_287 = tpu.memref_slice %arg9[%dma_wait3A_284, %dma_wait3A_285, %dma_wait3A_286] : memref<5x128x128xf32, #tpu.memory_space<vmem>> -> memref<1x128x128xf32, #tpu.memory_space<vmem>>
      %dma_wait3A_288 = tpu.memref_squeeze %dma_wait3A_287 : memref<1x128x128xf32, #tpu.memory_space<vmem>> -> memref<128x128xf32, #tpu.memory_space<vmem>>
      %dma_wait3A_289 = arith.constant 0 : i32
      %dma_wait3A_290 = tpu.memref_slice %arg8[%dma_wait3A_283, %dma_wait3A_289] : memref<5x128xi32, #tpu.memory_space<vmem>> -> memref<1x128xi32, #tpu.memory_space<vmem>>
      %dma_wait3A_291 = tpu.memref_squeeze %dma_wait3A_290 : memref<1x128xi32, #tpu.memory_space<vmem>> -> memref<128xi32, #tpu.memory_space<vmem>>
      %dma_wait3A_292 = arith.constant 0 : i32
      %dma_wait3A_293 = arith.constant 0 : i32
      %dma_wait3A_294 = tpu.memref_slice %arg5[%dma_wait3A_292, %dma_wait3A_293] : memref<1000x128xf32, #tpu.memory_space<hbm>> -> memref<1000x128xf32, #tpu.memory_space<hbm>>
      tpu.wait_indirect_dma semaphore(%arg11 : memref<!tpu.dma_semaphore, #tpu.memory_space<semaphore_mem>>) src(%dma_wait3A_294 : memref<1000x128xf32, #tpu.memory_space<hbm>>) dst(%dma_wait3A_288 : memref<128x128xf32, #tpu.memory_space<vmem>>)
      %add3A_295 = arith.constant 3 : i32
      %add3A_296 = arith.addi %add3A_11, %add3A_295 : i32
      %dma_start3A_297 = arith.constant 3 : i32
      %dma_start3A_298 = arith.constant 0 : i32
      %dma_start3A_299 = arith.constant 0 : i32
      %dma_start3A_300 = tpu.memref_slice %arg9[%dma_start3A_297, %dma_start3A_298, %dma_start3A_299] : memref<5x128x128xf32, #tpu.memory_space<vmem>> -> memref<1x128x128xf32, #tpu.memory_space<vmem>>
      %dma_start3A_301 = tpu.memref_squeeze %dma_start3A_300 : memref<1x128x128xf32, #tpu.memory_space<vmem>> -> memref<128x128xf32, #tpu.memory_space<vmem>>
      %dma_start3A_302 = arith.constant 0 : i32
      %dma_start3A_303 = arith.constant 0 : i32
      %dma_start3A_304 = tpu.memref_slice %arg6[%add3A_296, %dma_start3A_302, %dma_start3A_303] : memref<1600x128x128xf32, #tpu.memory_space<hbm>> -> memref<1x128x128xf32, #tpu.memory_space<hbm>>
      %dma_start3A_305 = tpu.memref_squeeze %dma_start3A_304 : memref<1x128x128xf32, #tpu.memory_space<hbm>> -> memref<128x128xf32, #tpu.memory_space<hbm>>
      %dma_start3A_306 = arith.constant 0 : i32
      %dma_start3A_307 = arith.constant 0 : i32
      %dma_start3A_308 = tpu.memref_slice %arg6[%add3A_296, %dma_start3A_306, %dma_start3A_307] : memref<1600x128x128xf32, #tpu.memory_space<hbm>> -> memref<1x128x128xf32, #tpu.memory_space<hbm>>
      %dma_start3A_309 = tpu.memref_squeeze %dma_start3A_308 : memref<1x128x128xf32, #tpu.memory_space<hbm>> -> memref<128x128xf32, #tpu.memory_space<hbm>>
      %dma_start3A_310 = arith.constant 0 : i32
      %dma_start3A_311 = arith.constant 0 : i32
      %dma_start3A_312 = tpu.memref_slice %arg9[%dma_start3A_297, %dma_start3A_310, %dma_start3A_311] : memref<5x128x128xf32, #tpu.memory_space<vmem>> -> memref<1x128x128xf32, #tpu.memory_space<vmem>>
      %dma_start3A_313 = tpu.memref_squeeze %dma_start3A_312 : memref<1x128x128xf32, #tpu.memory_space<vmem>> -> memref<128x128xf32, #tpu.memory_space<vmem>>
      tpu.enqueue_dma source(%dma_start3A_313 : memref<128x128xf32, #tpu.memory_space<vmem>>) target(%dma_start3A_309 : memref<128x128xf32, #tpu.memory_space<hbm>>) target_semaphore(%arg12 : memref<!tpu.dma_semaphore, #tpu.memory_space<semaphore_mem>>)
      %dma_wait3A_314 = arith.constant 4 : i32
      %dma_wait3A_315 = arith.constant 4 : i32
      %dma_wait3A_316 = arith.constant 0 : i32
      %dma_wait3A_317 = arith.constant 0 : i32
      %dma_wait3A_318 = tpu.memref_slice %arg9[%dma_wait3A_315, %dma_wait3A_316, %dma_wait3A_317] : memref<5x128x128xf32, #tpu.memory_space<vmem>> -> memref<1x128x128xf32, #tpu.memory_space<vmem>>
      %dma_wait3A_319 = tpu.memref_squeeze %dma_wait3A_318 : memref<1x128x128xf32, #tpu.memory_space<vmem>> -> memref<128x128xf32, #tpu.memory_space<vmem>>
      %dma_wait3A_320 = arith.constant 0 : i32
      %dma_wait3A_321 = tpu.memref_slice %arg8[%dma_wait3A_314, %dma_wait3A_320] : memref<5x128xi32, #tpu.memory_space<vmem>> -> memref<1x128xi32, #tpu.memory_space<vmem>>
      %dma_wait3A_322 = tpu.memref_squeeze %dma_wait3A_321 : memref<1x128xi32, #tpu.memory_space<vmem>> -> memref<128xi32, #tpu.memory_space<vmem>>
      %dma_wait3A_323 = arith.constant 0 : i32
      %dma_wait3A_324 = arith.constant 0 : i32
      %dma_wait3A_325 = tpu.memref_slice %arg5[%dma_wait3A_323, %dma_wait3A_324] : memref<1000x128xf32, #tpu.memory_space<hbm>> -> memref<1000x128xf32, #tpu.memory_space<hbm>>
      tpu.wait_indirect_dma semaphore(%arg11 : memref<!tpu.dma_semaphore, #tpu.memory_space<semaphore_mem>>) src(%dma_wait3A_325 : memref<1000x128xf32, #tpu.memory_space<hbm>>) dst(%dma_wait3A_319 : memref<128x128xf32, #tpu.memory_space<vmem>>)
      %add3A_326 = arith.constant 4 : i32
      %add3A_327 = arith.addi %add3A_11, %add3A_326 : i32
      %dma_start3A_328 = arith.constant 4 : i32
      %dma_start3A_329 = arith.constant 0 : i32
      %dma_start3A_330 = arith.constant 0 : i32
      %dma_start3A_331 = tpu.memref_slice %arg9[%dma_start3A_328, %dma_start3A_329, %dma_start3A_330] : memref<5x128x128xf32, #tpu.memory_space<vmem>> -> memref<1x128x128xf32, #tpu.memory_space<vmem>>
      %dma_start3A_332 = tpu.memref_squeeze %dma_start3A_331 : memref<1x128x128xf32, #tpu.memory_space<vmem>> -> memref<128x128xf32, #tpu.memory_space<vmem>>
      %dma_start3A_333 = arith.constant 0 : i32
      %dma_start3A_334 = arith.constant 0 : i32
      %dma_start3A_335 = tpu.memref_slice %arg6[%add3A_327, %dma_start3A_333, %dma_start3A_334] : memref<1600x128x128xf32, #tpu.memory_space<hbm>> -> memref<1x128x128xf32, #tpu.memory_space<hbm>>
      %dma_start3A_336 = tpu.memref_squeeze %dma_start3A_335 : memref<1x128x128xf32, #tpu.memory_space<hbm>> -> memref<128x128xf32, #tpu.memory_space<hbm>>
      %dma_start3A_337 = arith.constant 0 : i32
      %dma_start3A_338 = arith.constant 0 : i32
      %dma_start3A_339 = tpu.memref_slice %arg6[%add3A_327, %dma_start3A_337, %dma_start3A_338] : memref<1600x128x128xf32, #tpu.memory_space<hbm>> -> memref<1x128x128xf32, #tpu.memory_space<hbm>>
      %dma_start3A_340 = tpu.memref_squeeze %dma_start3A_339 : memref<1x128x128xf32, #tpu.memory_space<hbm>> -> memref<128x128xf32, #tpu.memory_space<hbm>>
      %dma_start3A_341 = arith.constant 0 : i32
      %dma_start3A_342 = arith.constant 0 : i32
      %dma_start3A_343 = tpu.memref_slice %arg9[%dma_start3A_328, %dma_start3A_341, %dma_start3A_342] : memref<5x128x128xf32, #tpu.memory_space<vmem>> -> memref<1x128x128xf32, #tpu.memory_space<vmem>>
      %dma_start3A_344 = tpu.memref_squeeze %dma_start3A_343 : memref<1x128x128xf32, #tpu.memory_space<vmem>> -> memref<128x128xf32, #tpu.memory_space<vmem>>
      tpu.enqueue_dma source(%dma_start3A_344 : memref<128x128xf32, #tpu.memory_space<vmem>>) target(%dma_start3A_340 : memref<128x128xf32, #tpu.memory_space<hbm>>) target_semaphore(%arg12 : memref<!tpu.dma_semaphore, #tpu.memory_space<semaphore_mem>>)
      %dma_wait3A_345 = arith.constant 0 : i32
      %dma_wait3A_346 = arith.constant 0 : i32
      %dma_wait3A_347 = arith.constant 0 : i32
      %dma_wait3A_348 = tpu.memref_slice %arg9[%dma_wait3A_345, %dma_wait3A_346, %dma_wait3A_347] : memref<5x128x128xf32, #tpu.memory_space<vmem>> -> memref<1x128x128xf32, #tpu.memory_space<vmem>>
      %dma_wait3A_349 = tpu.memref_squeeze %dma_wait3A_348 : memref<1x128x128xf32, #tpu.memory_space<vmem>> -> memref<128x128xf32, #tpu.memory_space<vmem>>
      %dma_wait3A_350 = arith.constant 0 : i32
      %dma_wait3A_351 = arith.constant 0 : i32
      %dma_wait3A_352 = tpu.memref_slice %arg6[%add3A_203, %dma_wait3A_350, %dma_wait3A_351] : memref<1600x128x128xf32, #tpu.memory_space<hbm>> -> memref<1x128x128xf32, #tpu.memory_space<hbm>>
      %dma_wait3A_353 = tpu.memref_squeeze %dma_wait3A_352 : memref<1x128x128xf32, #tpu.memory_space<hbm>> -> memref<128x128xf32, #tpu.memory_space<hbm>>
      %dma_wait3A_354 = arith.constant 0 : i32
      %dma_wait3A_355 = arith.constant 0 : i32
      %dma_wait3A_356 = tpu.memref_slice %arg6[%add3A_203, %dma_wait3A_354, %dma_wait3A_355] : memref<1600x128x128xf32, #tpu.memory_space<hbm>> -> memref<1x128x128xf32, #tpu.memory_space<hbm>>
      %dma_wait3A_357 = tpu.memref_squeeze %dma_wait3A_356 : memref<1x128x128xf32, #tpu.memory_space<hbm>> -> memref<128x128xf32, #tpu.memory_space<hbm>>
      %dma_wait3A_358 = arith.constant 0 : i32
      %dma_wait3A_359 = arith.constant 0 : i32
      %dma_wait3A_360 = tpu.memref_slice %arg9[%dma_wait3A_345, %dma_wait3A_358, %dma_wait3A_359] : memref<5x128x128xf32, #tpu.memory_space<vmem>> -> memref<1x128x128xf32, #tpu.memory_space<vmem>>
      %dma_wait3A_361 = tpu.memref_squeeze %dma_wait3A_360 : memref<1x128x128xf32, #tpu.memory_space<vmem>> -> memref<128x128xf32, #tpu.memory_space<vmem>>
      tpu.wait_dma2 semaphore(%arg12 : memref<!tpu.dma_semaphore, #tpu.memory_space<semaphore_mem>>) src(%dma_wait3A_361 : memref<128x128xf32, #tpu.memory_space<vmem>>) dst(%dma_wait3A_357 : memref<128x128xf32, #tpu.memory_space<hbm>>)
      %dma_wait3A_362 = arith.constant 1 : i32
      %dma_wait3A_363 = arith.constant 0 : i32
      %dma_wait3A_364 = arith.constant 0 : i32
      %dma_wait3A_365 = tpu.memref_slice %arg9[%dma_wait3A_362, %dma_wait3A_363, %dma_wait3A_364] : memref<5x128x128xf32, #tpu.memory_space<vmem>> -> memref<1x128x128xf32, #tpu.memory_space<vmem>>
      %dma_wait3A_366 = tpu.memref_squeeze %dma_wait3A_365 : memref<1x128x128xf32, #tpu.memory_space<vmem>> -> memref<128x128xf32, #tpu.memory_space<vmem>>
      %dma_wait3A_367 = arith.constant 0 : i32
      %dma_wait3A_368 = arith.constant 0 : i32
      %dma_wait3A_369 = tpu.memref_slice %arg6[%add3A_234, %dma_wait3A_367, %dma_wait3A_368] : memref<1600x128x128xf32, #tpu.memory_space<hbm>> -> memref<1x128x128xf32, #tpu.memory_space<hbm>>
      %dma_wait3A_370 = tpu.memref_squeeze %dma_wait3A_369 : memref<1x128x128xf32, #tpu.memory_space<hbm>> -> memref<128x128xf32, #tpu.memory_space<hbm>>
      %dma_wait3A_371 = arith.constant 0 : i32
      %dma_wait3A_372 = arith.constant 0 : i32
      %dma_wait3A_373 = tpu.memref_slice %arg6[%add3A_234, %dma_wait3A_371, %dma_wait3A_372] : memref<1600x128x128xf32, #tpu.memory_space<hbm>> -> memref<1x128x128xf32, #tpu.memory_space<hbm>>
      %dma_wait3A_374 = tpu.memref_squeeze %dma_wait3A_373 : memref<1x128x128xf32, #tpu.memory_space<hbm>> -> memref<128x128xf32, #tpu.memory_space<hbm>>
      %dma_wait3A_375 = arith.constant 0 : i32
      %dma_wait3A_376 = arith.constant 0 : i32
      %dma_wait3A_377 = tpu.memref_slice %arg9[%dma_wait3A_362, %dma_wait3A_375, %dma_wait3A_376] : memref<5x128x128xf32, #tpu.memory_space<vmem>> -> memref<1x128x128xf32, #tpu.memory_space<vmem>>
      %dma_wait3A_378 = tpu.memref_squeeze %dma_wait3A_377 : memref<1x128x128xf32, #tpu.memory_space<vmem>> -> memref<128x128xf32, #tpu.memory_space<vmem>>
      tpu.wait_dma2 semaphore(%arg12 : memref<!tpu.dma_semaphore, #tpu.memory_space<semaphore_mem>>) src(%dma_wait3A_378 : memref<128x128xf32, #tpu.memory_space<vmem>>) dst(%dma_wait3A_374 : memref<128x128xf32, #tpu.memory_space<hbm>>)
      %dma_wait3A_379 = arith.constant 2 : i32
      %dma_wait3A_380 = arith.constant 0 : i32
      %dma_wait3A_381 = arith.constant 0 : i32
      %dma_wait3A_382 = tpu.memref_slice %arg9[%dma_wait3A_379, %dma_wait3A_380, %dma_wait3A_381] : memref<5x128x128xf32, #tpu.memory_space<vmem>> -> memref<1x128x128xf32, #tpu.memory_space<vmem>>
      %dma_wait3A_383 = tpu.memref_squeeze %dma_wait3A_382 : memref<1x128x128xf32, #tpu.memory_space<vmem>> -> memref<128x128xf32, #tpu.memory_space<vmem>>
      %dma_wait3A_384 = arith.constant 0 : i32
      %dma_wait3A_385 = arith.constant 0 : i32
      %dma_wait3A_386 = tpu.memref_slice %arg6[%add3A_265, %dma_wait3A_384, %dma_wait3A_385] : memref<1600x128x128xf32, #tpu.memory_space<hbm>> -> memref<1x128x128xf32, #tpu.memory_space<hbm>>
      %dma_wait3A_387 = tpu.memref_squeeze %dma_wait3A_386 : memref<1x128x128xf32, #tpu.memory_space<hbm>> -> memref<128x128xf32, #tpu.memory_space<hbm>>
      %dma_wait3A_388 = arith.constant 0 : i32
      %dma_wait3A_389 = arith.constant 0 : i32
      %dma_wait3A_390 = tpu.memref_slice %arg6[%add3A_265, %dma_wait3A_388, %dma_wait3A_389] : memref<1600x128x128xf32, #tpu.memory_space<hbm>> -> memref<1x128x128xf32, #tpu.memory_space<hbm>>
      %dma_wait3A_391 = tpu.memref_squeeze %dma_wait3A_390 : memref<1x128x128xf32, #tpu.memory_space<hbm>> -> memref<128x128xf32, #tpu.memory_space<hbm>>
      %dma_wait3A_392 = arith.constant 0 : i32
      %dma_wait3A_393 = arith.constant 0 : i32
      %dma_wait3A_394 = tpu.memref_slice %arg9[%dma_wait3A_379, %dma_wait3A_392, %dma_wait3A_393] : memref<5x128x128xf32, #tpu.memory_space<vmem>> -> memref<1x128x128xf32, #tpu.memory_space<vmem>>
      %dma_wait3A_395 = tpu.memref_squeeze %dma_wait3A_394 : memref<1x128x128xf32, #tpu.memory_space<vmem>> -> memref<128x128xf32, #tpu.memory_space<vmem>>
      tpu.wait_dma2 semaphore(%arg12 : memref<!tpu.dma_semaphore, #tpu.memory_space<semaphore_mem>>) src(%dma_wait3A_395 : memref<128x128xf32, #tpu.memory_space<vmem>>) dst(%dma_wait3A_391 : memref<128x128xf32, #tpu.memory_space<hbm>>)
      %dma_wait3A_396 = arith.constant 3 : i32
      %dma_wait3A_397 = arith.constant 0 : i32
      %dma_wait3A_398 = arith.constant 0 : i32
      %dma_wait3A_399 = tpu.memref_slice %arg9[%dma_wait3A_396, %dma_wait3A_397, %dma_wait3A_398] : memref<5x128x128xf32, #tpu.memory_space<vmem>> -> memref<1x128x128xf32, #tpu.memory_space<vmem>>
      %dma_wait3A_400 = tpu.memref_squeeze %dma_wait3A_399 : memref<1x128x128xf32, #tpu.memory_space<vmem>> -> memref<128x128xf32, #tpu.memory_space<vmem>>
      %dma_wait3A_401 = arith.constant 0 : i32
      %dma_wait3A_402 = arith.constant 0 : i32
      %dma_wait3A_403 = tpu.memref_slice %arg6[%add3A_296, %dma_wait3A_401, %dma_wait3A_402] : memref<1600x128x128xf32, #tpu.memory_space<hbm>> -> memref<1x128x128xf32, #tpu.memory_space<hbm>>
      %dma_wait3A_404 = tpu.memref_squeeze %dma_wait3A_403 : memref<1x128x128xf32, #tpu.memory_space<hbm>> -> memref<128x128xf32, #tpu.memory_space<hbm>>
      %dma_wait3A_405 = arith.constant 0 : i32
      %dma_wait3A_406 = arith.constant 0 : i32
      %dma_wait3A_407 = tpu.memref_slice %arg6[%add3A_296, %dma_wait3A_405, %dma_wait3A_406] : memref<1600x128x128xf32, #tpu.memory_space<hbm>> -> memref<1x128x128xf32, #tpu.memory_space<hbm>>
      %dma_wait3A_408 = tpu.memref_squeeze %dma_wait3A_407 : memref<1x128x128xf32, #tpu.memory_space<hbm>> -> memref<128x128xf32, #tpu.memory_space<hbm>>
      %dma_wait3A_409 = arith.constant 0 : i32
      %dma_wait3A_410 = arith.constant 0 : i32
      %dma_wait3A_411 = tpu.memref_slice %arg9[%dma_wait3A_396, %dma_wait3A_409, %dma_wait3A_410] : memref<5x128x128xf32, #tpu.memory_space<vmem>> -> memref<1x128x128xf32, #tpu.memory_space<vmem>>
      %dma_wait3A_412 = tpu.memref_squeeze %dma_wait3A_411 : memref<1x128x128xf32, #tpu.memory_space<vmem>> -> memref<128x128xf32, #tpu.memory_space<vmem>>
      tpu.wait_dma2 semaphore(%arg12 : memref<!tpu.dma_semaphore, #tpu.memory_space<semaphore_mem>>) src(%dma_wait3A_412 : memref<128x128xf32, #tpu.memory_space<vmem>>) dst(%dma_wait3A_408 : memref<128x128xf32, #tpu.memory_space<hbm>>)
      %dma_wait3A_413 = arith.constant 4 : i32
      %dma_wait3A_414 = arith.constant 0 : i32
      %dma_wait3A_415 = arith.constant 0 : i32
      %dma_wait3A_416 = tpu.memref_slice %arg9[%dma_wait3A_413, %dma_wait3A_414, %dma_wait3A_415] : memref<5x128x128xf32, #tpu.memory_space<vmem>> -> memref<1x128x128xf32, #tpu.memory_space<vmem>>
      %dma_wait3A_417 = tpu.memref_squeeze %dma_wait3A_416 : memref<1x128x128xf32, #tpu.memory_space<vmem>> -> memref<128x128xf32, #tpu.memory_space<vmem>>
      %dma_wait3A_418 = arith.constant 0 : i32
      %dma_wait3A_419 = arith.constant 0 : i32
      %dma_wait3A_420 = tpu.memref_slice %arg6[%add3A_327, %dma_wait3A_418, %dma_wait3A_419] : memref<1600x128x128xf32, #tpu.memory_space<hbm>> -> memref<1x128x128xf32, #tpu.memory_space<hbm>>
      %dma_wait3A_421 = tpu.memref_squeeze %dma_wait3A_420 : memref<1x128x128xf32, #tpu.memory_space<hbm>> -> memref<128x128xf32, #tpu.memory_space<hbm>>
      %dma_wait3A_422 = arith.constant 0 : i32
      %dma_wait3A_423 = arith.constant 0 : i32
      %dma_wait3A_424 = tpu.memref_slice %arg6[%add3A_327, %dma_wait3A_422, %dma_wait3A_423] : memref<1600x128x128xf32, #tpu.memory_space<hbm>> -> memref<1x128x128xf32, #tpu.memory_space<hbm>>
      %dma_wait3A_425 = tpu.memref_squeeze %dma_wait3A_424 : memref<1x128x128xf32, #tpu.memory_space<hbm>> -> memref<128x128xf32, #tpu.memory_space<hbm>>
      %dma_wait3A_426 = arith.constant 0 : i32
      %dma_wait3A_427 = arith.constant 0 : i32
      %dma_wait3A_428 = tpu.memref_slice %arg9[%dma_wait3A_413, %dma_wait3A_426, %dma_wait3A_427] : memref<5x128x128xf32, #tpu.memory_space<vmem>> -> memref<1x128x128xf32, #tpu.memory_space<vmem>>
      %dma_wait3A_429 = tpu.memref_squeeze %dma_wait3A_428 : memref<1x128x128xf32, #tpu.memory_space<vmem>> -> memref<128x128xf32, #tpu.memory_space<vmem>>
      tpu.wait_dma2 semaphore(%arg12 : memref<!tpu.dma_semaphore, #tpu.memory_space<semaphore_mem>>) src(%dma_wait3A_429 : memref<128x128xf32, #tpu.memory_space<vmem>>) dst(%dma_wait3A_425 : memref<128x128xf32, #tpu.memory_space<hbm>>)
    }
    %scan3A_7 = arith.constant 10 : i32
    return
  }
}

#map = affine_map<(d0, d1) -> (0, 0)>
#map1 = affine_map<(d0, d1) -> (0, 0, 0)>
module attributes {stable_mosaic.version = 14 : i64} {
  func.func @k(%arg0: i32, %arg1: i32, %arg2: memref<1600x128xi32, #tpu.memory_space<hbm>>, %arg3: memref<1600x128xi32, #tpu.memory_space<hbm>>, %arg4: memref<1000000x128xf32, #tpu.memory_space<hbm>>, %arg5: memref<1000x128xf32, #tpu.memory_space<hbm>>, %arg6: memref<1600x128x128xf32, #tpu.memory_space<hbm>>, %arg7: memref<5x128xi32, #tpu.memory_space<vmem>>, %arg8: memref<5x128xi32, #tpu.memory_space<vmem>>, %arg9: memref<5x128x128xf32, #tpu.memory_space<vmem>>, %arg10: memref<!tpu.dma_semaphore, #tpu.memory_space<semaphore_mem>>, %arg11: memref<!tpu.dma_semaphore, #tpu.memory_space<semaphore_mem>>, %arg12: memref<!tpu.dma_semaphore, #tpu.memory_space<semaphore_mem>>) attributes {dimension_semantics = [#tpu.dimension_semantics<core_parallel>, #tpu.dimension_semantics<subcore_parallel>], iteration_bounds = array<i64: 2, 16>, scalar_prefetch = 0 : i64, scratch_operands = 6 : i64, tpu.core_type = #tpu.core_type<sc_vector_subcore>, window_params = [{transform_indices = #map}, {transform_indices = #map}, {transform_indices = #map}, {transform_indices = #map}, {transform_indices = #map1}]} {
    %mul3A = arith.constant 2 : i32
    %mul3A_0 = arith.muli %arg1, %mul3A : i32
    %add3A = arith.addi %mul3A_0, %arg0 : i32
    %mul3A_1 = arith.constant 50 : i32
    %mul3A_2 = arith.muli %add3A, %mul3A_1 : i32
    %scan3A = arith.constant 0 : i32
    %scan3A_3 = arith.constant 0 : i32
    %scan3A_4 = arith.constant 10 : i32
    %scan3A_5 = arith.addi %scan3A_3, %scan3A_4 : i32
    %scan3A_6 = arith.constant 1 : i32
    scf.for %scan3A_8 = %scan3A_3 to %scan3A_5 step %scan3A_6  : i32 {
      %mul3A_9 = arith.constant 5 : i32
      %mul3A_10 = arith.muli %scan3A_8, %mul3A_9 : i32
      %add3A_11 = arith.addi %mul3A_2, %mul3A_10 : i32
      "tpu.region"() ({
        %run_scoped3A = tpu.sem_alloc : memref<!tpu.dma_semaphore, #tpu.memory_space<semaphore_mem>>
        %dma_start3A_430 = arith.constant 0 : i32
        %dma_start3A_431 = tpu.memref_slice %arg2[%add3A_11, %dma_start3A_430] : memref<1600x128xi32, #tpu.memory_space<hbm>> -> memref<5x128xi32, #tpu.memory_space<hbm>>
        %dma_start3A_432 = arith.constant 0 : i32
        %dma_start3A_433 = tpu.memref_slice %arg2[%add3A_11, %dma_start3A_432] : memref<1600x128xi32, #tpu.memory_space<hbm>> -> memref<5x128xi32, #tpu.memory_space<hbm>>
        tpu.enqueue_dma source(%dma_start3A_433 : memref<5x128xi32, #tpu.memory_space<hbm>>) target(%arg7 : memref<5x128xi32, #tpu.memory_space<vmem>>) target_semaphore(%run_scoped3A : memref<!tpu.dma_semaphore, #tpu.memory_space<semaphore_mem>>)
        %dma_wait3A_434 = arith.constant 0 : i32
        %dma_wait3A_435 = tpu.memref_slice %arg2[%add3A_11, %dma_wait3A_434] : memref<1600x128xi32, #tpu.memory_space<hbm>> -> memref<5x128xi32, #tpu.memory_space<hbm>>
        %dma_wait3A_436 = arith.constant 0 : i32
        %dma_wait3A_437 = tpu.memref_slice %arg2[%add3A_11, %dma_wait3A_436] : memref<1600x128xi32, #tpu.memory_space<hbm>> -> memref<5x128xi32, #tpu.memory_space<hbm>>
        tpu.wait_dma2 semaphore(%run_scoped3A : memref<!tpu.dma_semaphore, #tpu.memory_space<semaphore_mem>>) src(%dma_wait3A_437 : memref<5x128xi32, #tpu.memory_space<hbm>>) dst(%arg7 : memref<5x128xi32, #tpu.memory_space<vmem>>)
        tpu.yield
      }) : () -> ()
      "tpu.region"() ({
        %run_scoped3A = tpu.sem_alloc : memref<!tpu.dma_semaphore, #tpu.memory_space<semaphore_mem>>
        %dma_start3A_430 = arith.constant 0 : i32
        %dma_start3A_431 = tpu.memref_slice %arg3[%add3A_11, %dma_start3A_430] : memref<1600x128xi32, #tpu.memory_space<hbm>> -> memref<5x128xi32, #tpu.memory_space<hbm>>
        %dma_start3A_432 = arith.constant 0 : i32
        %dma_start3A_433 = tpu.memref_slice %arg3[%add3A_11, %dma_start3A_432] : memref<1600x128xi32, #tpu.memory_space<hbm>> -> memref<5x128xi32, #tpu.memory_space<hbm>>
        tpu.enqueue_dma source(%dma_start3A_433 : memref<5x128xi32, #tpu.memory_space<hbm>>) target(%arg8 : memref<5x128xi32, #tpu.memory_space<vmem>>) target_semaphore(%run_scoped3A : memref<!tpu.dma_semaphore, #tpu.memory_space<semaphore_mem>>)
        %dma_wait3A_434 = arith.constant 0 : i32
        %dma_wait3A_435 = tpu.memref_slice %arg3[%add3A_11, %dma_wait3A_434] : memref<1600x128xi32, #tpu.memory_space<hbm>> -> memref<5x128xi32, #tpu.memory_space<hbm>>
        %dma_wait3A_436 = arith.constant 0 : i32
        %dma_wait3A_437 = tpu.memref_slice %arg3[%add3A_11, %dma_wait3A_436] : memref<1600x128xi32, #tpu.memory_space<hbm>> -> memref<5x128xi32, #tpu.memory_space<hbm>>
        tpu.wait_dma2 semaphore(%run_scoped3A : memref<!tpu.dma_semaphore, #tpu.memory_space<semaphore_mem>>) src(%dma_wait3A_437 : memref<5x128xi32, #tpu.memory_space<hbm>>) dst(%arg8 : memref<5x128xi32, #tpu.memory_space<vmem>>)
        tpu.yield
      }) : () -> ()
      %dma_start3A = arith.constant 0 : i32
      %dma_start3A_12 = arith.constant 0 : i32
      %dma_start3A_13 = arith.constant 0 : i32
      %dma_start3A_14 = arith.constant 0 : i32
      %dma_start3A_15 = tpu.memref_slice %arg9[%dma_start3A_12, %dma_start3A_13, %dma_start3A_14] : memref<5x128x128xf32, #tpu.memory_space<vmem>> -> memref<1x128x128xf32, #tpu.memory_space<vmem>>
      %dma_start3A_16 = tpu.memref_squeeze %dma_start3A_15 : memref<1x128x128xf32, #tpu.memory_space<vmem>> -> memref<128x128xf32, #tpu.memory_space<vmem>>
      %dma_start3A_17 = arith.constant 0 : i32
      %dma_start3A_18 = tpu.memref_slice %arg7[%dma_start3A, %dma_start3A_17] : memref<5x128xi32, #tpu.memory_space<vmem>> -> memref<1x128xi32, #tpu.memory_space<vmem>>
      %dma_start3A_19 = tpu.memref_squeeze %dma_start3A_18 : memref<1x128xi32, #tpu.memory_space<vmem>> -> memref<128xi32, #tpu.memory_space<vmem>>
      %dma_start3A_20 = arith.constant 0 : i32
      %dma_start3A_21 = arith.constant 0 : i32
      %dma_start3A_22 = tpu.memref_slice %arg4[%dma_start3A_20, %dma_start3A_21] : memref<1000000x128xf32, #tpu.memory_space<hbm>> -> memref<1000000x128xf32, #tpu.memory_space<hbm>>
      tpu.enqueue_indirect_dma source(%dma_start3A_22 : memref<1000000x128xf32, #tpu.memory_space<hbm>>) target(%dma_start3A_16 : memref<128x128xf32, #tpu.memory_space<vmem>>) offsets(%dma_start3A_19 : memref<128xi32, #tpu.memory_space<vmem>>) semaphore(%arg10 : memref<!tpu.dma_semaphore, #tpu.memory_space<semaphore_mem>>)
      %dma_start3A_23 = arith.constant 1 : i32
      %dma_start3A_24 = arith.constant 1 : i32
      %dma_start3A_25 = arith.constant 0 : i32
      %dma_start3A_26 = arith.constant 0 : i32
      %dma_start3A_27 = tpu.memref_slice %arg9[%dma_start3A_24, %dma_start3A_25, %dma_start3A_26] : memref<5x128x128xf32, #tpu.memory_space<vmem>> -> memref<1x128x128xf32, #tpu.memory_space<vmem>>
      %dma_start3A_28 = tpu.memref_squeeze %dma_start3A_27 : memref<1x128x128xf32, #tpu.memory_space<vmem>> -> memref<128x128xf32, #tpu.memory_space<vmem>>
      %dma_start3A_29 = arith.constant 0 : i32
      %dma_start3A_30 = tpu.memref_slice %arg7[%dma_start3A_23, %dma_start3A_29] : memref<5x128xi32, #tpu.memory_space<vmem>> -> memref<1x128xi32, #tpu.memory_space<vmem>>
      %dma_start3A_31 = tpu.memref_squeeze %dma_start3A_30 : memref<1x128xi32, #tpu.memory_space<vmem>> -> memref<128xi32, #tpu.memory_space<vmem>>
      %dma_start3A_32 = arith.constant 0 : i32
      %dma_start3A_33 = arith.constant 0 : i32
      %dma_start3A_34 = tpu.memref_slice %arg4[%dma_start3A_32, %dma_start3A_33] : memref<1000000x128xf32, #tpu.memory_space<hbm>> -> memref<1000000x128xf32, #tpu.memory_space<hbm>>
      tpu.enqueue_indirect_dma source(%dma_start3A_34 : memref<1000000x128xf32, #tpu.memory_space<hbm>>) target(%dma_start3A_28 : memref<128x128xf32, #tpu.memory_space<vmem>>) offsets(%dma_start3A_31 : memref<128xi32, #tpu.memory_space<vmem>>) semaphore(%arg10 : memref<!tpu.dma_semaphore, #tpu.memory_space<semaphore_mem>>)
      %dma_start3A_35 = arith.constant 2 : i32
      %dma_start3A_36 = arith.constant 2 : i32
      %dma_start3A_37 = arith.constant 0 : i32
      %dma_start3A_38 = arith.constant 0 : i32
      %dma_start3A_39 = tpu.memref_slice %arg9[%dma_start3A_36, %dma_start3A_37, %dma_start3A_38] : memref<5x128x128xf32, #tpu.memory_space<vmem>> -> memref<1x128x128xf32, #tpu.memory_space<vmem>>
      %dma_start3A_40 = tpu.memref_squeeze %dma_start3A_39 : memref<1x128x128xf32, #tpu.memory_space<vmem>> -> memref<128x128xf32, #tpu.memory_space<vmem>>
      %dma_start3A_41 = arith.constant 0 : i32
      %dma_start3A_42 = tpu.memref_slice %arg7[%dma_start3A_35, %dma_start3A_41] : memref<5x128xi32, #tpu.memory_space<vmem>> -> memref<1x128xi32, #tpu.memory_space<vmem>>
      %dma_start3A_43 = tpu.memref_squeeze %dma_start3A_42 : memref<1x128xi32, #tpu.memory_space<vmem>> -> memref<128xi32, #tpu.memory_space<vmem>>
      %dma_start3A_44 = arith.constant 0 : i32
      %dma_start3A_45 = arith.constant 0 : i32
      %dma_start3A_46 = tpu.memref_slice %arg4[%dma_start3A_44, %dma_start3A_45] : memref<1000000x128xf32, #tpu.memory_space<hbm>> -> memref<1000000x128xf32, #tpu.memory_space<hbm>>
      tpu.enqueue_indirect_dma source(%dma_start3A_46 : memref<1000000x128xf32, #tpu.memory_space<hbm>>) target(%dma_start3A_40 : memref<128x128xf32, #tpu.memory_space<vmem>>) offsets(%dma_start3A_43 : memref<128xi32, #tpu.memory_space<vmem>>) semaphore(%arg10 : memref<!tpu.dma_semaphore, #tpu.memory_space<semaphore_mem>>)
      %dma_start3A_47 = arith.constant 3 : i32
      %dma_start3A_48 = arith.constant 3 : i32
      %dma_start3A_49 = arith.constant 0 : i32
      %dma_start3A_50 = arith.constant 0 : i32
      %dma_start3A_51 = tpu.memref_slice %arg9[%dma_start3A_48, %dma_start3A_49, %dma_start3A_50] : memref<5x128x128xf32, #tpu.memory_space<vmem>> -> memref<1x128x128xf32, #tpu.memory_space<vmem>>
      %dma_start3A_52 = tpu.memref_squeeze %dma_start3A_51 : memref<1x128x128xf32, #tpu.memory_space<vmem>> -> memref<128x128xf32, #tpu.memory_space<vmem>>
      %dma_start3A_53 = arith.constant 0 : i32
      %dma_start3A_54 = tpu.memref_slice %arg7[%dma_start3A_47, %dma_start3A_53] : memref<5x128xi32, #tpu.memory_space<vmem>> -> memref<1x128xi32, #tpu.memory_space<vmem>>
      %dma_start3A_55 = tpu.memref_squeeze %dma_start3A_54 : memref<1x128xi32, #tpu.memory_space<vmem>> -> memref<128xi32, #tpu.memory_space<vmem>>
      %dma_start3A_56 = arith.constant 0 : i32
      %dma_start3A_57 = arith.constant 0 : i32
      %dma_start3A_58 = tpu.memref_slice %arg4[%dma_start3A_56, %dma_start3A_57] : memref<1000000x128xf32, #tpu.memory_space<hbm>> -> memref<1000000x128xf32, #tpu.memory_space<hbm>>
      tpu.enqueue_indirect_dma source(%dma_start3A_58 : memref<1000000x128xf32, #tpu.memory_space<hbm>>) target(%dma_start3A_52 : memref<128x128xf32, #tpu.memory_space<vmem>>) offsets(%dma_start3A_55 : memref<128xi32, #tpu.memory_space<vmem>>) semaphore(%arg10 : memref<!tpu.dma_semaphore, #tpu.memory_space<semaphore_mem>>)
      %dma_start3A_59 = arith.constant 4 : i32
      %dma_start3A_60 = arith.constant 4 : i32
      %dma_start3A_61 = arith.constant 0 : i32
      %dma_start3A_62 = arith.constant 0 : i32
      %dma_start3A_63 = tpu.memref_slice %arg9[%dma_start3A_60, %dma_start3A_61, %dma_start3A_62] : memref<5x128x128xf32, #tpu.memory_space<vmem>> -> memref<1x128x128xf32, #tpu.memory_space<vmem>>
      %dma_start3A_64 = tpu.memref_squeeze %dma_start3A_63 : memref<1x128x128xf32, #tpu.memory_space<vmem>> -> memref<128x128xf32, #tpu.memory_space<vmem>>
      %dma_start3A_65 = arith.constant 0 : i32
      %dma_start3A_66 = tpu.memref_slice %arg7[%dma_start3A_59, %dma_start3A_65] : memref<5x128xi32, #tpu.memory_space<vmem>> -> memref<1x128xi32, #tpu.memory_space<vmem>>
      %dma_start3A_67 = tpu.memref_squeeze %dma_start3A_66 : memref<1x128xi32, #tpu.memory_space<vmem>> -> memref<128xi32, #tpu.memory_space<vmem>>
      %dma_start3A_68 = arith.constant 0 : i32
      %dma_start3A_69 = arith.constant 0 : i32
      %dma_start3A_70 = tpu.memref_slice %arg4[%dma_start3A_68, %dma_start3A_69] : memref<1000000x128xf32, #tpu.memory_space<hbm>> -> memref<1000000x128xf32, #tpu.memory_space<hbm>>
      tpu.enqueue_indirect_dma source(%dma_start3A_70 : memref<1000000x128xf32, #tpu.memory_space<hbm>>) target(%dma_start3A_64 : memref<128x128xf32, #tpu.memory_space<vmem>>) offsets(%dma_start3A_67 : memref<128xi32, #tpu.memory_space<vmem>>) semaphore(%arg10 : memref<!tpu.dma_semaphore, #tpu.memory_space<semaphore_mem>>)
      %dma_wait3A = arith.constant 0 : i32
      %dma_wait3A_71 = arith.constant 0 : i32
      %dma_wait3A_72 = arith.constant 0 : i32
      %dma_wait3A_73 = arith.constant 0 : i32
      %dma_wait3A_74 = tpu.memref_slice %arg9[%dma_wait3A_71, %dma_wait3A_72, %dma_wait3A_73] : memref<5x128x128xf32, #tpu.memory_space<vmem>> -> memref<1x128x128xf32, #tpu.memory_space<vmem>>
      %dma_wait3A_75 = tpu.memref_squeeze %dma_wait3A_74 : memref<1x128x128xf32, #tpu.memory_space<vmem>> -> memref<128x128xf32, #tpu.memory_space<vmem>>
      %dma_wait3A_76 = arith.constant 0 : i32
      %dma_wait3A_77 = tpu.memref_slice %arg7[%dma_wait3A, %dma_wait3A_76] : memref<5x128xi32, #tpu.memory_space<vmem>> -> memref<1x128xi32, #tpu.memory_space<vmem>>
      %dma_wait3A_78 = tpu.memref_squeeze %dma_wait3A_77 : memref<1x128xi32, #tpu.memory_space<vmem>> -> memref<128xi32, #tpu.memory_space<vmem>>
      %dma_wait3A_79 = arith.constant 0 : i32
      %dma_wait3A_80 = arith.constant 0 : i32
      %dma_wait3A_81 = tpu.memref_slice %arg4[%dma_wait3A_79, %dma_wait3A_80] : memref<1000000x128xf32, #tpu.memory_space<hbm>> -> memref<1000000x128xf32, #tpu.memory_space<hbm>>
      tpu.wait_indirect_dma semaphore(%arg10 : memref<!tpu.dma_semaphore, #tpu.memory_space<semaphore_mem>>) src(%dma_wait3A_81 : memref<1000000x128xf32, #tpu.memory_space<hbm>>) dst(%dma_wait3A_75 : memref<128x128xf32, #tpu.memory_space<vmem>>)
      %dma_start3A_82 = arith.constant 0 : i32
      %dma_start3A_83 = arith.constant 0 : i32
      %dma_start3A_84 = arith.constant 0 : i32
      %dma_start3A_85 = arith.constant 0 : i32
      %dma_start3A_86 = tpu.memref_slice %arg9[%dma_start3A_83, %dma_start3A_84, %dma_start3A_85] : memref<5x128x128xf32, #tpu.memory_space<vmem>> -> memref<1x128x128xf32, #tpu.memory_space<vmem>>
      %dma_start3A_87 = tpu.memref_squeeze %dma_start3A_86 : memref<1x128x128xf32, #tpu.memory_space<vmem>> -> memref<128x128xf32, #tpu.memory_space<vmem>>
      %dma_start3A_88 = arith.constant 0 : i32
      %dma_start3A_89 = tpu.memref_slice %arg8[%dma_start3A_82, %dma_start3A_88] : memref<5x128xi32, #tpu.memory_space<vmem>> -> memref<1x128xi32, #tpu.memory_space<vmem>>
      %dma_start3A_90 = tpu.memref_squeeze %dma_start3A_89 : memref<1x128xi32, #tpu.memory_space<vmem>> -> memref<128xi32, #tpu.memory_space<vmem>>
      %dma_start3A_91 = arith.constant 0 : i32
      %dma_start3A_92 = arith.constant 0 : i32
      %dma_start3A_93 = tpu.memref_slice %arg5[%dma_start3A_91, %dma_start3A_92] : memref<1000x128xf32, #tpu.memory_space<hbm>> -> memref<1000x128xf32, #tpu.memory_space<hbm>>
      tpu.enqueue_indirect_dma source(%dma_start3A_93 : memref<1000x128xf32, #tpu.memory_space<hbm>>) target(%dma_start3A_87 : memref<128x128xf32, #tpu.memory_space<vmem>>) offsets(%dma_start3A_90 : memref<128xi32, #tpu.memory_space<vmem>>) semaphore(%arg11 : memref<!tpu.dma_semaphore, #tpu.memory_space<semaphore_mem>>) {add = true}
      %dma_wait3A_94 = arith.constant 1 : i32
      %dma_wait3A_95 = arith.constant 1 : i32
      %dma_wait3A_96 = arith.constant 0 : i32
      %dma_wait3A_97 = arith.constant 0 : i32
      %dma_wait3A_98 = tpu.memref_slice %arg9[%dma_wait3A_95, %dma_wait3A_96, %dma_wait3A_97] : memref<5x128x128xf32, #tpu.memory_space<vmem>> -> memref<1x128x128xf32, #tpu.memory_space<vmem>>
      %dma_wait3A_99 = tpu.memref_squeeze %dma_wait3A_98 : memref<1x128x128xf32, #tpu.memory_space<vmem>> -> memref<128x128xf32, #tpu.memory_space<vmem>>
      %dma_wait3A_100 = arith.constant 0 : i32
      %dma_wait3A_101 = tpu.memref_slice %arg7[%dma_wait3A_94, %dma_wait3A_100] : memref<5x128xi32, #tpu.memory_space<vmem>> -> memref<1x128xi32, #tpu.memory_space<vmem>>
      %dma_wait3A_102 = tpu.memref_squeeze %dma_wait3A_101 : memref<1x128xi32, #tpu.memory_space<vmem>> -> memref<128xi32, #tpu.memory_space<vmem>>
      %dma_wait3A_103 = arith.constant 0 : i32
      %dma_wait3A_104 = arith.constant 0 : i32
      %dma_wait3A_105 = tpu.memref_slice %arg4[%dma_wait3A_103, %dma_wait3A_104] : memref<1000000x128xf32, #tpu.memory_space<hbm>> -> memref<1000000x128xf32, #tpu.memory_space<hbm>>
      tpu.wait_indirect_dma semaphore(%arg10 : memref<!tpu.dma_semaphore, #tpu.memory_space<semaphore_mem>>) src(%dma_wait3A_105 : memref<1000000x128xf32, #tpu.memory_space<hbm>>) dst(%dma_wait3A_99 : memref<128x128xf32, #tpu.memory_space<vmem>>)
      %dma_start3A_106 = arith.constant 1 : i32
      %dma_start3A_107 = arith.constant 1 : i32
      %dma_start3A_108 = arith.constant 0 : i32
      %dma_start3A_109 = arith.constant 0 : i32
      %dma_start3A_110 = tpu.memref_slice %arg9[%dma_start3A_107, %dma_start3A_108, %dma_start3A_109] : memref<5x128x128xf32, #tpu.memory_space<vmem>> -> memref<1x128x128xf32, #tpu.memory_space<vmem>>
      %dma_start3A_111 = tpu.memref_squeeze %dma_start3A_110 : memref<1x128x128xf32, #tpu.memory_space<vmem>> -> memref<128x128xf32, #tpu.memory_space<vmem>>
      %dma_start3A_112 = arith.constant 0 : i32
      %dma_start3A_113 = tpu.memref_slice %arg8[%dma_start3A_106, %dma_start3A_112] : memref<5x128xi32, #tpu.memory_space<vmem>> -> memref<1x128xi32, #tpu.memory_space<vmem>>
      %dma_start3A_114 = tpu.memref_squeeze %dma_start3A_113 : memref<1x128xi32, #tpu.memory_space<vmem>> -> memref<128xi32, #tpu.memory_space<vmem>>
      %dma_start3A_115 = arith.constant 0 : i32
      %dma_start3A_116 = arith.constant 0 : i32
      %dma_start3A_117 = tpu.memref_slice %arg5[%dma_start3A_115, %dma_start3A_116] : memref<1000x128xf32, #tpu.memory_space<hbm>> -> memref<1000x128xf32, #tpu.memory_space<hbm>>
      tpu.enqueue_indirect_dma source(%dma_start3A_117 : memref<1000x128xf32, #tpu.memory_space<hbm>>) target(%dma_start3A_111 : memref<128x128xf32, #tpu.memory_space<vmem>>) offsets(%dma_start3A_114 : memref<128xi32, #tpu.memory_space<vmem>>) semaphore(%arg11 : memref<!tpu.dma_semaphore, #tpu.memory_space<semaphore_mem>>) {add = true}
      %dma_wait3A_118 = arith.constant 2 : i32
      %dma_wait3A_119 = arith.constant 2 : i32
      %dma_wait3A_120 = arith.constant 0 : i32
      %dma_wait3A_121 = arith.constant 0 : i32
      %dma_wait3A_122 = tpu.memref_slice %arg9[%dma_wait3A_119, %dma_wait3A_120, %dma_wait3A_121] : memref<5x128x128xf32, #tpu.memory_space<vmem>> -> memref<1x128x128xf32, #tpu.memory_space<vmem>>
      %dma_wait3A_123 = tpu.memref_squeeze %dma_wait3A_122 : memref<1x128x128xf32, #tpu.memory_space<vmem>> -> memref<128x128xf32, #tpu.memory_space<vmem>>
      %dma_wait3A_124 = arith.constant 0 : i32
      %dma_wait3A_125 = tpu.memref_slice %arg7[%dma_wait3A_118, %dma_wait3A_124] : memref<5x128xi32, #tpu.memory_space<vmem>> -> memref<1x128xi32, #tpu.memory_space<vmem>>
      %dma_wait3A_126 = tpu.memref_squeeze %dma_wait3A_125 : memref<1x128xi32, #tpu.memory_space<vmem>> -> memref<128xi32, #tpu.memory_space<vmem>>
      %dma_wait3A_127 = arith.constant 0 : i32
      %dma_wait3A_128 = arith.constant 0 : i32
      %dma_wait3A_129 = tpu.memref_slice %arg4[%dma_wait3A_127, %dma_wait3A_128] : memref<1000000x128xf32, #tpu.memory_space<hbm>> -> memref<1000000x128xf32, #tpu.memory_space<hbm>>
      tpu.wait_indirect_dma semaphore(%arg10 : memref<!tpu.dma_semaphore, #tpu.memory_space<semaphore_mem>>) src(%dma_wait3A_129 : memref<1000000x128xf32, #tpu.memory_space<hbm>>) dst(%dma_wait3A_123 : memref<128x128xf32, #tpu.memory_space<vmem>>)
      %dma_start3A_130 = arith.constant 2 : i32
      %dma_start3A_131 = arith.constant 2 : i32
      %dma_start3A_132 = arith.constant 0 : i32
      %dma_start3A_133 = arith.constant 0 : i32
      %dma_start3A_134 = tpu.memref_slice %arg9[%dma_start3A_131, %dma_start3A_132, %dma_start3A_133] : memref<5x128x128xf32, #tpu.memory_space<vmem>> -> memref<1x128x128xf32, #tpu.memory_space<vmem>>
      %dma_start3A_135 = tpu.memref_squeeze %dma_start3A_134 : memref<1x128x128xf32, #tpu.memory_space<vmem>> -> memref<128x128xf32, #tpu.memory_space<vmem>>
      %dma_start3A_136 = arith.constant 0 : i32
      %dma_start3A_137 = tpu.memref_slice %arg8[%dma_start3A_130, %dma_start3A_136] : memref<5x128xi32, #tpu.memory_space<vmem>> -> memref<1x128xi32, #tpu.memory_space<vmem>>
      %dma_start3A_138 = tpu.memref_squeeze %dma_start3A_137 : memref<1x128xi32, #tpu.memory_space<vmem>> -> memref<128xi32, #tpu.memory_space<vmem>>
      %dma_start3A_139 = arith.constant 0 : i32
      %dma_start3A_140 = arith.constant 0 : i32
      %dma_start3A_141 = tpu.memref_slice %arg5[%dma_start3A_139, %dma_start3A_140] : memref<1000x128xf32, #tpu.memory_space<hbm>> -> memref<1000x128xf32, #tpu.memory_space<hbm>>
      tpu.enqueue_indirect_dma source(%dma_start3A_141 : memref<1000x128xf32, #tpu.memory_space<hbm>>) target(%dma_start3A_135 : memref<128x128xf32, #tpu.memory_space<vmem>>) offsets(%dma_start3A_138 : memref<128xi32, #tpu.memory_space<vmem>>) semaphore(%arg11 : memref<!tpu.dma_semaphore, #tpu.memory_space<semaphore_mem>>) {add = true}
      %dma_wait3A_142 = arith.constant 3 : i32
      %dma_wait3A_143 = arith.constant 3 : i32
      %dma_wait3A_144 = arith.constant 0 : i32
      %dma_wait3A_145 = arith.constant 0 : i32
      %dma_wait3A_146 = tpu.memref_slice %arg9[%dma_wait3A_143, %dma_wait3A_144, %dma_wait3A_145] : memref<5x128x128xf32, #tpu.memory_space<vmem>> -> memref<1x128x128xf32, #tpu.memory_space<vmem>>
      %dma_wait3A_147 = tpu.memref_squeeze %dma_wait3A_146 : memref<1x128x128xf32, #tpu.memory_space<vmem>> -> memref<128x128xf32, #tpu.memory_space<vmem>>
      %dma_wait3A_148 = arith.constant 0 : i32
      %dma_wait3A_149 = tpu.memref_slice %arg7[%dma_wait3A_142, %dma_wait3A_148] : memref<5x128xi32, #tpu.memory_space<vmem>> -> memref<1x128xi32, #tpu.memory_space<vmem>>
      %dma_wait3A_150 = tpu.memref_squeeze %dma_wait3A_149 : memref<1x128xi32, #tpu.memory_space<vmem>> -> memref<128xi32, #tpu.memory_space<vmem>>
      %dma_wait3A_151 = arith.constant 0 : i32
      %dma_wait3A_152 = arith.constant 0 : i32
      %dma_wait3A_153 = tpu.memref_slice %arg4[%dma_wait3A_151, %dma_wait3A_152] : memref<1000000x128xf32, #tpu.memory_space<hbm>> -> memref<1000000x128xf32, #tpu.memory_space<hbm>>
      tpu.wait_indirect_dma semaphore(%arg10 : memref<!tpu.dma_semaphore, #tpu.memory_space<semaphore_mem>>) src(%dma_wait3A_153 : memref<1000000x128xf32, #tpu.memory_space<hbm>>) dst(%dma_wait3A_147 : memref<128x128xf32, #tpu.memory_space<vmem>>)
      %dma_start3A_154 = arith.constant 3 : i32
      %dma_start3A_155 = arith.constant 3 : i32
      %dma_start3A_156 = arith.constant 0 : i32
      %dma_start3A_157 = arith.constant 0 : i32
      %dma_start3A_158 = tpu.memref_slice %arg9[%dma_start3A_155, %dma_start3A_156, %dma_start3A_157] : memref<5x128x128xf32, #tpu.memory_space<vmem>> -> memref<1x128x128xf32, #tpu.memory_space<vmem>>
      %dma_start3A_159 = tpu.memref_squeeze %dma_start3A_158 : memref<1x128x128xf32, #tpu.memory_space<vmem>> -> memref<128x128xf32, #tpu.memory_space<vmem>>
      %dma_start3A_160 = arith.constant 0 : i32
      %dma_start3A_161 = tpu.memref_slice %arg8[%dma_start3A_154, %dma_start3A_160] : memref<5x128xi32, #tpu.memory_space<vmem>> -> memref<1x128xi32, #tpu.memory_space<vmem>>
      %dma_start3A_162 = tpu.memref_squeeze %dma_start3A_161 : memref<1x128xi32, #tpu.memory_space<vmem>> -> memref<128xi32, #tpu.memory_space<vmem>>
      %dma_start3A_163 = arith.constant 0 : i32
      %dma_start3A_164 = arith.constant 0 : i32
      %dma_start3A_165 = tpu.memref_slice %arg5[%dma_start3A_163, %dma_start3A_164] : memref<1000x128xf32, #tpu.memory_space<hbm>> -> memref<1000x128xf32, #tpu.memory_space<hbm>>
      tpu.enqueue_indirect_dma source(%dma_start3A_165 : memref<1000x128xf32, #tpu.memory_space<hbm>>) target(%dma_start3A_159 : memref<128x128xf32, #tpu.memory_space<vmem>>) offsets(%dma_start3A_162 : memref<128xi32, #tpu.memory_space<vmem>>) semaphore(%arg11 : memref<!tpu.dma_semaphore, #tpu.memory_space<semaphore_mem>>) {add = true}
      %dma_wait3A_166 = arith.constant 4 : i32
      %dma_wait3A_167 = arith.constant 4 : i32
      %dma_wait3A_168 = arith.constant 0 : i32
      %dma_wait3A_169 = arith.constant 0 : i32
      %dma_wait3A_170 = tpu.memref_slice %arg9[%dma_wait3A_167, %dma_wait3A_168, %dma_wait3A_169] : memref<5x128x128xf32, #tpu.memory_space<vmem>> -> memref<1x128x128xf32, #tpu.memory_space<vmem>>
      %dma_wait3A_171 = tpu.memref_squeeze %dma_wait3A_170 : memref<1x128x128xf32, #tpu.memory_space<vmem>> -> memref<128x128xf32, #tpu.memory_space<vmem>>
      %dma_wait3A_172 = arith.constant 0 : i32
      %dma_wait3A_173 = tpu.memref_slice %arg7[%dma_wait3A_166, %dma_wait3A_172] : memref<5x128xi32, #tpu.memory_space<vmem>> -> memref<1x128xi32, #tpu.memory_space<vmem>>
      %dma_wait3A_174 = tpu.memref_squeeze %dma_wait3A_173 : memref<1x128xi32, #tpu.memory_space<vmem>> -> memref<128xi32, #tpu.memory_space<vmem>>
      %dma_wait3A_175 = arith.constant 0 : i32
      %dma_wait3A_176 = arith.constant 0 : i32
      %dma_wait3A_177 = tpu.memref_slice %arg4[%dma_wait3A_175, %dma_wait3A_176] : memref<1000000x128xf32, #tpu.memory_space<hbm>> -> memref<1000000x128xf32, #tpu.memory_space<hbm>>
      tpu.wait_indirect_dma semaphore(%arg10 : memref<!tpu.dma_semaphore, #tpu.memory_space<semaphore_mem>>) src(%dma_wait3A_177 : memref<1000000x128xf32, #tpu.memory_space<hbm>>) dst(%dma_wait3A_171 : memref<128x128xf32, #tpu.memory_space<vmem>>)
      %dma_start3A_178 = arith.constant 4 : i32
      %dma_start3A_179 = arith.constant 4 : i32
      %dma_start3A_180 = arith.constant 0 : i32
      %dma_start3A_181 = arith.constant 0 : i32
      %dma_start3A_182 = tpu.memref_slice %arg9[%dma_start3A_179, %dma_start3A_180, %dma_start3A_181] : memref<5x128x128xf32, #tpu.memory_space<vmem>> -> memref<1x128x128xf32, #tpu.memory_space<vmem>>
      %dma_start3A_183 = tpu.memref_squeeze %dma_start3A_182 : memref<1x128x128xf32, #tpu.memory_space<vmem>> -> memref<128x128xf32, #tpu.memory_space<vmem>>
      %dma_start3A_184 = arith.constant 0 : i32
      %dma_start3A_185 = tpu.memref_slice %arg8[%dma_start3A_178, %dma_start3A_184] : memref<5x128xi32, #tpu.memory_space<vmem>> -> memref<1x128xi32, #tpu.memory_space<vmem>>
      %dma_start3A_186 = tpu.memref_squeeze %dma_start3A_185 : memref<1x128xi32, #tpu.memory_space<vmem>> -> memref<128xi32, #tpu.memory_space<vmem>>
      %dma_start3A_187 = arith.constant 0 : i32
      %dma_start3A_188 = arith.constant 0 : i32
      %dma_start3A_189 = tpu.memref_slice %arg5[%dma_start3A_187, %dma_start3A_188] : memref<1000x128xf32, #tpu.memory_space<hbm>> -> memref<1000x128xf32, #tpu.memory_space<hbm>>
      tpu.enqueue_indirect_dma source(%dma_start3A_189 : memref<1000x128xf32, #tpu.memory_space<hbm>>) target(%dma_start3A_183 : memref<128x128xf32, #tpu.memory_space<vmem>>) offsets(%dma_start3A_186 : memref<128xi32, #tpu.memory_space<vmem>>) semaphore(%arg11 : memref<!tpu.dma_semaphore, #tpu.memory_space<semaphore_mem>>) {add = true}
      %dma_wait3A_190 = arith.constant 0 : i32
      %dma_wait3A_191 = arith.constant 0 : i32
      %dma_wait3A_192 = arith.constant 0 : i32
      %dma_wait3A_193 = arith.constant 0 : i32
      %dma_wait3A_194 = tpu.memref_slice %arg9[%dma_wait3A_191, %dma_wait3A_192, %dma_wait3A_193] : memref<5x128x128xf32, #tpu.memory_space<vmem>> -> memref<1x128x128xf32, #tpu.memory_space<vmem>>
      %dma_wait3A_195 = tpu.memref_squeeze %dma_wait3A_194 : memref<1x128x128xf32, #tpu.memory_space<vmem>> -> memref<128x128xf32, #tpu.memory_space<vmem>>
      %dma_wait3A_196 = arith.constant 0 : i32
      %dma_wait3A_197 = tpu.memref_slice %arg8[%dma_wait3A_190, %dma_wait3A_196] : memref<5x128xi32, #tpu.memory_space<vmem>> -> memref<1x128xi32, #tpu.memory_space<vmem>>
      %dma_wait3A_198 = tpu.memref_squeeze %dma_wait3A_197 : memref<1x128xi32, #tpu.memory_space<vmem>> -> memref<128xi32, #tpu.memory_space<vmem>>
      %dma_wait3A_199 = arith.constant 0 : i32
      %dma_wait3A_200 = arith.constant 0 : i32
      %dma_wait3A_201 = tpu.memref_slice %arg5[%dma_wait3A_199, %dma_wait3A_200] : memref<1000x128xf32, #tpu.memory_space<hbm>> -> memref<1000x128xf32, #tpu.memory_space<hbm>>
      tpu.wait_indirect_dma semaphore(%arg11 : memref<!tpu.dma_semaphore, #tpu.memory_space<semaphore_mem>>) src(%dma_wait3A_201 : memref<1000x128xf32, #tpu.memory_space<hbm>>) dst(%dma_wait3A_195 : memref<128x128xf32, #tpu.memory_space<vmem>>)
      %add3A_202 = arith.constant 0 : i32
      %add3A_203 = arith.addi %add3A_11, %add3A_202 : i32
      %dma_start3A_204 = arith.constant 0 : i32
      %dma_start3A_205 = arith.constant 0 : i32
      %dma_start3A_206 = arith.constant 0 : i32
      %dma_start3A_207 = tpu.memref_slice %arg9[%dma_start3A_204, %dma_start3A_205, %dma_start3A_206] : memref<5x128x128xf32, #tpu.memory_space<vmem>> -> memref<1x128x128xf32, #tpu.memory_space<vmem>>
      %dma_start3A_208 = tpu.memref_squeeze %dma_start3A_207 : memref<1x128x128xf32, #tpu.memory_space<vmem>> -> memref<128x128xf32, #tpu.memory_space<vmem>>
      %dma_start3A_209 = arith.constant 0 : i32
      %dma_start3A_210 = arith.constant 0 : i32
      %dma_start3A_211 = tpu.memref_slice %arg6[%add3A_203, %dma_start3A_209, %dma_start3A_210] : memref<1600x128x128xf32, #tpu.memory_space<hbm>> -> memref<1x128x128xf32, #tpu.memory_space<hbm>>
      %dma_start3A_212 = tpu.memref_squeeze %dma_start3A_211 : memref<1x128x128xf32, #tpu.memory_space<hbm>> -> memref<128x128xf32, #tpu.memory_space<hbm>>
      %dma_start3A_213 = arith.constant 0 : i32
      %dma_start3A_214 = arith.constant 0 : i32
      %dma_start3A_215 = tpu.memref_slice %arg6[%add3A_203, %dma_start3A_213, %dma_start3A_214] : memref<1600x128x128xf32, #tpu.memory_space<hbm>> -> memref<1x128x128xf32, #tpu.memory_space<hbm>>
      %dma_start3A_216 = tpu.memref_squeeze %dma_start3A_215 : memref<1x128x128xf32, #tpu.memory_space<hbm>> -> memref<128x128xf32, #tpu.memory_space<hbm>>
      %dma_start3A_217 = arith.constant 0 : i32
      %dma_start3A_218 = arith.constant 0 : i32
      %dma_start3A_219 = tpu.memref_slice %arg9[%dma_start3A_204, %dma_start3A_217, %dma_start3A_218] : memref<5x128x128xf32, #tpu.memory_space<vmem>> -> memref<1x128x128xf32, #tpu.memory_space<vmem>>
      %dma_start3A_220 = tpu.memref_squeeze %dma_start3A_219 : memref<1x128x128xf32, #tpu.memory_space<vmem>> -> memref<128x128xf32, #tpu.memory_space<vmem>>
      tpu.enqueue_dma source(%dma_start3A_220 : memref<128x128xf32, #tpu.memory_space<vmem>>) target(%dma_start3A_216 : memref<128x128xf32, #tpu.memory_space<hbm>>) target_semaphore(%arg12 : memref<!tpu.dma_semaphore, #tpu.memory_space<semaphore_mem>>)
      %dma_wait3A_221 = arith.constant 1 : i32
      %dma_wait3A_222 = arith.constant 1 : i32
      %dma_wait3A_223 = arith.constant 0 : i32
      %dma_wait3A_224 = arith.constant 0 : i32
      %dma_wait3A_225 = tpu.memref_slice %arg9[%dma_wait3A_222, %dma_wait3A_223, %dma_wait3A_224] : memref<5x128x128xf32, #tpu.memory_space<vmem>> -> memref<1x128x128xf32, #tpu.memory_space<vmem>>
      %dma_wait3A_226 = tpu.memref_squeeze %dma_wait3A_225 : memref<1x128x128xf32, #tpu.memory_space<vmem>> -> memref<128x128xf32, #tpu.memory_space<vmem>>
      %dma_wait3A_227 = arith.constant 0 : i32
      %dma_wait3A_228 = tpu.memref_slice %arg8[%dma_wait3A_221, %dma_wait3A_227] : memref<5x128xi32, #tpu.memory_space<vmem>> -> memref<1x128xi32, #tpu.memory_space<vmem>>
      %dma_wait3A_229 = tpu.memref_squeeze %dma_wait3A_228 : memref<1x128xi32, #tpu.memory_space<vmem>> -> memref<128xi32, #tpu.memory_space<vmem>>
      %dma_wait3A_230 = arith.constant 0 : i32
      %dma_wait3A_231 = arith.constant 0 : i32
      %dma_wait3A_232 = tpu.memref_slice %arg5[%dma_wait3A_230, %dma_wait3A_231] : memref<1000x128xf32, #tpu.memory_space<hbm>> -> memref<1000x128xf32, #tpu.memory_space<hbm>>
      tpu.wait_indirect_dma semaphore(%arg11 : memref<!tpu.dma_semaphore, #tpu.memory_space<semaphore_mem>>) src(%dma_wait3A_232 : memref<1000x128xf32, #tpu.memory_space<hbm>>) dst(%dma_wait3A_226 : memref<128x128xf32, #tpu.memory_space<vmem>>)
      %add3A_233 = arith.constant 1 : i32
      %add3A_234 = arith.addi %add3A_11, %add3A_233 : i32
      %dma_start3A_235 = arith.constant 1 : i32
      %dma_start3A_236 = arith.constant 0 : i32
      %dma_start3A_237 = arith.constant 0 : i32
      %dma_start3A_238 = tpu.memref_slice %arg9[%dma_start3A_235, %dma_start3A_236, %dma_start3A_237] : memref<5x128x128xf32, #tpu.memory_space<vmem>> -> memref<1x128x128xf32, #tpu.memory_space<vmem>>
      %dma_start3A_239 = tpu.memref_squeeze %dma_start3A_238 : memref<1x128x128xf32, #tpu.memory_space<vmem>> -> memref<128x128xf32, #tpu.memory_space<vmem>>
      %dma_start3A_240 = arith.constant 0 : i32
      %dma_start3A_241 = arith.constant 0 : i32
      %dma_start3A_242 = tpu.memref_slice %arg6[%add3A_234, %dma_start3A_240, %dma_start3A_241] : memref<1600x128x128xf32, #tpu.memory_space<hbm>> -> memref<1x128x128xf32, #tpu.memory_space<hbm>>
      %dma_start3A_243 = tpu.memref_squeeze %dma_start3A_242 : memref<1x128x128xf32, #tpu.memory_space<hbm>> -> memref<128x128xf32, #tpu.memory_space<hbm>>
      %dma_start3A_244 = arith.constant 0 : i32
      %dma_start3A_245 = arith.constant 0 : i32
      %dma_start3A_246 = tpu.memref_slice %arg6[%add3A_234, %dma_start3A_244, %dma_start3A_245] : memref<1600x128x128xf32, #tpu.memory_space<hbm>> -> memref<1x128x128xf32, #tpu.memory_space<hbm>>
      %dma_start3A_247 = tpu.memref_squeeze %dma_start3A_246 : memref<1x128x128xf32, #tpu.memory_space<hbm>> -> memref<128x128xf32, #tpu.memory_space<hbm>>
      %dma_start3A_248 = arith.constant 0 : i32
      %dma_start3A_249 = arith.constant 0 : i32
      %dma_start3A_250 = tpu.memref_slice %arg9[%dma_start3A_235, %dma_start3A_248, %dma_start3A_249] : memref<5x128x128xf32, #tpu.memory_space<vmem>> -> memref<1x128x128xf32, #tpu.memory_space<vmem>>
      %dma_start3A_251 = tpu.memref_squeeze %dma_start3A_250 : memref<1x128x128xf32, #tpu.memory_space<vmem>> -> memref<128x128xf32, #tpu.memory_space<vmem>>
      tpu.enqueue_dma source(%dma_start3A_251 : memref<128x128xf32, #tpu.memory_space<vmem>>) target(%dma_start3A_247 : memref<128x128xf32, #tpu.memory_space<hbm>>) target_semaphore(%arg12 : memref<!tpu.dma_semaphore, #tpu.memory_space<semaphore_mem>>)
      %dma_wait3A_252 = arith.constant 2 : i32
      %dma_wait3A_253 = arith.constant 2 : i32
      %dma_wait3A_254 = arith.constant 0 : i32
      %dma_wait3A_255 = arith.constant 0 : i32
      %dma_wait3A_256 = tpu.memref_slice %arg9[%dma_wait3A_253, %dma_wait3A_254, %dma_wait3A_255] : memref<5x128x128xf32, #tpu.memory_space<vmem>> -> memref<1x128x128xf32, #tpu.memory_space<vmem>>
      %dma_wait3A_257 = tpu.memref_squeeze %dma_wait3A_256 : memref<1x128x128xf32, #tpu.memory_space<vmem>> -> memref<128x128xf32, #tpu.memory_space<vmem>>
      %dma_wait3A_258 = arith.constant 0 : i32
      %dma_wait3A_259 = tpu.memref_slice %arg8[%dma_wait3A_252, %dma_wait3A_258] : memref<5x128xi32, #tpu.memory_space<vmem>> -> memref<1x128xi32, #tpu.memory_space<vmem>>
      %dma_wait3A_260 = tpu.memref_squeeze %dma_wait3A_259 : memref<1x128xi32, #tpu.memory_space<vmem>> -> memref<128xi32, #tpu.memory_space<vmem>>
      %dma_wait3A_261 = arith.constant 0 : i32
      %dma_wait3A_262 = arith.constant 0 : i32
      %dma_wait3A_263 = tpu.memref_slice %arg5[%dma_wait3A_261, %dma_wait3A_262] : memref<1000x128xf32, #tpu.memory_space<hbm>> -> memref<1000x128xf32, #tpu.memory_space<hbm>>
      tpu.wait_indirect_dma semaphore(%arg11 : memref<!tpu.dma_semaphore, #tpu.memory_space<semaphore_mem>>) src(%dma_wait3A_263 : memref<1000x128xf32, #tpu.memory_space<hbm>>) dst(%dma_wait3A_257 : memref<128x128xf32, #tpu.memory_space<vmem>>)
      %add3A_264 = arith.constant 2 : i32
      %add3A_265 = arith.addi %add3A_11, %add3A_264 : i32
      %dma_start3A_266 = arith.constant 2 : i32
      %dma_start3A_267 = arith.constant 0 : i32
      %dma_start3A_268 = arith.constant 0 : i32
      %dma_start3A_269 = tpu.memref_slice %arg9[%dma_start3A_266, %dma_start3A_267, %dma_start3A_268] : memref<5x128x128xf32, #tpu.memory_space<vmem>> -> memref<1x128x128xf32, #tpu.memory_space<vmem>>
      %dma_start3A_270 = tpu.memref_squeeze %dma_start3A_269 : memref<1x128x128xf32, #tpu.memory_space<vmem>> -> memref<128x128xf32, #tpu.memory_space<vmem>>
      %dma_start3A_271 = arith.constant 0 : i32
      %dma_start3A_272 = arith.constant 0 : i32
      %dma_start3A_273 = tpu.memref_slice %arg6[%add3A_265, %dma_start3A_271, %dma_start3A_272] : memref<1600x128x128xf32, #tpu.memory_space<hbm>> -> memref<1x128x128xf32, #tpu.memory_space<hbm>>
      %dma_start3A_274 = tpu.memref_squeeze %dma_start3A_273 : memref<1x128x128xf32, #tpu.memory_space<hbm>> -> memref<128x128xf32, #tpu.memory_space<hbm>>
      %dma_start3A_275 = arith.constant 0 : i32
      %dma_start3A_276 = arith.constant 0 : i32
      %dma_start3A_277 = tpu.memref_slice %arg6[%add3A_265, %dma_start3A_275, %dma_start3A_276] : memref<1600x128x128xf32, #tpu.memory_space<hbm>> -> memref<1x128x128xf32, #tpu.memory_space<hbm>>
      %dma_start3A_278 = tpu.memref_squeeze %dma_start3A_277 : memref<1x128x128xf32, #tpu.memory_space<hbm>> -> memref<128x128xf32, #tpu.memory_space<hbm>>
      %dma_start3A_279 = arith.constant 0 : i32
      %dma_start3A_280 = arith.constant 0 : i32
      %dma_start3A_281 = tpu.memref_slice %arg9[%dma_start3A_266, %dma_start3A_279, %dma_start3A_280] : memref<5x128x128xf32, #tpu.memory_space<vmem>> -> memref<1x128x128xf32, #tpu.memory_space<vmem>>
      %dma_start3A_282 = tpu.memref_squeeze %dma_start3A_281 : memref<1x128x128xf32, #tpu.memory_space<vmem>> -> memref<128x128xf32, #tpu.memory_space<vmem>>
      tpu.enqueue_dma source(%dma_start3A_282 : memref<128x128xf32, #tpu.memory_space<vmem>>) target(%dma_start3A_278 : memref<128x128xf32, #tpu.memory_space<hbm>>) target_semaphore(%arg12 : memref<!tpu.dma_semaphore, #tpu.memory_space<semaphore_mem>>)
      %dma_wait3A_283 = arith.constant 3 : i32
      %dma_wait3A_284 = arith.constant 3 : i32
      %dma_wait3A_285 = arith.constant 0 : i32
      %dma_wait3A_286 = arith.constant 0 : i32
      %dma_wait3A_287 = tpu.memref_slice %arg9[%dma_wait3A_284, %dma_wait3A_285, %dma_wait3A_286] : memref<5x128x128xf32, #tpu.memory_space<vmem>> -> memref<1x128x128xf32, #tpu.memory_space<vmem>>
      %dma_wait3A_288 = tpu.memref_squeeze %dma_wait3A_287 : memref<1x128x128xf32, #tpu.memory_space<vmem>> -> memref<128x128xf32, #tpu.memory_space<vmem>>
      %dma_wait3A_289 = arith.constant 0 : i32
      %dma_wait3A_290 = tpu.memref_slice %arg8[%dma_wait3A_283, %dma_wait3A_289] : memref<5x128xi32, #tpu.memory_space<vmem>> -> memref<1x128xi32, #tpu.memory_space<vmem>>
      %dma_wait3A_291 = tpu.memref_squeeze %dma_wait3A_290 : memref<1x128xi32, #tpu.memory_space<vmem>> -> memref<128xi32, #tpu.memory_space<vmem>>
      %dma_wait3A_292 = arith.constant 0 : i32
      %dma_wait3A_293 = arith.constant 0 : i32
      %dma_wait3A_294 = tpu.memref_slice %arg5[%dma_wait3A_292, %dma_wait3A_293] : memref<1000x128xf32, #tpu.memory_space<hbm>> -> memref<1000x128xf32, #tpu.memory_space<hbm>>
      tpu.wait_indirect_dma semaphore(%arg11 : memref<!tpu.dma_semaphore, #tpu.memory_space<semaphore_mem>>) src(%dma_wait3A_294 : memref<1000x128xf32, #tpu.memory_space<hbm>>) dst(%dma_wait3A_288 : memref<128x128xf32, #tpu.memory_space<vmem>>)
      %add3A_295 = arith.constant 3 : i32
      %add3A_296 = arith.addi %add3A_11, %add3A_295 : i32
      %dma_start3A_297 = arith.constant 3 : i32
      %dma_start3A_298 = arith.constant 0 : i32
      %dma_start3A_299 = arith.constant 0 : i32
      %dma_start3A_300 = tpu.memref_slice %arg9[%dma_start3A_297, %dma_start3A_298, %dma_start3A_299] : memref<5x128x128xf32, #tpu.memory_space<vmem>> -> memref<1x128x128xf32, #tpu.memory_space<vmem>>
      %dma_start3A_301 = tpu.memref_squeeze %dma_start3A_300 : memref<1x128x128xf32, #tpu.memory_space<vmem>> -> memref<128x128xf32, #tpu.memory_space<vmem>>
      %dma_start3A_302 = arith.constant 0 : i32
      %dma_start3A_303 = arith.constant 0 : i32
      %dma_start3A_304 = tpu.memref_slice %arg6[%add3A_296, %dma_start3A_302, %dma_start3A_303] : memref<1600x128x128xf32, #tpu.memory_space<hbm>> -> memref<1x128x128xf32, #tpu.memory_space<hbm>>
      %dma_start3A_305 = tpu.memref_squeeze %dma_start3A_304 : memref<1x128x128xf32, #tpu.memory_space<hbm>> -> memref<128x128xf32, #tpu.memory_space<hbm>>
      %dma_start3A_306 = arith.constant 0 : i32
      %dma_start3A_307 = arith.constant 0 : i32
      %dma_start3A_308 = tpu.memref_slice %arg6[%add3A_296, %dma_start3A_306, %dma_start3A_307] : memref<1600x128x128xf32, #tpu.memory_space<hbm>> -> memref<1x128x128xf32, #tpu.memory_space<hbm>>
      %dma_start3A_309 = tpu.memref_squeeze %dma_start3A_308 : memref<1x128x128xf32, #tpu.memory_space<hbm>> -> memref<128x128xf32, #tpu.memory_space<hbm>>
      %dma_start3A_310 = arith.constant 0 : i32
      %dma_start3A_311 = arith.constant 0 : i32
      %dma_start3A_312 = tpu.memref_slice %arg9[%dma_start3A_297, %dma_start3A_310, %dma_start3A_311] : memref<5x128x128xf32, #tpu.memory_space<vmem>> -> memref<1x128x128xf32, #tpu.memory_space<vmem>>
      %dma_start3A_313 = tpu.memref_squeeze %dma_start3A_312 : memref<1x128x128xf32, #tpu.memory_space<vmem>> -> memref<128x128xf32, #tpu.memory_space<vmem>>
      tpu.enqueue_dma source(%dma_start3A_313 : memref<128x128xf32, #tpu.memory_space<vmem>>) target(%dma_start3A_309 : memref<128x128xf32, #tpu.memory_space<hbm>>) target_semaphore(%arg12 : memref<!tpu.dma_semaphore, #tpu.memory_space<semaphore_mem>>)
      %dma_wait3A_314 = arith.constant 4 : i32
      %dma_wait3A_315 = arith.constant 4 : i32
      %dma_wait3A_316 = arith.constant 0 : i32
      %dma_wait3A_317 = arith.constant 0 : i32
      %dma_wait3A_318 = tpu.memref_slice %arg9[%dma_wait3A_315, %dma_wait3A_316, %dma_wait3A_317] : memref<5x128x128xf32, #tpu.memory_space<vmem>> -> memref<1x128x128xf32, #tpu.memory_space<vmem>>
      %dma_wait3A_319 = tpu.memref_squeeze %dma_wait3A_318 : memref<1x128x128xf32, #tpu.memory_space<vmem>> -> memref<128x128xf32, #tpu.memory_space<vmem>>
      %dma_wait3A_320 = arith.constant 0 : i32
      %dma_wait3A_321 = tpu.memref_slice %arg8[%dma_wait3A_314, %dma_wait3A_320] : memref<5x128xi32, #tpu.memory_space<vmem>> -> memref<1x128xi32, #tpu.memory_space<vmem>>
      %dma_wait3A_322 = tpu.memref_squeeze %dma_wait3A_321 : memref<1x128xi32, #tpu.memory_space<vmem>> -> memref<128xi32, #tpu.memory_space<vmem>>
      %dma_wait3A_323 = arith.constant 0 : i32
      %dma_wait3A_324 = arith.constant 0 : i32
      %dma_wait3A_325 = tpu.memref_slice %arg5[%dma_wait3A_323, %dma_wait3A_324] : memref<1000x128xf32, #tpu.memory_space<hbm>> -> memref<1000x128xf32, #tpu.memory_space<hbm>>
      tpu.wait_indirect_dma semaphore(%arg11 : memref<!tpu.dma_semaphore, #tpu.memory_space<semaphore_mem>>) src(%dma_wait3A_325 : memref<1000x128xf32, #tpu.memory_space<hbm>>) dst(%dma_wait3A_319 : memref<128x128xf32, #tpu.memory_space<vmem>>)
      %add3A_326 = arith.constant 4 : i32
      %add3A_327 = arith.addi %add3A_11, %add3A_326 : i32
      %dma_start3A_328 = arith.constant 4 : i32
      %dma_start3A_329 = arith.constant 0 : i32
      %dma_start3A_330 = arith.constant 0 : i32
      %dma_start3A_331 = tpu.memref_slice %arg9[%dma_start3A_328, %dma_start3A_329, %dma_start3A_330] : memref<5x128x128xf32, #tpu.memory_space<vmem>> -> memref<1x128x128xf32, #tpu.memory_space<vmem>>
      %dma_start3A_332 = tpu.memref_squeeze %dma_start3A_331 : memref<1x128x128xf32, #tpu.memory_space<vmem>> -> memref<128x128xf32, #tpu.memory_space<vmem>>
      %dma_start3A_333 = arith.constant 0 : i32
      %dma_start3A_334 = arith.constant 0 : i32
      %dma_start3A_335 = tpu.memref_slice %arg6[%add3A_327, %dma_start3A_333, %dma_start3A_334] : memref<1600x128x128xf32, #tpu.memory_space<hbm>> -> memref<1x128x128xf32, #tpu.memory_space<hbm>>
      %dma_start3A_336 = tpu.memref_squeeze %dma_start3A_335 : memref<1x128x128xf32, #tpu.memory_space<hbm>> -> memref<128x128xf32, #tpu.memory_space<hbm>>
      %dma_start3A_337 = arith.constant 0 : i32
      %dma_start3A_338 = arith.constant 0 : i32
      %dma_start3A_339 = tpu.memref_slice %arg6[%add3A_327, %dma_start3A_337, %dma_start3A_338] : memref<1600x128x128xf32, #tpu.memory_space<hbm>> -> memref<1x128x128xf32, #tpu.memory_space<hbm>>
      %dma_start3A_340 = tpu.memref_squeeze %dma_start3A_339 : memref<1x128x128xf32, #tpu.memory_space<hbm>> -> memref<128x128xf32, #tpu.memory_space<hbm>>
      %dma_start3A_341 = arith.constant 0 : i32
      %dma_start3A_342 = arith.constant 0 : i32
      %dma_start3A_343 = tpu.memref_slice %arg9[%dma_start3A_328, %dma_start3A_341, %dma_start3A_342] : memref<5x128x128xf32, #tpu.memory_space<vmem>> -> memref<1x128x128xf32, #tpu.memory_space<vmem>>
      %dma_start3A_344 = tpu.memref_squeeze %dma_start3A_343 : memref<1x128x128xf32, #tpu.memory_space<vmem>> -> memref<128x128xf32, #tpu.memory_space<vmem>>
      tpu.enqueue_dma source(%dma_start3A_344 : memref<128x128xf32, #tpu.memory_space<vmem>>) target(%dma_start3A_340 : memref<128x128xf32, #tpu.memory_space<hbm>>) target_semaphore(%arg12 : memref<!tpu.dma_semaphore, #tpu.memory_space<semaphore_mem>>)
      %dma_wait3A_345 = arith.constant 0 : i32
      %dma_wait3A_346 = arith.constant 0 : i32
      %dma_wait3A_347 = arith.constant 0 : i32
      %dma_wait3A_348 = tpu.memref_slice %arg9[%dma_wait3A_345, %dma_wait3A_346, %dma_wait3A_347] : memref<5x128x128xf32, #tpu.memory_space<vmem>> -> memref<1x128x128xf32, #tpu.memory_space<vmem>>
      %dma_wait3A_349 = tpu.memref_squeeze %dma_wait3A_348 : memref<1x128x128xf32, #tpu.memory_space<vmem>> -> memref<128x128xf32, #tpu.memory_space<vmem>>
      %dma_wait3A_350 = arith.constant 0 : i32
      %dma_wait3A_351 = arith.constant 0 : i32
      %dma_wait3A_352 = tpu.memref_slice %arg6[%add3A_203, %dma_wait3A_350, %dma_wait3A_351] : memref<1600x128x128xf32, #tpu.memory_space<hbm>> -> memref<1x128x128xf32, #tpu.memory_space<hbm>>
      %dma_wait3A_353 = tpu.memref_squeeze %dma_wait3A_352 : memref<1x128x128xf32, #tpu.memory_space<hbm>> -> memref<128x128xf32, #tpu.memory_space<hbm>>
      %dma_wait3A_354 = arith.constant 0 : i32
      %dma_wait3A_355 = arith.constant 0 : i32
      %dma_wait3A_356 = tpu.memref_slice %arg6[%add3A_203, %dma_wait3A_354, %dma_wait3A_355] : memref<1600x128x128xf32, #tpu.memory_space<hbm>> -> memref<1x128x128xf32, #tpu.memory_space<hbm>>
      %dma_wait3A_357 = tpu.memref_squeeze %dma_wait3A_356 : memref<1x128x128xf32, #tpu.memory_space<hbm>> -> memref<128x128xf32, #tpu.memory_space<hbm>>
      %dma_wait3A_358 = arith.constant 0 : i32
      %dma_wait3A_359 = arith.constant 0 : i32
      %dma_wait3A_360 = tpu.memref_slice %arg9[%dma_wait3A_345, %dma_wait3A_358, %dma_wait3A_359] : memref<5x128x128xf32, #tpu.memory_space<vmem>> -> memref<1x128x128xf32, #tpu.memory_space<vmem>>
      %dma_wait3A_361 = tpu.memref_squeeze %dma_wait3A_360 : memref<1x128x128xf32, #tpu.memory_space<vmem>> -> memref<128x128xf32, #tpu.memory_space<vmem>>
      tpu.wait_dma2 semaphore(%arg12 : memref<!tpu.dma_semaphore, #tpu.memory_space<semaphore_mem>>) src(%dma_wait3A_361 : memref<128x128xf32, #tpu.memory_space<vmem>>) dst(%dma_wait3A_357 : memref<128x128xf32, #tpu.memory_space<hbm>>)
      %dma_wait3A_362 = arith.constant 1 : i32
      %dma_wait3A_363 = arith.constant 0 : i32
      %dma_wait3A_364 = arith.constant 0 : i32
      %dma_wait3A_365 = tpu.memref_slice %arg9[%dma_wait3A_362, %dma_wait3A_363, %dma_wait3A_364] : memref<5x128x128xf32, #tpu.memory_space<vmem>> -> memref<1x128x128xf32, #tpu.memory_space<vmem>>
      %dma_wait3A_366 = tpu.memref_squeeze %dma_wait3A_365 : memref<1x128x128xf32, #tpu.memory_space<vmem>> -> memref<128x128xf32, #tpu.memory_space<vmem>>
      %dma_wait3A_367 = arith.constant 0 : i32
      %dma_wait3A_368 = arith.constant 0 : i32
      %dma_wait3A_369 = tpu.memref_slice %arg6[%add3A_234, %dma_wait3A_367, %dma_wait3A_368] : memref<1600x128x128xf32, #tpu.memory_space<hbm>> -> memref<1x128x128xf32, #tpu.memory_space<hbm>>
      %dma_wait3A_370 = tpu.memref_squeeze %dma_wait3A_369 : memref<1x128x128xf32, #tpu.memory_space<hbm>> -> memref<128x128xf32, #tpu.memory_space<hbm>>
      %dma_wait3A_371 = arith.constant 0 : i32
      %dma_wait3A_372 = arith.constant 0 : i32
      %dma_wait3A_373 = tpu.memref_slice %arg6[%add3A_234, %dma_wait3A_371, %dma_wait3A_372] : memref<1600x128x128xf32, #tpu.memory_space<hbm>> -> memref<1x128x128xf32, #tpu.memory_space<hbm>>
      %dma_wait3A_374 = tpu.memref_squeeze %dma_wait3A_373 : memref<1x128x128xf32, #tpu.memory_space<hbm>> -> memref<128x128xf32, #tpu.memory_space<hbm>>
      %dma_wait3A_375 = arith.constant 0 : i32
      %dma_wait3A_376 = arith.constant 0 : i32
      %dma_wait3A_377 = tpu.memref_slice %arg9[%dma_wait3A_362, %dma_wait3A_375, %dma_wait3A_376] : memref<5x128x128xf32, #tpu.memory_space<vmem>> -> memref<1x128x128xf32, #tpu.memory_space<vmem>>
      %dma_wait3A_378 = tpu.memref_squeeze %dma_wait3A_377 : memref<1x128x128xf32, #tpu.memory_space<vmem>> -> memref<128x128xf32, #tpu.memory_space<vmem>>
      tpu.wait_dma2 semaphore(%arg12 : memref<!tpu.dma_semaphore, #tpu.memory_space<semaphore_mem>>) src(%dma_wait3A_378 : memref<128x128xf32, #tpu.memory_space<vmem>>) dst(%dma_wait3A_374 : memref<128x128xf32, #tpu.memory_space<hbm>>)
      %dma_wait3A_379 = arith.constant 2 : i32
      %dma_wait3A_380 = arith.constant 0 : i32
      %dma_wait3A_381 = arith.constant 0 : i32
      %dma_wait3A_382 = tpu.memref_slice %arg9[%dma_wait3A_379, %dma_wait3A_380, %dma_wait3A_381] : memref<5x128x128xf32, #tpu.memory_space<vmem>> -> memref<1x128x128xf32, #tpu.memory_space<vmem>>
      %dma_wait3A_383 = tpu.memref_squeeze %dma_wait3A_382 : memref<1x128x128xf32, #tpu.memory_space<vmem>> -> memref<128x128xf32, #tpu.memory_space<vmem>>
      %dma_wait3A_384 = arith.constant 0 : i32
      %dma_wait3A_385 = arith.constant 0 : i32
      %dma_wait3A_386 = tpu.memref_slice %arg6[%add3A_265, %dma_wait3A_384, %dma_wait3A_385] : memref<1600x128x128xf32, #tpu.memory_space<hbm>> -> memref<1x128x128xf32, #tpu.memory_space<hbm>>
      %dma_wait3A_387 = tpu.memref_squeeze %dma_wait3A_386 : memref<1x128x128xf32, #tpu.memory_space<hbm>> -> memref<128x128xf32, #tpu.memory_space<hbm>>
      %dma_wait3A_388 = arith.constant 0 : i32
      %dma_wait3A_389 = arith.constant 0 : i32
      %dma_wait3A_390 = tpu.memref_slice %arg6[%add3A_265, %dma_wait3A_388, %dma_wait3A_389] : memref<1600x128x128xf32, #tpu.memory_space<hbm>> -> memref<1x128x128xf32, #tpu.memory_space<hbm>>
      %dma_wait3A_391 = tpu.memref_squeeze %dma_wait3A_390 : memref<1x128x128xf32, #tpu.memory_space<hbm>> -> memref<128x128xf32, #tpu.memory_space<hbm>>
      %dma_wait3A_392 = arith.constant 0 : i32
      %dma_wait3A_393 = arith.constant 0 : i32
      %dma_wait3A_394 = tpu.memref_slice %arg9[%dma_wait3A_379, %dma_wait3A_392, %dma_wait3A_393] : memref<5x128x128xf32, #tpu.memory_space<vmem>> -> memref<1x128x128xf32, #tpu.memory_space<vmem>>
      %dma_wait3A_395 = tpu.memref_squeeze %dma_wait3A_394 : memref<1x128x128xf32, #tpu.memory_space<vmem>> -> memref<128x128xf32, #tpu.memory_space<vmem>>
      tpu.wait_dma2 semaphore(%arg12 : memref<!tpu.dma_semaphore, #tpu.memory_space<semaphore_mem>>) src(%dma_wait3A_395 : memref<128x128xf32, #tpu.memory_space<vmem>>) dst(%dma_wait3A_391 : memref<128x128xf32, #tpu.memory_space<hbm>>)
      %dma_wait3A_396 = arith.constant 3 : i32
      %dma_wait3A_397 = arith.constant 0 : i32
      %dma_wait3A_398 = arith.constant 0 : i32
      %dma_wait3A_399 = tpu.memref_slice %arg9[%dma_wait3A_396, %dma_wait3A_397, %dma_wait3A_398] : memref<5x128x128xf32, #tpu.memory_space<vmem>> -> memref<1x128x128xf32, #tpu.memory_space<vmem>>
      %dma_wait3A_400 = tpu.memref_squeeze %dma_wait3A_399 : memref<1x128x128xf32, #tpu.memory_space<vmem>> -> memref<128x128xf32, #tpu.memory_space<vmem>>
      %dma_wait3A_401 = arith.constant 0 : i32
      %dma_wait3A_402 = arith.constant 0 : i32
      %dma_wait3A_403 = tpu.memref_slice %arg6[%add3A_296, %dma_wait3A_401, %dma_wait3A_402] : memref<1600x128x128xf32, #tpu.memory_space<hbm>> -> memref<1x128x128xf32, #tpu.memory_space<hbm>>
      %dma_wait3A_404 = tpu.memref_squeeze %dma_wait3A_403 : memref<1x128x128xf32, #tpu.memory_space<hbm>> -> memref<128x128xf32, #tpu.memory_space<hbm>>
      %dma_wait3A_405 = arith.constant 0 : i32
      %dma_wait3A_406 = arith.constant 0 : i32
      %dma_wait3A_407 = tpu.memref_slice %arg6[%add3A_296, %dma_wait3A_405, %dma_wait3A_406] : memref<1600x128x128xf32, #tpu.memory_space<hbm>> -> memref<1x128x128xf32, #tpu.memory_space<hbm>>
      %dma_wait3A_408 = tpu.memref_squeeze %dma_wait3A_407 : memref<1x128x128xf32, #tpu.memory_space<hbm>> -> memref<128x128xf32, #tpu.memory_space<hbm>>
      %dma_wait3A_409 = arith.constant 0 : i32
      %dma_wait3A_410 = arith.constant 0 : i32
      %dma_wait3A_411 = tpu.memref_slice %arg9[%dma_wait3A_396, %dma_wait3A_409, %dma_wait3A_410] : memref<5x128x128xf32, #tpu.memory_space<vmem>> -> memref<1x128x128xf32, #tpu.memory_space<vmem>>
      %dma_wait3A_412 = tpu.memref_squeeze %dma_wait3A_411 : memref<1x128x128xf32, #tpu.memory_space<vmem>> -> memref<128x128xf32, #tpu.memory_space<vmem>>
      tpu.wait_dma2 semaphore(%arg12 : memref<!tpu.dma_semaphore, #tpu.memory_space<semaphore_mem>>) src(%dma_wait3A_412 : memref<128x128xf32, #tpu.memory_space<vmem>>) dst(%dma_wait3A_408 : memref<128x128xf32, #tpu.memory_space<hbm>>)
      %dma_wait3A_413 = arith.constant 4 : i32
      %dma_wait3A_414 = arith.constant 0 : i32
      %dma_wait3A_415 = arith.constant 0 : i32
      %dma_wait3A_416 = tpu.memref_slice %arg9[%dma_wait3A_413, %dma_wait3A_414, %dma_wait3A_415] : memref<5x128x128xf32, #tpu.memory_space<vmem>> -> memref<1x128x128xf32, #tpu.memory_space<vmem>>
      %dma_wait3A_417 = tpu.memref_squeeze %dma_wait3A_416 : memref<1x128x128xf32, #tpu.memory_space<vmem>> -> memref<128x128xf32, #tpu.memory_space<vmem>>
      %dma_wait3A_418 = arith.constant 0 : i32
      %dma_wait3A_419 = arith.constant 0 : i32
      %dma_wait3A_420 = tpu.memref_slice %arg6[%add3A_327, %dma_wait3A_418, %dma_wait3A_419] : memref<1600x128x128xf32, #tpu.memory_space<hbm>> -> memref<1x128x128xf32, #tpu.memory_space<hbm>>
      %dma_wait3A_421 = tpu.memref_squeeze %dma_wait3A_420 : memref<1x128x128xf32, #tpu.memory_space<hbm>> -> memref<128x128xf32, #tpu.memory_space<hbm>>
      %dma_wait3A_422 = arith.constant 0 : i32
      %dma_wait3A_423 = arith.constant 0 : i32
      %dma_wait3A_424 = tpu.memref_slice %arg6[%add3A_327, %dma_wait3A_422, %dma_wait3A_423] : memref<1600x128x128xf32, #tpu.memory_space<hbm>> -> memref<1x128x128xf32, #tpu.memory_space<hbm>>
      %dma_wait3A_425 = tpu.memref_squeeze %dma_wait3A_424 : memref<1x128x128xf32, #tpu.memory_space<hbm>> -> memref<128x128xf32, #tpu.memory_space<hbm>>
      %dma_wait3A_426 = arith.constant 0 : i32
      %dma_wait3A_427 = arith.constant 0 : i32
      %dma_wait3A_428 = tpu.memref_slice %arg9[%dma_wait3A_413, %dma_wait3A_426, %dma_wait3A_427] : memref<5x128x128xf32, #tpu.memory_space<vmem>> -> memref<1x128x128xf32, #tpu.memory_space<vmem>>
      %dma_wait3A_429 = tpu.memref_squeeze %dma_wait3A_428 : memref<1x128x128xf32, #tpu.memory_space<vmem>> -> memref<128x128xf32, #tpu.memory_space<vmem>>
      tpu.wait_dma2 semaphore(%arg12 : memref<!tpu.dma_semaphore, #tpu.memory_space<semaphore_mem>>) src(%dma_wait3A_429 : memref<128x128xf32, #tpu.memory_space<vmem>>) dst(%dma_wait3A_425 : memref<128x128xf32, #tpu.memory_space<hbm>>)
    }
    %scan3A_7 = arith.constant 10 : i32
    return
  }
}

#map = affine_map<(d0, d1) -> (0, 0)>
#map1 = affine_map<(d0, d1) -> (0, 0, 0)>
module attributes {stable_mosaic.version = 14 : i64} {
  func.func @k(%arg0: i32, %arg1: i32, %arg2: memref<1600x128xi32, #tpu.memory_space<hbm>>, %arg3: memref<1600x128xi32, #tpu.memory_space<hbm>>, %arg4: memref<1000000x128xf32, #tpu.memory_space<hbm>>, %arg5: memref<1000x128xf32, #tpu.memory_space<hbm>>, %arg6: memref<1600x128x128xf32, #tpu.memory_space<hbm>>, %arg7: memref<5x128xi32, #tpu.memory_space<vmem>>, %arg8: memref<5x128xi32, #tpu.memory_space<vmem>>, %arg9: memref<5x128x128xf32, #tpu.memory_space<vmem>>, %arg10: memref<!tpu.dma_semaphore, #tpu.memory_space<semaphore_mem>>, %arg11: memref<!tpu.dma_semaphore, #tpu.memory_space<semaphore_mem>>, %arg12: memref<!tpu.dma_semaphore, #tpu.memory_space<semaphore_mem>>) attributes {dimension_semantics = [#tpu.dimension_semantics<core_parallel>, #tpu.dimension_semantics<subcore_parallel>], iteration_bounds = array<i64: 2, 16>, scalar_prefetch = 0 : i64, scratch_operands = 6 : i64, tpu.core_type = #tpu.core_type<sc_vector_subcore>, window_params = [{transform_indices = #map}, {transform_indices = #map}, {transform_indices = #map}, {transform_indices = #map}, {transform_indices = #map1}]} {
    %mul3A = arith.constant 2 : i32
    %mul3A_0 = arith.muli %arg1, %mul3A : i32
    %add3A = arith.addi %mul3A_0, %arg0 : i32
    %mul3A_1 = arith.constant 50 : i32
    %mul3A_2 = arith.muli %add3A, %mul3A_1 : i32
    %scan3A = arith.constant 0 : i32
    %scan3A_3 = arith.constant 0 : i32
    %scan3A_4 = arith.constant 10 : i32
    %scan3A_5 = arith.addi %scan3A_3, %scan3A_4 : i32
    %scan3A_6 = arith.constant 1 : i32
    scf.for %scan3A_8 = %scan3A_3 to %scan3A_5 step %scan3A_6  : i32 {
      %mul3A_9 = arith.constant 5 : i32
      %mul3A_10 = arith.muli %scan3A_8, %mul3A_9 : i32
      %add3A_11 = arith.addi %mul3A_2, %mul3A_10 : i32
      "tpu.region"() ({
        %run_scoped3A = tpu.sem_alloc : memref<!tpu.dma_semaphore, #tpu.memory_space<semaphore_mem>>
        %dma_start3A_430 = arith.constant 0 : i32
        %dma_start3A_431 = tpu.memref_slice %arg2[%add3A_11, %dma_start3A_430] : memref<1600x128xi32, #tpu.memory_space<hbm>> -> memref<5x128xi32, #tpu.memory_space<hbm>>
        %dma_start3A_432 = arith.constant 0 : i32
        %dma_start3A_433 = tpu.memref_slice %arg2[%add3A_11, %dma_start3A_432] : memref<1600x128xi32, #tpu.memory_space<hbm>> -> memref<5x128xi32, #tpu.memory_space<hbm>>
        tpu.enqueue_dma source(%dma_start3A_433 : memref<5x128xi32, #tpu.memory_space<hbm>>) target(%arg7 : memref<5x128xi32, #tpu.memory_space<vmem>>) target_semaphore(%run_scoped3A : memref<!tpu.dma_semaphore, #tpu.memory_space<semaphore_mem>>)
        %dma_wait3A_434 = arith.constant 0 : i32
        %dma_wait3A_435 = tpu.memref_slice %arg2[%add3A_11, %dma_wait3A_434] : memref<1600x128xi32, #tpu.memory_space<hbm>> -> memref<5x128xi32, #tpu.memory_space<hbm>>
        %dma_wait3A_436 = arith.constant 0 : i32
        %dma_wait3A_437 = tpu.memref_slice %arg2[%add3A_11, %dma_wait3A_436] : memref<1600x128xi32, #tpu.memory_space<hbm>> -> memref<5x128xi32, #tpu.memory_space<hbm>>
        tpu.wait_dma2 semaphore(%run_scoped3A : memref<!tpu.dma_semaphore, #tpu.memory_space<semaphore_mem>>) src(%dma_wait3A_437 : memref<5x128xi32, #tpu.memory_space<hbm>>) dst(%arg7 : memref<5x128xi32, #tpu.memory_space<vmem>>)
        tpu.yield
      }) : () -> ()
      "tpu.region"() ({
        %run_scoped3A = tpu.sem_alloc : memref<!tpu.dma_semaphore, #tpu.memory_space<semaphore_mem>>
        %dma_start3A_430 = arith.constant 0 : i32
        %dma_start3A_431 = tpu.memref_slice %arg3[%add3A_11, %dma_start3A_430] : memref<1600x128xi32, #tpu.memory_space<hbm>> -> memref<5x128xi32, #tpu.memory_space<hbm>>
        %dma_start3A_432 = arith.constant 0 : i32
        %dma_start3A_433 = tpu.memref_slice %arg3[%add3A_11, %dma_start3A_432] : memref<1600x128xi32, #tpu.memory_space<hbm>> -> memref<5x128xi32, #tpu.memory_space<hbm>>
        tpu.enqueue_dma source(%dma_start3A_433 : memref<5x128xi32, #tpu.memory_space<hbm>>) target(%arg8 : memref<5x128xi32, #tpu.memory_space<vmem>>) target_semaphore(%run_scoped3A : memref<!tpu.dma_semaphore, #tpu.memory_space<semaphore_mem>>)
        %dma_wait3A_434 = arith.constant 0 : i32
        %dma_wait3A_435 = tpu.memref_slice %arg3[%add3A_11, %dma_wait3A_434] : memref<1600x128xi32, #tpu.memory_space<hbm>> -> memref<5x128xi32, #tpu.memory_space<hbm>>
        %dma_wait3A_436 = arith.constant 0 : i32
        %dma_wait3A_437 = tpu.memref_slice %arg3[%add3A_11, %dma_wait3A_436] : memref<1600x128xi32, #tpu.memory_space<hbm>> -> memref<5x128xi32, #tpu.memory_space<hbm>>
        tpu.wait_dma2 semaphore(%run_scoped3A : memref<!tpu.dma_semaphore, #tpu.memory_space<semaphore_mem>>) src(%dma_wait3A_437 : memref<5x128xi32, #tpu.memory_space<hbm>>) dst(%arg8 : memref<5x128xi32, #tpu.memory_space<vmem>>)
        tpu.yield
      }) : () -> ()
      %dma_start3A = arith.constant 0 : i32
      %dma_start3A_12 = arith.constant 0 : i32
      %dma_start3A_13 = arith.constant 0 : i32
      %dma_start3A_14 = arith.constant 0 : i32
      %dma_start3A_15 = tpu.memref_slice %arg9[%dma_start3A_12, %dma_start3A_13, %dma_start3A_14] : memref<5x128x128xf32, #tpu.memory_space<vmem>> -> memref<1x128x128xf32, #tpu.memory_space<vmem>>
      %dma_start3A_16 = tpu.memref_squeeze %dma_start3A_15 : memref<1x128x128xf32, #tpu.memory_space<vmem>> -> memref<128x128xf32, #tpu.memory_space<vmem>>
      %dma_start3A_17 = arith.constant 0 : i32
      %dma_start3A_18 = tpu.memref_slice %arg7[%dma_start3A, %dma_start3A_17] : memref<5x128xi32, #tpu.memory_space<vmem>> -> memref<1x128xi32, #tpu.memory_space<vmem>>
      %dma_start3A_19 = tpu.memref_squeeze %dma_start3A_18 : memref<1x128xi32, #tpu.memory_space<vmem>> -> memref<128xi32, #tpu.memory_space<vmem>>
      %dma_start3A_20 = arith.constant 0 : i32
      %dma_start3A_21 = arith.constant 0 : i32
      %dma_start3A_22 = tpu.memref_slice %arg4[%dma_start3A_20, %dma_start3A_21] : memref<1000000x128xf32, #tpu.memory_space<hbm>> -> memref<1000000x128xf32, #tpu.memory_space<hbm>>
      tpu.enqueue_indirect_dma source(%dma_start3A_22 : memref<1000000x128xf32, #tpu.memory_space<hbm>>) target(%dma_start3A_16 : memref<128x128xf32, #tpu.memory_space<vmem>>) offsets(%dma_start3A_19 : memref<128xi32, #tpu.memory_space<vmem>>) semaphore(%arg10 : memref<!tpu.dma_semaphore, #tpu.memory_space<semaphore_mem>>)
      %dma_start3A_23 = arith.constant 1 : i32
      %dma_start3A_24 = arith.constant 1 : i32
      %dma_start3A_25 = arith.constant 0 : i32
      %dma_start3A_26 = arith.constant 0 : i32
      %dma_start3A_27 = tpu.memref_slice %arg9[%dma_start3A_24, %dma_start3A_25, %dma_start3A_26] : memref<5x128x128xf32, #tpu.memory_space<vmem>> -> memref<1x128x128xf32, #tpu.memory_space<vmem>>
      %dma_start3A_28 = tpu.memref_squeeze %dma_start3A_27 : memref<1x128x128xf32, #tpu.memory_space<vmem>> -> memref<128x128xf32, #tpu.memory_space<vmem>>
      %dma_start3A_29 = arith.constant 0 : i32
      %dma_start3A_30 = tpu.memref_slice %arg7[%dma_start3A_23, %dma_start3A_29] : memref<5x128xi32, #tpu.memory_space<vmem>> -> memref<1x128xi32, #tpu.memory_space<vmem>>
      %dma_start3A_31 = tpu.memref_squeeze %dma_start3A_30 : memref<1x128xi32, #tpu.memory_space<vmem>> -> memref<128xi32, #tpu.memory_space<vmem>>
      %dma_start3A_32 = arith.constant 0 : i32
      %dma_start3A_33 = arith.constant 0 : i32
      %dma_start3A_34 = tpu.memref_slice %arg4[%dma_start3A_32, %dma_start3A_33] : memref<1000000x128xf32, #tpu.memory_space<hbm>> -> memref<1000000x128xf32, #tpu.memory_space<hbm>>
      tpu.enqueue_indirect_dma source(%dma_start3A_34 : memref<1000000x128xf32, #tpu.memory_space<hbm>>) target(%dma_start3A_28 : memref<128x128xf32, #tpu.memory_space<vmem>>) offsets(%dma_start3A_31 : memref<128xi32, #tpu.memory_space<vmem>>) semaphore(%arg10 : memref<!tpu.dma_semaphore, #tpu.memory_space<semaphore_mem>>)
      %dma_start3A_35 = arith.constant 2 : i32
      %dma_start3A_36 = arith.constant 2 : i32
      %dma_start3A_37 = arith.constant 0 : i32
      %dma_start3A_38 = arith.constant 0 : i32
      %dma_start3A_39 = tpu.memref_slice %arg9[%dma_start3A_36, %dma_start3A_37, %dma_start3A_38] : memref<5x128x128xf32, #tpu.memory_space<vmem>> -> memref<1x128x128xf32, #tpu.memory_space<vmem>>
      %dma_start3A_40 = tpu.memref_squeeze %dma_start3A_39 : memref<1x128x128xf32, #tpu.memory_space<vmem>> -> memref<128x128xf32, #tpu.memory_space<vmem>>
      %dma_start3A_41 = arith.constant 0 : i32
      %dma_start3A_42 = tpu.memref_slice %arg7[%dma_start3A_35, %dma_start3A_41] : memref<5x128xi32, #tpu.memory_space<vmem>> -> memref<1x128xi32, #tpu.memory_space<vmem>>
      %dma_start3A_43 = tpu.memref_squeeze %dma_start3A_42 : memref<1x128xi32, #tpu.memory_space<vmem>> -> memref<128xi32, #tpu.memory_space<vmem>>
      %dma_start3A_44 = arith.constant 0 : i32
      %dma_start3A_45 = arith.constant 0 : i32
      %dma_start3A_46 = tpu.memref_slice %arg4[%dma_start3A_44, %dma_start3A_45] : memref<1000000x128xf32, #tpu.memory_space<hbm>> -> memref<1000000x128xf32, #tpu.memory_space<hbm>>
      tpu.enqueue_indirect_dma source(%dma_start3A_46 : memref<1000000x128xf32, #tpu.memory_space<hbm>>) target(%dma_start3A_40 : memref<128x128xf32, #tpu.memory_space<vmem>>) offsets(%dma_start3A_43 : memref<128xi32, #tpu.memory_space<vmem>>) semaphore(%arg10 : memref<!tpu.dma_semaphore, #tpu.memory_space<semaphore_mem>>)
      %dma_start3A_47 = arith.constant 3 : i32
      %dma_start3A_48 = arith.constant 3 : i32
      %dma_start3A_49 = arith.constant 0 : i32
      %dma_start3A_50 = arith.constant 0 : i32
      %dma_start3A_51 = tpu.memref_slice %arg9[%dma_start3A_48, %dma_start3A_49, %dma_start3A_50] : memref<5x128x128xf32, #tpu.memory_space<vmem>> -> memref<1x128x128xf32, #tpu.memory_space<vmem>>
      %dma_start3A_52 = tpu.memref_squeeze %dma_start3A_51 : memref<1x128x128xf32, #tpu.memory_space<vmem>> -> memref<128x128xf32, #tpu.memory_space<vmem>>
      %dma_start3A_53 = arith.constant 0 : i32
      %dma_start3A_54 = tpu.memref_slice %arg7[%dma_start3A_47, %dma_start3A_53] : memref<5x128xi32, #tpu.memory_space<vmem>> -> memref<1x128xi32, #tpu.memory_space<vmem>>
      %dma_start3A_55 = tpu.memref_squeeze %dma_start3A_54 : memref<1x128xi32, #tpu.memory_space<vmem>> -> memref<128xi32, #tpu.memory_space<vmem>>
      %dma_start3A_56 = arith.constant 0 : i32
      %dma_start3A_57 = arith.constant 0 : i32
      %dma_start3A_58 = tpu.memref_slice %arg4[%dma_start3A_56, %dma_start3A_57] : memref<1000000x128xf32, #tpu.memory_space<hbm>> -> memref<1000000x128xf32, #tpu.memory_space<hbm>>
      tpu.enqueue_indirect_dma source(%dma_start3A_58 : memref<1000000x128xf32, #tpu.memory_space<hbm>>) target(%dma_start3A_52 : memref<128x128xf32, #tpu.memory_space<vmem>>) offsets(%dma_start3A_55 : memref<128xi32, #tpu.memory_space<vmem>>) semaphore(%arg10 : memref<!tpu.dma_semaphore, #tpu.memory_space<semaphore_mem>>)
      %dma_start3A_59 = arith.constant 4 : i32
      %dma_start3A_60 = arith.constant 4 : i32
      %dma_start3A_61 = arith.constant 0 : i32
      %dma_start3A_62 = arith.constant 0 : i32
      %dma_start3A_63 = tpu.memref_slice %arg9[%dma_start3A_60, %dma_start3A_61, %dma_start3A_62] : memref<5x128x128xf32, #tpu.memory_space<vmem>> -> memref<1x128x128xf32, #tpu.memory_space<vmem>>
      %dma_start3A_64 = tpu.memref_squeeze %dma_start3A_63 : memref<1x128x128xf32, #tpu.memory_space<vmem>> -> memref<128x128xf32, #tpu.memory_space<vmem>>
      %dma_start3A_65 = arith.constant 0 : i32
      %dma_start3A_66 = tpu.memref_slice %arg7[%dma_start3A_59, %dma_start3A_65] : memref<5x128xi32, #tpu.memory_space<vmem>> -> memref<1x128xi32, #tpu.memory_space<vmem>>
      %dma_start3A_67 = tpu.memref_squeeze %dma_start3A_66 : memref<1x128xi32, #tpu.memory_space<vmem>> -> memref<128xi32, #tpu.memory_space<vmem>>
      %dma_start3A_68 = arith.constant 0 : i32
      %dma_start3A_69 = arith.constant 0 : i32
      %dma_start3A_70 = tpu.memref_slice %arg4[%dma_start3A_68, %dma_start3A_69] : memref<1000000x128xf32, #tpu.memory_space<hbm>> -> memref<1000000x128xf32, #tpu.memory_space<hbm>>
      tpu.enqueue_indirect_dma source(%dma_start3A_70 : memref<1000000x128xf32, #tpu.memory_space<hbm>>) target(%dma_start3A_64 : memref<128x128xf32, #tpu.memory_space<vmem>>) offsets(%dma_start3A_67 : memref<128xi32, #tpu.memory_space<vmem>>) semaphore(%arg10 : memref<!tpu.dma_semaphore, #tpu.memory_space<semaphore_mem>>)
      %dma_wait3A = arith.constant 0 : i32
      %dma_wait3A_71 = arith.constant 0 : i32
      %dma_wait3A_72 = arith.constant 0 : i32
      %dma_wait3A_73 = arith.constant 0 : i32
      %dma_wait3A_74 = tpu.memref_slice %arg9[%dma_wait3A_71, %dma_wait3A_72, %dma_wait3A_73] : memref<5x128x128xf32, #tpu.memory_space<vmem>> -> memref<1x128x128xf32, #tpu.memory_space<vmem>>
      %dma_wait3A_75 = tpu.memref_squeeze %dma_wait3A_74 : memref<1x128x128xf32, #tpu.memory_space<vmem>> -> memref<128x128xf32, #tpu.memory_space<vmem>>
      %dma_wait3A_76 = arith.constant 0 : i32
      %dma_wait3A_77 = tpu.memref_slice %arg7[%dma_wait3A, %dma_wait3A_76] : memref<5x128xi32, #tpu.memory_space<vmem>> -> memref<1x128xi32, #tpu.memory_space<vmem>>
      %dma_wait3A_78 = tpu.memref_squeeze %dma_wait3A_77 : memref<1x128xi32, #tpu.memory_space<vmem>> -> memref<128xi32, #tpu.memory_space<vmem>>
      %dma_wait3A_79 = arith.constant 0 : i32
      %dma_wait3A_80 = arith.constant 0 : i32
      %dma_wait3A_81 = tpu.memref_slice %arg4[%dma_wait3A_79, %dma_wait3A_80] : memref<1000000x128xf32, #tpu.memory_space<hbm>> -> memref<1000000x128xf32, #tpu.memory_space<hbm>>
      tpu.wait_indirect_dma semaphore(%arg10 : memref<!tpu.dma_semaphore, #tpu.memory_space<semaphore_mem>>) src(%dma_wait3A_81 : memref<1000000x128xf32, #tpu.memory_space<hbm>>) dst(%dma_wait3A_75 : memref<128x128xf32, #tpu.memory_space<vmem>>)
      %dma_start3A_82 = arith.constant 0 : i32
      %dma_start3A_83 = arith.constant 0 : i32
      %dma_start3A_84 = arith.constant 0 : i32
      %dma_start3A_85 = arith.constant 0 : i32
      %dma_start3A_86 = tpu.memref_slice %arg9[%dma_start3A_83, %dma_start3A_84, %dma_start3A_85] : memref<5x128x128xf32, #tpu.memory_space<vmem>> -> memref<1x128x128xf32, #tpu.memory_space<vmem>>
      %dma_start3A_87 = tpu.memref_squeeze %dma_start3A_86 : memref<1x128x128xf32, #tpu.memory_space<vmem>> -> memref<128x128xf32, #tpu.memory_space<vmem>>
      %dma_start3A_88 = arith.constant 0 : i32
      %dma_start3A_89 = tpu.memref_slice %arg8[%dma_start3A_82, %dma_start3A_88] : memref<5x128xi32, #tpu.memory_space<vmem>> -> memref<1x128xi32, #tpu.memory_space<vmem>>
      %dma_start3A_90 = tpu.memref_squeeze %dma_start3A_89 : memref<1x128xi32, #tpu.memory_space<vmem>> -> memref<128xi32, #tpu.memory_space<vmem>>
      %dma_start3A_91 = arith.constant 0 : i32
      %dma_start3A_92 = arith.constant 0 : i32
      %dma_start3A_93 = tpu.memref_slice %arg5[%dma_start3A_91, %dma_start3A_92] : memref<1000x128xf32, #tpu.memory_space<hbm>> -> memref<1000x128xf32, #tpu.memory_space<hbm>>
      tpu.enqueue_indirect_dma source(%dma_start3A_93 : memref<1000x128xf32, #tpu.memory_space<hbm>>) target(%dma_start3A_87 : memref<128x128xf32, #tpu.memory_space<vmem>>) offsets(%dma_start3A_90 : memref<128xi32, #tpu.memory_space<vmem>>) semaphore(%arg11 : memref<!tpu.dma_semaphore, #tpu.memory_space<semaphore_mem>>) {add = true}
      %dma_wait3A_94 = arith.constant 1 : i32
      %dma_wait3A_95 = arith.constant 1 : i32
      %dma_wait3A_96 = arith.constant 0 : i32
      %dma_wait3A_97 = arith.constant 0 : i32
      %dma_wait3A_98 = tpu.memref_slice %arg9[%dma_wait3A_95, %dma_wait3A_96, %dma_wait3A_97] : memref<5x128x128xf32, #tpu.memory_space<vmem>> -> memref<1x128x128xf32, #tpu.memory_space<vmem>>
      %dma_wait3A_99 = tpu.memref_squeeze %dma_wait3A_98 : memref<1x128x128xf32, #tpu.memory_space<vmem>> -> memref<128x128xf32, #tpu.memory_space<vmem>>
      %dma_wait3A_100 = arith.constant 0 : i32
      %dma_wait3A_101 = tpu.memref_slice %arg7[%dma_wait3A_94, %dma_wait3A_100] : memref<5x128xi32, #tpu.memory_space<vmem>> -> memref<1x128xi32, #tpu.memory_space<vmem>>
      %dma_wait3A_102 = tpu.memref_squeeze %dma_wait3A_101 : memref<1x128xi32, #tpu.memory_space<vmem>> -> memref<128xi32, #tpu.memory_space<vmem>>
      %dma_wait3A_103 = arith.constant 0 : i32
      %dma_wait3A_104 = arith.constant 0 : i32
      %dma_wait3A_105 = tpu.memref_slice %arg4[%dma_wait3A_103, %dma_wait3A_104] : memref<1000000x128xf32, #tpu.memory_space<hbm>> -> memref<1000000x128xf32, #tpu.memory_space<hbm>>
      tpu.wait_indirect_dma semaphore(%arg10 : memref<!tpu.dma_semaphore, #tpu.memory_space<semaphore_mem>>) src(%dma_wait3A_105 : memref<1000000x128xf32, #tpu.memory_space<hbm>>) dst(%dma_wait3A_99 : memref<128x128xf32, #tpu.memory_space<vmem>>)
      %dma_start3A_106 = arith.constant 1 : i32
      %dma_start3A_107 = arith.constant 1 : i32
      %dma_start3A_108 = arith.constant 0 : i32
      %dma_start3A_109 = arith.constant 0 : i32
      %dma_start3A_110 = tpu.memref_slice %arg9[%dma_start3A_107, %dma_start3A_108, %dma_start3A_109] : memref<5x128x128xf32, #tpu.memory_space<vmem>> -> memref<1x128x128xf32, #tpu.memory_space<vmem>>
      %dma_start3A_111 = tpu.memref_squeeze %dma_start3A_110 : memref<1x128x128xf32, #tpu.memory_space<vmem>> -> memref<128x128xf32, #tpu.memory_space<vmem>>
      %dma_start3A_112 = arith.constant 0 : i32
      %dma_start3A_113 = tpu.memref_slice %arg8[%dma_start3A_106, %dma_start3A_112] : memref<5x128xi32, #tpu.memory_space<vmem>> -> memref<1x128xi32, #tpu.memory_space<vmem>>
      %dma_start3A_114 = tpu.memref_squeeze %dma_start3A_113 : memref<1x128xi32, #tpu.memory_space<vmem>> -> memref<128xi32, #tpu.memory_space<vmem>>
      %dma_start3A_115 = arith.constant 0 : i32
      %dma_start3A_116 = arith.constant 0 : i32
      %dma_start3A_117 = tpu.memref_slice %arg5[%dma_start3A_115, %dma_start3A_116] : memref<1000x128xf32, #tpu.memory_space<hbm>> -> memref<1000x128xf32, #tpu.memory_space<hbm>>
      tpu.enqueue_indirect_dma source(%dma_start3A_117 : memref<1000x128xf32, #tpu.memory_space<hbm>>) target(%dma_start3A_111 : memref<128x128xf32, #tpu.memory_space<vmem>>) offsets(%dma_start3A_114 : memref<128xi32, #tpu.memory_space<vmem>>) semaphore(%arg11 : memref<!tpu.dma_semaphore, #tpu.memory_space<semaphore_mem>>) {add = true}
      %dma_wait3A_118 = arith.constant 2 : i32
      %dma_wait3A_119 = arith.constant 2 : i32
      %dma_wait3A_120 = arith.constant 0 : i32
      %dma_wait3A_121 = arith.constant 0 : i32
      %dma_wait3A_122 = tpu.memref_slice %arg9[%dma_wait3A_119, %dma_wait3A_120, %dma_wait3A_121] : memref<5x128x128xf32, #tpu.memory_space<vmem>> -> memref<1x128x128xf32, #tpu.memory_space<vmem>>
      %dma_wait3A_123 = tpu.memref_squeeze %dma_wait3A_122 : memref<1x128x128xf32, #tpu.memory_space<vmem>> -> memref<128x128xf32, #tpu.memory_space<vmem>>
      %dma_wait3A_124 = arith.constant 0 : i32
      %dma_wait3A_125 = tpu.memref_slice %arg7[%dma_wait3A_118, %dma_wait3A_124] : memref<5x128xi32, #tpu.memory_space<vmem>> -> memref<1x128xi32, #tpu.memory_space<vmem>>
      %dma_wait3A_126 = tpu.memref_squeeze %dma_wait3A_125 : memref<1x128xi32, #tpu.memory_space<vmem>> -> memref<128xi32, #tpu.memory_space<vmem>>
      %dma_wait3A_127 = arith.constant 0 : i32
      %dma_wait3A_128 = arith.constant 0 : i32
      %dma_wait3A_129 = tpu.memref_slice %arg4[%dma_wait3A_127, %dma_wait3A_128] : memref<1000000x128xf32, #tpu.memory_space<hbm>> -> memref<1000000x128xf32, #tpu.memory_space<hbm>>
      tpu.wait_indirect_dma semaphore(%arg10 : memref<!tpu.dma_semaphore, #tpu.memory_space<semaphore_mem>>) src(%dma_wait3A_129 : memref<1000000x128xf32, #tpu.memory_space<hbm>>) dst(%dma_wait3A_123 : memref<128x128xf32, #tpu.memory_space<vmem>>)
      %dma_start3A_130 = arith.constant 2 : i32
      %dma_start3A_131 = arith.constant 2 : i32
      %dma_start3A_132 = arith.constant 0 : i32
      %dma_start3A_133 = arith.constant 0 : i32
      %dma_start3A_134 = tpu.memref_slice %arg9[%dma_start3A_131, %dma_start3A_132, %dma_start3A_133] : memref<5x128x128xf32, #tpu.memory_space<vmem>> -> memref<1x128x128xf32, #tpu.memory_space<vmem>>
      %dma_start3A_135 = tpu.memref_squeeze %dma_start3A_134 : memref<1x128x128xf32, #tpu.memory_space<vmem>> -> memref<128x128xf32, #tpu.memory_space<vmem>>
      %dma_start3A_136 = arith.constant 0 : i32
      %dma_start3A_137 = tpu.memref_slice %arg8[%dma_start3A_130, %dma_start3A_136] : memref<5x128xi32, #tpu.memory_space<vmem>> -> memref<1x128xi32, #tpu.memory_space<vmem>>
      %dma_start3A_138 = tpu.memref_squeeze %dma_start3A_137 : memref<1x128xi32, #tpu.memory_space<vmem>> -> memref<128xi32, #tpu.memory_space<vmem>>
      %dma_start3A_139 = arith.constant 0 : i32
      %dma_start3A_140 = arith.constant 0 : i32
      %dma_start3A_141 = tpu.memref_slice %arg5[%dma_start3A_139, %dma_start3A_140] : memref<1000x128xf32, #tpu.memory_space<hbm>> -> memref<1000x128xf32, #tpu.memory_space<hbm>>
      tpu.enqueue_indirect_dma source(%dma_start3A_141 : memref<1000x128xf32, #tpu.memory_space<hbm>>) target(%dma_start3A_135 : memref<128x128xf32, #tpu.memory_space<vmem>>) offsets(%dma_start3A_138 : memref<128xi32, #tpu.memory_space<vmem>>) semaphore(%arg11 : memref<!tpu.dma_semaphore, #tpu.memory_space<semaphore_mem>>) {add = true}
      %dma_wait3A_142 = arith.constant 3 : i32
      %dma_wait3A_143 = arith.constant 3 : i32
      %dma_wait3A_144 = arith.constant 0 : i32
      %dma_wait3A_145 = arith.constant 0 : i32
      %dma_wait3A_146 = tpu.memref_slice %arg9[%dma_wait3A_143, %dma_wait3A_144, %dma_wait3A_145] : memref<5x128x128xf32, #tpu.memory_space<vmem>> -> memref<1x128x128xf32, #tpu.memory_space<vmem>>
      %dma_wait3A_147 = tpu.memref_squeeze %dma_wait3A_146 : memref<1x128x128xf32, #tpu.memory_space<vmem>> -> memref<128x128xf32, #tpu.memory_space<vmem>>
      %dma_wait3A_148 = arith.constant 0 : i32
      %dma_wait3A_149 = tpu.memref_slice %arg7[%dma_wait3A_142, %dma_wait3A_148] : memref<5x128xi32, #tpu.memory_space<vmem>> -> memref<1x128xi32, #tpu.memory_space<vmem>>
      %dma_wait3A_150 = tpu.memref_squeeze %dma_wait3A_149 : memref<1x128xi32, #tpu.memory_space<vmem>> -> memref<128xi32, #tpu.memory_space<vmem>>
      %dma_wait3A_151 = arith.constant 0 : i32
      %dma_wait3A_152 = arith.constant 0 : i32
      %dma_wait3A_153 = tpu.memref_slice %arg4[%dma_wait3A_151, %dma_wait3A_152] : memref<1000000x128xf32, #tpu.memory_space<hbm>> -> memref<1000000x128xf32, #tpu.memory_space<hbm>>
      tpu.wait_indirect_dma semaphore(%arg10 : memref<!tpu.dma_semaphore, #tpu.memory_space<semaphore_mem>>) src(%dma_wait3A_153 : memref<1000000x128xf32, #tpu.memory_space<hbm>>) dst(%dma_wait3A_147 : memref<128x128xf32, #tpu.memory_space<vmem>>)
      %dma_start3A_154 = arith.constant 3 : i32
      %dma_start3A_155 = arith.constant 3 : i32
      %dma_start3A_156 = arith.constant 0 : i32
      %dma_start3A_157 = arith.constant 0 : i32
      %dma_start3A_158 = tpu.memref_slice %arg9[%dma_start3A_155, %dma_start3A_156, %dma_start3A_157] : memref<5x128x128xf32, #tpu.memory_space<vmem>> -> memref<1x128x128xf32, #tpu.memory_space<vmem>>
      %dma_start3A_159 = tpu.memref_squeeze %dma_start3A_158 : memref<1x128x128xf32, #tpu.memory_space<vmem>> -> memref<128x128xf32, #tpu.memory_space<vmem>>
      %dma_start3A_160 = arith.constant 0 : i32
      %dma_start3A_161 = tpu.memref_slice %arg8[%dma_start3A_154, %dma_start3A_160] : memref<5x128xi32, #tpu.memory_space<vmem>> -> memref<1x128xi32, #tpu.memory_space<vmem>>
      %dma_start3A_162 = tpu.memref_squeeze %dma_start3A_161 : memref<1x128xi32, #tpu.memory_space<vmem>> -> memref<128xi32, #tpu.memory_space<vmem>>
      %dma_start3A_163 = arith.constant 0 : i32
      %dma_start3A_164 = arith.constant 0 : i32
      %dma_start3A_165 = tpu.memref_slice %arg5[%dma_start3A_163, %dma_start3A_164] : memref<1000x128xf32, #tpu.memory_space<hbm>> -> memref<1000x128xf32, #tpu.memory_space<hbm>>
      tpu.enqueue_indirect_dma source(%dma_start3A_165 : memref<1000x128xf32, #tpu.memory_space<hbm>>) target(%dma_start3A_159 : memref<128x128xf32, #tpu.memory_space<vmem>>) offsets(%dma_start3A_162 : memref<128xi32, #tpu.memory_space<vmem>>) semaphore(%arg11 : memref<!tpu.dma_semaphore, #tpu.memory_space<semaphore_mem>>) {add = true}
      %dma_wait3A_166 = arith.constant 4 : i32
      %dma_wait3A_167 = arith.constant 4 : i32
      %dma_wait3A_168 = arith.constant 0 : i32
      %dma_wait3A_169 = arith.constant 0 : i32
      %dma_wait3A_170 = tpu.memref_slice %arg9[%dma_wait3A_167, %dma_wait3A_168, %dma_wait3A_169] : memref<5x128x128xf32, #tpu.memory_space<vmem>> -> memref<1x128x128xf32, #tpu.memory_space<vmem>>
      %dma_wait3A_171 = tpu.memref_squeeze %dma_wait3A_170 : memref<1x128x128xf32, #tpu.memory_space<vmem>> -> memref<128x128xf32, #tpu.memory_space<vmem>>
      %dma_wait3A_172 = arith.constant 0 : i32
      %dma_wait3A_173 = tpu.memref_slice %arg7[%dma_wait3A_166, %dma_wait3A_172] : memref<5x128xi32, #tpu.memory_space<vmem>> -> memref<1x128xi32, #tpu.memory_space<vmem>>
      %dma_wait3A_174 = tpu.memref_squeeze %dma_wait3A_173 : memref<1x128xi32, #tpu.memory_space<vmem>> -> memref<128xi32, #tpu.memory_space<vmem>>
      %dma_wait3A_175 = arith.constant 0 : i32
      %dma_wait3A_176 = arith.constant 0 : i32
      %dma_wait3A_177 = tpu.memref_slice %arg4[%dma_wait3A_175, %dma_wait3A_176] : memref<1000000x128xf32, #tpu.memory_space<hbm>> -> memref<1000000x128xf32, #tpu.memory_space<hbm>>
      tpu.wait_indirect_dma semaphore(%arg10 : memref<!tpu.dma_semaphore, #tpu.memory_space<semaphore_mem>>) src(%dma_wait3A_177 : memref<1000000x128xf32, #tpu.memory_space<hbm>>) dst(%dma_wait3A_171 : memref<128x128xf32, #tpu.memory_space<vmem>>)
      %dma_start3A_178 = arith.constant 4 : i32
      %dma_start3A_179 = arith.constant 4 : i32
      %dma_start3A_180 = arith.constant 0 : i32
      %dma_start3A_181 = arith.constant 0 : i32
      %dma_start3A_182 = tpu.memref_slice %arg9[%dma_start3A_179, %dma_start3A_180, %dma_start3A_181] : memref<5x128x128xf32, #tpu.memory_space<vmem>> -> memref<1x128x128xf32, #tpu.memory_space<vmem>>
      %dma_start3A_183 = tpu.memref_squeeze %dma_start3A_182 : memref<1x128x128xf32, #tpu.memory_space<vmem>> -> memref<128x128xf32, #tpu.memory_space<vmem>>
      %dma_start3A_184 = arith.constant 0 : i32
      %dma_start3A_185 = tpu.memref_slice %arg8[%dma_start3A_178, %dma_start3A_184] : memref<5x128xi32, #tpu.memory_space<vmem>> -> memref<1x128xi32, #tpu.memory_space<vmem>>
      %dma_start3A_186 = tpu.memref_squeeze %dma_start3A_185 : memref<1x128xi32, #tpu.memory_space<vmem>> -> memref<128xi32, #tpu.memory_space<vmem>>
      %dma_start3A_187 = arith.constant 0 : i32
      %dma_start3A_188 = arith.constant 0 : i32
      %dma_start3A_189 = tpu.memref_slice %arg5[%dma_start3A_187, %dma_start3A_188] : memref<1000x128xf32, #tpu.memory_space<hbm>> -> memref<1000x128xf32, #tpu.memory_space<hbm>>
      tpu.enqueue_indirect_dma source(%dma_start3A_189 : memref<1000x128xf32, #tpu.memory_space<hbm>>) target(%dma_start3A_183 : memref<128x128xf32, #tpu.memory_space<vmem>>) offsets(%dma_start3A_186 : memref<128xi32, #tpu.memory_space<vmem>>) semaphore(%arg11 : memref<!tpu.dma_semaphore, #tpu.memory_space<semaphore_mem>>) {add = true}
      %dma_wait3A_190 = arith.constant 0 : i32
      %dma_wait3A_191 = arith.constant 0 : i32
      %dma_wait3A_192 = arith.constant 0 : i32
      %dma_wait3A_193 = arith.constant 0 : i32
      %dma_wait3A_194 = tpu.memref_slice %arg9[%dma_wait3A_191, %dma_wait3A_192, %dma_wait3A_193] : memref<5x128x128xf32, #tpu.memory_space<vmem>> -> memref<1x128x128xf32, #tpu.memory_space<vmem>>
      %dma_wait3A_195 = tpu.memref_squeeze %dma_wait3A_194 : memref<1x128x128xf32, #tpu.memory_space<vmem>> -> memref<128x128xf32, #tpu.memory_space<vmem>>
      %dma_wait3A_196 = arith.constant 0 : i32
      %dma_wait3A_197 = tpu.memref_slice %arg8[%dma_wait3A_190, %dma_wait3A_196] : memref<5x128xi32, #tpu.memory_space<vmem>> -> memref<1x128xi32, #tpu.memory_space<vmem>>
      %dma_wait3A_198 = tpu.memref_squeeze %dma_wait3A_197 : memref<1x128xi32, #tpu.memory_space<vmem>> -> memref<128xi32, #tpu.memory_space<vmem>>
      %dma_wait3A_199 = arith.constant 0 : i32
      %dma_wait3A_200 = arith.constant 0 : i32
      %dma_wait3A_201 = tpu.memref_slice %arg5[%dma_wait3A_199, %dma_wait3A_200] : memref<1000x128xf32, #tpu.memory_space<hbm>> -> memref<1000x128xf32, #tpu.memory_space<hbm>>
      tpu.wait_indirect_dma semaphore(%arg11 : memref<!tpu.dma_semaphore, #tpu.memory_space<semaphore_mem>>) src(%dma_wait3A_201 : memref<1000x128xf32, #tpu.memory_space<hbm>>) dst(%dma_wait3A_195 : memref<128x128xf32, #tpu.memory_space<vmem>>)
      %add3A_202 = arith.constant 0 : i32
      %add3A_203 = arith.addi %add3A_11, %add3A_202 : i32
      %dma_start3A_204 = arith.constant 0 : i32
      %dma_start3A_205 = arith.constant 0 : i32
      %dma_start3A_206 = arith.constant 0 : i32
      %dma_start3A_207 = tpu.memref_slice %arg9[%dma_start3A_204, %dma_start3A_205, %dma_start3A_206] : memref<5x128x128xf32, #tpu.memory_space<vmem>> -> memref<1x128x128xf32, #tpu.memory_space<vmem>>
      %dma_start3A_208 = tpu.memref_squeeze %dma_start3A_207 : memref<1x128x128xf32, #tpu.memory_space<vmem>> -> memref<128x128xf32, #tpu.memory_space<vmem>>
      %dma_start3A_209 = arith.constant 0 : i32
      %dma_start3A_210 = arith.constant 0 : i32
      %dma_start3A_211 = tpu.memref_slice %arg6[%add3A_203, %dma_start3A_209, %dma_start3A_210] : memref<1600x128x128xf32, #tpu.memory_space<hbm>> -> memref<1x128x128xf32, #tpu.memory_space<hbm>>
      %dma_start3A_212 = tpu.memref_squeeze %dma_start3A_211 : memref<1x128x128xf32, #tpu.memory_space<hbm>> -> memref<128x128xf32, #tpu.memory_space<hbm>>
      %dma_start3A_213 = arith.constant 0 : i32
      %dma_start3A_214 = arith.constant 0 : i32
      %dma_start3A_215 = tpu.memref_slice %arg6[%add3A_203, %dma_start3A_213, %dma_start3A_214] : memref<1600x128x128xf32, #tpu.memory_space<hbm>> -> memref<1x128x128xf32, #tpu.memory_space<hbm>>
      %dma_start3A_216 = tpu.memref_squeeze %dma_start3A_215 : memref<1x128x128xf32, #tpu.memory_space<hbm>> -> memref<128x128xf32, #tpu.memory_space<hbm>>
      %dma_start3A_217 = arith.constant 0 : i32
      %dma_start3A_218 = arith.constant 0 : i32
      %dma_start3A_219 = tpu.memref_slice %arg9[%dma_start3A_204, %dma_start3A_217, %dma_start3A_218] : memref<5x128x128xf32, #tpu.memory_space<vmem>> -> memref<1x128x128xf32, #tpu.memory_space<vmem>>
      %dma_start3A_220 = tpu.memref_squeeze %dma_start3A_219 : memref<1x128x128xf32, #tpu.memory_space<vmem>> -> memref<128x128xf32, #tpu.memory_space<vmem>>
      tpu.enqueue_dma source(%dma_start3A_220 : memref<128x128xf32, #tpu.memory_space<vmem>>) target(%dma_start3A_216 : memref<128x128xf32, #tpu.memory_space<hbm>>) target_semaphore(%arg12 : memref<!tpu.dma_semaphore, #tpu.memory_space<semaphore_mem>>)
      %dma_wait3A_221 = arith.constant 1 : i32
      %dma_wait3A_222 = arith.constant 1 : i32
      %dma_wait3A_223 = arith.constant 0 : i32
      %dma_wait3A_224 = arith.constant 0 : i32
      %dma_wait3A_225 = tpu.memref_slice %arg9[%dma_wait3A_222, %dma_wait3A_223, %dma_wait3A_224] : memref<5x128x128xf32, #tpu.memory_space<vmem>> -> memref<1x128x128xf32, #tpu.memory_space<vmem>>
      %dma_wait3A_226 = tpu.memref_squeeze %dma_wait3A_225 : memref<1x128x128xf32, #tpu.memory_space<vmem>> -> memref<128x128xf32, #tpu.memory_space<vmem>>
      %dma_wait3A_227 = arith.constant 0 : i32
      %dma_wait3A_228 = tpu.memref_slice %arg8[%dma_wait3A_221, %dma_wait3A_227] : memref<5x128xi32, #tpu.memory_space<vmem>> -> memref<1x128xi32, #tpu.memory_space<vmem>>
      %dma_wait3A_229 = tpu.memref_squeeze %dma_wait3A_228 : memref<1x128xi32, #tpu.memory_space<vmem>> -> memref<128xi32, #tpu.memory_space<vmem>>
      %dma_wait3A_230 = arith.constant 0 : i32
      %dma_wait3A_231 = arith.constant 0 : i32
      %dma_wait3A_232 = tpu.memref_slice %arg5[%dma_wait3A_230, %dma_wait3A_231] : memref<1000x128xf32, #tpu.memory_space<hbm>> -> memref<1000x128xf32, #tpu.memory_space<hbm>>
      tpu.wait_indirect_dma semaphore(%arg11 : memref<!tpu.dma_semaphore, #tpu.memory_space<semaphore_mem>>) src(%dma_wait3A_232 : memref<1000x128xf32, #tpu.memory_space<hbm>>) dst(%dma_wait3A_226 : memref<128x128xf32, #tpu.memory_space<vmem>>)
      %add3A_233 = arith.constant 1 : i32
      %add3A_234 = arith.addi %add3A_11, %add3A_233 : i32
      %dma_start3A_235 = arith.constant 1 : i32
      %dma_start3A_236 = arith.constant 0 : i32
      %dma_start3A_237 = arith.constant 0 : i32
      %dma_start3A_238 = tpu.memref_slice %arg9[%dma_start3A_235, %dma_start3A_236, %dma_start3A_237] : memref<5x128x128xf32, #tpu.memory_space<vmem>> -> memref<1x128x128xf32, #tpu.memory_space<vmem>>
      %dma_start3A_239 = tpu.memref_squeeze %dma_start3A_238 : memref<1x128x128xf32, #tpu.memory_space<vmem>> -> memref<128x128xf32, #tpu.memory_space<vmem>>
      %dma_start3A_240 = arith.constant 0 : i32
      %dma_start3A_241 = arith.constant 0 : i32
      %dma_start3A_242 = tpu.memref_slice %arg6[%add3A_234, %dma_start3A_240, %dma_start3A_241] : memref<1600x128x128xf32, #tpu.memory_space<hbm>> -> memref<1x128x128xf32, #tpu.memory_space<hbm>>
      %dma_start3A_243 = tpu.memref_squeeze %dma_start3A_242 : memref<1x128x128xf32, #tpu.memory_space<hbm>> -> memref<128x128xf32, #tpu.memory_space<hbm>>
      %dma_start3A_244 = arith.constant 0 : i32
      %dma_start3A_245 = arith.constant 0 : i32
      %dma_start3A_246 = tpu.memref_slice %arg6[%add3A_234, %dma_start3A_244, %dma_start3A_245] : memref<1600x128x128xf32, #tpu.memory_space<hbm>> -> memref<1x128x128xf32, #tpu.memory_space<hbm>>
      %dma_start3A_247 = tpu.memref_squeeze %dma_start3A_246 : memref<1x128x128xf32, #tpu.memory_space<hbm>> -> memref<128x128xf32, #tpu.memory_space<hbm>>
      %dma_start3A_248 = arith.constant 0 : i32
      %dma_start3A_249 = arith.constant 0 : i32
      %dma_start3A_250 = tpu.memref_slice %arg9[%dma_start3A_235, %dma_start3A_248, %dma_start3A_249] : memref<5x128x128xf32, #tpu.memory_space<vmem>> -> memref<1x128x128xf32, #tpu.memory_space<vmem>>
      %dma_start3A_251 = tpu.memref_squeeze %dma_start3A_250 : memref<1x128x128xf32, #tpu.memory_space<vmem>> -> memref<128x128xf32, #tpu.memory_space<vmem>>
      tpu.enqueue_dma source(%dma_start3A_251 : memref<128x128xf32, #tpu.memory_space<vmem>>) target(%dma_start3A_247 : memref<128x128xf32, #tpu.memory_space<hbm>>) target_semaphore(%arg12 : memref<!tpu.dma_semaphore, #tpu.memory_space<semaphore_mem>>)
      %dma_wait3A_252 = arith.constant 2 : i32
      %dma_wait3A_253 = arith.constant 2 : i32
      %dma_wait3A_254 = arith.constant 0 : i32
      %dma_wait3A_255 = arith.constant 0 : i32
      %dma_wait3A_256 = tpu.memref_slice %arg9[%dma_wait3A_253, %dma_wait3A_254, %dma_wait3A_255] : memref<5x128x128xf32, #tpu.memory_space<vmem>> -> memref<1x128x128xf32, #tpu.memory_space<vmem>>
      %dma_wait3A_257 = tpu.memref_squeeze %dma_wait3A_256 : memref<1x128x128xf32, #tpu.memory_space<vmem>> -> memref<128x128xf32, #tpu.memory_space<vmem>>
      %dma_wait3A_258 = arith.constant 0 : i32
      %dma_wait3A_259 = tpu.memref_slice %arg8[%dma_wait3A_252, %dma_wait3A_258] : memref<5x128xi32, #tpu.memory_space<vmem>> -> memref<1x128xi32, #tpu.memory_space<vmem>>
      %dma_wait3A_260 = tpu.memref_squeeze %dma_wait3A_259 : memref<1x128xi32, #tpu.memory_space<vmem>> -> memref<128xi32, #tpu.memory_space<vmem>>
      %dma_wait3A_261 = arith.constant 0 : i32
      %dma_wait3A_262 = arith.constant 0 : i32
      %dma_wait3A_263 = tpu.memref_slice %arg5[%dma_wait3A_261, %dma_wait3A_262] : memref<1000x128xf32, #tpu.memory_space<hbm>> -> memref<1000x128xf32, #tpu.memory_space<hbm>>
      tpu.wait_indirect_dma semaphore(%arg11 : memref<!tpu.dma_semaphore, #tpu.memory_space<semaphore_mem>>) src(%dma_wait3A_263 : memref<1000x128xf32, #tpu.memory_space<hbm>>) dst(%dma_wait3A_257 : memref<128x128xf32, #tpu.memory_space<vmem>>)
      %add3A_264 = arith.constant 2 : i32
      %add3A_265 = arith.addi %add3A_11, %add3A_264 : i32
      %dma_start3A_266 = arith.constant 2 : i32
      %dma_start3A_267 = arith.constant 0 : i32
      %dma_start3A_268 = arith.constant 0 : i32
      %dma_start3A_269 = tpu.memref_slice %arg9[%dma_start3A_266, %dma_start3A_267, %dma_start3A_268] : memref<5x128x128xf32, #tpu.memory_space<vmem>> -> memref<1x128x128xf32, #tpu.memory_space<vmem>>
      %dma_start3A_270 = tpu.memref_squeeze %dma_start3A_269 : memref<1x128x128xf32, #tpu.memory_space<vmem>> -> memref<128x128xf32, #tpu.memory_space<vmem>>
      %dma_start3A_271 = arith.constant 0 : i32
      %dma_start3A_272 = arith.constant 0 : i32
      %dma_start3A_273 = tpu.memref_slice %arg6[%add3A_265, %dma_start3A_271, %dma_start3A_272] : memref<1600x128x128xf32, #tpu.memory_space<hbm>> -> memref<1x128x128xf32, #tpu.memory_space<hbm>>
      %dma_start3A_274 = tpu.memref_squeeze %dma_start3A_273 : memref<1x128x128xf32, #tpu.memory_space<hbm>> -> memref<128x128xf32, #tpu.memory_space<hbm>>
      %dma_start3A_275 = arith.constant 0 : i32
      %dma_start3A_276 = arith.constant 0 : i32
      %dma_start3A_277 = tpu.memref_slice %arg6[%add3A_265, %dma_start3A_275, %dma_start3A_276] : memref<1600x128x128xf32, #tpu.memory_space<hbm>> -> memref<1x128x128xf32, #tpu.memory_space<hbm>>
      %dma_start3A_278 = tpu.memref_squeeze %dma_start3A_277 : memref<1x128x128xf32, #tpu.memory_space<hbm>> -> memref<128x128xf32, #tpu.memory_space<hbm>>
      %dma_start3A_279 = arith.constant 0 : i32
      %dma_start3A_280 = arith.constant 0 : i32
      %dma_start3A_281 = tpu.memref_slice %arg9[%dma_start3A_266, %dma_start3A_279, %dma_start3A_280] : memref<5x128x128xf32, #tpu.memory_space<vmem>> -> memref<1x128x128xf32, #tpu.memory_space<vmem>>
      %dma_start3A_282 = tpu.memref_squeeze %dma_start3A_281 : memref<1x128x128xf32, #tpu.memory_space<vmem>> -> memref<128x128xf32, #tpu.memory_space<vmem>>
      tpu.enqueue_dma source(%dma_start3A_282 : memref<128x128xf32, #tpu.memory_space<vmem>>) target(%dma_start3A_278 : memref<128x128xf32, #tpu.memory_space<hbm>>) target_semaphore(%arg12 : memref<!tpu.dma_semaphore, #tpu.memory_space<semaphore_mem>>)
      %dma_wait3A_283 = arith.constant 3 : i32
      %dma_wait3A_284 = arith.constant 3 : i32
      %dma_wait3A_285 = arith.constant 0 : i32
      %dma_wait3A_286 = arith.constant 0 : i32
      %dma_wait3A_287 = tpu.memref_slice %arg9[%dma_wait3A_284, %dma_wait3A_285, %dma_wait3A_286] : memref<5x128x128xf32, #tpu.memory_space<vmem>> -> memref<1x128x128xf32, #tpu.memory_space<vmem>>
      %dma_wait3A_288 = tpu.memref_squeeze %dma_wait3A_287 : memref<1x128x128xf32, #tpu.memory_space<vmem>> -> memref<128x128xf32, #tpu.memory_space<vmem>>
      %dma_wait3A_289 = arith.constant 0 : i32
      %dma_wait3A_290 = tpu.memref_slice %arg8[%dma_wait3A_283, %dma_wait3A_289] : memref<5x128xi32, #tpu.memory_space<vmem>> -> memref<1x128xi32, #tpu.memory_space<vmem>>
      %dma_wait3A_291 = tpu.memref_squeeze %dma_wait3A_290 : memref<1x128xi32, #tpu.memory_space<vmem>> -> memref<128xi32, #tpu.memory_space<vmem>>
      %dma_wait3A_292 = arith.constant 0 : i32
      %dma_wait3A_293 = arith.constant 0 : i32
      %dma_wait3A_294 = tpu.memref_slice %arg5[%dma_wait3A_292, %dma_wait3A_293] : memref<1000x128xf32, #tpu.memory_space<hbm>> -> memref<1000x128xf32, #tpu.memory_space<hbm>>
      tpu.wait_indirect_dma semaphore(%arg11 : memref<!tpu.dma_semaphore, #tpu.memory_space<semaphore_mem>>) src(%dma_wait3A_294 : memref<1000x128xf32, #tpu.memory_space<hbm>>) dst(%dma_wait3A_288 : memref<128x128xf32, #tpu.memory_space<vmem>>)
      %add3A_295 = arith.constant 3 : i32
      %add3A_296 = arith.addi %add3A_11, %add3A_295 : i32
      %dma_start3A_297 = arith.constant 3 : i32
      %dma_start3A_298 = arith.constant 0 : i32
      %dma_start3A_299 = arith.constant 0 : i32
      %dma_start3A_300 = tpu.memref_slice %arg9[%dma_start3A_297, %dma_start3A_298, %dma_start3A_299] : memref<5x128x128xf32, #tpu.memory_space<vmem>> -> memref<1x128x128xf32, #tpu.memory_space<vmem>>
      %dma_start3A_301 = tpu.memref_squeeze %dma_start3A_300 : memref<1x128x128xf32, #tpu.memory_space<vmem>> -> memref<128x128xf32, #tpu.memory_space<vmem>>
      %dma_start3A_302 = arith.constant 0 : i32
      %dma_start3A_303 = arith.constant 0 : i32
      %dma_start3A_304 = tpu.memref_slice %arg6[%add3A_296, %dma_start3A_302, %dma_start3A_303] : memref<1600x128x128xf32, #tpu.memory_space<hbm>> -> memref<1x128x128xf32, #tpu.memory_space<hbm>>
      %dma_start3A_305 = tpu.memref_squeeze %dma_start3A_304 : memref<1x128x128xf32, #tpu.memory_space<hbm>> -> memref<128x128xf32, #tpu.memory_space<hbm>>
      %dma_start3A_306 = arith.constant 0 : i32
      %dma_start3A_307 = arith.constant 0 : i32
      %dma_start3A_308 = tpu.memref_slice %arg6[%add3A_296, %dma_start3A_306, %dma_start3A_307] : memref<1600x128x128xf32, #tpu.memory_space<hbm>> -> memref<1x128x128xf32, #tpu.memory_space<hbm>>
      %dma_start3A_309 = tpu.memref_squeeze %dma_start3A_308 : memref<1x128x128xf32, #tpu.memory_space<hbm>> -> memref<128x128xf32, #tpu.memory_space<hbm>>
      %dma_start3A_310 = arith.constant 0 : i32
      %dma_start3A_311 = arith.constant 0 : i32
      %dma_start3A_312 = tpu.memref_slice %arg9[%dma_start3A_297, %dma_start3A_310, %dma_start3A_311] : memref<5x128x128xf32, #tpu.memory_space<vmem>> -> memref<1x128x128xf32, #tpu.memory_space<vmem>>
      %dma_start3A_313 = tpu.memref_squeeze %dma_start3A_312 : memref<1x128x128xf32, #tpu.memory_space<vmem>> -> memref<128x128xf32, #tpu.memory_space<vmem>>
      tpu.enqueue_dma source(%dma_start3A_313 : memref<128x128xf32, #tpu.memory_space<vmem>>) target(%dma_start3A_309 : memref<128x128xf32, #tpu.memory_space<hbm>>) target_semaphore(%arg12 : memref<!tpu.dma_semaphore, #tpu.memory_space<semaphore_mem>>)
      %dma_wait3A_314 = arith.constant 4 : i32
      %dma_wait3A_315 = arith.constant 4 : i32
      %dma_wait3A_316 = arith.constant 0 : i32
      %dma_wait3A_317 = arith.constant 0 : i32
      %dma_wait3A_318 = tpu.memref_slice %arg9[%dma_wait3A_315, %dma_wait3A_316, %dma_wait3A_317] : memref<5x128x128xf32, #tpu.memory_space<vmem>> -> memref<1x128x128xf32, #tpu.memory_space<vmem>>
      %dma_wait3A_319 = tpu.memref_squeeze %dma_wait3A_318 : memref<1x128x128xf32, #tpu.memory_space<vmem>> -> memref<128x128xf32, #tpu.memory_space<vmem>>
      %dma_wait3A_320 = arith.constant 0 : i32
      %dma_wait3A_321 = tpu.memref_slice %arg8[%dma_wait3A_314, %dma_wait3A_320] : memref<5x128xi32, #tpu.memory_space<vmem>> -> memref<1x128xi32, #tpu.memory_space<vmem>>
      %dma_wait3A_322 = tpu.memref_squeeze %dma_wait3A_321 : memref<1x128xi32, #tpu.memory_space<vmem>> -> memref<128xi32, #tpu.memory_space<vmem>>
      %dma_wait3A_323 = arith.constant 0 : i32
      %dma_wait3A_324 = arith.constant 0 : i32
      %dma_wait3A_325 = tpu.memref_slice %arg5[%dma_wait3A_323, %dma_wait3A_324] : memref<1000x128xf32, #tpu.memory_space<hbm>> -> memref<1000x128xf32, #tpu.memory_space<hbm>>
      tpu.wait_indirect_dma semaphore(%arg11 : memref<!tpu.dma_semaphore, #tpu.memory_space<semaphore_mem>>) src(%dma_wait3A_325 : memref<1000x128xf32, #tpu.memory_space<hbm>>) dst(%dma_wait3A_319 : memref<128x128xf32, #tpu.memory_space<vmem>>)
      %add3A_326 = arith.constant 4 : i32
      %add3A_327 = arith.addi %add3A_11, %add3A_326 : i32
      %dma_start3A_328 = arith.constant 4 : i32
      %dma_start3A_329 = arith.constant 0 : i32
      %dma_start3A_330 = arith.constant 0 : i32
      %dma_start3A_331 = tpu.memref_slice %arg9[%dma_start3A_328, %dma_start3A_329, %dma_start3A_330] : memref<5x128x128xf32, #tpu.memory_space<vmem>> -> memref<1x128x128xf32, #tpu.memory_space<vmem>>
      %dma_start3A_332 = tpu.memref_squeeze %dma_start3A_331 : memref<1x128x128xf32, #tpu.memory_space<vmem>> -> memref<128x128xf32, #tpu.memory_space<vmem>>
      %dma_start3A_333 = arith.constant 0 : i32
      %dma_start3A_334 = arith.constant 0 : i32
      %dma_start3A_335 = tpu.memref_slice %arg6[%add3A_327, %dma_start3A_333, %dma_start3A_334] : memref<1600x128x128xf32, #tpu.memory_space<hbm>> -> memref<1x128x128xf32, #tpu.memory_space<hbm>>
      %dma_start3A_336 = tpu.memref_squeeze %dma_start3A_335 : memref<1x128x128xf32, #tpu.memory_space<hbm>> -> memref<128x128xf32, #tpu.memory_space<hbm>>
      %dma_start3A_337 = arith.constant 0 : i32
      %dma_start3A_338 = arith.constant 0 : i32
      %dma_start3A_339 = tpu.memref_slice %arg6[%add3A_327, %dma_start3A_337, %dma_start3A_338] : memref<1600x128x128xf32, #tpu.memory_space<hbm>> -> memref<1x128x128xf32, #tpu.memory_space<hbm>>
      %dma_start3A_340 = tpu.memref_squeeze %dma_start3A_339 : memref<1x128x128xf32, #tpu.memory_space<hbm>> -> memref<128x128xf32, #tpu.memory_space<hbm>>
      %dma_start3A_341 = arith.constant 0 : i32
      %dma_start3A_342 = arith.constant 0 : i32
      %dma_start3A_343 = tpu.memref_slice %arg9[%dma_start3A_328, %dma_start3A_341, %dma_start3A_342] : memref<5x128x128xf32, #tpu.memory_space<vmem>> -> memref<1x128x128xf32, #tpu.memory_space<vmem>>
      %dma_start3A_344 = tpu.memref_squeeze %dma_start3A_343 : memref<1x128x128xf32, #tpu.memory_space<vmem>> -> memref<128x128xf32, #tpu.memory_space<vmem>>
      tpu.enqueue_dma source(%dma_start3A_344 : memref<128x128xf32, #tpu.memory_space<vmem>>) target(%dma_start3A_340 : memref<128x128xf32, #tpu.memory_space<hbm>>) target_semaphore(%arg12 : memref<!tpu.dma_semaphore, #tpu.memory_space<semaphore_mem>>)
      %dma_wait3A_345 = arith.constant 0 : i32
      %dma_wait3A_346 = arith.constant 0 : i32
      %dma_wait3A_347 = arith.constant 0 : i32
      %dma_wait3A_348 = tpu.memref_slice %arg9[%dma_wait3A_345, %dma_wait3A_346, %dma_wait3A_347] : memref<5x128x128xf32, #tpu.memory_space<vmem>> -> memref<1x128x128xf32, #tpu.memory_space<vmem>>
      %dma_wait3A_349 = tpu.memref_squeeze %dma_wait3A_348 : memref<1x128x128xf32, #tpu.memory_space<vmem>> -> memref<128x128xf32, #tpu.memory_space<vmem>>
      %dma_wait3A_350 = arith.constant 0 : i32
      %dma_wait3A_351 = arith.constant 0 : i32
      %dma_wait3A_352 = tpu.memref_slice %arg6[%add3A_203, %dma_wait3A_350, %dma_wait3A_351] : memref<1600x128x128xf32, #tpu.memory_space<hbm>> -> memref<1x128x128xf32, #tpu.memory_space<hbm>>
      %dma_wait3A_353 = tpu.memref_squeeze %dma_wait3A_352 : memref<1x128x128xf32, #tpu.memory_space<hbm>> -> memref<128x128xf32, #tpu.memory_space<hbm>>
      %dma_wait3A_354 = arith.constant 0 : i32
      %dma_wait3A_355 = arith.constant 0 : i32
      %dma_wait3A_356 = tpu.memref_slice %arg6[%add3A_203, %dma_wait3A_354, %dma_wait3A_355] : memref<1600x128x128xf32, #tpu.memory_space<hbm>> -> memref<1x128x128xf32, #tpu.memory_space<hbm>>
      %dma_wait3A_357 = tpu.memref_squeeze %dma_wait3A_356 : memref<1x128x128xf32, #tpu.memory_space<hbm>> -> memref<128x128xf32, #tpu.memory_space<hbm>>
      %dma_wait3A_358 = arith.constant 0 : i32
      %dma_wait3A_359 = arith.constant 0 : i32
      %dma_wait3A_360 = tpu.memref_slice %arg9[%dma_wait3A_345, %dma_wait3A_358, %dma_wait3A_359] : memref<5x128x128xf32, #tpu.memory_space<vmem>> -> memref<1x128x128xf32, #tpu.memory_space<vmem>>
      %dma_wait3A_361 = tpu.memref_squeeze %dma_wait3A_360 : memref<1x128x128xf32, #tpu.memory_space<vmem>> -> memref<128x128xf32, #tpu.memory_space<vmem>>
      tpu.wait_dma2 semaphore(%arg12 : memref<!tpu.dma_semaphore, #tpu.memory_space<semaphore_mem>>) src(%dma_wait3A_361 : memref<128x128xf32, #tpu.memory_space<vmem>>) dst(%dma_wait3A_357 : memref<128x128xf32, #tpu.memory_space<hbm>>)
      %dma_wait3A_362 = arith.constant 1 : i32
      %dma_wait3A_363 = arith.constant 0 : i32
      %dma_wait3A_364 = arith.constant 0 : i32
      %dma_wait3A_365 = tpu.memref_slice %arg9[%dma_wait3A_362, %dma_wait3A_363, %dma_wait3A_364] : memref<5x128x128xf32, #tpu.memory_space<vmem>> -> memref<1x128x128xf32, #tpu.memory_space<vmem>>
      %dma_wait3A_366 = tpu.memref_squeeze %dma_wait3A_365 : memref<1x128x128xf32, #tpu.memory_space<vmem>> -> memref<128x128xf32, #tpu.memory_space<vmem>>
      %dma_wait3A_367 = arith.constant 0 : i32
      %dma_wait3A_368 = arith.constant 0 : i32
      %dma_wait3A_369 = tpu.memref_slice %arg6[%add3A_234, %dma_wait3A_367, %dma_wait3A_368] : memref<1600x128x128xf32, #tpu.memory_space<hbm>> -> memref<1x128x128xf32, #tpu.memory_space<hbm>>
      %dma_wait3A_370 = tpu.memref_squeeze %dma_wait3A_369 : memref<1x128x128xf32, #tpu.memory_space<hbm>> -> memref<128x128xf32, #tpu.memory_space<hbm>>
      %dma_wait3A_371 = arith.constant 0 : i32
      %dma_wait3A_372 = arith.constant 0 : i32
      %dma_wait3A_373 = tpu.memref_slice %arg6[%add3A_234, %dma_wait3A_371, %dma_wait3A_372] : memref<1600x128x128xf32, #tpu.memory_space<hbm>> -> memref<1x128x128xf32, #tpu.memory_space<hbm>>
      %dma_wait3A_374 = tpu.memref_squeeze %dma_wait3A_373 : memref<1x128x128xf32, #tpu.memory_space<hbm>> -> memref<128x128xf32, #tpu.memory_space<hbm>>
      %dma_wait3A_375 = arith.constant 0 : i32
      %dma_wait3A_376 = arith.constant 0 : i32
      %dma_wait3A_377 = tpu.memref_slice %arg9[%dma_wait3A_362, %dma_wait3A_375, %dma_wait3A_376] : memref<5x128x128xf32, #tpu.memory_space<vmem>> -> memref<1x128x128xf32, #tpu.memory_space<vmem>>
      %dma_wait3A_378 = tpu.memref_squeeze %dma_wait3A_377 : memref<1x128x128xf32, #tpu.memory_space<vmem>> -> memref<128x128xf32, #tpu.memory_space<vmem>>
      tpu.wait_dma2 semaphore(%arg12 : memref<!tpu.dma_semaphore, #tpu.memory_space<semaphore_mem>>) src(%dma_wait3A_378 : memref<128x128xf32, #tpu.memory_space<vmem>>) dst(%dma_wait3A_374 : memref<128x128xf32, #tpu.memory_space<hbm>>)
      %dma_wait3A_379 = arith.constant 2 : i32
      %dma_wait3A_380 = arith.constant 0 : i32
      %dma_wait3A_381 = arith.constant 0 : i32
      %dma_wait3A_382 = tpu.memref_slice %arg9[%dma_wait3A_379, %dma_wait3A_380, %dma_wait3A_381] : memref<5x128x128xf32, #tpu.memory_space<vmem>> -> memref<1x128x128xf32, #tpu.memory_space<vmem>>
      %dma_wait3A_383 = tpu.memref_squeeze %dma_wait3A_382 : memref<1x128x128xf32, #tpu.memory_space<vmem>> -> memref<128x128xf32, #tpu.memory_space<vmem>>
      %dma_wait3A_384 = arith.constant 0 : i32
      %dma_wait3A_385 = arith.constant 0 : i32
      %dma_wait3A_386 = tpu.memref_slice %arg6[%add3A_265, %dma_wait3A_384, %dma_wait3A_385] : memref<1600x128x128xf32, #tpu.memory_space<hbm>> -> memref<1x128x128xf32, #tpu.memory_space<hbm>>
      %dma_wait3A_387 = tpu.memref_squeeze %dma_wait3A_386 : memref<1x128x128xf32, #tpu.memory_space<hbm>> -> memref<128x128xf32, #tpu.memory_space<hbm>>
      %dma_wait3A_388 = arith.constant 0 : i32
      %dma_wait3A_389 = arith.constant 0 : i32
      %dma_wait3A_390 = tpu.memref_slice %arg6[%add3A_265, %dma_wait3A_388, %dma_wait3A_389] : memref<1600x128x128xf32, #tpu.memory_space<hbm>> -> memref<1x128x128xf32, #tpu.memory_space<hbm>>
      %dma_wait3A_391 = tpu.memref_squeeze %dma_wait3A_390 : memref<1x128x128xf32, #tpu.memory_space<hbm>> -> memref<128x128xf32, #tpu.memory_space<hbm>>
      %dma_wait3A_392 = arith.constant 0 : i32
      %dma_wait3A_393 = arith.constant 0 : i32
      %dma_wait3A_394 = tpu.memref_slice %arg9[%dma_wait3A_379, %dma_wait3A_392, %dma_wait3A_393] : memref<5x128x128xf32, #tpu.memory_space<vmem>> -> memref<1x128x128xf32, #tpu.memory_space<vmem>>
      %dma_wait3A_395 = tpu.memref_squeeze %dma_wait3A_394 : memref<1x128x128xf32, #tpu.memory_space<vmem>> -> memref<128x128xf32, #tpu.memory_space<vmem>>
      tpu.wait_dma2 semaphore(%arg12 : memref<!tpu.dma_semaphore, #tpu.memory_space<semaphore_mem>>) src(%dma_wait3A_395 : memref<128x128xf32, #tpu.memory_space<vmem>>) dst(%dma_wait3A_391 : memref<128x128xf32, #tpu.memory_space<hbm>>)
      %dma_wait3A_396 = arith.constant 3 : i32
      %dma_wait3A_397 = arith.constant 0 : i32
      %dma_wait3A_398 = arith.constant 0 : i32
      %dma_wait3A_399 = tpu.memref_slice %arg9[%dma_wait3A_396, %dma_wait3A_397, %dma_wait3A_398] : memref<5x128x128xf32, #tpu.memory_space<vmem>> -> memref<1x128x128xf32, #tpu.memory_space<vmem>>
      %dma_wait3A_400 = tpu.memref_squeeze %dma_wait3A_399 : memref<1x128x128xf32, #tpu.memory_space<vmem>> -> memref<128x128xf32, #tpu.memory_space<vmem>>
      %dma_wait3A_401 = arith.constant 0 : i32
      %dma_wait3A_402 = arith.constant 0 : i32
      %dma_wait3A_403 = tpu.memref_slice %arg6[%add3A_296, %dma_wait3A_401, %dma_wait3A_402] : memref<1600x128x128xf32, #tpu.memory_space<hbm>> -> memref<1x128x128xf32, #tpu.memory_space<hbm>>
      %dma_wait3A_404 = tpu.memref_squeeze %dma_wait3A_403 : memref<1x128x128xf32, #tpu.memory_space<hbm>> -> memref<128x128xf32, #tpu.memory_space<hbm>>
      %dma_wait3A_405 = arith.constant 0 : i32
      %dma_wait3A_406 = arith.constant 0 : i32
      %dma_wait3A_407 = tpu.memref_slice %arg6[%add3A_296, %dma_wait3A_405, %dma_wait3A_406] : memref<1600x128x128xf32, #tpu.memory_space<hbm>> -> memref<1x128x128xf32, #tpu.memory_space<hbm>>
      %dma_wait3A_408 = tpu.memref_squeeze %dma_wait3A_407 : memref<1x128x128xf32, #tpu.memory_space<hbm>> -> memref<128x128xf32, #tpu.memory_space<hbm>>
      %dma_wait3A_409 = arith.constant 0 : i32
      %dma_wait3A_410 = arith.constant 0 : i32
      %dma_wait3A_411 = tpu.memref_slice %arg9[%dma_wait3A_396, %dma_wait3A_409, %dma_wait3A_410] : memref<5x128x128xf32, #tpu.memory_space<vmem>> -> memref<1x128x128xf32, #tpu.memory_space<vmem>>
      %dma_wait3A_412 = tpu.memref_squeeze %dma_wait3A_411 : memref<1x128x128xf32, #tpu.memory_space<vmem>> -> memref<128x128xf32, #tpu.memory_space<vmem>>
      tpu.wait_dma2 semaphore(%arg12 : memref<!tpu.dma_semaphore, #tpu.memory_space<semaphore_mem>>) src(%dma_wait3A_412 : memref<128x128xf32, #tpu.memory_space<vmem>>) dst(%dma_wait3A_408 : memref<128x128xf32, #tpu.memory_space<hbm>>)
      %dma_wait3A_413 = arith.constant 4 : i32
      %dma_wait3A_414 = arith.constant 0 : i32
      %dma_wait3A_415 = arith.constant 0 : i32
      %dma_wait3A_416 = tpu.memref_slice %arg9[%dma_wait3A_413, %dma_wait3A_414, %dma_wait3A_415] : memref<5x128x128xf32, #tpu.memory_space<vmem>> -> memref<1x128x128xf32, #tpu.memory_space<vmem>>
      %dma_wait3A_417 = tpu.memref_squeeze %dma_wait3A_416 : memref<1x128x128xf32, #tpu.memory_space<vmem>> -> memref<128x128xf32, #tpu.memory_space<vmem>>
      %dma_wait3A_418 = arith.constant 0 : i32
      %dma_wait3A_419 = arith.constant 0 : i32
      %dma_wait3A_420 = tpu.memref_slice %arg6[%add3A_327, %dma_wait3A_418, %dma_wait3A_419] : memref<1600x128x128xf32, #tpu.memory_space<hbm>> -> memref<1x128x128xf32, #tpu.memory_space<hbm>>
      %dma_wait3A_421 = tpu.memref_squeeze %dma_wait3A_420 : memref<1x128x128xf32, #tpu.memory_space<hbm>> -> memref<128x128xf32, #tpu.memory_space<hbm>>
      %dma_wait3A_422 = arith.constant 0 : i32
      %dma_wait3A_423 = arith.constant 0 : i32
      %dma_wait3A_424 = tpu.memref_slice %arg6[%add3A_327, %dma_wait3A_422, %dma_wait3A_423] : memref<1600x128x128xf32, #tpu.memory_space<hbm>> -> memref<1x128x128xf32, #tpu.memory_space<hbm>>
      %dma_wait3A_425 = tpu.memref_squeeze %dma_wait3A_424 : memref<1x128x128xf32, #tpu.memory_space<hbm>> -> memref<128x128xf32, #tpu.memory_space<hbm>>
      %dma_wait3A_426 = arith.constant 0 : i32
      %dma_wait3A_427 = arith.constant 0 : i32
      %dma_wait3A_428 = tpu.memref_slice %arg9[%dma_wait3A_413, %dma_wait3A_426, %dma_wait3A_427] : memref<5x128x128xf32, #tpu.memory_space<vmem>> -> memref<1x128x128xf32, #tpu.memory_space<vmem>>
      %dma_wait3A_429 = tpu.memref_squeeze %dma_wait3A_428 : memref<1x128x128xf32, #tpu.memory_space<vmem>> -> memref<128x128xf32, #tpu.memory_space<vmem>>
      tpu.wait_dma2 semaphore(%arg12 : memref<!tpu.dma_semaphore, #tpu.memory_space<semaphore_mem>>) src(%dma_wait3A_429 : memref<128x128xf32, #tpu.memory_space<vmem>>) dst(%dma_wait3A_425 : memref<128x128xf32, #tpu.memory_space<hbm>>)
    }
    %scan3A_7 = arith.constant 10 : i32
    return
  }
}

module attributes {stable_mosaic.version = 14 : i64} {
  func.func @body(%arg0: i32, %arg1: memref<64x1000xf32, #tpu.memory_space<vmem>>, %arg2: memref<128x64xf32, #tpu.memory_space<vmem>>, %arg3: memref<1000x128xf32, #tpu.memory_space<vmem>>) attributes {dimension_semantics = [#tpu.dimension_semantics<arbitrary>], iteration_bounds = array<i64: 1>, scalar_prefetch = 0 : i64, scratch_operands = 0 : i64, tpu.core_type = #tpu.core_type<tc>, window_params = [{transform_indices = @transform_0, window_bounds = array<i64: 64, 1000>}, {pipeline_mode = #tpu.pipeline_mode<synchronous>, transform_indices = @transform_1, window_bounds = array<i64: 128, 64>}, {transform_indices = @transform_2, window_bounds = array<i64: 1000, 128>}]} {
    %get3A = arith.constant 0 : index
    %get3A_0 = arith.constant 0 : index
    %get3A_1 = vector.load %arg1[%get3A, %get3A_0] : memref<64x1000xf32, #tpu.memory_space<vmem>>, vector<64x1000xf32>
    %get3A_2 = arith.constant 0 : index
    %get3A_3 = arith.constant 0 : index
    %get3A_4 = vector.load %arg2[%get3A_2, %get3A_3] : memref<128x64xf32, #tpu.memory_space<vmem>>, vector<128x64xf32>
    %dot_general3A = arith.constant dense<0.000000e+00> : vector<1000x128xf32>
    %dot_general3A_5 = tpu.matmul %get3A_1, %get3A_4, %dot_general3A {dimension_numbers = #tpu.dot_dimension_numbers<[0], [1], [1], [0], [0, 1, 1, 0], [], []>, transpose_lhs_hint = false} : vector<64x1000xf32>, vector<128x64xf32>, vector<1000x128xf32> -> vector<1000x128xf32>
    %swap3A = arith.constant 0 : index
    %swap3A_6 = arith.constant 0 : index
    %swap3A_7 = vector.load %arg3[%swap3A, %swap3A_6] : memref<1000x128xf32, #tpu.memory_space<vmem>>, vector<1000x128xf32>
    tpu.vector_store %arg3[%swap3A, %swap3A_6], %dot_general3A_5 {strides = array<i32>} : memref<1000x128xf32, #tpu.memory_space<vmem>>, vector<1000x128xf32>,
    return
  }
  func.func @transform_0(%arg0: i32) -> (i32, i32) {
    %c0_i32 = arith.constant 0 : i32
    %c0_i32_0 = arith.constant 0 : i32
    return %c0_i32, %arg0 : i32, i32
  }
  func.func @transform_1(%arg0: i32) -> (i32, i32) {
    %c0_i32 = arith.constant 0 : i32
    %c0_i32_0 = arith.constant 0 : i32
    %c0_i32_1 = arith.constant 0 : i32
    return %c0_i32, %c0_i32_0 : i32, i32
  }
  func.func @transform_2(%arg0: i32) -> (i32, i32) {
    %c0_i32 = arith.constant 0 : i32
    %c0_i32_0 = arith.constant 0 : i32
    return %arg0, %c0_i32 : i32, i32
  }
}

module attributes {stable_mosaic.version = 14 : i64} {
  func.func @body(%arg0: i32, %arg1: memref<64x8192xf32, #tpu.memory_space<vmem>>, %arg2: memref<128x64xf32, #tpu.memory_space<vmem>>, %arg3: memref<8192x128xf32, #tpu.memory_space<vmem>>) attributes {dimension_semantics = [#tpu.dimension_semantics<arbitrary>], iteration_bounds = array<i64: 123>, scalar_prefetch = 0 : i64, scratch_operands = 0 : i64, tpu.core_type = #tpu.core_type<tc>, window_params = [{transform_indices = @transform_0, window_bounds = array<i64: 64, 8192>}, {pipeline_mode = #tpu.pipeline_mode<synchronous>, transform_indices = @transform_1, window_bounds = array<i64: 128, 64>}, {transform_indices = @transform_2, window_bounds = array<i64: 8192, 128>}]} {
    %get3A = arith.constant 0 : index
    %get3A_0 = arith.constant 0 : index
    %get3A_1 = vector.load %arg1[%get3A, %get3A_0] : memref<64x8192xf32, #tpu.memory_space<vmem>>, vector<64x8192xf32>
    %get3A_2 = arith.constant 0 : index
    %get3A_3 = arith.constant 0 : index
    %get3A_4 = vector.load %arg2[%get3A_2, %get3A_3] : memref<128x64xf32, #tpu.memory_space<vmem>>, vector<128x64xf32>
    %dot_general3A = arith.constant dense<0.000000e+00> : vector<8192x128xf32>
    %dot_general3A_5 = tpu.matmul %get3A_1, %get3A_4, %dot_general3A {dimension_numbers = #tpu.dot_dimension_numbers<[0], [1], [1], [0], [0, 1, 1, 0], [], []>, transpose_lhs_hint = false} : vector<64x8192xf32>, vector<128x64xf32>, vector<8192x128xf32> -> vector<8192x128xf32>
    %swap3A = arith.constant 0 : index
    %swap3A_6 = arith.constant 0 : index
    %swap3A_7 = vector.load %arg3[%swap3A, %swap3A_6] : memref<8192x128xf32, #tpu.memory_space<vmem>>, vector<8192x128xf32>
    tpu.vector_store %arg3[%swap3A, %swap3A_6], %dot_general3A_5 {strides = array<i32>} : memref<8192x128xf32, #tpu.memory_space<vmem>>, vector<8192x128xf32>,
    return
  }
  func.func @transform_0(%arg0: i32) -> (i32, i32) {
    %c0_i32 = arith.constant 0 : i32
    %c0_i32_0 = arith.constant 0 : i32
    return %c0_i32, %arg0 : i32, i32
  }
  func.func @transform_1(%arg0: i32) -> (i32, i32) {
    %c0_i32 = arith.constant 0 : i32
    %c0_i32_0 = arith.constant 0 : i32
    %c0_i32_1 = arith.constant 0 : i32
    return %c0_i32, %c0_i32_0 : i32, i32
  }
  func.func @transform_2(%arg0: i32) -> (i32, i32) {
    %c0_i32 = arith.constant 0 : i32
    %c0_i32_0 = arith.constant 0 : i32
    return %arg0, %c0_i32 : i32, i32
  }
}

module attributes {stable_mosaic.version = 14 : i64} {
  func.func @body(%arg0: i32, %arg1: memref<8192x128xf32, #tpu.memory_space<vmem>>, %arg2: memref<1x128xf32, #tpu.memory_space<vmem>>, %arg3: memref<1x128xf32, #tpu.memory_space<vmem>>, %arg4: memref<1x128xf32, #tpu.memory_space<vmem>>, %arg5: memref<8192x128xf32, #tpu.memory_space<vmem>>) attributes {dimension_semantics = [#tpu.dimension_semantics<arbitrary>], iteration_bounds = array<i64: 25>, scalar_prefetch = 0 : i64, scratch_operands = 0 : i64, tpu.core_type = #tpu.core_type<tc>, window_params = [{transform_indices = @transform_0, window_bounds = array<i64: 8192, 128>}, {pipeline_mode = #tpu.pipeline_mode<synchronous>, transform_indices = @transform_1, window_bounds = array<i64: 1, 128>}, {pipeline_mode = #tpu.pipeline_mode<synchronous>, transform_indices = @transform_2, window_bounds = array<i64: 1, 128>}, {pipeline_mode = #tpu.pipeline_mode<synchronous>, transform_indices = @transform_3, window_bounds = array<i64: 1, 128>}, {transform_indices = @transform_4, window_bounds = array<i64: 8192, 128>}]} {
    %get3A = arith.constant 0 : index
    %get3A_0 = arith.constant 0 : index
    %get3A_1 = vector.load %arg1[%get3A, %get3A_0] : memref<8192x128xf32, #tpu.memory_space<vmem>>, vector<8192x128xf32>
    %get3A_2 = arith.constant 0 : index
    %get3A_3 = arith.constant 0 : index
    %get3A_4 = vector.load %arg2[%get3A_2, %get3A_3] : memref<1x128xf32, #tpu.memory_space<vmem>>, vector<1x128xf32>
    %add3A = vector.broadcast %get3A_4 : vector<1x128xf32> to vector<8192x128xf32>
    %add3A_5 = arith.addf %get3A_1, %add3A : vector<8192x128xf32>
    %reduce_sum3A = arith.constant dense<0.000000e+00> : vector<8192xf32>
    %reduce_sum3A_6 = vector.multi_reduction <add>, %add3A_5, %reduce_sum3A [1] : vector<8192x128xf32> to vector<8192xf32>
    %broadcast_in_dim3A = vector.shape_cast %reduce_sum3A_6 : vector<8192xf32> to vector<8192x1xf32>
    %div3A = arith.constant 1.280000e+02 : f32
    %div3A_7 = vector.broadcast %div3A : f32 to vector<8192x1xf32>
    %div3A_8 = arith.divf %broadcast_in_dim3A, %div3A_7 : vector<8192x1xf32>
    %sub3A = vector.broadcast %div3A_8 : vector<8192x1xf32> to vector<8192x128xf32>
    %sub3A_9 = arith.subf %add3A_5, %sub3A : vector<8192x128xf32>
    %mul3A = arith.mulf %sub3A_9, %sub3A_9 : vector<8192x128xf32>
    %reduce_sum3A_10 = arith.constant dense<0.000000e+00> : vector<8192xf32>
    %reduce_sum3A_11 = vector.multi_reduction <add>, %mul3A, %reduce_sum3A_10 [1] : vector<8192x128xf32> to vector<8192xf32>
    %broadcast_in_dim3A_12 = vector.shape_cast %reduce_sum3A_11 : vector<8192xf32> to vector<8192x1xf32>
    %div3A_13 = arith.constant 1.280000e+02 : f32
    %div3A_14 = vector.broadcast %div3A_13 : f32 to vector<8192x1xf32>
    %div3A_15 = arith.divf %broadcast_in_dim3A_12, %div3A_14 : vector<8192x1xf32>
    %add3A_16 = arith.constant 9.99999996E-13 : f32
    %add3A_17 = vector.broadcast %add3A_16 : f32 to vector<8192x1xf32>
    %add3A_18 = arith.addf %div3A_15, %add3A_17 : vector<8192x1xf32>
    %rsqrt3A = math.rsqrt %add3A_18 : vector<8192x1xf32>
    %mul3A_19 = vector.broadcast %rsqrt3A : vector<8192x1xf32> to vector<8192x128xf32>
    %mul3A_20 = arith.mulf %sub3A_9, %mul3A_19 : vector<8192x128xf32>
    %get3A_21 = arith.constant 0 : index
    %get3A_22 = arith.constant 0 : index
    %get3A_23 = vector.load %arg3[%get3A_21, %get3A_22] : memref<1x128xf32, #tpu.memory_space<vmem>>, vector<1x128xf32>
    %mul3A_24 = vector.broadcast %get3A_23 : vector<1x128xf32> to vector<8192x128xf32>
    %mul3A_25 = arith.mulf %mul3A_20, %mul3A_24 : vector<8192x128xf32>
    %get3A_26 = arith.constant 0 : index
    %get3A_27 = arith.constant 0 : index
    %get3A_28 = vector.load %arg4[%get3A_26, %get3A_27] : memref<1x128xf32, #tpu.memory_space<vmem>>, vector<1x128xf32>
    %add3A_29 = vector.broadcast %get3A_28 : vector<1x128xf32> to vector<8192x128xf32>
    %add3A_30 = arith.addf %mul3A_25, %add3A_29 : vector<8192x128xf32>
    %swap3A = arith.constant 0 : index
    %swap3A_31 = arith.constant 0 : index
    %swap3A_32 = vector.load %arg5[%swap3A, %swap3A_31] : memref<8192x128xf32, #tpu.memory_space<vmem>>, vector<8192x128xf32>
    tpu.vector_store %arg5[%swap3A, %swap3A_31], %add3A_30 {strides = array<i32>} : memref<8192x128xf32, #tpu.memory_space<vmem>>, vector<8192x128xf32>,
    return
  }
  func.func @transform_0(%arg0: i32) -> (i32, i32) {
    %c0_i32 = arith.constant 0 : i32
    %c0_i32_0 = arith.constant 0 : i32
    return %arg0, %c0_i32 : i32, i32
  }
  func.func @transform_1(%arg0: i32) -> (i32, i32) {
    %c0_i32 = arith.constant 0 : i32
    %c0_i32_0 = arith.constant 0 : i32
    %c0_i32_1 = arith.constant 0 : i32
    return %c0_i32, %c0_i32_0 : i32, i32
  }
  func.func @transform_2(%arg0: i32) -> (i32, i32) {
    %c0_i32 = arith.constant 0 : i32
    %c0_i32_0 = arith.constant 0 : i32
    %c0_i32_1 = arith.constant 0 : i32
    return %c0_i32, %c0_i32_0 : i32, i32
  }
  func.func @transform_3(%arg0: i32) -> (i32, i32) {
    %c0_i32 = arith.constant 0 : i32
    %c0_i32_0 = arith.constant 0 : i32
    %c0_i32_1 = arith.constant 0 : i32
    return %c0_i32, %c0_i32_0 : i32, i32
  }
  func.func @transform_4(%arg0: i32) -> (i32, i32) {
    %add3A = arith.constant 0 : i32
    %add3A_0 = arith.addi %add3A, %arg0 : i32
    %c0_i32 = arith.constant 0 : i32
    %c0_i32_1 = arith.constant 0 : i32
    return %add3A_0, %c0_i32 : i32, i32
  }
}

module attributes {stable_mosaic.version = 14 : i64} {
  func.func @body(%arg0: i32, %arg1: memref<8x128xf32, #tpu.memory_space<vmem>>, %arg2: memref<8192x128xf32, #tpu.memory_space<vmem>>, %arg3: memref<1x128xf32, #tpu.memory_space<vmem>>, %arg4: memref<1x128xf32, #tpu.memory_space<vmem>>, %arg5: memref<1x128xf32, #tpu.memory_space<vmem>>, %arg6: memref<8192x128xf32, #tpu.memory_space<vmem>>) attributes {dimension_semantics = [#tpu.dimension_semantics<arbitrary>], iteration_bounds = array<i64: 25>, scalar_prefetch = 0 : i64, scratch_operands = 0 : i64, tpu.core_type = #tpu.core_type<tc>, window_params = [{transform_indices = @transform_0, window_bounds = array<i64: 8, 128>}, {transform_indices = @transform_1, window_bounds = array<i64: 8192, 128>}, {pipeline_mode = #tpu.pipeline_mode<synchronous>, transform_indices = @transform_2, window_bounds = array<i64: 1, 128>}, {pipeline_mode = #tpu.pipeline_mode<synchronous>, transform_indices = @transform_3, window_bounds = array<i64: 1, 128>}, {pipeline_mode = #tpu.pipeline_mode<synchronous>, transform_indices = @transform_4, window_bounds = array<i64: 1, 128>}, {transform_indices = @transform_5, window_bounds = array<i64: 8192, 128>}]} {
    %get3A = arith.constant 0 : index
    %get3A_0 = arith.constant 0 : index
    %get3A_1 = vector.load %arg2[%get3A, %get3A_0] : memref<8192x128xf32, #tpu.memory_space<vmem>>, vector<8192x128xf32>
    %get3A_2 = arith.constant 0 : index
    %get3A_3 = arith.constant 0 : index
    %get3A_4 = vector.load %arg3[%get3A_2, %get3A_3] : memref<1x128xf32, #tpu.memory_space<vmem>>, vector<1x128xf32>
    %add3A = vector.broadcast %get3A_4 : vector<1x128xf32> to vector<8192x128xf32>
    %add3A_5 = arith.addf %get3A_1, %add3A : vector<8192x128xf32>
    %reduce_sum3A = arith.constant dense<0.000000e+00> : vector<8192xf32>
    %reduce_sum3A_6 = vector.multi_reduction <add>, %add3A_5, %reduce_sum3A [1] : vector<8192x128xf32> to vector<8192xf32>
    %broadcast_in_dim3A = vector.shape_cast %reduce_sum3A_6 : vector<8192xf32> to vector<8192x1xf32>
    %div3A = arith.constant 1.280000e+02 : f32
    %div3A_7 = vector.broadcast %div3A : f32 to vector<8192x1xf32>
    %div3A_8 = arith.divf %broadcast_in_dim3A, %div3A_7 : vector<8192x1xf32>
    %sub3A = vector.broadcast %div3A_8 : vector<8192x1xf32> to vector<8192x128xf32>
    %sub3A_9 = arith.subf %add3A_5, %sub3A : vector<8192x128xf32>
    %mul3A = arith.mulf %sub3A_9, %sub3A_9 : vector<8192x128xf32>
    %reduce_sum3A_10 = arith.constant dense<0.000000e+00> : vector<8192xf32>
    %reduce_sum3A_11 = vector.multi_reduction <add>, %mul3A, %reduce_sum3A_10 [1] : vector<8192x128xf32> to vector<8192xf32>
    %broadcast_in_dim3A_12 = vector.shape_cast %reduce_sum3A_11 : vector<8192xf32> to vector<8192x1xf32>
    %div3A_13 = arith.constant 1.280000e+02 : f32
    %div3A_14 = vector.broadcast %div3A_13 : f32 to vector<8192x1xf32>
    %div3A_15 = arith.divf %broadcast_in_dim3A_12, %div3A_14 : vector<8192x1xf32>
    %add3A_16 = arith.constant 9.99999996E-13 : f32
    %add3A_17 = vector.broadcast %add3A_16 : f32 to vector<8192x1xf32>
    %add3A_18 = arith.addf %div3A_15, %add3A_17 : vector<8192x1xf32>
    %rsqrt3A = math.rsqrt %add3A_18 : vector<8192x1xf32>
    %mul3A_19 = vector.broadcast %rsqrt3A : vector<8192x1xf32> to vector<8192x128xf32>
    %mul3A_20 = arith.mulf %sub3A_9, %mul3A_19 : vector<8192x128xf32>
    %get3A_21 = arith.constant 0 : index
    %get3A_22 = arith.constant 0 : index
    %get3A_23 = vector.load %arg4[%get3A_21, %get3A_22] : memref<1x128xf32, #tpu.memory_space<vmem>>, vector<1x128xf32>
    %mul3A_24 = vector.broadcast %get3A_23 : vector<1x128xf32> to vector<8192x128xf32>
    %mul3A_25 = arith.mulf %mul3A_20, %mul3A_24 : vector<8192x128xf32>
    %get3A_26 = arith.constant 0 : index
    %get3A_27 = arith.constant 0 : index
    %get3A_28 = vector.load %arg5[%get3A_26, %get3A_27] : memref<1x128xf32, #tpu.memory_space<vmem>>, vector<1x128xf32>
    %add3A_29 = vector.broadcast %get3A_28 : vector<1x128xf32> to vector<8192x128xf32>
    %add3A_30 = arith.addf %mul3A_25, %add3A_29 : vector<8192x128xf32>
    %swap3A = arith.constant 0 : index
    %swap3A_31 = arith.constant 0 : index
    %swap3A_32 = vector.load %arg6[%swap3A, %swap3A_31] : memref<8192x128xf32, #tpu.memory_space<vmem>>, vector<8192x128xf32>
    tpu.vector_store %arg6[%swap3A, %swap3A_31], %add3A_30 {strides = array<i32>} : memref<8192x128xf32, #tpu.memory_space<vmem>>, vector<8192x128xf32>,
    return
  }
  func.func @transform_0(%arg0: i32) -> (i32, i32) {
    %c0_i32 = arith.constant 0 : i32
    %c0_i32_0 = arith.constant 0 : i32
    %c0_i32_1 = arith.constant 0 : i32
    return %c0_i32, %c0_i32_0 : i32, i32
  }
  func.func @transform_1(%arg0: i32) -> (i32, i32) {
    %c0_i32 = arith.constant 0 : i32
    %c0_i32_0 = arith.constant 0 : i32
    return %arg0, %c0_i32 : i32, i32
  }
  func.func @transform_2(%arg0: i32) -> (i32, i32) {
    %c0_i32 = arith.constant 0 : i32
    %c0_i32_0 = arith.constant 0 : i32
    %c0_i32_1 = arith.constant 0 : i32
    return %c0_i32, %c0_i32_0 : i32, i32
  }
  func.func @transform_3(%arg0: i32) -> (i32, i32) {
    %c0_i32 = arith.constant 0 : i32
    %c0_i32_0 = arith.constant 0 : i32
    %c0_i32_1 = arith.constant 0 : i32
    return %c0_i32, %c0_i32_0 : i32, i32
  }
  func.func @transform_4(%arg0: i32) -> (i32, i32) {
    %c0_i32 = arith.constant 0 : i32
    %c0_i32_0 = arith.constant 0 : i32
    %c0_i32_1 = arith.constant 0 : i32
    return %c0_i32, %c0_i32_0 : i32, i32
  }
  func.func @transform_5(%arg0: i32) -> (i32, i32) {
    %add3A = arith.constant 25 : i32
    %add3A_0 = arith.addi %add3A, %arg0 : i32
    %c0_i32 = arith.constant 0 : i32
    %c0_i32_1 = arith.constant 0 : i32
    return %add3A_0, %c0_i32 : i32, i32
  }
}

module attributes {stable_mosaic.version = 14 : i64} {
  func.func @body(%arg0: i32, %arg1: memref<8x128xf32, #tpu.memory_space<vmem>>, %arg2: memref<8192x128xf32, #tpu.memory_space<vmem>>, %arg3: memref<1x128xf32, #tpu.memory_space<vmem>>, %arg4: memref<1x128xf32, #tpu.memory_space<vmem>>, %arg5: memref<1x128xf32, #tpu.memory_space<vmem>>, %arg6: memref<8192x128xf32, #tpu.memory_space<vmem>>) attributes {dimension_semantics = [#tpu.dimension_semantics<arbitrary>], iteration_bounds = array<i64: 25>, scalar_prefetch = 0 : i64, scratch_operands = 0 : i64, tpu.core_type = #tpu.core_type<tc>, window_params = [{transform_indices = @transform_0, window_bounds = array<i64: 8, 128>}, {transform_indices = @transform_1, window_bounds = array<i64: 8192, 128>}, {pipeline_mode = #tpu.pipeline_mode<synchronous>, transform_indices = @transform_2, window_bounds = array<i64: 1, 128>}, {pipeline_mode = #tpu.pipeline_mode<synchronous>, transform_indices = @transform_3, window_bounds = array<i64: 1, 128>}, {pipeline_mode = #tpu.pipeline_mode<synchronous>, transform_indices = @transform_4, window_bounds = array<i64: 1, 128>}, {transform_indices = @transform_5, window_bounds = array<i64: 8192, 128>}]} {
    %get3A = arith.constant 0 : index
    %get3A_0 = arith.constant 0 : index
    %get3A_1 = vector.load %arg2[%get3A, %get3A_0] : memref<8192x128xf32, #tpu.memory_space<vmem>>, vector<8192x128xf32>
    %get3A_2 = arith.constant 0 : index
    %get3A_3 = arith.constant 0 : index
    %get3A_4 = vector.load %arg3[%get3A_2, %get3A_3] : memref<1x128xf32, #tpu.memory_space<vmem>>, vector<1x128xf32>
    %add3A = vector.broadcast %get3A_4 : vector<1x128xf32> to vector<8192x128xf32>
    %add3A_5 = arith.addf %get3A_1, %add3A : vector<8192x128xf32>
    %reduce_sum3A = arith.constant dense<0.000000e+00> : vector<8192xf32>
    %reduce_sum3A_6 = vector.multi_reduction <add>, %add3A_5, %reduce_sum3A [1] : vector<8192x128xf32> to vector<8192xf32>
    %broadcast_in_dim3A = vector.shape_cast %reduce_sum3A_6 : vector<8192xf32> to vector<8192x1xf32>
    %div3A = arith.constant 1.280000e+02 : f32
    %div3A_7 = vector.broadcast %div3A : f32 to vector<8192x1xf32>
    %div3A_8 = arith.divf %broadcast_in_dim3A, %div3A_7 : vector<8192x1xf32>
    %sub3A = vector.broadcast %div3A_8 : vector<8192x1xf32> to vector<8192x128xf32>
    %sub3A_9 = arith.subf %add3A_5, %sub3A : vector<8192x128xf32>
    %mul3A = arith.mulf %sub3A_9, %sub3A_9 : vector<8192x128xf32>
    %reduce_sum3A_10 = arith.constant dense<0.000000e+00> : vector<8192xf32>
    %reduce_sum3A_11 = vector.multi_reduction <add>, %mul3A, %reduce_sum3A_10 [1] : vector<8192x128xf32> to vector<8192xf32>
    %broadcast_in_dim3A_12 = vector.shape_cast %reduce_sum3A_11 : vector<8192xf32> to vector<8192x1xf32>
    %div3A_13 = arith.constant 1.280000e+02 : f32
    %div3A_14 = vector.broadcast %div3A_13 : f32 to vector<8192x1xf32>
    %div3A_15 = arith.divf %broadcast_in_dim3A_12, %div3A_14 : vector<8192x1xf32>
    %add3A_16 = arith.constant 9.99999996E-13 : f32
    %add3A_17 = vector.broadcast %add3A_16 : f32 to vector<8192x1xf32>
    %add3A_18 = arith.addf %div3A_15, %add3A_17 : vector<8192x1xf32>
    %rsqrt3A = math.rsqrt %add3A_18 : vector<8192x1xf32>
    %mul3A_19 = vector.broadcast %rsqrt3A : vector<8192x1xf32> to vector<8192x128xf32>
    %mul3A_20 = arith.mulf %sub3A_9, %mul3A_19 : vector<8192x128xf32>
    %get3A_21 = arith.constant 0 : index
    %get3A_22 = arith.constant 0 : index
    %get3A_23 = vector.load %arg4[%get3A_21, %get3A_22] : memref<1x128xf32, #tpu.memory_space<vmem>>, vector<1x128xf32>
    %mul3A_24 = vector.broadcast %get3A_23 : vector<1x128xf32> to vector<8192x128xf32>
    %mul3A_25 = arith.mulf %mul3A_20, %mul3A_24 : vector<8192x128xf32>
    %get3A_26 = arith.constant 0 : index
    %get3A_27 = arith.constant 0 : index
    %get3A_28 = vector.load %arg5[%get3A_26, %get3A_27] : memref<1x128xf32, #tpu.memory_space<vmem>>, vector<1x128xf32>
    %add3A_29 = vector.broadcast %get3A_28 : vector<1x128xf32> to vector<8192x128xf32>
    %add3A_30 = arith.addf %mul3A_25, %add3A_29 : vector<8192x128xf32>
    %swap3A = arith.constant 0 : index
    %swap3A_31 = arith.constant 0 : index
    %swap3A_32 = vector.load %arg6[%swap3A, %swap3A_31] : memref<8192x128xf32, #tpu.memory_space<vmem>>, vector<8192x128xf32>
    tpu.vector_store %arg6[%swap3A, %swap3A_31], %add3A_30 {strides = array<i32>} : memref<8192x128xf32, #tpu.memory_space<vmem>>, vector<8192x128xf32>,
    return
  }
  func.func @transform_0(%arg0: i32) -> (i32, i32) {
    %c0_i32 = arith.constant 0 : i32
    %c0_i32_0 = arith.constant 0 : i32
    %c0_i32_1 = arith.constant 0 : i32
    return %c0_i32, %c0_i32_0 : i32, i32
  }
  func.func @transform_1(%arg0: i32) -> (i32, i32) {
    %c0_i32 = arith.constant 0 : i32
    %c0_i32_0 = arith.constant 0 : i32
    return %arg0, %c0_i32 : i32, i32
  }
  func.func @transform_2(%arg0: i32) -> (i32, i32) {
    %c0_i32 = arith.constant 0 : i32
    %c0_i32_0 = arith.constant 0 : i32
    %c0_i32_1 = arith.constant 0 : i32
    return %c0_i32, %c0_i32_0 : i32, i32
  }
  func.func @transform_3(%arg0: i32) -> (i32, i32) {
    %c0_i32 = arith.constant 0 : i32
    %c0_i32_0 = arith.constant 0 : i32
    %c0_i32_1 = arith.constant 0 : i32
    return %c0_i32, %c0_i32_0 : i32, i32
  }
  func.func @transform_4(%arg0: i32) -> (i32, i32) {
    %c0_i32 = arith.constant 0 : i32
    %c0_i32_0 = arith.constant 0 : i32
    %c0_i32_1 = arith.constant 0 : i32
    return %c0_i32, %c0_i32_0 : i32, i32
  }
  func.func @transform_5(%arg0: i32) -> (i32, i32) {
    %add3A = arith.constant 50 : i32
    %add3A_0 = arith.addi %add3A, %arg0 : i32
    %c0_i32 = arith.constant 0 : i32
    %c0_i32_1 = arith.constant 0 : i32
    return %add3A_0, %c0_i32 : i32, i32
  }
}

module attributes {stable_mosaic.version = 14 : i64} {
  func.func @body(%arg0: i32, %arg1: memref<8x128xf32, #tpu.memory_space<vmem>>, %arg2: memref<8192x128xf32, #tpu.memory_space<vmem>>, %arg3: memref<1x128xf32, #tpu.memory_space<vmem>>, %arg4: memref<1x128xf32, #tpu.memory_space<vmem>>, %arg5: memref<1x128xf32, #tpu.memory_space<vmem>>, %arg6: memref<8192x128xf32, #tpu.memory_space<vmem>>) attributes {dimension_semantics = [#tpu.dimension_semantics<arbitrary>], iteration_bounds = array<i64: 25>, scalar_prefetch = 0 : i64, scratch_operands = 0 : i64, tpu.core_type = #tpu.core_type<tc>, window_params = [{transform_indices = @transform_0, window_bounds = array<i64: 8, 128>}, {transform_indices = @transform_1, window_bounds = array<i64: 8192, 128>}, {pipeline_mode = #tpu.pipeline_mode<synchronous>, transform_indices = @transform_2, window_bounds = array<i64: 1, 128>}, {pipeline_mode = #tpu.pipeline_mode<synchronous>, transform_indices = @transform_3, window_bounds = array<i64: 1, 128>}, {pipeline_mode = #tpu.pipeline_mode<synchronous>, transform_indices = @transform_4, window_bounds = array<i64: 1, 128>}, {transform_indices = @transform_5, window_bounds = array<i64: 8192, 128>}]} {
    %get3A = arith.constant 0 : index
    %get3A_0 = arith.constant 0 : index
    %get3A_1 = vector.load %arg2[%get3A, %get3A_0] : memref<8192x128xf32, #tpu.memory_space<vmem>>, vector<8192x128xf32>
    %get3A_2 = arith.constant 0 : index
    %get3A_3 = arith.constant 0 : index
    %get3A_4 = vector.load %arg3[%get3A_2, %get3A_3] : memref<1x128xf32, #tpu.memory_space<vmem>>, vector<1x128xf32>
    %add3A = vector.broadcast %get3A_4 : vector<1x128xf32> to vector<8192x128xf32>
    %add3A_5 = arith.addf %get3A_1, %add3A : vector<8192x128xf32>
    %reduce_sum3A = arith.constant dense<0.000000e+00> : vector<8192xf32>
    %reduce_sum3A_6 = vector.multi_reduction <add>, %add3A_5, %reduce_sum3A [1] : vector<8192x128xf32> to vector<8192xf32>
    %broadcast_in_dim3A = vector.shape_cast %reduce_sum3A_6 : vector<8192xf32> to vector<8192x1xf32>
    %div3A = arith.constant 1.280000e+02 : f32
    %div3A_7 = vector.broadcast %div3A : f32 to vector<8192x1xf32>
    %div3A_8 = arith.divf %broadcast_in_dim3A, %div3A_7 : vector<8192x1xf32>
    %sub3A = vector.broadcast %div3A_8 : vector<8192x1xf32> to vector<8192x128xf32>
    %sub3A_9 = arith.subf %add3A_5, %sub3A : vector<8192x128xf32>
    %mul3A = arith.mulf %sub3A_9, %sub3A_9 : vector<8192x128xf32>
    %reduce_sum3A_10 = arith.constant dense<0.000000e+00> : vector<8192xf32>
    %reduce_sum3A_11 = vector.multi_reduction <add>, %mul3A, %reduce_sum3A_10 [1] : vector<8192x128xf32> to vector<8192xf32>
    %broadcast_in_dim3A_12 = vector.shape_cast %reduce_sum3A_11 : vector<8192xf32> to vector<8192x1xf32>
    %div3A_13 = arith.constant 1.280000e+02 : f32
    %div3A_14 = vector.broadcast %div3A_13 : f32 to vector<8192x1xf32>
    %div3A_15 = arith.divf %broadcast_in_dim3A_12, %div3A_14 : vector<8192x1xf32>
    %add3A_16 = arith.constant 9.99999996E-13 : f32
    %add3A_17 = vector.broadcast %add3A_16 : f32 to vector<8192x1xf32>
    %add3A_18 = arith.addf %div3A_15, %add3A_17 : vector<8192x1xf32>
    %rsqrt3A = math.rsqrt %add3A_18 : vector<8192x1xf32>
    %mul3A_19 = vector.broadcast %rsqrt3A : vector<8192x1xf32> to vector<8192x128xf32>
    %mul3A_20 = arith.mulf %sub3A_9, %mul3A_19 : vector<8192x128xf32>
    %get3A_21 = arith.constant 0 : index
    %get3A_22 = arith.constant 0 : index
    %get3A_23 = vector.load %arg4[%get3A_21, %get3A_22] : memref<1x128xf32, #tpu.memory_space<vmem>>, vector<1x128xf32>
    %mul3A_24 = vector.broadcast %get3A_23 : vector<1x128xf32> to vector<8192x128xf32>
    %mul3A_25 = arith.mulf %mul3A_20, %mul3A_24 : vector<8192x128xf32>
    %get3A_26 = arith.constant 0 : index
    %get3A_27 = arith.constant 0 : index
    %get3A_28 = vector.load %arg5[%get3A_26, %get3A_27] : memref<1x128xf32, #tpu.memory_space<vmem>>, vector<1x128xf32>
    %add3A_29 = vector.broadcast %get3A_28 : vector<1x128xf32> to vector<8192x128xf32>
    %add3A_30 = arith.addf %mul3A_25, %add3A_29 : vector<8192x128xf32>
    %swap3A = arith.constant 0 : index
    %swap3A_31 = arith.constant 0 : index
    %swap3A_32 = vector.load %arg6[%swap3A, %swap3A_31] : memref<8192x128xf32, #tpu.memory_space<vmem>>, vector<8192x128xf32>
    tpu.vector_store %arg6[%swap3A, %swap3A_31], %add3A_30 {strides = array<i32>} : memref<8192x128xf32, #tpu.memory_space<vmem>>, vector<8192x128xf32>,
    return
  }
  func.func @transform_0(%arg0: i32) -> (i32, i32) {
    %c0_i32 = arith.constant 0 : i32
    %c0_i32_0 = arith.constant 0 : i32
    %c0_i32_1 = arith.constant 0 : i32
    return %c0_i32, %c0_i32_0 : i32, i32
  }
  func.func @transform_1(%arg0: i32) -> (i32, i32) {
    %c0_i32 = arith.constant 0 : i32
    %c0_i32_0 = arith.constant 0 : i32
    return %arg0, %c0_i32 : i32, i32
  }
  func.func @transform_2(%arg0: i32) -> (i32, i32) {
    %c0_i32 = arith.constant 0 : i32
    %c0_i32_0 = arith.constant 0 : i32
    %c0_i32_1 = arith.constant 0 : i32
    return %c0_i32, %c0_i32_0 : i32, i32
  }
  func.func @transform_3(%arg0: i32) -> (i32, i32) {
    %c0_i32 = arith.constant 0 : i32
    %c0_i32_0 = arith.constant 0 : i32
    %c0_i32_1 = arith.constant 0 : i32
    return %c0_i32, %c0_i32_0 : i32, i32
  }
  func.func @transform_4(%arg0: i32) -> (i32, i32) {
    %c0_i32 = arith.constant 0 : i32
    %c0_i32_0 = arith.constant 0 : i32
    %c0_i32_1 = arith.constant 0 : i32
    return %c0_i32, %c0_i32_0 : i32, i32
  }
  func.func @transform_5(%arg0: i32) -> (i32, i32) {
    %add3A = arith.constant 75 : i32
    %add3A_0 = arith.addi %add3A, %arg0 : i32
    %c0_i32 = arith.constant 0 : i32
    %c0_i32_1 = arith.constant 0 : i32
    return %add3A_0, %c0_i32 : i32, i32
  }
}

</mosaic_0001>

<sc_bundles>
// kernel: kernel.12.cloned.1.call-start
scs
__scs_entry_jumppad:
0x0: {  	(pc) =	sbr.rel $0x88, $3  }
0x1: {  	(tag) =	ssettag $0x0;
	lr =	simm.s32 $0x1  }
0x2: {  	[smem:$0x3F99] =	sst lr;
	_ =	strace $0xD0000000  }
0x3: {  	_ = 	snop  }
0x4: {  	_ = 	snop  }
0x5: {  	_ = 	snop  }
0x6: {  	_ = 	snop  }
0x7: {  	_ = 	snop  }
__scs_overlays_trampoline_lowered:
0x8: {  	[smem:$0x3FA8] =	sst s0  }
0x9: {  	[smem:$0x3FA9] =	sst s1  }
0xa: {  	[smem:$0x3FAA] =	sst s2  }
0xb: {  	[smem:$0x3FAB] =	sst s3  }
0xc: {  	[smem:$0x3FAC] =	sst s4  }
0xd: {  	[smem:$0x3FAD] =	sst s5  }
0xe: {  	[smem:$0x3FAE] =	sst s6  }
0xf: {  	[smem:$0x3FAF] =	sst s7  }
0x10: {  	[smem:$0x3FB0] =	sst s8  }
0x11: {  	[smem:$0x3FB1] =	sst s9;
	s0 =	simm.s32 @!p0 $0x0  }
0x12: {  	s1 =	sld [smem:$0x3F97];
	s0 =	simm.s32 @p0 $0x1  }
0x13: {  	[smem:$0x3FB2] =	sst s0;
	s0 =	simm.s32 @!p1 $0x0  }
0x14: {  	s2 =	sld [smem:$0x3F96];
	s0 =	simm.s32 @p1 $0x1  }
0x15: {  	[smem:$0x3FB3] =	sst s0;
	s0 =	simm.s32 @!p2 $0x0  }
0x16: {  	s3 =	sld [smem:$0x3FDB];
	s0 =	simm.s32 @p2 $0x1  }
0x17: {  	s4 =	simm.s32 $0x1BF5;
	[smem:$0x3FB5] =	sst s0  }
0x18: {  	s0 =	sld [smem:$0x3F98];
	_ =	swait.ge [sflag:s4], $0x0  }
0x19: {  	s7 =	sld [smem:$0x3F99]  }
0x1a: {  	s8 =	sadd.s32 $0xFFFFE003, lr  }
0x1b: {  	s9 =	sadd.s32 $0xFFFFFEF7, lr;
	s5 =	simm.s32 $0xFFFFFFFF;
	p2 =	slt.u32 s8, $0xFFFFF086  }
0x1c: {  	p1 =	slt.u32 s9, $0xF7A;
	s5 =	simm.s32 @!p2 $0x0  }
0x1d: {  	s5 =	simm.s32 @p1 $0x1;
	p0 =	seq.s32 s7, s2  }
0x1e: {  	s7 =	smul.u32 @!p0 $0xF7A, s2;
	p2 =	seq.s32 @!p0 s5, $0x0  }
0x1f: {  	s9 =	smul.u32 $0xF7A, s1;
	s8 =	simm.s32 @!p0 $0x1BF5;
	p2 =	por !p2, p0  }
0x20: {  	[sflag:s8] =	ssyncset.s32 @!p0 $0xFFFFF086;
	s6 =	sadd.s32 @!p0 s3, s7;
	s7 =	simm.s32 @!p0 $0x108  }
0x21: {  	s3 =	sadd.s32 s3, s9;
	s6 =	sadd.s32 @!p0 $0x88, s6;
	s7 =	simm.s32 @p2 $0x1082  }
0x22: {  	[simem:s7], [sflag:s8] =	dma.local @!p0 [hbm:s6], $0xF7A  }
0x23: {  	s9 =	sor.u32 $0xD0000000, s2;
	s6 =	simm.s32 $0x108;
	_ =	swait.ge @!p0 [sflag:s8], $0x0  }
0x24: {  	s3 =	sadd.s32 $0x88, s3;
	s6 =	simm.s32 @!p1 $0x1082;
	[sflag:s4] =	ssyncset.s32 $0xFFFFF086  }
0x25: {  	[simem:s6], [sflag:s4] =	dma.local [hbm:s3], $0xF7A  }
0x26: {  	[smem:$0x3F99] =	sst s1;
	(tag) =	ssettag s2;
	_ =	strace s9  }
0x27: {  	s1 =	sld [smem:$0x3FA9]  }
0x28: {  	s2 =	sld [smem:$0x3FAA]  }
0x29: {  	s4 =	sld [smem:$0x3FAC]  }
0x2a: {  	p0 =	seq.s32 s5, $0x0;
	s5 =	sld [smem:$0x3FAD]  }
0x2b: {  	s6 =	sld [smem:$0x3FAE]  }
0x2c: {  	s7 =	sld [smem:$0x3FAF]  }
0x2d: {  	s3 =	simm.s32 $0x108;
	s8 =	sld [smem:$0x3FB0]  }
0x2e: {  	s3 =	simm.s32 @!p0 $0x1082;
	s9 =	sld [smem:$0x3FB1]  }
0x2f: {  	lr =	sadd.s32 s0, s3;
	s0 =	sld [smem:$0x3FA8]  }
0x30: {  	s3 =	sld [smem:$0x3FAB]  }
0x31: {  	[smem:$0x3FB4] =	sst s10  }
0x32: {  	s10 =	sld [smem:$0x3FB2];
	_ =	sdelay $0x3  }
0x33: {  	p0 =	seq.s32 s10, $0x1;
	s10 =	sld [smem:$0x3FB4];
	_ =	sdelay $0x3  }
0x34: {  	[smem:$0x3FB4] =	sst s10  }
0x35: {  	s10 =	sld [smem:$0x3FB3];
	_ =	sdelay $0x3  }
0x36: {  	p1 =	seq.s32 s10, $0x1;
	s10 =	sld [smem:$0x3FB4];
	_ =	sdelay $0x3  }
0x37: {  	[smem:$0x3FB4] =	sst s10  }
0x38: {  	s10 =	sld [smem:$0x3FB5]  }
0x39: {  	_ = 	snop;
	(pc) =	sbr.ind lr, $3  }
0x3a: {  	_ = 	snop  }
0x3b: {  	_ = 	snop  }
0x3c: {  	p2 =	seq.s32 s10, $0x1;
	s10 =	sld [smem:$0x3FB4]  }
0x3d: {  	_ =	shalt  }
0x3e: {  	_ =	shalt  }
0x3f: {  	_ =	shalt  }
0x40: {  	_ =	shalt  }
0x41: {  	_ =	shalt  }
0x42: {  	_ =	shalt  }
0x43: {  	_ =	shalt  }
0x44: {  	_ =	shalt  }
0x45: {  	_ =	shalt  }
0x46: {  	_ =	shalt  }
0x47: {  	_ =	shalt  }
0x48: {  	_ =	shalt  }
0x49: {  	_ =	shalt  }
0x4a: {  	_ =	shalt  }
0x4b: {  	_ =	shalt  }
0x4c: {  	_ =	shalt  }
0x4d: {  	_ =	shalt  }
0x4e: {  	_ =	shalt  }
0x4f: {  	_ =	shalt  }
0x50: {  	_ =	shalt  }
0x51: {  	_ =	shalt  }
0x52: {  	_ =	shalt  }
0x53: {  	_ =	shalt  }
0x54: {  	_ =	shalt  }
0x55: {  	_ =	shalt  }
0x56: {  	_ =	shalt  }
0x57: {  	_ =	shalt  }
0x58: {  	_ =	shalt  }
0x59: {  	_ =	shalt  }
0x5a: {  	_ =	shalt  }
0x5b: {  	_ =	shalt  }
0x5c: {  	_ =	shalt  }
0x5d: {  	_ =	shalt  }
0x5e: {  	_ =	shalt  }
0x5f: {  	_ =	shalt  }
0x60: {  	_ =	shalt  }
0x61: {  	_ =	shalt  }
0x62: {  	_ =	shalt  }
0x63: {  	_ =	shalt  }
0x64: {  	_ =	shalt  }
0x65: {  	_ =	shalt  }
0x66: {  	_ =	shalt  }
0x67: {  	_ =	shalt  }
0x68: {  	_ =	shalt  }
0x69: {  	_ =	shalt  }
0x6a: {  	_ =	shalt  }
0x6b: {  	_ =	shalt  }
0x6c: {  	_ =	shalt  }
0x6d: {  	_ =	shalt  }
0x6e: {  	_ =	shalt  }
0x6f: {  	_ =	shalt  }
0x70: {  	_ =	shalt  }
0x71: {  	_ =	shalt  }
0x72: {  	_ =	shalt  }
0x73: {  	_ =	shalt  }
0x74: {  	_ =	shalt  }
0x75: {  	_ =	shalt  }
0x76: {  	_ =	shalt  }
0x77: {  	_ =	shalt  }
0x78: {  	_ =	shalt  }
0x79: {  	_ =	shalt  }
0x7a: {  	_ =	shalt  }
0x7b: {  	_ =	shalt  }
0x7c: {  	_ =	shalt  }
0x7d: {  	_ =	shalt  }
0x7e: {  	_ =	shalt  }
0x7f: {  	_ =	shalt  }
0x80: {  	_ =	shalt  }
0x81: {  	_ =	shalt  }
0x82: {  	_ =	shalt  }
0x83: {  	_ =	shalt  }
0x84: {  	_ =	shalt  }
0x85: {  	_ =	shalt  }
0x86: {  	_ =	shalt  }
0x87: {  	_ =	shalt  }
.Lfunc_end0:
.L_simem_size_0:
called_computation_lowered:
.L_overlay_start_0:
0x88: {  	s2 =	sld [smem:$0x3FD9]  }
0x89: {  	s3 =	sld [smem:$0x3FFE];
	_ =	sdelay $0x1  }
0x8a: {  	s1 =	srdreg.scid  }
0x8b: {  	s0 =	sand.u32 $0x1, s1  }
0x8c: {  	s17 =	sshll.u32 s0, $0xA;
	s2 =	sadd.s32 s3, s2  }
0x8d: {  	s2 =	sadd.s32 s2, s17  }
0x8e: {  	[smem:$0x3FC0] =	sst s2  }
0x8f: {  	_ = 	snop  }
0x90: {  	s2 =	sld [smem:$0x3FD0];
	(tm) =	ssettm $0x1  }
0x91: {  	s18 =	sld [smem:$0x3FFB];
	_ =	sdelay $0x3  }
0x92: {  	_ =	strace s18  }
0x93: {  	s3 =	sld [smem:$0x3FFC];
	_ =	sdelay $0x3  }
0x94: {  	_ =	strace s3  }
0x95: {  	s3 =	sld [smem:$0x3FFD];
	_ =	sdelay $0x3  }
0x96: {  	_ =	strace s3  }
0x97: {  	_ =	strace $0x8FFFFFFF  }
0x98: {  	s19 =	sld [smem:$0x3FDB];
	_ =	sdelay $0x1  }
0x99: {  	s4 =	simm.s32 $_scs_section_size  }
0x9a: {  	s5 =	simm.s32 $_size__tile_overlayer_lowered;
	s6 =	simm.s32 $_tile_overlayer_lowered  }
0x9b: {  	s22 =	simm.s32 $0x1BFF;
	s21 =	sshll.u32 s6, $0x1;
	s3 =	sadd.s32 s4, s19  }
0x9c: {  	s7 =	simm.s32 $0x0;
	s20 =	sshll.u32 s5, $0x1;
	s5 =	sadd.s32 s21, s3  }
0x9d: {  	[timem:s7], [sflag:s22] =	dma.local [hbm:s5], s20  }
0x9e: {  	_ =	swait.ge [sflag:s22], s20  }
0x9f: {  	s4 =	ssub.s32 $0x0, s20;
	[sflag:s22] =	ssyncset.done $0x0  }
0xa0: {  	[sflag:s22] =	ssyncadd.s32 s4;
	_ =	sdelay $0x1  }
0xa1: {  	s23 =	simm.s32 $0x1B8B  }
0xa2: {  	_ =	swait.ge [sflag:s23], $0x1  }
0xa3: {  	[sflag:s23] =	ssyncset.done $0x0  }
0xa4: {  	s25 =	simm.s32 $0x1B8E;
	s24 =	sld [smem:$0x3FFE];
	[sflag:s23] =	ssyncadd.s32 $0xFFFFFFFF  }
0xa5: {  	s26 =	simm.s32 $execute0_lowered;
	[smem:$0x3FD2] =	sst s25  }
0xa6: {  	s5 =	sshll.u32 s26, $0x1;
	_ =	strace $0x80000046;
	[dreg:$0x1] =	wrdreg $0xFFFFFFFF  }
0xa7: {  	s28 =	simm.s32 $_size_execute0_lowered;
	s3 =	sadd.s32 s3, s5;
	[dreg:$0x0] =	wrdreg $0x0  }
0xa8: {  	s5 =	sshll.u32 s28, $0x1;
	[dreg:$0x2] =	wrdreg s3  }
0xa9: {  	[dreg:$0x3] =	wrdreg s5  }
0xaa: {  	[dreg:$0x4] =	wrdreg $0xC0  }
0xab: {  	_ =	task [dreg:s7], $0x5FFFF  }
0xac: {  	[dreg:$0x1] =	wrdreg $0xFFFFFFFF  }
0xad: {  	[dreg:$0x0] =	wrdreg $0x60  }
0xae: {  	[dreg:$0x2] =	wrdreg s2  }
0xaf: {  	[dreg:$0x3] =	wrdreg s24  }
0xb0: {  	[dreg:$0x4] =	wrdreg $0x9  }
0xb1: {  	_ =	task.clear_ibuf [dreg:s7], $0x5FFFF;
	_ =	strace $0x90000046  }
0xb2: {  	s29 =	simm.s32 $0x9;
	_ =	strace $0x80000048  }
0xb3: {  	_ =	swait.ge [sflag:s29], $0x1  }
0xb4: {  	[sflag:s29] =	ssyncadd.s32 $0xFFFFFFFF  }
0xb5: {  	_ =	strace $0x90000048  }
0xb6: {  	_ =	sfence  }
0xb7: {  	s30 =	sld [smem:$0x0];
	_ =	sdelay $0x2  }
0xb8: {  	s31 =	sshll.u32 s1, $0xD;
	s1 =	sshrl.u32 s1, $0x2  }
0xb9: {  	s3 =	sand.u32 $0x4000, s31;
	s1 =	sadd.s32 s1, s30  }
0xba: {  	s0 =	sor.u32 s3, s0;
	s1 =	sshll.u32 s1, $0x11  }
0xbb: {  	s0 =	sor.u32 s1, s0  }
0xbc: {  	s0 =	sadd.s32 $0x8F2B, s0  }
0xbd: {  	[sflag:s0] =	ssyncadd.remote.s32 $0x1  }
0xbe: {  	_ =	sfence.sel $0xFFFF  }
0xbf: {  	[dreg:$0x0] =	wrdreg $0xFFFFFFFF;
	(pc) =	sbr.abs _section_cstart, $3  }
0xc0: {  	[dreg:$0x1] =	wrdreg $0xFFFFFFFF  }
0xc1: {  	_ =	task.clear_ibuf [dreg:s7], $0x2FFFF;
	_ =	strace $0x9FFFFFFF  }
0xc2: {  	(tm) =	ssettm $0x7FFFFFFF  }
0xc3: {  	_ =	shalt  }
tec
execute0_lowered:
.L_overlay_start_1:
0x0: {  	(tag) =	ssettag $0x1  }
0x1: {  	s6 =	rddreg [dreg:$0x0]  }
0x2: {  	s4 =	rddreg [dreg:$0x1];
	s2 =	simm.s32 $0x0;
	s1 =	stileid.u32  }
0x3: {  	s3 =	srdreg.scid;
	s13 =	simm.s32 $0x100;
	s14 =	simm.s32 $0x8500  }
0x4: {  	s15 =	simm.s32 $0x180;
	s16 =	simm.s32 $0xC500;
	s17 =	simm.s32 $0x200  }
0x5: {  	s18 =	simm.s32 $0x10500;
	s19 =	simm.s32 $0x1;
	s20 =	simm.s32 $0x300  }
0x6: {  	s21 =	simm.s32 $0x380;
	s22 =	simm.s32 $0x400;
	s23 =	simm.s32 $0x480  }
0x7: {  	s24 =	simm.s32 $0x2;
	s25 =	simm.s32 $0x3;
	s7 =	smul.u32 $0x640, s1  }
0x8: {  	s26 =	simm.s32 $0x0;
	s5 =	smul.u32 $0x32000, s1;
	s8 =	sand.u32 $0x1, s3  }
0x9: {  	[smem:$0x7FF] =	sst s2;
	s3 =	sadd.s32 $0xC800, s4;
	s11 =	smul.u32 $0x19000, s8  }
0xa: {  	_ =	strace $0x80000047;
	s10 =	ssub.s32 $0x2, s8;
	s8 =	smul.u32 $0x320, s8  }
0xb: {  	s9 =	sadd.s32 s7, s4;
	s5 =	sadd.s32 s5, s4;
	s12 =	sshrl.u32 s10, $0x1  }
0xc: {  	s4 =	sadd.s32 $0x8800, s4;
	s7 =	sadd.s32 s7, s6;
	s10 =	ssub.s32 s10, s12  }
0xd: {  	s11 =	sadd.s32 s11, s5;
	s9 =	sadd.s32 s8, s9;
	s7 =	sadd.s32 s8, s7  }
0xe: {  	s8 =	simm.s32 $0x4;
	s12 =	simm.s32 $0x4500;
	s5 =	smax.u32 s10, $0x1  }
0xf: {  	s31 =	sadd.s32 $0xF4EC00, s11;
	s6 =	sadd.s32 $0x2400, s9;
	s9 =	simm.s32 $0x280  }
0x10: {  	s10 =	simm.s32 $0x80;
	s11 =	simm.s32 $0x500;
	[dreg:$0x3] =	wrdreg s31  }
.LBB2_1:
0x11: {  	[tilespmem:s2], [sflag:$0x4] =	stream.linear.gather [hbm4b:s7+s2], $0x280, $0x38;
	[tilespmem:$0x14500] =	vst v63  }
0x12: {  	_ =	swait.ge [sflag:s8], $0x280  }
0x13: {  	[sflag:s8] =	ssyncset.done $0x0  }
0x14: {  	[sflag:s8] =	ssyncadd.s32 $0xFFFFFD80  }
0x15: {  	[tilespmem:s9], [sflag:$0x4] =	stream.linear.gather [hbm4b:s6+s2], $0x280, $0x38;
	[tilespmem:$0x14500] =	vst v63  }
0x16: {  	_ =	swait.ge [sflag:s8], $0x280  }
0x17: {  	[sflag:s8] =	ssyncset.done $0x0  }
0x18: {  	[sflag:s8] =	ssyncadd.s32 $0xFFFFFD80  }
0x19: {  	[tilespmem:s11], [sflag:$0x1] =	stream.indirect.gather [hbm4b:s3+s10], $0x80, s2, s10, $0xb8;
	[tilespmem:$0x14500] =	vst v63  }
0x1a: {  	_ = 	snop  }
0x1b: {  	[tilespmem:s12], [sflag:$0x1] =	stream.indirect.gather [hbm4b:s3+s10], $0x80, s10, s10, $0xb8;
	[tilespmem:$0x14500] =	vst v63  }
0x1c: {  	_ = 	snop  }
0x1d: {  	[tilespmem:s14], [sflag:$0x1] =	stream.indirect.gather [hbm4b:s3+s10], $0x80, s13, s10, $0xb8;
	[tilespmem:$0x14500] =	vst v63  }
0x1e: {  	_ = 	snop  }
0x1f: {  	[tilespmem:s16], [sflag:$0x1] =	stream.indirect.gather [hbm4b:s3+s10], $0x80, s15, s10, $0xb8;
	[tilespmem:$0x14500] =	vst v63  }
0x20: {  	_ = 	snop  }
0x21: {  	[tilespmem:s18], [sflag:$0x1] =	stream.indirect.gather [hbm4b:s3+s10], $0x80, s17, s10, $0xb8;
	[tilespmem:$0x14500] =	vst v63  }
0x22: {  	_ =	swait.ge [sflag:s19], $0x4000  }
0x23: {  	[sflag:s19] =	ssyncset.done $0x0  }
0x24: {  	[sflag:s19] =	ssyncadd.s32 $0xFFFFC000  }
0x25: {  	[tilespmem:s11], [sflag:$0x2] =	stream.indirect.gather.add.f32 [hbm:s4], $0x80, s9, s10, $0xb8;
	[tilespmem:$0x14500] =	vst v63  }
0x26: {  	_ =	swait.ge [sflag:s19], $0x4000  }
0x27: {  	[sflag:s19] =	ssyncset.done $0x0  }
0x28: {  	[sflag:s19] =	ssyncadd.s32 $0xFFFFC000  }
0x29: {  	[tilespmem:s12], [sflag:$0x2] =	stream.indirect.gather.add.f32 [hbm:s4], $0x80, s20, s10, $0xb8;
	[tilespmem:$0x14500] =	vst v63  }
0x2a: {  	_ =	swait.ge [sflag:s19], $0x4000  }
0x2b: {  	[sflag:s19] =	ssyncset.done $0x0  }
0x2c: {  	[sflag:s19] =	ssyncadd.s32 $0xFFFFC000  }
0x2d: {  	[tilespmem:s14], [sflag:$0x2] =	stream.indirect.gather.add.f32 [hbm:s4], $0x80, s21, s10, $0xb8;
	[tilespmem:$0x14500] =	vst v63  }
0x2e: {  	_ =	swait.ge [sflag:s19], $0x4000  }
0x2f: {  	[sflag:s19] =	ssyncset.done $0x0  }
0x30: {  	[sflag:s19] =	ssyncadd.s32 $0xFFFFC000  }
0x31: {  	[tilespmem:s16], [sflag:$0x2] =	stream.indirect.gather.add.f32 [hbm:s4], $0x80, s22, s10, $0xb8;
	[tilespmem:$0x14500] =	vst v63  }
0x32: {  	_ =	swait.ge [sflag:s19], $0x4000  }
0x33: {  	[sflag:s19] =	ssyncset.done $0x0  }
0x34: {  	[sflag:s19] =	ssyncadd.s32 $0xFFFFC000  }
0x35: {  	[tilespmem:s18], [sflag:$0x2] =	stream.indirect.gather.add.f32 [hbm:s4], $0x80, s23, s10, $0xb8;
	[tilespmem:$0x14500] =	vst v63  }
0x36: {  	_ =	swait.ge [sflag:s24], $0x4000  }
0x37: {  	s28 =	rddreg [dreg:$0x3];
	[sflag:s24] =	ssyncset.done $0x0  }
0x38: {  	[sflag:s24] =	ssyncadd.s32 $0xFFFFC000;
	s28 =	sadd.s32 $0x0, s28  }
0x39: {  	[hbm4b:s28+s2] =	stream.linear.scatter [tilespmem:s11], [sflag:$0x3], $0x4000, $0x38;
	[tilespmem:$0x14500] =	vst v63  }
0x3a: {  	_ =	swait.ge [sflag:s24], $0x4000  }
0x3b: {  	[sflag:s24] =	ssyncset.done $0x0  }
0x3c: {  	s29 =	sadd.s32 $0x800, s28;
	[sflag:s24] =	ssyncadd.s32 $0xFFFFC000  }
0x3d: {  	[hbm4b:s29+s2] =	stream.linear.scatter [tilespmem:s12], [sflag:$0x3], $0x4000, $0x38;
	[tilespmem:$0x14500] =	vst v63  }
0x3e: {  	_ =	swait.ge [sflag:s24], $0x4000  }
0x3f: {  	[sflag:s24] =	ssyncset.done $0x0  }
0x40: {  	s29 =	sadd.s32 $0x1000, s28;
	[sflag:s24] =	ssyncadd.s32 $0xFFFFC000  }
0x41: {  	[hbm4b:s29+s2] =	stream.linear.scatter [tilespmem:s14], [sflag:$0x3], $0x4000, $0x38;
	[tilespmem:$0x14500] =	vst v63  }
0x42: {  	_ =	swait.ge [sflag:s24], $0x4000  }
0x43: {  	[sflag:s24] =	ssyncset.done $0x0  }
0x44: {  	s29 =	sadd.s32 $0x1800, s28;
	[sflag:s24] =	ssyncadd.s32 $0xFFFFC000  }
0x45: {  	[hbm4b:s29+s2] =	stream.linear.scatter [tilespmem:s16], [sflag:$0x3], $0x4000, $0x38;
	[tilespmem:$0x14500] =	vst v63  }
0x46: {  	_ =	swait.ge [sflag:s24], $0x4000  }
0x47: {  	[sflag:s24] =	ssyncset.done $0x0  }
0x48: {  	s28 =	sadd.s32 $0x2000, s28;
	[sflag:s24] =	ssyncadd.s32 $0xFFFFC000  }
0x49: {  	[hbm4b:s28+s2] =	stream.linear.scatter [tilespmem:s18], [sflag:$0x3], $0x4000, $0x38;
	[tilespmem:$0x14500] =	vst v63  }
0x4a: {  	_ =	swait.ge [sflag:s25], $0x4000  }
0x4b: {  	[sflag:s25] =	ssyncset.done $0x0  }
0x4c: {  	[sflag:s25] =	ssyncadd.s32 $0xFFFFC000  }
0x4d: {  	_ =	swait.ge [sflag:s25], $0x4000  }
0x4e: {  	[sflag:s25] =	ssyncset.done $0x0  }
0x4f: {  	[sflag:s25] =	ssyncadd.s32 $0xFFFFC000  }
0x50: {  	_ =	swait.ge [sflag:s25], $0x4000  }
0x51: {  	[sflag:s25] =	ssyncset.done $0x0  }
0x52: {  	[sflag:s25] =	ssyncadd.s32 $0xFFFFC000  }
0x53: {  	_ =	swait.ge [sflag:s25], $0x4000  }
0x54: {  	[sflag:s25] =	ssyncset.done $0x0  }
0x55: {  	[sflag:s25] =	ssyncadd.s32 $0xFFFFC000  }
0x56: {  	s30 =	smov.u32 s7;
	_ =	swait.ge [sflag:s25], $0x4000  }
0x57: {  	s29 =	smov.u32 s6;
	s28 =	simm.s32 $0x2800;
	[sflag:s25] =	ssyncset.done $0x0  }
.LBB2_2:
0x58: {  	[sflag:s25] =	ssyncadd.s32 $0xFFFFC000;
	s30 =	sadd.s32 $0x50, s30  }
0x59: {  	[tilespmem:s2], [sflag:$0x4] =	stream.linear.gather [hbm4b:s30+s2], $0x280, $0x38;
	[tilespmem:$0x14500] =	vst v63  }
0x5a: {  	_ =	swait.ge [sflag:s8], $0x280  }
0x5b: {  	[sflag:s8] =	ssyncset.done $0x0  }
0x5c: {  	s29 =	sadd.s32 $0x50, s29;
	[sflag:s8] =	ssyncadd.s32 $0xFFFFFD80  }
0x5d: {  	[tilespmem:s9], [sflag:$0x4] =	stream.linear.gather [hbm4b:s29+s2], $0x280, $0x38;
	[tilespmem:$0x14500] =	vst v63  }
0x5e: {  	_ =	swait.ge [sflag:s8], $0x280  }
0x5f: {  	[sflag:s8] =	ssyncset.done $0x0  }
0x60: {  	[sflag:s8] =	ssyncadd.s32 $0xFFFFFD80  }
0x61: {  	[tilespmem:s11], [sflag:$0x1] =	stream.indirect.gather [hbm4b:s3+s10], $0x80, s2, s10, $0xb8;
	[tilespmem:$0x14500] =	vst v63  }
0x62: {  	_ = 	snop  }
0x63: {  	[tilespmem:s12], [sflag:$0x1] =	stream.indirect.gather [hbm4b:s3+s10], $0x80, s10, s10, $0xb8;
	[tilespmem:$0x14500] =	vst v63  }
0x64: {  	_ = 	snop  }
0x65: {  	[tilespmem:s14], [sflag:$0x1] =	stream.indirect.gather [hbm4b:s3+s10], $0x80, s13, s10, $0xb8;
	[tilespmem:$0x14500] =	vst v63  }
0x66: {  	_ = 	snop  }
0x67: {  	[tilespmem:s16], [sflag:$0x1] =	stream.indirect.gather [hbm4b:s3+s10], $0x80, s15, s10, $0xb8;
	[tilespmem:$0x14500] =	vst v63  }
0x68: {  	_ = 	snop  }
0x69: {  	[tilespmem:s18], [sflag:$0x1] =	stream.indirect.gather [hbm4b:s3+s10], $0x80, s17, s10, $0xb8;
	[tilespmem:$0x14500] =	vst v63  }
0x6a: {  	_ =	swait.ge [sflag:s19], $0x4000  }
0x6b: {  	[sflag:s19] =	ssyncset.done $0x0  }
0x6c: {  	[sflag:s19] =	ssyncadd.s32 $0xFFFFC000  }
0x6d: {  	[tilespmem:s11], [sflag:$0x2] =	stream.indirect.gather.add.f32 [hbm:s4], $0x80, s9, s10, $0xb8;
	[tilespmem:$0x14500] =	vst v63  }
0x6e: {  	_ =	swait.ge [sflag:s19], $0x4000  }
0x6f: {  	[sflag:s19] =	ssyncset.done $0x0  }
0x70: {  	[sflag:s19] =	ssyncadd.s32 $0xFFFFC000  }
0x71: {  	[tilespmem:s12], [sflag:$0x2] =	stream.indirect.gather.add.f32 [hbm:s4], $0x80, s20, s10, $0xb8;
	[tilespmem:$0x14500] =	vst v63  }
0x72: {  	_ =	swait.ge [sflag:s19], $0x4000  }
0x73: {  	[sflag:s19] =	ssyncset.done $0x0  }
0x74: {  	[sflag:s19] =	ssyncadd.s32 $0xFFFFC000  }
0x75: {  	[tilespmem:s14], [sflag:$0x2] =	stream.indirect.gather.add.f32 [hbm:s4], $0x80, s21, s10, $0xb8;
	[tilespmem:$0x14500] =	vst v63  }
0x76: {  	_ =	swait.ge [sflag:s19], $0x4000  }
0x77: {  	[sflag:s19] =	ssyncset.done $0x0  }
0x78: {  	[sflag:s19] =	ssyncadd.s32 $0xFFFFC000  }
0x79: {  	[tilespmem:s16], [sflag:$0x2] =	stream.indirect.gather.add.f32 [hbm:s4], $0x80, s22, s10, $0xb8;
	[tilespmem:$0x14500] =	vst v63  }
0x7a: {  	_ =	swait.ge [sflag:s19], $0x4000  }
0x7b: {  	[sflag:s19] =	ssyncset.done $0x0  }
0x7c: {  	[sflag:s19] =	ssyncadd.s32 $0xFFFFC000  }
0x7d: {  	[tilespmem:s18], [sflag:$0x2] =	stream.indirect.gather.add.f32 [hbm:s4], $0x80, s23, s10, $0xb8;
	[tilespmem:$0x14500] =	vst v63  }
0x7e: {  	_ =	swait.ge [sflag:s24], $0x4000  }
0x7f: {  	s31 =	smov.u32 s28;
	s0 =	rddreg [dreg:$0x3];
	[sflag:s24] =	ssyncset.done $0x0  }
0x80: {  	[sflag:s24] =	ssyncadd.s32 $0xFFFFC000;
	s0 =	sadd.s32 s31, s0  }
0x81: {  	[hbm4b:s0+s2] =	stream.linear.scatter [tilespmem:s11], [sflag:$0x3], $0x4000, $0x38;
	[tilespmem:$0x14500] =	vst v63  }
0x82: {  	_ =	swait.ge [sflag:s24], $0x4000  }
0x83: {  	[sflag:s24] =	ssyncset.done $0x0  }
0x84: {  	s31 =	sadd.s32 $0x800, s0;
	[sflag:s24] =	ssyncadd.s32 $0xFFFFC000  }
0x85: {  	[hbm4b:s31+s2] =	stream.linear.scatter [tilespmem:s12], [sflag:$0x3], $0x4000, $0x38;
	[tilespmem:$0x14500] =	vst v63  }
0x86: {  	_ =	swait.ge [sflag:s24], $0x4000  }
0x87: {  	[sflag:s24] =	ssyncset.done $0x0  }
0x88: {  	s31 =	sadd.s32 $0x1000, s0;
	[sflag:s24] =	ssyncadd.s32 $0xFFFFC000  }
0x89: {  	[hbm4b:s31+s2] =	stream.linear.scatter [tilespmem:s14], [sflag:$0x3], $0x4000, $0x38;
	[tilespmem:$0x14500] =	vst v63  }
0x8a: {  	_ =	swait.ge [sflag:s24], $0x4000  }
0x8b: {  	[sflag:s24] =	ssyncset.done $0x0  }
0x8c: {  	s31 =	sadd.s32 $0x1800, s0;
	[sflag:s24] =	ssyncadd.s32 $0xFFFFC000  }
0x8d: {  	[hbm4b:s31+s2] =	stream.linear.scatter [tilespmem:s16], [sflag:$0x3], $0x4000, $0x38;
	[tilespmem:$0x14500] =	vst v63  }
0x8e: {  	_ =	swait.ge [sflag:s24], $0x4000  }
0x8f: {  	[sflag:s24] =	ssyncset.done $0x0  }
0x90: {  	s0 =	sadd.s32 $0x2000, s0;
	[sflag:s24] =	ssyncadd.s32 $0xFFFFC000  }
0x91: {  	[hbm4b:s0+s2] =	stream.linear.scatter [tilespmem:s18], [sflag:$0x3], $0x4000, $0x38;
	[tilespmem:$0x14500] =	vst v63  }
0x92: {  	_ =	swait.ge [sflag:s25], $0x4000  }
0x93: {  	[sflag:s25] =	ssyncset.done $0x0  }
0x94: {  	[sflag:s25] =	ssyncadd.s32 $0xFFFFC000  }
0x95: {  	_ =	swait.ge [sflag:s25], $0x4000  }
0x96: {  	[sflag:s25] =	ssyncset.done $0x0  }
0x97: {  	[sflag:s25] =	ssyncadd.s32 $0xFFFFC000  }
0x98: {  	_ =	swait.ge [sflag:s25], $0x4000  }
0x99: {  	[sflag:s25] =	ssyncset.done $0x0  }
0x9a: {  	p0 =	sne.s32 s28, $0x16800;
	[sflag:s25] =	ssyncadd.s32 $0xFFFFC000  }
.Ltmp0:
0x9b: {  	_ =	swait.ge [sflag:s25], $0x4000;
	(pc) =	sbr.rel @p0 .LBB2_2-.Ltmp0, $4  }
0x9c: {  	[sflag:s25] =	ssyncset.done $0x0  }
0x9d: {  	[sflag:s25] =	ssyncadd.s32 $0xFFFFC000  }
0x9e: {  	_ =	swait.ge [sflag:s25], $0x4000  }
0x9f: {  	s28 =	sadd.s32 $0x2800, s28;
	[sflag:s25] =	ssyncset.done $0x0  }
0xa0: {  	s26 =	sadd.s32 $0x1, s26  }
0xa1: {  	p0 =	sne.s32 s26, s5  }
.Ltmp1:
0xa2: {  	_ = 	snop;
	(pc) =	sbr.rel @p0 .LBB2_1-.Ltmp1, $2  }
0xa3: {  	_ =	sdelay $0x2  }
0xa4: {  	[sflag:s25] =	ssyncadd.s32 $0xFFFFC000  }
0xa5: {  	_ =	sfence.sel $0x180000  }
0xa6: {  	[bflag:$0x0] =	sbarrier.arrive $0xFFFF  }
0xa7: {  	_ =	strace $0x90000047  }
0xa8: {  	[bflag:$0x2] =	sbarrier.arrive $0xFFFF  }
0xa9: {  	p0 =	sne.s32 s1, $0x0;
	s0 =	rddreg [dreg:$0x2]  }
0xaa: {  	s0 =	sadd.s32 @!p0 $0x100000, s0  }
0xab: {  	[sflag:s0] =	ssyncadd.tile.s32 @!p0 $0x1;
	_ =	shalt  }
.Lfunc_end2:
_tile_overlayer_lowered:
.L_overlay_start_2:
0xac: {  	(tag) =	ssettag $0x2  }
0xad: {  	s0 =	rddreg [dreg:$0x0];
	s2 =	stileid.u32  }
0xae: {  	s1 =	rddreg [dreg:$0x1];
	p0 =	sne.s32 s2, $0x0  }
0xaf: {  	s3 =	rddreg [dreg:$0x2];
	[bflag:$0x3] =	sbarrier.arrive $0xFFFF;
	s2 =	simm.s32 @!p0 $0x1C04  }
0xb0: {  	[timem:s3], [sflag:s2] =	dma.local @!p0 [hbm:s0], s1  }
0xb1: {  	s0 =	simm.s32 @!p0 $0x4  }
0xb2: {  	_ =	swait.ge @!p0 [sflag:s0], s1  }
0xb3: {  	s1 =	ssub.s32 @!p0 $0x0, s1;
	[sflag:s0] =	ssyncset.done @!p0 $0x0  }
0xb4: {  	[sflag:s0] =	ssyncadd.s32 @!p0 s1  }
0xb5: {  	[bflag:$0x3] =	sbarrier.arrive $0xFFFF  }
0xb6: {  	_ =	shalt  }

// kernel: kernel.15.cloned.1.call-start
scs
__scs_entry_jumppad:
0x0: {  	(pc) =	sbr.rel $0x88, $3  }
0x1: {  	(tag) =	ssettag $0x0;
	lr =	simm.s32 $0x1  }
0x2: {  	[smem:$0x3F99] =	sst lr;
	_ =	strace $0xD0000000  }
0x3: {  	_ = 	snop  }
0x4: {  	_ = 	snop  }
0x5: {  	_ = 	snop  }
0x6: {  	_ = 	snop  }
0x7: {  	_ = 	snop  }
__scs_overlays_trampoline_lowered:
0x8: {  	[smem:$0x3FA8] =	sst s0  }
0x9: {  	[smem:$0x3FA9] =	sst s1  }
0xa: {  	[smem:$0x3FAA] =	sst s2  }
0xb: {  	[smem:$0x3FAB] =	sst s3  }
0xc: {  	[smem:$0x3FAC] =	sst s4  }
0xd: {  	[smem:$0x3FAD] =	sst s5  }
0xe: {  	[smem:$0x3FAE] =	sst s6  }
0xf: {  	[smem:$0x3FAF] =	sst s7  }
0x10: {  	[smem:$0x3FB0] =	sst s8  }
0x11: {  	[smem:$0x3FB1] =	sst s9;
	s0 =	simm.s32 @!p0 $0x0  }
0x12: {  	s1 =	sld [smem:$0x3F97];
	s0 =	simm.s32 @p0 $0x1  }
0x13: {  	[smem:$0x3FB2] =	sst s0;
	s0 =	simm.s32 @!p1 $0x0  }
0x14: {  	s2 =	sld [smem:$0x3F96];
	s0 =	simm.s32 @p1 $0x1  }
0x15: {  	[smem:$0x3FB3] =	sst s0;
	s0 =	simm.s32 @!p2 $0x0  }
0x16: {  	s3 =	sld [smem:$0x3FDB];
	s0 =	simm.s32 @p2 $0x1  }
0x17: {  	s4 =	simm.s32 $0x1BF5;
	[smem:$0x3FB5] =	sst s0  }
0x18: {  	s0 =	sld [smem:$0x3F98];
	_ =	swait.ge [sflag:s4], $0x0  }
0x19: {  	s7 =	sld [smem:$0x3F99]  }
0x1a: {  	s8 =	sadd.s32 $0xFFFFE003, lr  }
0x1b: {  	s9 =	sadd.s32 $0xFFFFFEF7, lr;
	s5 =	simm.s32 $0xFFFFFFFF;
	p2 =	slt.u32 s8, $0xFFFFF086  }
0x1c: {  	p1 =	slt.u32 s9, $0xF7A;
	s5 =	simm.s32 @!p2 $0x0  }
0x1d: {  	s5 =	simm.s32 @p1 $0x1;
	p0 =	seq.s32 s7, s2  }
0x1e: {  	s7 =	smul.u32 @!p0 $0xF7A, s2;
	p2 =	seq.s32 @!p0 s5, $0x0  }
0x1f: {  	s9 =	smul.u32 $0xF7A, s1;
	s8 =	simm.s32 @!p0 $0x1BF5;
	p2 =	por !p2, p0  }
0x20: {  	[sflag:s8] =	ssyncset.s32 @!p0 $0xFFFFF086;
	s6 =	sadd.s32 @!p0 s3, s7;
	s7 =	simm.s32 @!p0 $0x108  }
0x21: {  	s3 =	sadd.s32 s3, s9;
	s6 =	sadd.s32 @!p0 $0x88, s6;
	s7 =	simm.s32 @p2 $0x1082  }
0x22: {  	[simem:s7], [sflag:s8] =	dma.local @!p0 [hbm:s6], $0xF7A  }
0x23: {  	s9 =	sor.u32 $0xD0000000, s2;
	s6 =	simm.s32 $0x108;
	_ =	swait.ge @!p0 [sflag:s8], $0x0  }
0x24: {  	s3 =	sadd.s32 $0x88, s3;
	s6 =	simm.s32 @!p1 $0x1082;
	[sflag:s4] =	ssyncset.s32 $0xFFFFF086  }
0x25: {  	[simem:s6], [sflag:s4] =	dma.local [hbm:s3], $0xF7A  }
0x26: {  	[smem:$0x3F99] =	sst s1;
	(tag) =	ssettag s2;
	_ =	strace s9  }
0x27: {  	s1 =	sld [smem:$0x3FA9]  }
0x28: {  	s2 =	sld [smem:$0x3FAA]  }
0x29: {  	s4 =	sld [smem:$0x3FAC]  }
0x2a: {  	p0 =	seq.s32 s5, $0x0;
	s5 =	sld [smem:$0x3FAD]  }
0x2b: {  	s6 =	sld [smem:$0x3FAE]  }
0x2c: {  	s7 =	sld [smem:$0x3FAF]  }
0x2d: {  	s3 =	simm.s32 $0x108;
	s8 =	sld [smem:$0x3FB0]  }
0x2e: {  	s3 =	simm.s32 @!p0 $0x1082;
	s9 =	sld [smem:$0x3FB1]  }
0x2f: {  	lr =	sadd.s32 s0, s3;
	s0 =	sld [smem:$0x3FA8]  }
0x30: {  	s3 =	sld [smem:$0x3FAB]  }
0x31: {  	[smem:$0x3FB4] =	sst s10  }
0x32: {  	s10 =	sld [smem:$0x3FB2];
	_ =	sdelay $0x3  }
0x33: {  	p0 =	seq.s32 s10, $0x1;
	s10 =	sld [smem:$0x3FB4];
	_ =	sdelay $0x3  }
0x34: {  	[smem:$0x3FB4] =	sst s10  }
0x35: {  	s10 =	sld [smem:$0x3FB3];
	_ =	sdelay $0x3  }
0x36: {  	p1 =	seq.s32 s10, $0x1;
	s10 =	sld [smem:$0x3FB4];
	_ =	sdelay $0x3  }
0x37: {  	[smem:$0x3FB4] =	sst s10  }
0x38: {  	s10 =	sld [smem:$0x3FB5]  }
0x39: {  	_ = 	snop;
	(pc) =	sbr.ind lr, $3  }
0x3a: {  	_ = 	snop  }
0x3b: {  	_ = 	snop  }
0x3c: {  	p2 =	seq.s32 s10, $0x1;
	s10 =	sld [smem:$0x3FB4]  }
0x3d: {  	_ =	shalt  }
0x3e: {  	_ =	shalt  }
0x3f: {  	_ =	shalt  }
0x40: {  	_ =	shalt  }
0x41: {  	_ =	shalt  }
0x42: {  	_ =	shalt  }
0x43: {  	_ =	shalt  }
0x44: {  	_ =	shalt  }
0x45: {  	_ =	shalt  }
0x46: {  	_ =	shalt  }
0x47: {  	_ =	shalt  }
0x48: {  	_ =	shalt  }
0x49: {  	_ =	shalt  }
0x4a: {  	_ =	shalt  }
0x4b: {  	_ =	shalt  }
0x4c: {  	_ =	shalt  }
0x4d: {  	_ =	shalt  }
0x4e: {  	_ =	shalt  }
0x4f: {  	_ =	shalt  }
0x50: {  	_ =	shalt  }
0x51: {  	_ =	shalt  }
0x52: {  	_ =	shalt  }
0x53: {  	_ =	shalt  }
0x54: {  	_ =	shalt  }
0x55: {  	_ =	shalt  }
0x56: {  	_ =	shalt  }
0x57: {  	_ =	shalt  }
0x58: {  	_ =	shalt  }
0x59: {  	_ =	shalt  }
0x5a: {  	_ =	shalt  }
0x5b: {  	_ =	shalt  }
0x5c: {  	_ =	shalt  }
0x5d: {  	_ =	shalt  }
0x5e: {  	_ =	shalt  }
0x5f: {  	_ =	shalt  }
0x60: {  	_ =	shalt  }
0x61: {  	_ =	shalt  }
0x62: {  	_ =	shalt  }
0x63: {  	_ =	shalt  }
0x64: {  	_ =	shalt  }
0x65: {  	_ =	shalt  }
0x66: {  	_ =	shalt  }
0x67: {  	_ =	shalt  }
0x68: {  	_ =	shalt  }
0x69: {  	_ =	shalt  }
0x6a: {  	_ =	shalt  }
0x6b: {  	_ =	shalt  }
0x6c: {  	_ =	shalt  }
0x6d: {  	_ =	shalt  }
0x6e: {  	_ =	shalt  }
0x6f: {  	_ =	shalt  }
0x70: {  	_ =	shalt  }
0x71: {  	_ =	shalt  }
0x72: {  	_ =	shalt  }
0x73: {  	_ =	shalt  }
0x74: {  	_ =	shalt  }
0x75: {  	_ =	shalt  }
0x76: {  	_ =	shalt  }
0x77: {  	_ =	shalt  }
0x78: {  	_ =	shalt  }
0x79: {  	_ =	shalt  }
0x7a: {  	_ =	shalt  }
0x7b: {  	_ =	shalt  }
0x7c: {  	_ =	shalt  }
0x7d: {  	_ =	shalt  }
0x7e: {  	_ =	shalt  }
0x7f: {  	_ =	shalt  }
0x80: {  	_ =	shalt  }
0x81: {  	_ =	shalt  }
0x82: {  	_ =	shalt  }
0x83: {  	_ =	shalt  }
0x84: {  	_ =	shalt  }
0x85: {  	_ =	shalt  }
0x86: {  	_ =	shalt  }
0x87: {  	_ =	shalt  }
.Lfunc_end0:
.L_simem_size_0:
called_computation.1_lowered:
.L_overlay_start_0:
0x88: {  	s2 =	sld [smem:$0x3FD9]  }
0x89: {  	s3 =	sld [smem:$0x3FFE];
	_ =	sdelay $0x1  }
0x8a: {  	s1 =	srdreg.scid  }
0x8b: {  	s0 =	sand.u32 $0x1, s1  }
0x8c: {  	s17 =	sshll.u32 s0, $0xA;
	s2 =	sadd.s32 s3, s2  }
0x8d: {  	s2 =	sadd.s32 s2, s17  }
0x8e: {  	[smem:$0x3FC0] =	sst s2  }
0x8f: {  	_ = 	snop  }
0x90: {  	(tm) =	ssettm $0x1  }
0x91: {  	s18 =	sld [smem:$0x3FFB];
	_ =	sdelay $0x3  }
0x92: {  	_ =	strace s18  }
0x93: {  	s2 =	sld [smem:$0x3FFC];
	_ =	sdelay $0x3  }
0x94: {  	_ =	strace s2  }
0x95: {  	s2 =	sld [smem:$0x3FFD];
	_ =	sdelay $0x3  }
0x96: {  	_ =	strace s2  }
0x97: {  	_ =	strace $0x8FFFFFFF  }
0x98: {  	s19 =	sld [smem:$0x3FDB];
	_ =	sdelay $0x1  }
0x99: {  	s20 =	simm.s32 $_scs_section_size  }
0x9a: {  	s4 =	simm.s32 $_size__tile_overlayer_lowered;
	s5 =	simm.s32 $_tile_overlayer_lowered  }
0x9b: {  	s6 =	simm.s32 $0x1BFF;
	s21 =	sshll.u32 s5, $0x1;
	s3 =	sadd.s32 s20, s19  }
0x9c: {  	s22 =	simm.s32 $0x0;
	s4 =	sshll.u32 s4, $0x1;
	s5 =	sadd.s32 s21, s3  }
0x9d: {  	[timem:s22], [sflag:s6] =	dma.local [hbm:s5], s4  }
0x9e: {  	_ =	swait.ge [sflag:s6], s4  }
0x9f: {  	s4 =	ssub.s32 $0x0, s4;
	[sflag:s6] =	ssyncset.done $0x0  }
0xa0: {  	[sflag:s6] =	ssyncadd.s32 s4;
	_ =	sdelay $0x1  }
0xa1: {  	s23 =	simm.s32 $0x1B8B  }
0xa2: {  	_ =	swait.ge [sflag:s23], $0x1  }
0xa3: {  	[sflag:s23] =	ssyncset.done $0x0  }
0xa4: {  	[sflag:s23] =	ssyncadd.s32 $0xFFFFFFFF  }
0xa5: {  	s4 =	sld [smem:$0x0]  }
0xa6: {  	s5 =	sand.u32 $0xFFFFFFFE, s1  }
0xa7: {  	p0 =	sne.s32 s1, s5  }
0xa8: {  	s5 =	sshll.u32 @p0 s5, $0xE  }
0xa9: {  	s5 =	sadd.s32 @p0 $0x11B8D, s5;
	s6 =	sshll.u32 @p0 s4, $0x11  }
0xaa: {  	s5 =	sor.u32 @p0 s6, s5  }
0xab: {  	[sflag:s5] =	ssyncadd.remote.s32 @p0 $0x1;
	_ =	sdelay $0x1  }
0xac: {  	s5 =	simm.s32 @p0 $0x1B8D  }
0xad: {  	_ =	swait.eq @p0 [sflag:s5], $0x1  }
0xae: {  	[sflag:s5] =	ssyncadd.s32 @p0 $0xFFFFFFFF  }
0xaf: {  	s6 =	sshll.u32 @!p0 s1, $0xE  }
0xb0: {  	s6 =	sor.u32 @!p0 $0x4000, s6;
	s5 =	simm.s32 @!p0 $0x1B8D  }
0xb1: {  	s4 =	sshll.u32 @!p0 s4, $0x11;
	s6 =	sadd.s32 @!p0 $0x11B8D, s6;
	_ =	swait.eq @!p0 [sflag:s5], $0x1  }
0xb2: {  	s4 =	sor.u32 @!p0 s4, s6;
	[sflag:s5] =	ssyncadd.s32 @!p0 $0xFFFFFFFF  }
0xb3: {  	s25 =	simm.s32 $0x1B8E;
	s24 =	sld [smem:$0x3FFE];
	[sflag:s4] =	ssyncadd.remote.s32 @!p0 $0x1  }
0xb4: {  	s26 =	simm.s32 $execute0_lowered;
	[smem:$0x3FD2] =	sst s25  }
0xb5: {  	s5 =	sshll.u32 s26, $0x1;
	_ =	strace $0x80000049;
	[dreg:$0x1] =	wrdreg $0xFFFFFFFF  }
0xb6: {  	s28 =	simm.s32 $_size_execute0_lowered;
	s3 =	sadd.s32 s3, s5;
	[dreg:$0x0] =	wrdreg $0x0  }
0xb7: {  	s5 =	sshll.u32 s28, $0x1;
	[dreg:$0x2] =	wrdreg s3  }
0xb8: {  	[dreg:$0x3] =	wrdreg s5  }
0xb9: {  	[dreg:$0x4] =	wrdreg $0xC0  }
0xba: {  	_ =	task [dreg:s22], $0x5FFFF  }
0xbb: {  	[dreg:$0x1] =	wrdreg $0xFFFFFFFF  }
0xbc: {  	[dreg:$0x0] =	wrdreg $0x60  }
0xbd: {  	[dreg:$0x2] =	wrdreg s24  }
0xbe: {  	[dreg:$0x3] =	wrdreg $0xA  }
0xbf: {  	_ =	task.clear_ibuf [dreg:s22], $0x4FFFF;
	_ =	strace $0x90000049  }
0xc0: {  	s29 =	simm.s32 $0xA;
	_ =	strace $0x8000004B  }
0xc1: {  	_ =	swait.ge [sflag:s29], $0x1  }
0xc2: {  	[sflag:s29] =	ssyncadd.s32 $0xFFFFFFFF  }
0xc3: {  	_ =	strace $0x9000004B  }
0xc4: {  	_ =	sfence  }
0xc5: {  	s30 =	sld [smem:$0x0];
	_ =	sdelay $0x2  }
0xc6: {  	s31 =	sshll.u32 s1, $0xD;
	s1 =	sshrl.u32 s1, $0x2  }
0xc7: {  	s4 =	sand.u32 $0x4000, s31;
	s1 =	sadd.s32 s1, s30  }
0xc8: {  	s0 =	sor.u32 s4, s0;
	s1 =	sshll.u32 s1, $0x11  }
0xc9: {  	s0 =	sor.u32 s1, s0  }
0xca: {  	s0 =	sadd.s32 $0x8F2B, s0  }
0xcb: {  	[sflag:s0] =	ssyncadd.remote.s32 $0x1  }
0xcc: {  	_ =	sfence.sel $0xFFFF  }
0xcd: {  	[dreg:$0x0] =	wrdreg $0xFFFFFFFF;
	(pc) =	sbr.abs _section_cstart, $3  }
0xce: {  	[dreg:$0x1] =	wrdreg $0xFFFFFFFF  }
0xcf: {  	_ =	task.clear_ibuf [dreg:s22], $0x2FFFF;
	_ =	strace $0x9FFFFFFF  }
0xd0: {  	(tm) =	ssettm $0x7FFFFFFF  }
0xd1: {  	_ =	shalt  }
tec
execute0_lowered:
.L_overlay_start_1:
0x0: {  	(tag) =	ssettag $0x1  }
0x1: {  	s4 =	rddreg [dreg:$0x0];
	s1 =	stileid.u32  }
0x2: {  	s2 =	simm.s32 $0x0;
	s5 =	srdreg.scid;
	s11 =	simm.s32 $0x500  }
0x3: {  	s12 =	simm.s32 $0x4500;
	s13 =	simm.s32 $0x100;
	s14 =	simm.s32 $0x8500  }
0x4: {  	s15 =	simm.s32 $0x180;
	s16 =	simm.s32 $0xC500;
	s17 =	simm.s32 $0x200  }
0x5: {  	s18 =	simm.s32 $0x10500;
	s19 =	simm.s32 $0x1;
	s20 =	simm.s32 $0x300  }
0x6: {  	s21 =	simm.s32 $0x380;
	s22 =	simm.s32 $0x400;
	s23 =	simm.s32 $0x480  }
0x7: {  	s24 =	simm.s32 $0x2;
	s25 =	simm.s32 $0x3;
	s3 =	smul.u32 $0x640, s1  }
0x8: {  	[smem:$0x7FF] =	sst s2;
	s6 =	smul.u32 $0x32000, s1;
	s5 =	sand.u32 $0x1, s5  }
0x9: {  	s26 =	simm.s32 $0x0;
	_ =	strace $0x8000004A;
	s8 =	smul.u32 $0x19000, s5  }
0xa: {  	s9 =	ssub.s32 $0x2, s5;
	s30 =	smul.u32 $0x320, s5;
	s7 =	sadd.s32 s3, s4  }
0xb: {  	s3 =	sadd.s32 $0xC800, s4;
	s6 =	sadd.s32 s6, s4;
	s10 =	sshrl.u32 s9, $0x1  }
0xc: {  	s4 =	sadd.s32 $0x8800, s4;
	s6 =	sadd.s32 s8, s6;
	s31 =	ssub.s32 s9, s10  }
0xd: {  	s7 =	sadd.s32 s30, s7;
	s8 =	simm.s32 $0x4;
	s9 =	simm.s32 $0x280  }
0xe: {  	s10 =	simm.s32 $0x80;
	s6 =	sadd.s32 $0x1294400, s6;
	s5 =	smax.u32 s31, $0x1  }
0xf: {  	[dreg:$0x2] =	wrdreg s6;
	s6 =	sadd.s32 $0x1281800, s7;
	s7 =	sadd.s32 $0x126EC00, s7  }
.LBB2_1:
0x10: {  	[tilespmem:s2], [sflag:$0x4] =	stream.linear.gather [hbm4b:s7+s2], $0x280, $0x38;
	[tilespmem:$0x14500] =	vst v63  }
0x11: {  	_ =	swait.ge [sflag:s8], $0x280  }
0x12: {  	[sflag:s8] =	ssyncset.done $0x0  }
0x13: {  	[sflag:s8] =	ssyncadd.s32 $0xFFFFFD80  }
0x14: {  	[tilespmem:s9], [sflag:$0x4] =	stream.linear.gather [hbm4b:s6+s2], $0x280, $0x38;
	[tilespmem:$0x14500] =	vst v63  }
0x15: {  	_ =	swait.ge [sflag:s8], $0x280  }
0x16: {  	[sflag:s8] =	ssyncset.done $0x0  }
0x17: {  	[sflag:s8] =	ssyncadd.s32 $0xFFFFFD80  }
0x18: {  	[tilespmem:s11], [sflag:$0x1] =	stream.indirect.gather [hbm4b:s3+s10], $0x80, s2, s10, $0xb8;
	[tilespmem:$0x14500] =	vst v63  }
0x19: {  	_ = 	snop  }
0x1a: {  	[tilespmem:s12], [sflag:$0x1] =	stream.indirect.gather [hbm4b:s3+s10], $0x80, s10, s10, $0xb8;
	[tilespmem:$0x14500] =	vst v63  }
0x1b: {  	_ = 	snop  }
0x1c: {  	[tilespmem:s14], [sflag:$0x1] =	stream.indirect.gather [hbm4b:s3+s10], $0x80, s13, s10, $0xb8;
	[tilespmem:$0x14500] =	vst v63  }
0x1d: {  	_ = 	snop  }
0x1e: {  	[tilespmem:s16], [sflag:$0x1] =	stream.indirect.gather [hbm4b:s3+s10], $0x80, s15, s10, $0xb8;
	[tilespmem:$0x14500] =	vst v63  }
0x1f: {  	_ = 	snop  }
0x20: {  	[tilespmem:s18], [sflag:$0x1] =	stream.indirect.gather [hbm4b:s3+s10], $0x80, s17, s10, $0xb8;
	[tilespmem:$0x14500] =	vst v63  }
0x21: {  	_ =	swait.ge [sflag:s19], $0x4000  }
0x22: {  	[sflag:s19] =	ssyncset.done $0x0  }
0x23: {  	[sflag:s19] =	ssyncadd.s32 $0xFFFFC000  }
0x24: {  	[tilespmem:s11], [sflag:$0x2] =	stream.indirect.gather.add.f32 [hbm:s4], $0x80, s9, s10, $0xb8;
	[tilespmem:$0x14500] =	vst v63  }
0x25: {  	_ =	swait.ge [sflag:s19], $0x4000  }
0x26: {  	[sflag:s19] =	ssyncset.done $0x0  }
0x27: {  	[sflag:s19] =	ssyncadd.s32 $0xFFFFC000  }
0x28: {  	[tilespmem:s12], [sflag:$0x2] =	stream.indirect.gather.add.f32 [hbm:s4], $0x80, s20, s10, $0xb8;
	[tilespmem:$0x14500] =	vst v63  }
0x29: {  	_ =	swait.ge [sflag:s19], $0x4000  }
0x2a: {  	[sflag:s19] =	ssyncset.done $0x0  }
0x2b: {  	[sflag:s19] =	ssyncadd.s32 $0xFFFFC000  }
0x2c: {  	[tilespmem:s14], [sflag:$0x2] =	stream.indirect.gather.add.f32 [hbm:s4], $0x80, s21, s10, $0xb8;
	[tilespmem:$0x14500] =	vst v63  }
0x2d: {  	_ =	swait.ge [sflag:s19], $0x4000  }
0x2e: {  	[sflag:s19] =	ssyncset.done $0x0  }
0x2f: {  	[sflag:s19] =	ssyncadd.s32 $0xFFFFC000  }
0x30: {  	[tilespmem:s16], [sflag:$0x2] =	stream.indirect.gather.add.f32 [hbm:s4], $0x80, s22, s10, $0xb8;
	[tilespmem:$0x14500] =	vst v63  }
0x31: {  	_ =	swait.ge [sflag:s19], $0x4000  }
0x32: {  	[sflag:s19] =	ssyncset.done $0x0  }
0x33: {  	[sflag:s19] =	ssyncadd.s32 $0xFFFFC000  }
0x34: {  	[tilespmem:s18], [sflag:$0x2] =	stream.indirect.gather.add.f32 [hbm:s4], $0x80, s23, s10, $0xb8;
	[tilespmem:$0x14500] =	vst v63  }
0x35: {  	_ =	swait.ge [sflag:s24], $0x4000  }
0x36: {  	s28 =	rddreg [dreg:$0x2];
	[sflag:s24] =	ssyncset.done $0x0  }
0x37: {  	[sflag:s24] =	ssyncadd.s32 $0xFFFFC000;
	s28 =	sadd.s32 $0x0, s28  }
0x38: {  	[hbm4b:s28+s2] =	stream.linear.scatter [tilespmem:s11], [sflag:$0x3], $0x4000, $0x38;
	[tilespmem:$0x14500] =	vst v63  }
0x39: {  	_ =	swait.ge [sflag:s24], $0x4000  }
0x3a: {  	[sflag:s24] =	ssyncset.done $0x0  }
0x3b: {  	s29 =	sadd.s32 $0x800, s28;
	[sflag:s24] =	ssyncadd.s32 $0xFFFFC000  }
0x3c: {  	[hbm4b:s29+s2] =	stream.linear.scatter [tilespmem:s12], [sflag:$0x3], $0x4000, $0x38;
	[tilespmem:$0x14500] =	vst v63  }
0x3d: {  	_ =	swait.ge [sflag:s24], $0x4000  }
0x3e: {  	[sflag:s24] =	ssyncset.done $0x0  }
0x3f: {  	s29 =	sadd.s32 $0x1000, s28;
	[sflag:s24] =	ssyncadd.s32 $0xFFFFC000  }
0x40: {  	[hbm4b:s29+s2] =	stream.linear.scatter [tilespmem:s14], [sflag:$0x3], $0x4000, $0x38;
	[tilespmem:$0x14500] =	vst v63  }
0x41: {  	_ =	swait.ge [sflag:s24], $0x4000  }
0x42: {  	[sflag:s24] =	ssyncset.done $0x0  }
0x43: {  	s29 =	sadd.s32 $0x1800, s28;
	[sflag:s24] =	ssyncadd.s32 $0xFFFFC000  }
0x44: {  	[hbm4b:s29+s2] =	stream.linear.scatter [tilespmem:s16], [sflag:$0x3], $0x4000, $0x38;
	[tilespmem:$0x14500] =	vst v63  }
0x45: {  	_ =	swait.ge [sflag:s24], $0x4000  }
0x46: {  	[sflag:s24] =	ssyncset.done $0x0  }
0x47: {  	s28 =	sadd.s32 $0x2000, s28;
	[sflag:s24] =	ssyncadd.s32 $0xFFFFC000  }
0x48: {  	[hbm4b:s28+s2] =	stream.linear.scatter [tilespmem:s18], [sflag:$0x3], $0x4000, $0x38;
	[tilespmem:$0x14500] =	vst v63  }
0x49: {  	_ =	swait.ge [sflag:s25], $0x4000  }
0x4a: {  	[sflag:s25] =	ssyncset.done $0x0  }
0x4b: {  	[sflag:s25] =	ssyncadd.s32 $0xFFFFC000  }
0x4c: {  	_ =	swait.ge [sflag:s25], $0x4000  }
0x4d: {  	[sflag:s25] =	ssyncset.done $0x0  }
0x4e: {  	[sflag:s25] =	ssyncadd.s32 $0xFFFFC000  }
0x4f: {  	_ =	swait.ge [sflag:s25], $0x4000  }
0x50: {  	[sflag:s25] =	ssyncset.done $0x0  }
0x51: {  	[sflag:s25] =	ssyncadd.s32 $0xFFFFC000  }
0x52: {  	_ =	swait.ge [sflag:s25], $0x4000  }
0x53: {  	[sflag:s25] =	ssyncset.done $0x0  }
0x54: {  	[sflag:s25] =	ssyncadd.s32 $0xFFFFC000  }
0x55: {  	s30 =	smov.u32 s7;
	_ =	swait.ge [sflag:s25], $0x4000  }
0x56: {  	s29 =	smov.u32 s6;
	s28 =	simm.s32 $0x2800;
	[sflag:s25] =	ssyncset.done $0x0  }
.LBB2_2:
0x57: {  	[sflag:s25] =	ssyncadd.s32 $0xFFFFC000;
	s30 =	sadd.s32 $0x50, s30  }
0x58: {  	[tilespmem:s2], [sflag:$0x4] =	stream.linear.gather [hbm4b:s30+s2], $0x280, $0x38;
	[tilespmem:$0x14500] =	vst v63  }
0x59: {  	_ =	swait.ge [sflag:s8], $0x280  }
0x5a: {  	[sflag:s8] =	ssyncset.done $0x0  }
0x5b: {  	s29 =	sadd.s32 $0x50, s29;
	[sflag:s8] =	ssyncadd.s32 $0xFFFFFD80  }
0x5c: {  	[tilespmem:s9], [sflag:$0x4] =	stream.linear.gather [hbm4b:s29+s2], $0x280, $0x38;
	[tilespmem:$0x14500] =	vst v63  }
0x5d: {  	_ =	swait.ge [sflag:s8], $0x280  }
0x5e: {  	[sflag:s8] =	ssyncset.done $0x0  }
0x5f: {  	[sflag:s8] =	ssyncadd.s32 $0xFFFFFD80  }
0x60: {  	[tilespmem:s11], [sflag:$0x1] =	stream.indirect.gather [hbm4b:s3+s10], $0x80, s2, s10, $0xb8;
	[tilespmem:$0x14500] =	vst v63  }
0x61: {  	_ = 	snop  }
0x62: {  	[tilespmem:s12], [sflag:$0x1] =	stream.indirect.gather [hbm4b:s3+s10], $0x80, s10, s10, $0xb8;
	[tilespmem:$0x14500] =	vst v63  }
0x63: {  	_ = 	snop  }
0x64: {  	[tilespmem:s14], [sflag:$0x1] =	stream.indirect.gather [hbm4b:s3+s10], $0x80, s13, s10, $0xb8;
	[tilespmem:$0x14500] =	vst v63  }
0x65: {  	_ = 	snop  }
0x66: {  	[tilespmem:s16], [sflag:$0x1] =	stream.indirect.gather [hbm4b:s3+s10], $0x80, s15, s10, $0xb8;
	[tilespmem:$0x14500] =	vst v63  }
0x67: {  	_ = 	snop  }
0x68: {  	[tilespmem:s18], [sflag:$0x1] =	stream.indirect.gather [hbm4b:s3+s10], $0x80, s17, s10, $0xb8;
	[tilespmem:$0x14500] =	vst v63  }
0x69: {  	_ =	swait.ge [sflag:s19], $0x4000  }
0x6a: {  	[sflag:s19] =	ssyncset.done $0x0  }
0x6b: {  	[sflag:s19] =	ssyncadd.s32 $0xFFFFC000  }
0x6c: {  	[tilespmem:s11], [sflag:$0x2] =	stream.indirect.gather.add.f32 [hbm:s4], $0x80, s9, s10, $0xb8;
	[tilespmem:$0x14500] =	vst v63  }
0x6d: {  	_ =	swait.ge [sflag:s19], $0x4000  }
0x6e: {  	[sflag:s19] =	ssyncset.done $0x0  }
0x6f: {  	[sflag:s19] =	ssyncadd.s32 $0xFFFFC000  }
0x70: {  	[tilespmem:s12], [sflag:$0x2] =	stream.indirect.gather.add.f32 [hbm:s4], $0x80, s20, s10, $0xb8;
	[tilespmem:$0x14500] =	vst v63  }
0x71: {  	_ =	swait.ge [sflag:s19], $0x4000  }
0x72: {  	[sflag:s19] =	ssyncset.done $0x0  }
0x73: {  	[sflag:s19] =	ssyncadd.s32 $0xFFFFC000  }
0x74: {  	[tilespmem:s14], [sflag:$0x2] =	stream.indirect.gather.add.f32 [hbm:s4], $0x80, s21, s10, $0xb8;
	[tilespmem:$0x14500] =	vst v63  }
0x75: {  	_ =	swait.ge [sflag:s19], $0x4000  }
0x76: {  	[sflag:s19] =	ssyncset.done $0x0  }
0x77: {  	[sflag:s19] =	ssyncadd.s32 $0xFFFFC000  }
0x78: {  	[tilespmem:s16], [sflag:$0x2] =	stream.indirect.gather.add.f32 [hbm:s4], $0x80, s22, s10, $0xb8;
	[tilespmem:$0x14500] =	vst v63  }
0x79: {  	_ =	swait.ge [sflag:s19], $0x4000  }
0x7a: {  	[sflag:s19] =	ssyncset.done $0x0  }
0x7b: {  	[sflag:s19] =	ssyncadd.s32 $0xFFFFC000  }
0x7c: {  	[tilespmem:s18], [sflag:$0x2] =	stream.indirect.gather.add.f32 [hbm:s4], $0x80, s23, s10, $0xb8;
	[tilespmem:$0x14500] =	vst v63  }
0x7d: {  	_ =	swait.ge [sflag:s24], $0x4000  }
0x7e: {  	s31 =	smov.u32 s28;
	s0 =	rddreg [dreg:$0x2];
	[sflag:s24] =	ssyncset.done $0x0  }
0x7f: {  	[sflag:s24] =	ssyncadd.s32 $0xFFFFC000;
	s0 =	sadd.s32 s31, s0  }
0x80: {  	[hbm4b:s0+s2] =	stream.linear.scatter [tilespmem:s11], [sflag:$0x3], $0x4000, $0x38;
	[tilespmem:$0x14500] =	vst v63  }
0x81: {  	_ =	swait.ge [sflag:s24], $0x4000  }
0x82: {  	[sflag:s24] =	ssyncset.done $0x0  }
0x83: {  	s31 =	sadd.s32 $0x800, s0;
	[sflag:s24] =	ssyncadd.s32 $0xFFFFC000  }
0x84: {  	[hbm4b:s31+s2] =	stream.linear.scatter [tilespmem:s12], [sflag:$0x3], $0x4000, $0x38;
	[tilespmem:$0x14500] =	vst v63  }
0x85: {  	_ =	swait.ge [sflag:s24], $0x4000  }
0x86: {  	[sflag:s24] =	ssyncset.done $0x0  }
0x87: {  	s31 =	sadd.s32 $0x1000, s0;
	[sflag:s24] =	ssyncadd.s32 $0xFFFFC000  }
0x88: {  	[hbm4b:s31+s2] =	stream.linear.scatter [tilespmem:s14], [sflag:$0x3], $0x4000, $0x38;
	[tilespmem:$0x14500] =	vst v63  }
0x89: {  	_ =	swait.ge [sflag:s24], $0x4000  }
0x8a: {  	[sflag:s24] =	ssyncset.done $0x0  }
0x8b: {  	s31 =	sadd.s32 $0x1800, s0;
	[sflag:s24] =	ssyncadd.s32 $0xFFFFC000  }
0x8c: {  	[hbm4b:s31+s2] =	stream.linear.scatter [tilespmem:s16], [sflag:$0x3], $0x4000, $0x38;
	[tilespmem:$0x14500] =	vst v63  }
0x8d: {  	_ =	swait.ge [sflag:s24], $0x4000  }
0x8e: {  	[sflag:s24] =	ssyncset.done $0x0  }
0x8f: {  	s0 =	sadd.s32 $0x2000, s0;
	[sflag:s24] =	ssyncadd.s32 $0xFFFFC000  }
0x90: {  	[hbm4b:s0+s2] =	stream.linear.scatter [tilespmem:s18], [sflag:$0x3], $0x4000, $0x38;
	[tilespmem:$0x14500] =	vst v63  }
0x91: {  	_ =	swait.ge [sflag:s25], $0x4000  }
0x92: {  	[sflag:s25] =	ssyncset.done $0x0  }
0x93: {  	[sflag:s25] =	ssyncadd.s32 $0xFFFFC000  }
0x94: {  	_ =	swait.ge [sflag:s25], $0x4000  }
0x95: {  	[sflag:s25] =	ssyncset.done $0x0  }
0x96: {  	[sflag:s25] =	ssyncadd.s32 $0xFFFFC000  }
0x97: {  	_ =	swait.ge [sflag:s25], $0x4000  }
0x98: {  	[sflag:s25] =	ssyncset.done $0x0  }
0x99: {  	p0 =	sne.s32 s28, $0x16800;
	[sflag:s25] =	ssyncadd.s32 $0xFFFFC000  }
.Ltmp0:
0x9a: {  	_ =	swait.ge [sflag:s25], $0x4000;
	(pc) =	sbr.rel @p0 .LBB2_2-.Ltmp0, $4  }
0x9b: {  	[sflag:s25] =	ssyncset.done $0x0  }
0x9c: {  	[sflag:s25] =	ssyncadd.s32 $0xFFFFC000  }
0x9d: {  	_ =	swait.ge [sflag:s25], $0x4000  }
0x9e: {  	s28 =	sadd.s32 $0x2800, s28;
	[sflag:s25] =	ssyncset.done $0x0  }
0x9f: {  	s26 =	sadd.s32 $0x1, s26  }
0xa0: {  	p0 =	sne.s32 s26, s5  }
.Ltmp1:
0xa1: {  	_ = 	snop;
	(pc) =	sbr.rel @p0 .LBB2_1-.Ltmp1, $2  }
0xa2: {  	_ =	sdelay $0x2  }
0xa3: {  	[sflag:s25] =	ssyncadd.s32 $0xFFFFC000  }
0xa4: {  	_ =	sfence.sel $0x180000  }
0xa5: {  	[bflag:$0x0] =	sbarrier.arrive $0xFFFF  }
0xa6: {  	_ =	strace $0x9000004A  }
0xa7: {  	[bflag:$0x2] =	sbarrier.arrive $0xFFFF  }
0xa8: {  	p0 =	sne.s32 s1, $0x0;
	s0 =	rddreg [dreg:$0x1]  }
0xa9: {  	s0 =	sadd.s32 @!p0 $0x100000, s0  }
0xaa: {  	[sflag:s0] =	ssyncadd.tile.s32 @!p0 $0x1;
	_ =	shalt  }
.Lfunc_end2:
_tile_overlayer_lowered:
.L_overlay_start_2:
0xab: {  	(tag) =	ssettag $0x2  }
0xac: {  	s0 =	rddreg [dreg:$0x0];
	s2 =	stileid.u32  }
0xad: {  	s1 =	rddreg [dreg:$0x1];
	p0 =	sne.s32 s2, $0x0  }
0xae: {  	s3 =	rddreg [dreg:$0x2];
	[bflag:$0x3] =	sbarrier.arrive $0xFFFF;
	s2 =	simm.s32 @!p0 $0x1C04  }
0xaf: {  	[timem:s3], [sflag:s2] =	dma.local @!p0 [hbm:s0], s1  }
0xb0: {  	s0 =	simm.s32 @!p0 $0x4  }
0xb1: {  	_ =	swait.ge @!p0 [sflag:s0], s1  }
0xb2: {  	s1 =	ssub.s32 @!p0 $0x0, s1;
	[sflag:s0] =	ssyncset.done @!p0 $0x0  }
0xb3: {  	[sflag:s0] =	ssyncadd.s32 @!p0 s1  }
0xb4: {  	[bflag:$0x3] =	sbarrier.arrive $0xFFFF  }
0xb5: {  	_ =	shalt  }

// kernel: kernel.18.cloned.1.call-start
scs
__scs_entry_jumppad:
0x0: {  	(pc) =	sbr.rel $0x88, $3  }
0x1: {  	(tag) =	ssettag $0x0;
	lr =	simm.s32 $0x1  }
0x2: {  	[smem:$0x3F99] =	sst lr;
	_ =	strace $0xD0000000  }
0x3: {  	_ = 	snop  }
0x4: {  	_ = 	snop  }
0x5: {  	_ = 	snop  }
0x6: {  	_ = 	snop  }
0x7: {  	_ = 	snop  }
__scs_overlays_trampoline_lowered:
0x8: {  	[smem:$0x3FA8] =	sst s0  }
0x9: {  	[smem:$0x3FA9] =	sst s1  }
0xa: {  	[smem:$0x3FAA] =	sst s2  }
0xb: {  	[smem:$0x3FAB] =	sst s3  }
0xc: {  	[smem:$0x3FAC] =	sst s4  }
0xd: {  	[smem:$0x3FAD] =	sst s5  }
0xe: {  	[smem:$0x3FAE] =	sst s6  }
0xf: {  	[smem:$0x3FAF] =	sst s7  }
0x10: {  	[smem:$0x3FB0] =	sst s8  }
0x11: {  	[smem:$0x3FB1] =	sst s9;
	s0 =	simm.s32 @!p0 $0x0  }
0x12: {  	s1 =	sld [smem:$0x3F97];
	s0 =	simm.s32 @p0 $0x1  }
0x13: {  	[smem:$0x3FB2] =	sst s0;
	s0 =	simm.s32 @!p1 $0x0  }
0x14: {  	s2 =	sld [smem:$0x3F96];
	s0 =	simm.s32 @p1 $0x1  }
0x15: {  	[smem:$0x3FB3] =	sst s0;
	s0 =	simm.s32 @!p2 $0x0  }
0x16: {  	s3 =	sld [smem:$0x3FDB];
	s0 =	simm.s32 @p2 $0x1  }
0x17: {  	s4 =	simm.s32 $0x1BF5;
	[smem:$0x3FB5] =	sst s0  }
0x18: {  	s0 =	sld [smem:$0x3F98];
	_ =	swait.ge [sflag:s4], $0x0  }
0x19: {  	s7 =	sld [smem:$0x3F99]  }
0x1a: {  	s8 =	sadd.s32 $0xFFFFE003, lr  }
0x1b: {  	s9 =	sadd.s32 $0xFFFFFEF7, lr;
	s5 =	simm.s32 $0xFFFFFFFF;
	p2 =	slt.u32 s8, $0xFFFFF086  }
0x1c: {  	p1 =	slt.u32 s9, $0xF7A;
	s5 =	simm.s32 @!p2 $0x0  }
0x1d: {  	s5 =	simm.s32 @p1 $0x1;
	p0 =	seq.s32 s7, s2  }
0x1e: {  	s7 =	smul.u32 @!p0 $0xF7A, s2;
	p2 =	seq.s32 @!p0 s5, $0x0  }
0x1f: {  	s9 =	smul.u32 $0xF7A, s1;
	s8 =	simm.s32 @!p0 $0x1BF5;
	p2 =	por !p2, p0  }
0x20: {  	[sflag:s8] =	ssyncset.s32 @!p0 $0xFFFFF086;
	s6 =	sadd.s32 @!p0 s3, s7;
	s7 =	simm.s32 @!p0 $0x108  }
0x21: {  	s3 =	sadd.s32 s3, s9;
	s6 =	sadd.s32 @!p0 $0x88, s6;
	s7 =	simm.s32 @p2 $0x1082  }
0x22: {  	[simem:s7], [sflag:s8] =	dma.local @!p0 [hbm:s6], $0xF7A  }
0x23: {  	s9 =	sor.u32 $0xD0000000, s2;
	s6 =	simm.s32 $0x108;
	_ =	swait.ge @!p0 [sflag:s8], $0x0  }
0x24: {  	s3 =	sadd.s32 $0x88, s3;
	s6 =	simm.s32 @!p1 $0x1082;
	[sflag:s4] =	ssyncset.s32 $0xFFFFF086  }
0x25: {  	[simem:s6], [sflag:s4] =	dma.local [hbm:s3], $0xF7A  }
0x26: {  	[smem:$0x3F99] =	sst s1;
	(tag) =	ssettag s2;
	_ =	strace s9  }
0x27: {  	s1 =	sld [smem:$0x3FA9]  }
0x28: {  	s2 =	sld [smem:$0x3FAA]  }
0x29: {  	s4 =	sld [smem:$0x3FAC]  }
0x2a: {  	p0 =	seq.s32 s5, $0x0;
	s5 =	sld [smem:$0x3FAD]  }
0x2b: {  	s6 =	sld [smem:$0x3FAE]  }
0x2c: {  	s7 =	sld [smem:$0x3FAF]  }
0x2d: {  	s3 =	simm.s32 $0x108;
	s8 =	sld [smem:$0x3FB0]  }
0x2e: {  	s3 =	simm.s32 @!p0 $0x1082;
	s9 =	sld [smem:$0x3FB1]  }
0x2f: {  	lr =	sadd.s32 s0, s3;
	s0 =	sld [smem:$0x3FA8]  }
0x30: {  	s3 =	sld [smem:$0x3FAB]  }
0x31: {  	[smem:$0x3FB4] =	sst s10  }
0x32: {  	s10 =	sld [smem:$0x3FB2];
	_ =	sdelay $0x3  }
0x33: {  	p0 =	seq.s32 s10, $0x1;
	s10 =	sld [smem:$0x3FB4];
	_ =	sdelay $0x3  }
0x34: {  	[smem:$0x3FB4] =	sst s10  }
0x35: {  	s10 =	sld [smem:$0x3FB3];
	_ =	sdelay $0x3  }
0x36: {  	p1 =	seq.s32 s10, $0x1;
	s10 =	sld [smem:$0x3FB4];
	_ =	sdelay $0x3  }
0x37: {  	[smem:$0x3FB4] =	sst s10  }
0x38: {  	s10 =	sld [smem:$0x3FB5]  }
0x39: {  	_ = 	snop;
	(pc) =	sbr.ind lr, $3  }
0x3a: {  	_ = 	snop  }
0x3b: {  	_ = 	snop  }
0x3c: {  	p2 =	seq.s32 s10, $0x1;
	s10 =	sld [smem:$0x3FB4]  }
0x3d: {  	_ =	shalt  }
0x3e: {  	_ =	shalt  }
0x3f: {  	_ =	shalt  }
0x40: {  	_ =	shalt  }
0x41: {  	_ =	shalt  }
0x42: {  	_ =	shalt  }
0x43: {  	_ =	shalt  }
0x44: {  	_ =	shalt  }
0x45: {  	_ =	shalt  }
0x46: {  	_ =	shalt  }
0x47: {  	_ =	shalt  }
0x48: {  	_ =	shalt  }
0x49: {  	_ =	shalt  }
0x4a: {  	_ =	shalt  }
0x4b: {  	_ =	shalt  }
0x4c: {  	_ =	shalt  }
0x4d: {  	_ =	shalt  }
0x4e: {  	_ =	shalt  }
0x4f: {  	_ =	shalt  }
0x50: {  	_ =	shalt  }
0x51: {  	_ =	shalt  }
0x52: {  	_ =	shalt  }
0x53: {  	_ =	shalt  }
0x54: {  	_ =	shalt  }
0x55: {  	_ =	shalt  }
0x56: {  	_ =	shalt  }
0x57: {  	_ =	shalt  }
0x58: {  	_ =	shalt  }
0x59: {  	_ =	shalt  }
0x5a: {  	_ =	shalt  }
0x5b: {  	_ =	shalt  }
0x5c: {  	_ =	shalt  }
0x5d: {  	_ =	shalt  }
0x5e: {  	_ =	shalt  }
0x5f: {  	_ =	shalt  }
0x60: {  	_ =	shalt  }
0x61: {  	_ =	shalt  }
0x62: {  	_ =	shalt  }
0x63: {  	_ =	shalt  }
0x64: {  	_ =	shalt  }
0x65: {  	_ =	shalt  }
0x66: {  	_ =	shalt  }
0x67: {  	_ =	shalt  }
0x68: {  	_ =	shalt  }
0x69: {  	_ =	shalt  }
0x6a: {  	_ =	shalt  }
0x6b: {  	_ =	shalt  }
0x6c: {  	_ =	shalt  }
0x6d: {  	_ =	shalt  }
0x6e: {  	_ =	shalt  }
0x6f: {  	_ =	shalt  }
0x70: {  	_ =	shalt  }
0x71: {  	_ =	shalt  }
0x72: {  	_ =	shalt  }
0x73: {  	_ =	shalt  }
0x74: {  	_ =	shalt  }
0x75: {  	_ =	shalt  }
0x76: {  	_ =	shalt  }
0x77: {  	_ =	shalt  }
0x78: {  	_ =	shalt  }
0x79: {  	_ =	shalt  }
0x7a: {  	_ =	shalt  }
0x7b: {  	_ =	shalt  }
0x7c: {  	_ =	shalt  }
0x7d: {  	_ =	shalt  }
0x7e: {  	_ =	shalt  }
0x7f: {  	_ =	shalt  }
0x80: {  	_ =	shalt  }
0x81: {  	_ =	shalt  }
0x82: {  	_ =	shalt  }
0x83: {  	_ =	shalt  }
0x84: {  	_ =	shalt  }
0x85: {  	_ =	shalt  }
0x86: {  	_ =	shalt  }
0x87: {  	_ =	shalt  }
.Lfunc_end0:
.L_simem_size_0:
called_computation.2_lowered:
.L_overlay_start_0:
0x88: {  	s2 =	sld [smem:$0x3FD9]  }
0x89: {  	s3 =	sld [smem:$0x3FFE];
	_ =	sdelay $0x1  }
0x8a: {  	s1 =	srdreg.scid  }
0x8b: {  	s0 =	sand.u32 $0x1, s1  }
0x8c: {  	s17 =	sshll.u32 s0, $0xA;
	s2 =	sadd.s32 s3, s2  }
0x8d: {  	s2 =	sadd.s32 s2, s17  }
0x8e: {  	[smem:$0x3FC0] =	sst s2  }
0x8f: {  	_ = 	snop  }
0x90: {  	(tm) =	ssettm $0x1  }
0x91: {  	s18 =	sld [smem:$0x3FFB];
	_ =	sdelay $0x3  }
0x92: {  	_ =	strace s18  }
0x93: {  	s2 =	sld [smem:$0x3FFC];
	_ =	sdelay $0x3  }
0x94: {  	_ =	strace s2  }
0x95: {  	s2 =	sld [smem:$0x3FFD];
	_ =	sdelay $0x3  }
0x96: {  	_ =	strace s2  }
0x97: {  	_ =	strace $0x8FFFFFFF  }
0x98: {  	s19 =	sld [smem:$0x3FDB];
	_ =	sdelay $0x1  }
0x99: {  	s20 =	simm.s32 $_scs_section_size  }
0x9a: {  	s4 =	simm.s32 $_size__tile_overlayer_lowered;
	s5 =	simm.s32 $_tile_overlayer_lowered  }
0x9b: {  	s6 =	simm.s32 $0x1BFF;
	s21 =	sshll.u32 s5, $0x1;
	s3 =	sadd.s32 s20, s19  }
0x9c: {  	s22 =	simm.s32 $0x0;
	s4 =	sshll.u32 s4, $0x1;
	s5 =	sadd.s32 s21, s3  }
0x9d: {  	[timem:s22], [sflag:s6] =	dma.local [hbm:s5], s4  }
0x9e: {  	_ =	swait.ge [sflag:s6], s4  }
0x9f: {  	s4 =	ssub.s32 $0x0, s4;
	[sflag:s6] =	ssyncset.done $0x0  }
0xa0: {  	[sflag:s6] =	ssyncadd.s32 s4;
	_ =	sdelay $0x1  }
0xa1: {  	s23 =	simm.s32 $0x1B8B  }
0xa2: {  	_ =	swait.ge [sflag:s23], $0x1  }
0xa3: {  	[sflag:s23] =	ssyncset.done $0x0  }
0xa4: {  	[sflag:s23] =	ssyncadd.s32 $0xFFFFFFFF  }
0xa5: {  	s4 =	sld [smem:$0x0]  }
0xa6: {  	s5 =	sand.u32 $0xFFFFFFFE, s1  }
0xa7: {  	p0 =	sne.s32 s1, s5  }
0xa8: {  	s5 =	sshll.u32 @p0 s5, $0xE  }
0xa9: {  	s5 =	sadd.s32 @p0 $0x11B8D, s5;
	s6 =	sshll.u32 @p0 s4, $0x11  }
0xaa: {  	s5 =	sor.u32 @p0 s6, s5  }
0xab: {  	[sflag:s5] =	ssyncadd.remote.s32 @p0 $0x1;
	_ =	sdelay $0x1  }
0xac: {  	s5 =	simm.s32 @p0 $0x1B8D  }
0xad: {  	_ =	swait.eq @p0 [sflag:s5], $0x1  }
0xae: {  	[sflag:s5] =	ssyncadd.s32 @p0 $0xFFFFFFFF  }
0xaf: {  	s6 =	sshll.u32 @!p0 s1, $0xE  }
0xb0: {  	s6 =	sor.u32 @!p0 $0x4000, s6;
	s5 =	simm.s32 @!p0 $0x1B8D  }
0xb1: {  	s4 =	sshll.u32 @!p0 s4, $0x11;
	s6 =	sadd.s32 @!p0 $0x11B8D, s6;
	_ =	swait.eq @!p0 [sflag:s5], $0x1  }
0xb2: {  	s4 =	sor.u32 @!p0 s4, s6;
	[sflag:s5] =	ssyncadd.s32 @!p0 $0xFFFFFFFF  }
0xb3: {  	s25 =	simm.s32 $0x1B8E;
	s24 =	sld [smem:$0x3FFE];
	[sflag:s4] =	ssyncadd.remote.s32 @!p0 $0x1  }
0xb4: {  	s26 =	simm.s32 $execute0_lowered;
	[smem:$0x3FD2] =	sst s25  }
0xb5: {  	s5 =	sshll.u32 s26, $0x1;
	_ =	strace $0x8000004C;
	[dreg:$0x1] =	wrdreg $0xFFFFFFFF  }
0xb6: {  	s28 =	simm.s32 $_size_execute0_lowered;
	s3 =	sadd.s32 s3, s5;
	[dreg:$0x0] =	wrdreg $0x0  }
0xb7: {  	s5 =	sshll.u32 s28, $0x1;
	[dreg:$0x2] =	wrdreg s3  }
0xb8: {  	[dreg:$0x3] =	wrdreg s5  }
0xb9: {  	[dreg:$0x4] =	wrdreg $0xC0  }
0xba: {  	_ =	task [dreg:s22], $0x5FFFF  }
0xbb: {  	[dreg:$0x1] =	wrdreg $0xFFFFFFFF  }
0xbc: {  	[dreg:$0x0] =	wrdreg $0x60  }
0xbd: {  	[dreg:$0x2] =	wrdreg s24  }
0xbe: {  	[dreg:$0x3] =	wrdreg $0xB  }
0xbf: {  	_ =	task.clear_ibuf [dreg:s22], $0x4FFFF;
	_ =	strace $0x9000004C  }
0xc0: {  	s29 =	simm.s32 $0xB;
	_ =	strace $0x8000004E  }
0xc1: {  	_ =	swait.ge [sflag:s29], $0x1  }
0xc2: {  	[sflag:s29] =	ssyncadd.s32 $0xFFFFFFFF  }
0xc3: {  	_ =	strace $0x9000004E  }
0xc4: {  	_ =	sfence  }
0xc5: {  	s30 =	sld [smem:$0x0];
	_ =	sdelay $0x2  }
0xc6: {  	s31 =	sshll.u32 s1, $0xD;
	s1 =	sshrl.u32 s1, $0x2  }
0xc7: {  	s4 =	sand.u32 $0x4000, s31;
	s1 =	sadd.s32 s1, s30  }
0xc8: {  	s0 =	sor.u32 s4, s0;
	s1 =	sshll.u32 s1, $0x11  }
0xc9: {  	s0 =	sor.u32 s1, s0  }
0xca: {  	s0 =	sadd.s32 $0x8F2B, s0  }
0xcb: {  	[sflag:s0] =	ssyncadd.remote.s32 $0x1  }
0xcc: {  	_ =	sfence.sel $0xFFFF  }
0xcd: {  	[dreg:$0x0] =	wrdreg $0xFFFFFFFF;
	(pc) =	sbr.abs _section_cstart, $3  }
0xce: {  	[dreg:$0x1] =	wrdreg $0xFFFFFFFF  }
0xcf: {  	_ =	task.clear_ibuf [dreg:s22], $0x2FFFF;
	_ =	strace $0x9FFFFFFF  }
0xd0: {  	(tm) =	ssettm $0x7FFFFFFF  }
0xd1: {  	_ =	shalt  }
tec
execute0_lowered:
.L_overlay_start_1:
0x0: {  	(tag) =	ssettag $0x1  }
0x1: {  	s4 =	rddreg [dreg:$0x0];
	s1 =	stileid.u32  }
0x2: {  	s2 =	simm.s32 $0x0;
	s5 =	srdreg.scid;
	s11 =	simm.s32 $0x500  }
0x3: {  	s12 =	simm.s32 $0x4500;
	s13 =	simm.s32 $0x100;
	s14 =	simm.s32 $0x8500  }
0x4: {  	s15 =	simm.s32 $0x180;
	s16 =	simm.s32 $0xC500;
	s17 =	simm.s32 $0x200  }
0x5: {  	s18 =	simm.s32 $0x10500;
	s19 =	simm.s32 $0x1;
	s20 =	simm.s32 $0x300  }
0x6: {  	s21 =	simm.s32 $0x380;
	s22 =	simm.s32 $0x400;
	s23 =	simm.s32 $0x480  }
0x7: {  	s24 =	simm.s32 $0x2;
	s25 =	simm.s32 $0x3;
	s3 =	smul.u32 $0x640, s1  }
0x8: {  	[smem:$0x7FF] =	sst s2;
	s6 =	smul.u32 $0x32000, s1;
	s5 =	sand.u32 $0x1, s5  }
0x9: {  	s26 =	simm.s32 $0x0;
	_ =	strace $0x8000004D;
	s8 =	smul.u32 $0x19000, s5  }
0xa: {  	s9 =	ssub.s32 $0x2, s5;
	s30 =	smul.u32 $0x320, s5;
	s7 =	sadd.s32 s3, s4  }
0xb: {  	s3 =	sadd.s32 $0xC800, s4;
	s6 =	sadd.s32 s6, s4;
	s10 =	sshrl.u32 s9, $0x1  }
0xc: {  	s4 =	sadd.s32 $0x8800, s4;
	s6 =	sadd.s32 s8, s6;
	s31 =	ssub.s32 s9, s10  }
0xd: {  	s7 =	sadd.s32 s30, s7;
	s8 =	simm.s32 $0x4;
	s9 =	simm.s32 $0x280  }
0xe: {  	s10 =	simm.s32 $0x80;
	s6 =	sadd.s32 $0x15B4400, s6;
	s5 =	smax.u32 s31, $0x1  }
0xf: {  	[dreg:$0x2] =	wrdreg s6;
	s6 =	sadd.s32 $0x1287C00, s7;
	s7 =	sadd.s32 $0x1275000, s7  }
.LBB2_1:
0x10: {  	[tilespmem:s2], [sflag:$0x4] =	stream.linear.gather [hbm4b:s7+s2], $0x280, $0x38;
	[tilespmem:$0x14500] =	vst v63  }
0x11: {  	_ =	swait.ge [sflag:s8], $0x280  }
0x12: {  	[sflag:s8] =	ssyncset.done $0x0  }
0x13: {  	[sflag:s8] =	ssyncadd.s32 $0xFFFFFD80  }
0x14: {  	[tilespmem:s9], [sflag:$0x4] =	stream.linear.gather [hbm4b:s6+s2], $0x280, $0x38;
	[tilespmem:$0x14500] =	vst v63  }
0x15: {  	_ =	swait.ge [sflag:s8], $0x280  }
0x16: {  	[sflag:s8] =	ssyncset.done $0x0  }
0x17: {  	[sflag:s8] =	ssyncadd.s32 $0xFFFFFD80  }
0x18: {  	[tilespmem:s11], [sflag:$0x1] =	stream.indirect.gather [hbm4b:s3+s10], $0x80, s2, s10, $0xb8;
	[tilespmem:$0x14500] =	vst v63  }
0x19: {  	_ = 	snop  }
0x1a: {  	[tilespmem:s12], [sflag:$0x1] =	stream.indirect.gather [hbm4b:s3+s10], $0x80, s10, s10, $0xb8;
	[tilespmem:$0x14500] =	vst v63  }
0x1b: {  	_ = 	snop  }
0x1c: {  	[tilespmem:s14], [sflag:$0x1] =	stream.indirect.gather [hbm4b:s3+s10], $0x80, s13, s10, $0xb8;
	[tilespmem:$0x14500] =	vst v63  }
0x1d: {  	_ = 	snop  }
0x1e: {  	[tilespmem:s16], [sflag:$0x1] =	stream.indirect.gather [hbm4b:s3+s10], $0x80, s15, s10, $0xb8;
	[tilespmem:$0x14500] =	vst v63  }
0x1f: {  	_ = 	snop  }
0x20: {  	[tilespmem:s18], [sflag:$0x1] =	stream.indirect.gather [hbm4b:s3+s10], $0x80, s17, s10, $0xb8;
	[tilespmem:$0x14500] =	vst v63  }
0x21: {  	_ =	swait.ge [sflag:s19], $0x4000  }
0x22: {  	[sflag:s19] =	ssyncset.done $0x0  }
0x23: {  	[sflag:s19] =	ssyncadd.s32 $0xFFFFC000  }
0x24: {  	[tilespmem:s11], [sflag:$0x2] =	stream.indirect.gather.add.f32 [hbm:s4], $0x80, s9, s10, $0xb8;
	[tilespmem:$0x14500] =	vst v63  }
0x25: {  	_ =	swait.ge [sflag:s19], $0x4000  }
0x26: {  	[sflag:s19] =	ssyncset.done $0x0  }
0x27: {  	[sflag:s19] =	ssyncadd.s32 $0xFFFFC000  }
0x28: {  	[tilespmem:s12], [sflag:$0x2] =	stream.indirect.gather.add.f32 [hbm:s4], $0x80, s20, s10, $0xb8;
	[tilespmem:$0x14500] =	vst v63  }
0x29: {  	_ =	swait.ge [sflag:s19], $0x4000  }
0x2a: {  	[sflag:s19] =	ssyncset.done $0x0  }
0x2b: {  	[sflag:s19] =	ssyncadd.s32 $0xFFFFC000  }
0x2c: {  	[tilespmem:s14], [sflag:$0x2] =	stream.indirect.gather.add.f32 [hbm:s4], $0x80, s21, s10, $0xb8;
	[tilespmem:$0x14500] =	vst v63  }
0x2d: {  	_ =	swait.ge [sflag:s19], $0x4000  }
0x2e: {  	[sflag:s19] =	ssyncset.done $0x0  }
0x2f: {  	[sflag:s19] =	ssyncadd.s32 $0xFFFFC000  }
0x30: {  	[tilespmem:s16], [sflag:$0x2] =	stream.indirect.gather.add.f32 [hbm:s4], $0x80, s22, s10, $0xb8;
	[tilespmem:$0x14500] =	vst v63  }
0x31: {  	_ =	swait.ge [sflag:s19], $0x4000  }
0x32: {  	[sflag:s19] =	ssyncset.done $0x0  }
0x33: {  	[sflag:s19] =	ssyncadd.s32 $0xFFFFC000  }
0x34: {  	[tilespmem:s18], [sflag:$0x2] =	stream.indirect.gather.add.f32 [hbm:s4], $0x80, s23, s10, $0xb8;
	[tilespmem:$0x14500] =	vst v63  }
0x35: {  	_ =	swait.ge [sflag:s24], $0x4000  }
0x36: {  	s28 =	rddreg [dreg:$0x2];
	[sflag:s24] =	ssyncset.done $0x0  }
0x37: {  	[sflag:s24] =	ssyncadd.s32 $0xFFFFC000;
	s28 =	sadd.s32 $0x0, s28  }
0x38: {  	[hbm4b:s28+s2] =	stream.linear.scatter [tilespmem:s11], [sflag:$0x3], $0x4000, $0x38;
	[tilespmem:$0x14500] =	vst v63  }
0x39: {  	_ =	swait.ge [sflag:s24], $0x4000  }
0x3a: {  	[sflag:s24] =	ssyncset.done $0x0  }
0x3b: {  	s29 =	sadd.s32 $0x800, s28;
	[sflag:s24] =	ssyncadd.s32 $0xFFFFC000  }
0x3c: {  	[hbm4b:s29+s2] =	stream.linear.scatter [tilespmem:s12], [sflag:$0x3], $0x4000, $0x38;
	[tilespmem:$0x14500] =	vst v63  }
0x3d: {  	_ =	swait.ge [sflag:s24], $0x4000  }
0x3e: {  	[sflag:s24] =	ssyncset.done $0x0  }
0x3f: {  	s29 =	sadd.s32 $0x1000, s28;
	[sflag:s24] =	ssyncadd.s32 $0xFFFFC000  }
0x40: {  	[hbm4b:s29+s2] =	stream.linear.scatter [tilespmem:s14], [sflag:$0x3], $0x4000, $0x38;
	[tilespmem:$0x14500] =	vst v63  }
0x41: {  	_ =	swait.ge [sflag:s24], $0x4000  }
0x42: {  	[sflag:s24] =	ssyncset.done $0x0  }
0x43: {  	s29 =	sadd.s32 $0x1800, s28;
	[sflag:s24] =	ssyncadd.s32 $0xFFFFC000  }
0x44: {  	[hbm4b:s29+s2] =	stream.linear.scatter [tilespmem:s16], [sflag:$0x3], $0x4000, $0x38;
	[tilespmem:$0x14500] =	vst v63  }
0x45: {  	_ =	swait.ge [sflag:s24], $0x4000  }
0x46: {  	[sflag:s24] =	ssyncset.done $0x0  }
0x47: {  	s28 =	sadd.s32 $0x2000, s28;
	[sflag:s24] =	ssyncadd.s32 $0xFFFFC000  }
0x48: {  	[hbm4b:s28+s2] =	stream.linear.scatter [tilespmem:s18], [sflag:$0x3], $0x4000, $0x38;
	[tilespmem:$0x14500] =	vst v63  }
0x49: {  	_ =	swait.ge [sflag:s25], $0x4000  }
0x4a: {  	[sflag:s25] =	ssyncset.done $0x0  }
0x4b: {  	[sflag:s25] =	ssyncadd.s32 $0xFFFFC000  }
0x4c: {  	_ =	swait.ge [sflag:s25], $0x4000  }
0x4d: {  	[sflag:s25] =	ssyncset.done $0x0  }
0x4e: {  	[sflag:s25] =	ssyncadd.s32 $0xFFFFC000  }
0x4f: {  	_ =	swait.ge [sflag:s25], $0x4000  }
0x50: {  	[sflag:s25] =	ssyncset.done $0x0  }
0x51: {  	[sflag:s25] =	ssyncadd.s32 $0xFFFFC000  }
0x52: {  	_ =	swait.ge [sflag:s25], $0x4000  }
0x53: {  	[sflag:s25] =	ssyncset.done $0x0  }
0x54: {  	[sflag:s25] =	ssyncadd.s32 $0xFFFFC000  }
0x55: {  	s30 =	smov.u32 s7;
	_ =	swait.ge [sflag:s25], $0x4000  }
0x56: {  	s29 =	smov.u32 s6;
	s28 =	simm.s32 $0x2800;
	[sflag:s25] =	ssyncset.done $0x0  }
.LBB2_2:
0x57: {  	[sflag:s25] =	ssyncadd.s32 $0xFFFFC000;
	s30 =	sadd.s32 $0x50, s30  }
0x58: {  	[tilespmem:s2], [sflag:$0x4] =	stream.linear.gather [hbm4b:s30+s2], $0x280, $0x38;
	[tilespmem:$0x14500] =	vst v63  }
0x59: {  	_ =	swait.ge [sflag:s8], $0x280  }
0x5a: {  	[sflag:s8] =	ssyncset.done $0x0  }
0x5b: {  	s29 =	sadd.s32 $0x50, s29;
	[sflag:s8] =	ssyncadd.s32 $0xFFFFFD80  }
0x5c: {  	[tilespmem:s9], [sflag:$0x4] =	stream.linear.gather [hbm4b:s29+s2], $0x280, $0x38;
	[tilespmem:$0x14500] =	vst v63  }
0x5d: {  	_ =	swait.ge [sflag:s8], $0x280  }
0x5e: {  	[sflag:s8] =	ssyncset.done $0x0  }
0x5f: {  	[sflag:s8] =	ssyncadd.s32 $0xFFFFFD80  }
0x60: {  	[tilespmem:s11], [sflag:$0x1] =	stream.indirect.gather [hbm4b:s3+s10], $0x80, s2, s10, $0xb8;
	[tilespmem:$0x14500] =	vst v63  }
0x61: {  	_ = 	snop  }
0x62: {  	[tilespmem:s12], [sflag:$0x1] =	stream.indirect.gather [hbm4b:s3+s10], $0x80, s10, s10, $0xb8;
	[tilespmem:$0x14500] =	vst v63  }
0x63: {  	_ = 	snop  }
0x64: {  	[tilespmem:s14], [sflag:$0x1] =	stream.indirect.gather [hbm4b:s3+s10], $0x80, s13, s10, $0xb8;
	[tilespmem:$0x14500] =	vst v63  }
0x65: {  	_ = 	snop  }
0x66: {  	[tilespmem:s16], [sflag:$0x1] =	stream.indirect.gather [hbm4b:s3+s10], $0x80, s15, s10, $0xb8;
	[tilespmem:$0x14500] =	vst v63  }
0x67: {  	_ = 	snop  }
0x68: {  	[tilespmem:s18], [sflag:$0x1] =	stream.indirect.gather [hbm4b:s3+s10], $0x80, s17, s10, $0xb8;
	[tilespmem:$0x14500] =	vst v63  }
0x69: {  	_ =	swait.ge [sflag:s19], $0x4000  }
0x6a: {  	[sflag:s19] =	ssyncset.done $0x0  }
0x6b: {  	[sflag:s19] =	ssyncadd.s32 $0xFFFFC000  }
0x6c: {  	[tilespmem:s11], [sflag:$0x2] =	stream.indirect.gather.add.f32 [hbm:s4], $0x80, s9, s10, $0xb8;
	[tilespmem:$0x14500] =	vst v63  }
0x6d: {  	_ =	swait.ge [sflag:s19], $0x4000  }
0x6e: {  	[sflag:s19] =	ssyncset.done $0x0  }
0x6f: {  	[sflag:s19] =	ssyncadd.s32 $0xFFFFC000  }
0x70: {  	[tilespmem:s12], [sflag:$0x2] =	stream.indirect.gather.add.f32 [hbm:s4], $0x80, s20, s10, $0xb8;
	[tilespmem:$0x14500] =	vst v63  }
0x71: {  	_ =	swait.ge [sflag:s19], $0x4000  }
0x72: {  	[sflag:s19] =	ssyncset.done $0x0  }
0x73: {  	[sflag:s19] =	ssyncadd.s32 $0xFFFFC000  }
0x74: {  	[tilespmem:s14], [sflag:$0x2] =	stream.indirect.gather.add.f32 [hbm:s4], $0x80, s21, s10, $0xb8;
	[tilespmem:$0x14500] =	vst v63  }
0x75: {  	_ =	swait.ge [sflag:s19], $0x4000  }
0x76: {  	[sflag:s19] =	ssyncset.done $0x0  }
0x77: {  	[sflag:s19] =	ssyncadd.s32 $0xFFFFC000  }
0x78: {  	[tilespmem:s16], [sflag:$0x2] =	stream.indirect.gather.add.f32 [hbm:s4], $0x80, s22, s10, $0xb8;
	[tilespmem:$0x14500] =	vst v63  }
0x79: {  	_ =	swait.ge [sflag:s19], $0x4000  }
0x7a: {  	[sflag:s19] =	ssyncset.done $0x0  }
0x7b: {  	[sflag:s19] =	ssyncadd.s32 $0xFFFFC000  }
0x7c: {  	[tilespmem:s18], [sflag:$0x2] =	stream.indirect.gather.add.f32 [hbm:s4], $0x80, s23, s10, $0xb8;
	[tilespmem:$0x14500] =	vst v63  }
0x7d: {  	_ =	swait.ge [sflag:s24], $0x4000  }
0x7e: {  	s31 =	smov.u32 s28;
	s0 =	rddreg [dreg:$0x2];
	[sflag:s24] =	ssyncset.done $0x0  }
0x7f: {  	[sflag:s24] =	ssyncadd.s32 $0xFFFFC000;
	s0 =	sadd.s32 s31, s0  }
0x80: {  	[hbm4b:s0+s2] =	stream.linear.scatter [tilespmem:s11], [sflag:$0x3], $0x4000, $0x38;
	[tilespmem:$0x14500] =	vst v63  }
0x81: {  	_ =	swait.ge [sflag:s24], $0x4000  }
0x82: {  	[sflag:s24] =	ssyncset.done $0x0  }
0x83: {  	s31 =	sadd.s32 $0x800, s0;
	[sflag:s24] =	ssyncadd.s32 $0xFFFFC000  }
0x84: {  	[hbm4b:s31+s2] =	stream.linear.scatter [tilespmem:s12], [sflag:$0x3], $0x4000, $0x38;
	[tilespmem:$0x14500] =	vst v63  }
0x85: {  	_ =	swait.ge [sflag:s24], $0x4000  }
0x86: {  	[sflag:s24] =	ssyncset.done $0x0  }
0x87: {  	s31 =	sadd.s32 $0x1000, s0;
	[sflag:s24] =	ssyncadd.s32 $0xFFFFC000  }
0x88: {  	[hbm4b:s31+s2] =	stream.linear.scatter [tilespmem:s14], [sflag:$0x3], $0x4000, $0x38;
	[tilespmem:$0x14500] =	vst v63  }
0x89: {  	_ =	swait.ge [sflag:s24], $0x4000  }
0x8a: {  	[sflag:s24] =	ssyncset.done $0x0  }
0x8b: {  	s31 =	sadd.s32 $0x1800, s0;
	[sflag:s24] =	ssyncadd.s32 $0xFFFFC000  }
0x8c: {  	[hbm4b:s31+s2] =	stream.linear.scatter [tilespmem:s16], [sflag:$0x3], $0x4000, $0x38;
	[tilespmem:$0x14500] =	vst v63  }
0x8d: {  	_ =	swait.ge [sflag:s24], $0x4000  }
0x8e: {  	[sflag:s24] =	ssyncset.done $0x0  }
0x8f: {  	s0 =	sadd.s32 $0x2000, s0;
	[sflag:s24] =	ssyncadd.s32 $0xFFFFC000  }
0x90: {  	[hbm4b:s0+s2] =	stream.linear.scatter [tilespmem:s18], [sflag:$0x3], $0x4000, $0x38;
	[tilespmem:$0x14500] =	vst v63  }
0x91: {  	_ =	swait.ge [sflag:s25], $0x4000  }
0x92: {  	[sflag:s25] =	ssyncset.done $0x0  }
0x93: {  	[sflag:s25] =	ssyncadd.s32 $0xFFFFC000  }
0x94: {  	_ =	swait.ge [sflag:s25], $0x4000  }
0x95: {  	[sflag:s25] =	ssyncset.done $0x0  }
0x96: {  	[sflag:s25] =	ssyncadd.s32 $0xFFFFC000  }
0x97: {  	_ =	swait.ge [sflag:s25], $0x4000  }
0x98: {  	[sflag:s25] =	ssyncset.done $0x0  }
0x99: {  	p0 =	sne.s32 s28, $0x16800;
	[sflag:s25] =	ssyncadd.s32 $0xFFFFC000  }
.Ltmp0:
0x9a: {  	_ =	swait.ge [sflag:s25], $0x4000;
	(pc) =	sbr.rel @p0 .LBB2_2-.Ltmp0, $4  }
0x9b: {  	[sflag:s25] =	ssyncset.done $0x0  }
0x9c: {  	[sflag:s25] =	ssyncadd.s32 $0xFFFFC000  }
0x9d: {  	_ =	swait.ge [sflag:s25], $0x4000  }
0x9e: {  	s28 =	sadd.s32 $0x2800, s28;
	[sflag:s25] =	ssyncset.done $0x0  }
0x9f: {  	s26 =	sadd.s32 $0x1, s26  }
0xa0: {  	p0 =	sne.s32 s26, s5  }
.Ltmp1:
0xa1: {  	_ = 	snop;
	(pc) =	sbr.rel @p0 .LBB2_1-.Ltmp1, $2  }
0xa2: {  	_ =	sdelay $0x2  }
0xa3: {  	[sflag:s25] =	ssyncadd.s32 $0xFFFFC000  }
0xa4: {  	_ =	sfence.sel $0x180000  }
0xa5: {  	[bflag:$0x0] =	sbarrier.arrive $0xFFFF  }
0xa6: {  	_ =	strace $0x9000004D  }
0xa7: {  	[bflag:$0x2] =	sbarrier.arrive $0xFFFF  }
0xa8: {  	p0 =	sne.s32 s1, $0x0;
	s0 =	rddreg [dreg:$0x1]  }
0xa9: {  	s0 =	sadd.s32 @!p0 $0x100000, s0  }
0xaa: {  	[sflag:s0] =	ssyncadd.tile.s32 @!p0 $0x1;
	_ =	shalt  }
.Lfunc_end2:
_tile_overlayer_lowered:
.L_overlay_start_2:
0xab: {  	(tag) =	ssettag $0x2  }
0xac: {  	s0 =	rddreg [dreg:$0x0];
	s2 =	stileid.u32  }
0xad: {  	s1 =	rddreg [dreg:$0x1];
	p0 =	sne.s32 s2, $0x0  }
0xae: {  	s3 =	rddreg [dreg:$0x2];
	[bflag:$0x3] =	sbarrier.arrive $0xFFFF;
	s2 =	simm.s32 @!p0 $0x1C04  }
0xaf: {  	[timem:s3], [sflag:s2] =	dma.local @!p0 [hbm:s0], s1  }
0xb0: {  	s0 =	simm.s32 @!p0 $0x4  }
0xb1: {  	_ =	swait.ge @!p0 [sflag:s0], s1  }
0xb2: {  	s1 =	ssub.s32 @!p0 $0x0, s1;
	[sflag:s0] =	ssyncset.done @!p0 $0x0  }
0xb3: {  	[sflag:s0] =	ssyncadd.s32 @!p0 s1  }
0xb4: {  	[bflag:$0x3] =	sbarrier.arrive $0xFFFF  }
0xb5: {  	_ =	shalt  }

// kernel: kernel.21.cloned.1.call-start
scs
__scs_entry_jumppad:
0x0: {  	(pc) =	sbr.rel $0x88, $3  }
0x1: {  	(tag) =	ssettag $0x0;
	lr =	simm.s32 $0x1  }
0x2: {  	[smem:$0x3F99] =	sst lr;
	_ =	strace $0xD0000000  }
0x3: {  	_ = 	snop  }
0x4: {  	_ = 	snop  }
0x5: {  	_ = 	snop  }
0x6: {  	_ = 	snop  }
0x7: {  	_ = 	snop  }
__scs_overlays_trampoline_lowered:
0x8: {  	[smem:$0x3FA8] =	sst s0  }
0x9: {  	[smem:$0x3FA9] =	sst s1  }
0xa: {  	[smem:$0x3FAA] =	sst s2  }
0xb: {  	[smem:$0x3FAB] =	sst s3  }
0xc: {  	[smem:$0x3FAC] =	sst s4  }
0xd: {  	[smem:$0x3FAD] =	sst s5  }
0xe: {  	[smem:$0x3FAE] =	sst s6  }
0xf: {  	[smem:$0x3FAF] =	sst s7  }
0x10: {  	[smem:$0x3FB0] =	sst s8  }
0x11: {  	[smem:$0x3FB1] =	sst s9;
	s0 =	simm.s32 @!p0 $0x0  }
0x12: {  	s1 =	sld [smem:$0x3F97];
	s0 =	simm.s32 @p0 $0x1  }
0x13: {  	[smem:$0x3FB2] =	sst s0;
	s0 =	simm.s32 @!p1 $0x0  }
0x14: {  	s2 =	sld [smem:$0x3F96];
	s0 =	simm.s32 @p1 $0x1  }
0x15: {  	[smem:$0x3FB3] =	sst s0;
	s0 =	simm.s32 @!p2 $0x0  }
0x16: {  	s3 =	sld [smem:$0x3FDB];
	s0 =	simm.s32 @p2 $0x1  }
0x17: {  	s4 =	simm.s32 $0x1BF5;
	[smem:$0x3FB5] =	sst s0  }
0x18: {  	s0 =	sld [smem:$0x3F98];
	_ =	swait.ge [sflag:s4], $0x0  }
0x19: {  	s7 =	sld [smem:$0x3F99]  }
0x1a: {  	s8 =	sadd.s32 $0xFFFFE003, lr  }
0x1b: {  	s9 =	sadd.s32 $0xFFFFFEF7, lr;
	s5 =	simm.s32 $0xFFFFFFFF;
	p2 =	slt.u32 s8, $0xFFFFF086  }
0x1c: {  	p1 =	slt.u32 s9, $0xF7A;
	s5 =	simm.s32 @!p2 $0x0  }
0x1d: {  	s5 =	simm.s32 @p1 $0x1;
	p0 =	seq.s32 s7, s2  }
0x1e: {  	s7 =	smul.u32 @!p0 $0xF7A, s2;
	p2 =	seq.s32 @!p0 s5, $0x0  }
0x1f: {  	s9 =	smul.u32 $0xF7A, s1;
	s8 =	simm.s32 @!p0 $0x1BF5;
	p2 =	por !p2, p0  }
0x20: {  	[sflag:s8] =	ssyncset.s32 @!p0 $0xFFFFF086;
	s6 =	sadd.s32 @!p0 s3, s7;
	s7 =	simm.s32 @!p0 $0x108  }
0x21: {  	s3 =	sadd.s32 s3, s9;
	s6 =	sadd.s32 @!p0 $0x88, s6;
	s7 =	simm.s32 @p2 $0x1082  }
0x22: {  	[simem:s7], [sflag:s8] =	dma.local @!p0 [hbm:s6], $0xF7A  }
0x23: {  	s9 =	sor.u32 $0xD0000000, s2;
	s6 =	simm.s32 $0x108;
	_ =	swait.ge @!p0 [sflag:s8], $0x0  }
0x24: {  	s3 =	sadd.s32 $0x88, s3;
	s6 =	simm.s32 @!p1 $0x1082;
	[sflag:s4] =	ssyncset.s32 $0xFFFFF086  }
0x25: {  	[simem:s6], [sflag:s4] =	dma.local [hbm:s3], $0xF7A  }
0x26: {  	[smem:$0x3F99] =	sst s1;
	(tag) =	ssettag s2;
	_ =	strace s9  }
0x27: {  	s1 =	sld [smem:$0x3FA9]  }
0x28: {  	s2 =	sld [smem:$0x3FAA]  }
0x29: {  	s4 =	sld [smem:$0x3FAC]  }
0x2a: {  	p0 =	seq.s32 s5, $0x0;
	s5 =	sld [smem:$0x3FAD]  }
0x2b: {  	s6 =	sld [smem:$0x3FAE]  }
0x2c: {  	s7 =	sld [smem:$0x3FAF]  }
0x2d: {  	s3 =	simm.s32 $0x108;
	s8 =	sld [smem:$0x3FB0]  }
0x2e: {  	s3 =	simm.s32 @!p0 $0x1082;
	s9 =	sld [smem:$0x3FB1]  }
0x2f: {  	lr =	sadd.s32 s0, s3;
	s0 =	sld [smem:$0x3FA8]  }
0x30: {  	s3 =	sld [smem:$0x3FAB]  }
0x31: {  	[smem:$0x3FB4] =	sst s10  }
0x32: {  	s10 =	sld [smem:$0x3FB2];
	_ =	sdelay $0x3  }
0x33: {  	p0 =	seq.s32 s10, $0x1;
	s10 =	sld [smem:$0x3FB4];
	_ =	sdelay $0x3  }
0x34: {  	[smem:$0x3FB4] =	sst s10  }
0x35: {  	s10 =	sld [smem:$0x3FB3];
	_ =	sdelay $0x3  }
0x36: {  	p1 =	seq.s32 s10, $0x1;
	s10 =	sld [smem:$0x3FB4];
	_ =	sdelay $0x3  }
0x37: {  	[smem:$0x3FB4] =	sst s10  }
0x38: {  	s10 =	sld [smem:$0x3FB5]  }
0x39: {  	_ = 	snop;
	(pc) =	sbr.ind lr, $3  }
0x3a: {  	_ = 	snop  }
0x3b: {  	_ = 	snop  }
0x3c: {  	p2 =	seq.s32 s10, $0x1;
	s10 =	sld [smem:$0x3FB4]  }
0x3d: {  	_ =	shalt  }
0x3e: {  	_ =	shalt  }
0x3f: {  	_ =	shalt  }
0x40: {  	_ =	shalt  }
0x41: {  	_ =	shalt  }
0x42: {  	_ =	shalt  }
0x43: {  	_ =	shalt  }
0x44: {  	_ =	shalt  }
0x45: {  	_ =	shalt  }
0x46: {  	_ =	shalt  }
0x47: {  	_ =	shalt  }
0x48: {  	_ =	shalt  }
0x49: {  	_ =	shalt  }
0x4a: {  	_ =	shalt  }
0x4b: {  	_ =	shalt  }
0x4c: {  	_ =	shalt  }
0x4d: {  	_ =	shalt  }
0x4e: {  	_ =	shalt  }
0x4f: {  	_ =	shalt  }
0x50: {  	_ =	shalt  }
0x51: {  	_ =	shalt  }
0x52: {  	_ =	shalt  }
0x53: {  	_ =	shalt  }
0x54: {  	_ =	shalt  }
0x55: {  	_ =	shalt  }
0x56: {  	_ =	shalt  }
0x57: {  	_ =	shalt  }
0x58: {  	_ =	shalt  }
0x59: {  	_ =	shalt  }
0x5a: {  	_ =	shalt  }
0x5b: {  	_ =	shalt  }
0x5c: {  	_ =	shalt  }
0x5d: {  	_ =	shalt  }
0x5e: {  	_ =	shalt  }
0x5f: {  	_ =	shalt  }
0x60: {  	_ =	shalt  }
0x61: {  	_ =	shalt  }
0x62: {  	_ =	shalt  }
0x63: {  	_ =	shalt  }
0x64: {  	_ =	shalt  }
0x65: {  	_ =	shalt  }
0x66: {  	_ =	shalt  }
0x67: {  	_ =	shalt  }
0x68: {  	_ =	shalt  }
0x69: {  	_ =	shalt  }
0x6a: {  	_ =	shalt  }
0x6b: {  	_ =	shalt  }
0x6c: {  	_ =	shalt  }
0x6d: {  	_ =	shalt  }
0x6e: {  	_ =	shalt  }
0x6f: {  	_ =	shalt  }
0x70: {  	_ =	shalt  }
0x71: {  	_ =	shalt  }
0x72: {  	_ =	shalt  }
0x73: {  	_ =	shalt  }
0x74: {  	_ =	shalt  }
0x75: {  	_ =	shalt  }
0x76: {  	_ =	shalt  }
0x77: {  	_ =	shalt  }
0x78: {  	_ =	shalt  }
0x79: {  	_ =	shalt  }
0x7a: {  	_ =	shalt  }
0x7b: {  	_ =	shalt  }
0x7c: {  	_ =	shalt  }
0x7d: {  	_ =	shalt  }
0x7e: {  	_ =	shalt  }
0x7f: {  	_ =	shalt  }
0x80: {  	_ =	shalt  }
0x81: {  	_ =	shalt  }
0x82: {  	_ =	shalt  }
0x83: {  	_ =	shalt  }
0x84: {  	_ =	shalt  }
0x85: {  	_ =	shalt  }
0x86: {  	_ =	shalt  }
0x87: {  	_ =	shalt  }
.Lfunc_end0:
.L_simem_size_0:
called_computation.3_lowered:
.L_overlay_start_0:
0x88: {  	s2 =	sld [smem:$0x3FD9]  }
0x89: {  	s3 =	sld [smem:$0x3FFE];
	_ =	sdelay $0x1  }
0x8a: {  	s1 =	srdreg.scid  }
0x8b: {  	s0 =	sand.u32 $0x1, s1  }
0x8c: {  	s17 =	sshll.u32 s0, $0xA;
	s2 =	sadd.s32 s3, s2  }
0x8d: {  	s2 =	sadd.s32 s2, s17  }
0x8e: {  	[smem:$0x3FC0] =	sst s2  }
0x8f: {  	_ = 	snop  }
0x90: {  	(tm) =	ssettm $0x1  }
0x91: {  	s18 =	sld [smem:$0x3FFB];
	_ =	sdelay $0x3  }
0x92: {  	_ =	strace s18  }
0x93: {  	s2 =	sld [smem:$0x3FFC];
	_ =	sdelay $0x3  }
0x94: {  	_ =	strace s2  }
0x95: {  	s2 =	sld [smem:$0x3FFD];
	_ =	sdelay $0x3  }
0x96: {  	_ =	strace s2  }
0x97: {  	_ =	strace $0x8FFFFFFF  }
0x98: {  	s19 =	sld [smem:$0x3FDB];
	_ =	sdelay $0x1  }
0x99: {  	s20 =	simm.s32 $_scs_section_size  }
0x9a: {  	s4 =	simm.s32 $_size__tile_overlayer_lowered;
	s5 =	simm.s32 $_tile_overlayer_lowered  }
0x9b: {  	s6 =	simm.s32 $0x1BFF;
	s21 =	sshll.u32 s5, $0x1;
	s3 =	sadd.s32 s20, s19  }
0x9c: {  	s22 =	simm.s32 $0x0;
	s4 =	sshll.u32 s4, $0x1;
	s5 =	sadd.s32 s21, s3  }
0x9d: {  	[timem:s22], [sflag:s6] =	dma.local [hbm:s5], s4  }
0x9e: {  	_ =	swait.ge [sflag:s6], s4  }
0x9f: {  	s4 =	ssub.s32 $0x0, s4;
	[sflag:s6] =	ssyncset.done $0x0  }
0xa0: {  	[sflag:s6] =	ssyncadd.s32 s4;
	_ =	sdelay $0x1  }
0xa1: {  	s23 =	simm.s32 $0x1B8B  }
0xa2: {  	_ =	swait.ge [sflag:s23], $0x1  }
0xa3: {  	[sflag:s23] =	ssyncset.done $0x0  }
0xa4: {  	[sflag:s23] =	ssyncadd.s32 $0xFFFFFFFF  }
0xa5: {  	s4 =	sld [smem:$0x0]  }
0xa6: {  	s5 =	sand.u32 $0xFFFFFFFE, s1  }
0xa7: {  	p0 =	sne.s32 s1, s5  }
0xa8: {  	s5 =	sshll.u32 @p0 s5, $0xE  }
0xa9: {  	s5 =	sadd.s32 @p0 $0x11B8D, s5;
	s6 =	sshll.u32 @p0 s4, $0x11  }
0xaa: {  	s5 =	sor.u32 @p0 s6, s5  }
0xab: {  	[sflag:s5] =	ssyncadd.remote.s32 @p0 $0x1;
	_ =	sdelay $0x1  }
0xac: {  	s5 =	simm.s32 @p0 $0x1B8D  }
0xad: {  	_ =	swait.eq @p0 [sflag:s5], $0x1  }
0xae: {  	[sflag:s5] =	ssyncadd.s32 @p0 $0xFFFFFFFF  }
0xaf: {  	s6 =	sshll.u32 @!p0 s1, $0xE  }
0xb0: {  	s6 =	sor.u32 @!p0 $0x4000, s6;
	s5 =	simm.s32 @!p0 $0x1B8D  }
0xb1: {  	s4 =	sshll.u32 @!p0 s4, $0x11;
	s6 =	sadd.s32 @!p0 $0x11B8D, s6;
	_ =	swait.eq @!p0 [sflag:s5], $0x1  }
0xb2: {  	s4 =	sor.u32 @!p0 s4, s6;
	[sflag:s5] =	ssyncadd.s32 @!p0 $0xFFFFFFFF  }
0xb3: {  	s25 =	simm.s32 $0x1B8E;
	s24 =	sld [smem:$0x3FFE];
	[sflag:s4] =	ssyncadd.remote.s32 @!p0 $0x1  }
0xb4: {  	s26 =	simm.s32 $execute0_lowered;
	[smem:$0x3FD2] =	sst s25  }
0xb5: {  	s5 =	sshll.u32 s26, $0x1;
	_ =	strace $0x8000004F;
	[dreg:$0x1] =	wrdreg $0xFFFFFFFF  }
0xb6: {  	s28 =	simm.s32 $_size_execute0_lowered;
	s3 =	sadd.s32 s3, s5;
	[dreg:$0x0] =	wrdreg $0x0  }
0xb7: {  	s5 =	sshll.u32 s28, $0x1;
	[dreg:$0x2] =	wrdreg s3  }
0xb8: {  	[dreg:$0x3] =	wrdreg s5  }
0xb9: {  	[dreg:$0x4] =	wrdreg $0xC0  }
0xba: {  	_ =	task [dreg:s22], $0x5FFFF  }
0xbb: {  	[dreg:$0x1] =	wrdreg $0xFFFFFFFF  }
0xbc: {  	[dreg:$0x0] =	wrdreg $0x60  }
0xbd: {  	[dreg:$0x2] =	wrdreg s24  }
0xbe: {  	[dreg:$0x3] =	wrdreg $0xC  }
0xbf: {  	_ =	task.clear_ibuf [dreg:s22], $0x4FFFF;
	_ =	strace $0x9000004F  }
0xc0: {  	s29 =	simm.s32 $0xC;
	_ =	strace $0x80000051  }
0xc1: {  	_ =	swait.ge [sflag:s29], $0x1  }
0xc2: {  	[sflag:s29] =	ssyncadd.s32 $0xFFFFFFFF  }
0xc3: {  	_ =	strace $0x90000051  }
0xc4: {  	_ =	sfence  }
0xc5: {  	s30 =	sld [smem:$0x0];
	_ =	sdelay $0x2  }
0xc6: {  	s31 =	sshll.u32 s1, $0xD;
	s1 =	sshrl.u32 s1, $0x2  }
0xc7: {  	s4 =	sand.u32 $0x4000, s31;
	s1 =	sadd.s32 s1, s30  }
0xc8: {  	s0 =	sor.u32 s4, s0;
	s1 =	sshll.u32 s1, $0x11  }
0xc9: {  	s0 =	sor.u32 s1, s0  }
0xca: {  	s0 =	sadd.s32 $0x8F2B, s0  }
0xcb: {  	[sflag:s0] =	ssyncadd.remote.s32 $0x1  }
0xcc: {  	_ =	sfence.sel $0xFFFF  }
0xcd: {  	[dreg:$0x0] =	wrdreg $0xFFFFFFFF;
	(pc) =	sbr.abs _section_cstart, $3  }
0xce: {  	[dreg:$0x1] =	wrdreg $0xFFFFFFFF  }
0xcf: {  	_ =	task.clear_ibuf [dreg:s22], $0x2FFFF;
	_ =	strace $0x9FFFFFFF  }
0xd0: {  	(tm) =	ssettm $0x7FFFFFFF  }
0xd1: {  	_ =	shalt  }
tec
execute0_lowered:
.L_overlay_start_1:
0x0: {  	(tag) =	ssettag $0x1  }
0x1: {  	s4 =	rddreg [dreg:$0x0];
	s1 =	stileid.u32  }
0x2: {  	s2 =	simm.s32 $0x0;
	s5 =	srdreg.scid;
	s11 =	simm.s32 $0x500  }
0x3: {  	s12 =	simm.s32 $0x4500;
	s13 =	simm.s32 $0x100;
	s14 =	simm.s32 $0x8500  }
0x4: {  	s15 =	simm.s32 $0x180;
	s16 =	simm.s32 $0xC500;
	s17 =	simm.s32 $0x200  }
0x5: {  	s18 =	simm.s32 $0x10500;
	s19 =	simm.s32 $0x1;
	s20 =	simm.s32 $0x300  }
0x6: {  	s21 =	simm.s32 $0x380;
	s22 =	simm.s32 $0x400;
	s23 =	simm.s32 $0x480  }
0x7: {  	s24 =	simm.s32 $0x2;
	s25 =	simm.s32 $0x3;
	s3 =	smul.u32 $0x640, s1  }
0x8: {  	[smem:$0x7FF] =	sst s2;
	s6 =	smul.u32 $0x32000, s1;
	s5 =	sand.u32 $0x1, s5  }
0x9: {  	s26 =	simm.s32 $0x0;
	_ =	strace $0x80000050;
	s8 =	smul.u32 $0x19000, s5  }
0xa: {  	s9 =	ssub.s32 $0x2, s5;
	s30 =	smul.u32 $0x320, s5;
	s7 =	sadd.s32 s3, s4  }
0xb: {  	s3 =	sadd.s32 $0xC800, s4;
	s6 =	sadd.s32 s6, s4;
	s10 =	sshrl.u32 s9, $0x1  }
0xc: {  	s4 =	sadd.s32 $0x8800, s4;
	s6 =	sadd.s32 s8, s6;
	s31 =	ssub.s32 s9, s10  }
0xd: {  	s7 =	sadd.s32 s30, s7;
	s8 =	simm.s32 $0x4;
	s9 =	simm.s32 $0x280  }
0xe: {  	s10 =	simm.s32 $0x80;
	s6 =	sadd.s32 $0x18D4400, s6;
	s5 =	smax.u32 s31, $0x1  }
0xf: {  	[dreg:$0x2] =	wrdreg s6;
	s6 =	sadd.s32 $0x128E000, s7;
	s7 =	sadd.s32 $0x127B400, s7  }
.LBB2_1:
0x10: {  	[tilespmem:s2], [sflag:$0x4] =	stream.linear.gather [hbm4b:s7+s2], $0x280, $0x38;
	[tilespmem:$0x14500] =	vst v63  }
0x11: {  	_ =	swait.ge [sflag:s8], $0x280  }
0x12: {  	[sflag:s8] =	ssyncset.done $0x0  }
0x13: {  	[sflag:s8] =	ssyncadd.s32 $0xFFFFFD80  }
0x14: {  	[tilespmem:s9], [sflag:$0x4] =	stream.linear.gather [hbm4b:s6+s2], $0x280, $0x38;
	[tilespmem:$0x14500] =	vst v63  }
0x15: {  	_ =	swait.ge [sflag:s8], $0x280  }
0x16: {  	[sflag:s8] =	ssyncset.done $0x0  }
0x17: {  	[sflag:s8] =	ssyncadd.s32 $0xFFFFFD80  }
0x18: {  	[tilespmem:s11], [sflag:$0x1] =	stream.indirect.gather [hbm4b:s3+s10], $0x80, s2, s10, $0xb8;
	[tilespmem:$0x14500] =	vst v63  }
0x19: {  	_ = 	snop  }
0x1a: {  	[tilespmem:s12], [sflag:$0x1] =	stream.indirect.gather [hbm4b:s3+s10], $0x80, s10, s10, $0xb8;
	[tilespmem:$0x14500] =	vst v63  }
0x1b: {  	_ = 	snop  }
0x1c: {  	[tilespmem:s14], [sflag:$0x1] =	stream.indirect.gather [hbm4b:s3+s10], $0x80, s13, s10, $0xb8;
	[tilespmem:$0x14500] =	vst v63  }
0x1d: {  	_ = 	snop  }
0x1e: {  	[tilespmem:s16], [sflag:$0x1] =	stream.indirect.gather [hbm4b:s3+s10], $0x80, s15, s10, $0xb8;
	[tilespmem:$0x14500] =	vst v63  }
0x1f: {  	_ = 	snop  }
0x20: {  	[tilespmem:s18], [sflag:$0x1] =	stream.indirect.gather [hbm4b:s3+s10], $0x80, s17, s10, $0xb8;
	[tilespmem:$0x14500] =	vst v63  }
0x21: {  	_ =	swait.ge [sflag:s19], $0x4000  }
0x22: {  	[sflag:s19] =	ssyncset.done $0x0  }
0x23: {  	[sflag:s19] =	ssyncadd.s32 $0xFFFFC000  }
0x24: {  	[tilespmem:s11], [sflag:$0x2] =	stream.indirect.gather.add.f32 [hbm:s4], $0x80, s9, s10, $0xb8;
	[tilespmem:$0x14500] =	vst v63  }
0x25: {  	_ =	swait.ge [sflag:s19], $0x4000  }
0x26: {  	[sflag:s19] =	ssyncset.done $0x0  }
0x27: {  	[sflag:s19] =	ssyncadd.s32 $0xFFFFC000  }
0x28: {  	[tilespmem:s12], [sflag:$0x2] =	stream.indirect.gather.add.f32 [hbm:s4], $0x80, s20, s10, $0xb8;
	[tilespmem:$0x14500] =	vst v63  }
0x29: {  	_ =	swait.ge [sflag:s19], $0x4000  }
0x2a: {  	[sflag:s19] =	ssyncset.done $0x0  }
0x2b: {  	[sflag:s19] =	ssyncadd.s32 $0xFFFFC000  }
0x2c: {  	[tilespmem:s14], [sflag:$0x2] =	stream.indirect.gather.add.f32 [hbm:s4], $0x80, s21, s10, $0xb8;
	[tilespmem:$0x14500] =	vst v63  }
0x2d: {  	_ =	swait.ge [sflag:s19], $0x4000  }
0x2e: {  	[sflag:s19] =	ssyncset.done $0x0  }
0x2f: {  	[sflag:s19] =	ssyncadd.s32 $0xFFFFC000  }
0x30: {  	[tilespmem:s16], [sflag:$0x2] =	stream.indirect.gather.add.f32 [hbm:s4], $0x80, s22, s10, $0xb8;
	[tilespmem:$0x14500] =	vst v63  }
0x31: {  	_ =	swait.ge [sflag:s19], $0x4000  }
0x32: {  	[sflag:s19] =	ssyncset.done $0x0  }
0x33: {  	[sflag:s19] =	ssyncadd.s32 $0xFFFFC000  }
0x34: {  	[tilespmem:s18], [sflag:$0x2] =	stream.indirect.gather.add.f32 [hbm:s4], $0x80, s23, s10, $0xb8;
	[tilespmem:$0x14500] =	vst v63  }
0x35: {  	_ =	swait.ge [sflag:s24], $0x4000  }
0x36: {  	s28 =	rddreg [dreg:$0x2];
	[sflag:s24] =	ssyncset.done $0x0  }
0x37: {  	[sflag:s24] =	ssyncadd.s32 $0xFFFFC000;
	s28 =	sadd.s32 $0x0, s28  }
0x38: {  	[hbm4b:s28+s2] =	stream.linear.scatter [tilespmem:s11], [sflag:$0x3], $0x4000, $0x38;
	[tilespmem:$0x14500] =	vst v63  }
0x39: {  	_ =	swait.ge [sflag:s24], $0x4000  }
0x3a: {  	[sflag:s24] =	ssyncset.done $0x0  }
0x3b: {  	s29 =	sadd.s32 $0x800, s28;
	[sflag:s24] =	ssyncadd.s32 $0xFFFFC000  }
0x3c: {  	[hbm4b:s29+s2] =	stream.linear.scatter [tilespmem:s12], [sflag:$0x3], $0x4000, $0x38;
	[tilespmem:$0x14500] =	vst v63  }
0x3d: {  	_ =	swait.ge [sflag:s24], $0x4000  }
0x3e: {  	[sflag:s24] =	ssyncset.done $0x0  }
0x3f: {  	s29 =	sadd.s32 $0x1000, s28;
	[sflag:s24] =	ssyncadd.s32 $0xFFFFC000  }
0x40: {  	[hbm4b:s29+s2] =	stream.linear.scatter [tilespmem:s14], [sflag:$0x3], $0x4000, $0x38;
	[tilespmem:$0x14500] =	vst v63  }
0x41: {  	_ =	swait.ge [sflag:s24], $0x4000  }
0x42: {  	[sflag:s24] =	ssyncset.done $0x0  }
0x43: {  	s29 =	sadd.s32 $0x1800, s28;
	[sflag:s24] =	ssyncadd.s32 $0xFFFFC000  }
0x44: {  	[hbm4b:s29+s2] =	stream.linear.scatter [tilespmem:s16], [sflag:$0x3], $0x4000, $0x38;
	[tilespmem:$0x14500] =	vst v63  }
0x45: {  	_ =	swait.ge [sflag:s24], $0x4000  }
0x46: {  	[sflag:s24] =	ssyncset.done $0x0  }
0x47: {  	s28 =	sadd.s32 $0x2000, s28;
	[sflag:s24] =	ssyncadd.s32 $0xFFFFC000  }
0x48: {  	[hbm4b:s28+s2] =	stream.linear.scatter [tilespmem:s18], [sflag:$0x3], $0x4000, $0x38;
	[tilespmem:$0x14500] =	vst v63  }
0x49: {  	_ =	swait.ge [sflag:s25], $0x4000  }
0x4a: {  	[sflag:s25] =	ssyncset.done $0x0  }
0x4b: {  	[sflag:s25] =	ssyncadd.s32 $0xFFFFC000  }
0x4c: {  	_ =	swait.ge [sflag:s25], $0x4000  }
0x4d: {  	[sflag:s25] =	ssyncset.done $0x0  }
0x4e: {  	[sflag:s25] =	ssyncadd.s32 $0xFFFFC000  }
0x4f: {  	_ =	swait.ge [sflag:s25], $0x4000  }
0x50: {  	[sflag:s25] =	ssyncset.done $0x0  }
0x51: {  	[sflag:s25] =	ssyncadd.s32 $0xFFFFC000  }
0x52: {  	_ =	swait.ge [sflag:s25], $0x4000  }
0x53: {  	[sflag:s25] =	ssyncset.done $0x0  }
0x54: {  	[sflag:s25] =	ssyncadd.s32 $0xFFFFC000  }
0x55: {  	s30 =	smov.u32 s7;
	_ =	swait.ge [sflag:s25], $0x4000  }
0x56: {  	s29 =	smov.u32 s6;
	s28 =	simm.s32 $0x2800;
	[sflag:s25] =	ssyncset.done $0x0  }
.LBB2_2:
0x57: {  	[sflag:s25] =	ssyncadd.s32 $0xFFFFC000;
	s30 =	sadd.s32 $0x50, s30  }
0x58: {  	[tilespmem:s2], [sflag:$0x4] =	stream.linear.gather [hbm4b:s30+s2], $0x280, $0x38;
	[tilespmem:$0x14500] =	vst v63  }
0x59: {  	_ =	swait.ge [sflag:s8], $0x280  }
0x5a: {  	[sflag:s8] =	ssyncset.done $0x0  }
0x5b: {  	s29 =	sadd.s32 $0x50, s29;
	[sflag:s8] =	ssyncadd.s32 $0xFFFFFD80  }
0x5c: {  	[tilespmem:s9], [sflag:$0x4] =	stream.linear.gather [hbm4b:s29+s2], $0x280, $0x38;
	[tilespmem:$0x14500] =	vst v63  }
0x5d: {  	_ =	swait.ge [sflag:s8], $0x280  }
0x5e: {  	[sflag:s8] =	ssyncset.done $0x0  }
0x5f: {  	[sflag:s8] =	ssyncadd.s32 $0xFFFFFD80  }
0x60: {  	[tilespmem:s11], [sflag:$0x1] =	stream.indirect.gather [hbm4b:s3+s10], $0x80, s2, s10, $0xb8;
	[tilespmem:$0x14500] =	vst v63  }
0x61: {  	_ = 	snop  }
0x62: {  	[tilespmem:s12], [sflag:$0x1] =	stream.indirect.gather [hbm4b:s3+s10], $0x80, s10, s10, $0xb8;
	[tilespmem:$0x14500] =	vst v63  }
0x63: {  	_ = 	snop  }
0x64: {  	[tilespmem:s14], [sflag:$0x1] =	stream.indirect.gather [hbm4b:s3+s10], $0x80, s13, s10, $0xb8;
	[tilespmem:$0x14500] =	vst v63  }
0x65: {  	_ = 	snop  }
0x66: {  	[tilespmem:s16], [sflag:$0x1] =	stream.indirect.gather [hbm4b:s3+s10], $0x80, s15, s10, $0xb8;
	[tilespmem:$0x14500] =	vst v63  }
0x67: {  	_ = 	snop  }
0x68: {  	[tilespmem:s18], [sflag:$0x1] =	stream.indirect.gather [hbm4b:s3+s10], $0x80, s17, s10, $0xb8;
	[tilespmem:$0x14500] =	vst v63  }
0x69: {  	_ =	swait.ge [sflag:s19], $0x4000  }
0x6a: {  	[sflag:s19] =	ssyncset.done $0x0  }
0x6b: {  	[sflag:s19] =	ssyncadd.s32 $0xFFFFC000  }
0x6c: {  	[tilespmem:s11], [sflag:$0x2] =	stream.indirect.gather.add.f32 [hbm:s4], $0x80, s9, s10, $0xb8;
	[tilespmem:$0x14500] =	vst v63  }
0x6d: {  	_ =	swait.ge [sflag:s19], $0x4000  }
0x6e: {  	[sflag:s19] =	ssyncset.done $0x0  }
0x6f: {  	[sflag:s19] =	ssyncadd.s32 $0xFFFFC000  }
0x70: {  	[tilespmem:s12], [sflag:$0x2] =	stream.indirect.gather.add.f32 [hbm:s4], $0x80, s20, s10, $0xb8;
	[tilespmem:$0x14500] =	vst v63  }
0x71: {  	_ =	swait.ge [sflag:s19], $0x4000  }
0x72: {  	[sflag:s19] =	ssyncset.done $0x0  }
0x73: {  	[sflag:s19] =	ssyncadd.s32 $0xFFFFC000  }
0x74: {  	[tilespmem:s14], [sflag:$0x2] =	stream.indirect.gather.add.f32 [hbm:s4], $0x80, s21, s10, $0xb8;
	[tilespmem:$0x14500] =	vst v63  }
0x75: {  	_ =	swait.ge [sflag:s19], $0x4000  }
0x76: {  	[sflag:s19] =	ssyncset.done $0x0  }
0x77: {  	[sflag:s19] =	ssyncadd.s32 $0xFFFFC000  }
0x78: {  	[tilespmem:s16], [sflag:$0x2] =	stream.indirect.gather.add.f32 [hbm:s4], $0x80, s22, s10, $0xb8;
	[tilespmem:$0x14500] =	vst v63  }
0x79: {  	_ =	swait.ge [sflag:s19], $0x4000  }
0x7a: {  	[sflag:s19] =	ssyncset.done $0x0  }
0x7b: {  	[sflag:s19] =	ssyncadd.s32 $0xFFFFC000  }
0x7c: {  	[tilespmem:s18], [sflag:$0x2] =	stream.indirect.gather.add.f32 [hbm:s4], $0x80, s23, s10, $0xb8;
	[tilespmem:$0x14500] =	vst v63  }
0x7d: {  	_ =	swait.ge [sflag:s24], $0x4000  }
0x7e: {  	s31 =	smov.u32 s28;
	s0 =	rddreg [dreg:$0x2];
	[sflag:s24] =	ssyncset.done $0x0  }
0x7f: {  	[sflag:s24] =	ssyncadd.s32 $0xFFFFC000;
	s0 =	sadd.s32 s31, s0  }
0x80: {  	[hbm4b:s0+s2] =	stream.linear.scatter [tilespmem:s11], [sflag:$0x3], $0x4000, $0x38;
	[tilespmem:$0x14500] =	vst v63  }
0x81: {  	_ =	swait.ge [sflag:s24], $0x4000  }
0x82: {  	[sflag:s24] =	ssyncset.done $0x0  }
0x83: {  	s31 =	sadd.s32 $0x800, s0;
	[sflag:s24] =	ssyncadd.s32 $0xFFFFC000  }
0x84: {  	[hbm4b:s31+s2] =	stream.linear.scatter [tilespmem:s12], [sflag:$0x3], $0x4000, $0x38;
	[tilespmem:$0x14500] =	vst v63  }
0x85: {  	_ =	swait.ge [sflag:s24], $0x4000  }
0x86: {  	[sflag:s24] =	ssyncset.done $0x0  }
0x87: {  	s31 =	sadd.s32 $0x1000, s0;
	[sflag:s24] =	ssyncadd.s32 $0xFFFFC000  }
0x88: {  	[hbm4b:s31+s2] =	stream.linear.scatter [tilespmem:s14], [sflag:$0x3], $0x4000, $0x38;
	[tilespmem:$0x14500] =	vst v63  }
0x89: {  	_ =	swait.ge [sflag:s24], $0x4000  }
0x8a: {  	[sflag:s24] =	ssyncset.done $0x0  }
0x8b: {  	s31 =	sadd.s32 $0x1800, s0;
	[sflag:s24] =	ssyncadd.s32 $0xFFFFC000  }
0x8c: {  	[hbm4b:s31+s2] =	stream.linear.scatter [tilespmem:s16], [sflag:$0x3], $0x4000, $0x38;
	[tilespmem:$0x14500] =	vst v63  }
0x8d: {  	_ =	swait.ge [sflag:s24], $0x4000  }
0x8e: {  	[sflag:s24] =	ssyncset.done $0x0  }
0x8f: {  	s0 =	sadd.s32 $0x2000, s0;
	[sflag:s24] =	ssyncadd.s32 $0xFFFFC000  }
0x90: {  	[hbm4b:s0+s2] =	stream.linear.scatter [tilespmem:s18], [sflag:$0x3], $0x4000, $0x38;
	[tilespmem:$0x14500] =	vst v63  }
0x91: {  	_ =	swait.ge [sflag:s25], $0x4000  }
0x92: {  	[sflag:s25] =	ssyncset.done $0x0  }
0x93: {  	[sflag:s25] =	ssyncadd.s32 $0xFFFFC000  }
0x94: {  	_ =	swait.ge [sflag:s25], $0x4000  }
0x95: {  	[sflag:s25] =	ssyncset.done $0x0  }
0x96: {  	[sflag:s25] =	ssyncadd.s32 $0xFFFFC000  }
0x97: {  	_ =	swait.ge [sflag:s25], $0x4000  }
0x98: {  	[sflag:s25] =	ssyncset.done $0x0  }
0x99: {  	p0 =	sne.s32 s28, $0x16800;
	[sflag:s25] =	ssyncadd.s32 $0xFFFFC000  }
.Ltmp0:
0x9a: {  	_ =	swait.ge [sflag:s25], $0x4000;
	(pc) =	sbr.rel @p0 .LBB2_2-.Ltmp0, $4  }
0x9b: {  	[sflag:s25] =	ssyncset.done $0x0  }
0x9c: {  	[sflag:s25] =	ssyncadd.s32 $0xFFFFC000  }
0x9d: {  	_ =	swait.ge [sflag:s25], $0x4000  }
0x9e: {  	s28 =	sadd.s32 $0x2800, s28;
	[sflag:s25] =	ssyncset.done $0x0  }
0x9f: {  	s26 =	sadd.s32 $0x1, s26  }
0xa0: {  	p0 =	sne.s32 s26, s5  }
.Ltmp1:
0xa1: {  	_ = 	snop;
	(pc) =	sbr.rel @p0 .LBB2_1-.Ltmp1, $2  }
0xa2: {  	_ =	sdelay $0x2  }
0xa3: {  	[sflag:s25] =	ssyncadd.s32 $0xFFFFC000  }
0xa4: {  	_ =	sfence.sel $0x180000  }
0xa5: {  	[bflag:$0x0] =	sbarrier.arrive $0xFFFF  }
0xa6: {  	_ =	strace $0x90000050  }
0xa7: {  	[bflag:$0x2] =	sbarrier.arrive $0xFFFF  }
0xa8: {  	p0 =	sne.s32 s1, $0x0;
	s0 =	rddreg [dreg:$0x1]  }
0xa9: {  	s0 =	sadd.s32 @!p0 $0x100000, s0  }
0xaa: {  	[sflag:s0] =	ssyncadd.tile.s32 @!p0 $0x1;
	_ =	shalt  }
.Lfunc_end2:
_tile_overlayer_lowered:
.L_overlay_start_2:
0xab: {  	(tag) =	ssettag $0x2  }
0xac: {  	s0 =	rddreg [dreg:$0x0];
	s2 =	stileid.u32  }
0xad: {  	s1 =	rddreg [dreg:$0x1];
	p0 =	sne.s32 s2, $0x0  }
0xae: {  	s3 =	rddreg [dreg:$0x2];
	[bflag:$0x3] =	sbarrier.arrive $0xFFFF;
	s2 =	simm.s32 @!p0 $0x1C04  }
0xaf: {  	[timem:s3], [sflag:s2] =	dma.local @!p0 [hbm:s0], s1  }
0xb0: {  	s0 =	simm.s32 @!p0 $0x4  }
0xb1: {  	_ =	swait.ge @!p0 [sflag:s0], s1  }
0xb2: {  	s1 =	ssub.s32 @!p0 $0x0, s1;
	[sflag:s0] =	ssyncset.done @!p0 $0x0  }
0xb3: {  	[sflag:s0] =	ssyncadd.s32 @!p0 s1  }
0xb4: {  	[bflag:$0x3] =	sbarrier.arrive $0xFFFF  }
0xb5: {  	_ =	shalt  }

</sc_bundles>
